<compile_context>
chip_gen: v7x
topology: tpu7x:2x2x1
jax: 0.10.2.dev20260603
libtpu: 0.0.44.dev20260713+nightly
codegen_flags: <defaults>
</compile_context>

<pallas_src>
import functools

import jax
import jax.numpy as jnp
from jax import lax
from jax.experimental import pallas as pl
from jax.experimental.pallas import tpu as pltpu
from jax.experimental.pallas import tpu_sc as plsc

VOCAB = 100000
EMB = 128
HID = 512
B = 4096
L = 200
EPS = 1e-5

CHUNK0 = 120
CHUNK1 = L - CHUNK0
VREGS = EMB // 16


@functools.lru_cache(maxsize=None)
def _sc_pool():
    info = plsc.get_sparse_core_info()
    nc, ns = info.num_cores, info.num_subcores
    nw = nc * ns
    spw = B // nw

    mesh = plsc.VectorSubcoreMesh(core_axis_name="c", subcore_axis_name="s")

    @functools.partial(
        pl.kernel,
        mesh=mesh,
        out_type=jax.ShapeDtypeStruct((B * EMB,), jnp.float32),
        scratch_types=[
            pltpu.VMEM((spw * L,), jnp.int32),
            pltpu.VMEM((3 * L, EMB), jnp.float32),
            pltpu.VMEM((spw * EMB,), jnp.float32),
            pltpu.SemaphoreType.DMA,
            pltpu.SemaphoreType.DMA,
            pltpu.SemaphoreType.DMA,
        ],
    )
    def pool(x_hbm, emb_hbm, out_hbm, idx_v, rows_v, out_v, sem0, sem1, sem2):
        c = lax.axis_index("c")
        s = lax.axis_index("s")
        wid = s * nc + c
        pltpu.sync_copy(x_hbm.at[pl.ds(wid * (spw * L), spw * L)], idx_v)

        def issue(i, slot, sem):
            pltpu.async_copy(
                emb_hbm.at[idx_v.at[pl.ds(i * L, CHUNK0)]],
                rows_v.at[pl.ds(slot * L, CHUNK0)], sem)
            pltpu.async_copy(
                emb_hbm.at[idx_v.at[pl.ds(i * L + CHUNK0, CHUNK1)]],
                rows_v.at[pl.ds(slot * L + CHUNK0, CHUNK1)], sem)

        def drain(i, slot, sem):
            pltpu.make_async_copy(
                emb_hbm.at[idx_v.at[pl.ds(i * L, CHUNK0)]],
                rows_v.at[pl.ds(slot * L, CHUNK0)], sem).wait()
            pltpu.make_async_copy(
                emb_hbm.at[idx_v.at[pl.ds(i * L + CHUNK0, CHUNK1)]],
                rows_v.at[pl.ds(slot * L + CHUNK0, CHUNK1)], sem).wait()

        def reduce_store(i, slot):
            UNROLL = 8

            def body(jj, acc):
                j0 = jj * UNROLL
                for u in range(UNROLL):
                    acc = tuple(
                        acc[k] + rows_v[slot * L + j0 + u, pl.ds(16 * k, 16)]
                        for k in range(VREGS))
                return acc

            acc = tuple(jnp.zeros((16,), jnp.float32) for _ in range(VREGS))
            acc = lax.fori_loop(0, L // UNROLL, body, acc)
            for k in range(VREGS):
                out_v[pl.ds(i * EMB + 16 * k, 16)] = acc[k]

        issue(0, 0, sem0)
        issue(1, 1, sem1)

        def triple(t, carry):
            i0 = 3 * t
            issue(i0 + 2, 2, sem2)
            drain(i0, 0, sem0)
            reduce_store(i0, 0)

            @pl.when(i0 + 3 < spw)
            def _():
                issue(i0 + 3, 0, sem0)

            drain(i0 + 1, 1, sem1)
            reduce_store(i0 + 1, 1)

            @pl.when(i0 + 4 < spw)
            def _():
                issue(i0 + 4, 1, sem1)

            drain(i0 + 2, 2, sem2)
            reduce_store(i0 + 2, 2)
            return carry

        ntrip = spw // 3
        lax.fori_loop(0, ntrip, triple, 0)
        rem = spw - 3 * ntrip
        epi = ((3 * ntrip, 0, sem0), (3 * ntrip + 1, 1, sem1),
               (3 * ntrip + 2, 2, sem2))[:rem]
        for i, slot, sem in epi:
            drain(i, slot, sem)
            reduce_store(i, slot)
        pltpu.sync_copy(out_v, out_hbm.at[pl.ds(wid * (spw * EMB), spw * EMB)])

    return pool


def _dense_body(e_ref, w_ref, b_ref, g_ref, bt_ref, out_ref):
    e = e_ref[...]
    w = w_ref[...]
    z = lax.dot_general(e, w, (((1,), (1,)), ((), ())),
                        preferred_element_type=jnp.float32)
    h = jax.nn.sigmoid(z * (1.0 / L) + b_ref[...])
    mu = jnp.mean(h, axis=0, keepdims=True)
    var = jnp.mean((h - mu) ** 2, axis=0, keepdims=True)
    out_ref[...] = (h - mu) * lax.rsqrt(var + EPS) * g_ref[...] + bt_ref[...]


def _tc_dense(e_sum, w_h, b_h, gamma, beta):
    return pl.pallas_call(
        _dense_body,
        out_shape=jax.ShapeDtypeStruct((B, HID), jnp.float32),
    )(e_sum, w_h, b_h.reshape(1, HID), gamma.reshape(1, HID),
      beta.reshape(1, HID))


def kernel(x, emb, W_h, b_h, gamma, beta):
    x = x.astype(jnp.int32).reshape(B * L)
    e_sum = _sc_pool()(x, emb).reshape(B, EMB)
    return _tc_dense(e_sum, W_h, b_h, gamma, beta)

# --- scband reference (transcript-rebuilt; emitter-appended) ---
"""Pipeline reference for scband-dan-34943853920333 (READ-ONLY COPY).

The authoritative reference and input builder live on the scoring server;
editing this copy changes nothing except your own understanding.
"""

import jax, jax.numpy as jnp
import numpy as np

VOCAB = 100000
EMB = 128
HID = 512
B = 4096
L = 200
EPS = 1e-5


def setup_inputs(seed: int = 0) -> dict:
    key = jax.random.key(seed)
    k1, k2, k3, k4 = jax.random.split(key, 4)
    x = jax.random.randint(k1, (B, L), 0, VOCAB, dtype=jnp.int64) if jax.config.jax_enable_x64 else jax.random.randint(k1, (B, L), 0, VOCAB, dtype=jnp.int32)
    emb = jax.random.normal(k2, (VOCAB, EMB), dtype=jnp.float32)
    W_h = jax.random.normal(k3, (HID, EMB), dtype=jnp.float32) * (1.0 / np.sqrt(EMB))
    b_h = jnp.zeros((HID,), dtype=jnp.float32)
    gamma = jnp.ones((HID,), dtype=jnp.float32)
    beta = jnp.zeros((HID,), dtype=jnp.float32)
    return {"x": x, "emb": emb, "W_h": W_h, "b_h": b_h, "gamma": gamma, "beta": beta}


def reference(x, emb, W_h, b_h, gamma, beta):
    # nn.Embedding lookup + mean over sequence dim
    e = jnp.take(emb, x, axis=0)          # [B, L, EMB]
    e = e.mean(axis=1)                    # [B, EMB]
    # hidden linear + sigmoid
    h = jax.nn.sigmoid(e @ W_h.T + b_h)   # [B, HID]
    # BatchNorm1d in training mode (batch statistics, biased variance)
    mu = h.mean(axis=0)
    var = jnp.mean((h - mu) ** 2, axis=0)
    out = (h - mu) / jnp.sqrt(var + EPS) * gamma + beta
    return out

if __name__ == "__main__":
    import jax
    _d = setup_inputs()
    print(jax.jit(kernel)(*tuple(_d.values())))

</pallas_src>

<mosaic_0001>
#map = affine_map<(d0, d1) -> (0)>
#map1 = affine_map<(d0, d1) -> (0, 0)>
module attributes {stable_mosaic.version = 14 : i64} {
  func.func @pool(%arg0: i32, %arg1: i32, %arg2: memref<819200xi32, #tpu.memory_space<hbm>>, %arg3: memref<100000x128xf32, #tpu.memory_space<hbm>>, %arg4: memref<524288xf32, #tpu.memory_space<hbm>>, %arg5: memref<25600xi32, #tpu.memory_space<vmem>>, %arg6: memref<600x128xf32, #tpu.memory_space<vmem>>, %arg7: memref<16384xf32, #tpu.memory_space<vmem>>, %arg8: memref<!tpu.dma_semaphore, #tpu.memory_space<semaphore_mem>>, %arg9: memref<!tpu.dma_semaphore, #tpu.memory_space<semaphore_mem>>, %arg10: memref<!tpu.dma_semaphore, #tpu.memory_space<semaphore_mem>>) attributes {dimension_semantics = [#tpu.dimension_semantics<core_parallel>, #tpu.dimension_semantics<subcore_parallel>], iteration_bounds = array<i64: 2, 16>, scalar_prefetch = 0 : i64, scratch_operands = 6 : i64, tpu.core_type = #tpu.core_type<sc_vector_subcore>, window_params = [{transform_indices = #map}, {transform_indices = #map1}, {transform_indices = #map}]} {
    %mul3A = arith.constant 2 : i32
    %mul3A_0 = arith.muli %arg1, %mul3A : i32
    %add3A = arith.addi %mul3A_0, %arg0 : i32
    %mul3A_1 = arith.constant 25600 : i32
    %mul3A_2 = arith.muli %add3A, %mul3A_1 : i32
    "tpu.region"() ({
      %run_scoped3A = tpu.sem_alloc : memref<!tpu.dma_semaphore, #tpu.memory_space<semaphore_mem>>
      %dma_start3A_178 = tpu.memref_slice %arg2[%mul3A_2] : memref<819200xi32, #tpu.memory_space<hbm>> -> memref<25600xi32, #tpu.memory_space<hbm>>
      %dma_start3A_179 = tpu.memref_slice %arg2[%mul3A_2] : memref<819200xi32, #tpu.memory_space<hbm>> -> memref<25600xi32, #tpu.memory_space<hbm>>
      tpu.enqueue_dma source(%dma_start3A_179 : memref<25600xi32, #tpu.memory_space<hbm>>) target(%arg5 : memref<25600xi32, #tpu.memory_space<vmem>>) target_semaphore(%run_scoped3A : memref<!tpu.dma_semaphore, #tpu.memory_space<semaphore_mem>>)
      %dma_wait3A_180 = tpu.memref_slice %arg2[%mul3A_2] : memref<819200xi32, #tpu.memory_space<hbm>> -> memref<25600xi32, #tpu.memory_space<hbm>>
      %dma_wait3A_181 = tpu.memref_slice %arg2[%mul3A_2] : memref<819200xi32, #tpu.memory_space<hbm>> -> memref<25600xi32, #tpu.memory_space<hbm>>
      tpu.wait_dma2 semaphore(%run_scoped3A : memref<!tpu.dma_semaphore, #tpu.memory_space<semaphore_mem>>) src(%dma_wait3A_181 : memref<25600xi32, #tpu.memory_space<hbm>>) dst(%arg5 : memref<25600xi32, #tpu.memory_space<vmem>>)
      tpu.yield
    }) : () -> ()
    %dma_start3A = arith.constant 0 : i32
    %dma_start3A_3 = arith.constant 0 : i32
    %dma_start3A_4 = tpu.memref_slice %arg6[%dma_start3A, %dma_start3A_3] : memref<600x128xf32, #tpu.memory_space<vmem>> -> memref<120x128xf32, #tpu.memory_space<vmem>>
    %dma_start3A_5 = arith.constant 0 : i32
    %dma_start3A_6 = tpu.memref_slice %arg5[%dma_start3A_5] : memref<25600xi32, #tpu.memory_space<vmem>> -> memref<120xi32, #tpu.memory_space<vmem>>
    %dma_start3A_7 = arith.constant 0 : i32
    %dma_start3A_8 = arith.constant 0 : i32
    %dma_start3A_9 = tpu.memref_slice %arg3[%dma_start3A_7, %dma_start3A_8] : memref<100000x128xf32, #tpu.memory_space<hbm>> -> memref<100000x128xf32, #tpu.memory_space<hbm>>
    tpu.enqueue_indirect_dma source(%dma_start3A_9 : memref<100000x128xf32, #tpu.memory_space<hbm>>) target(%dma_start3A_4 : memref<120x128xf32, #tpu.memory_space<vmem>>) offsets(%dma_start3A_6 : memref<120xi32, #tpu.memory_space<vmem>>) semaphore(%arg8 : memref<!tpu.dma_semaphore, #tpu.memory_space<semaphore_mem>>)
    %dma_start3A_10 = arith.constant 120 : i32
    %dma_start3A_11 = arith.constant 0 : i32
    %dma_start3A_12 = tpu.memref_slice %arg6[%dma_start3A_10, %dma_start3A_11] : memref<600x128xf32, #tpu.memory_space<vmem>> -> memref<80x128xf32, #tpu.memory_space<vmem>>
    %dma_start3A_13 = arith.constant 120 : i32
    %dma_start3A_14 = tpu.memref_slice %arg5[%dma_start3A_13] : memref<25600xi32, #tpu.memory_space<vmem>> -> memref<80xi32, #tpu.memory_space<vmem>>
    %dma_start3A_15 = arith.constant 0 : i32
    %dma_start3A_16 = arith.constant 0 : i32
    %dma_start3A_17 = tpu.memref_slice %arg3[%dma_start3A_15, %dma_start3A_16] : memref<100000x128xf32, #tpu.memory_space<hbm>> -> memref<100000x128xf32, #tpu.memory_space<hbm>>
    tpu.enqueue_indirect_dma source(%dma_start3A_17 : memref<100000x128xf32, #tpu.memory_space<hbm>>) target(%dma_start3A_12 : memref<80x128xf32, #tpu.memory_space<vmem>>) offsets(%dma_start3A_14 : memref<80xi32, #tpu.memory_space<vmem>>) semaphore(%arg8 : memref<!tpu.dma_semaphore, #tpu.memory_space<semaphore_mem>>)
    %dma_start3A_18 = arith.constant 200 : i32
    %dma_start3A_19 = arith.constant 0 : i32
    %dma_start3A_20 = tpu.memref_slice %arg6[%dma_start3A_18, %dma_start3A_19] : memref<600x128xf32, #tpu.memory_space<vmem>> -> memref<120x128xf32, #tpu.memory_space<vmem>>
    %dma_start3A_21 = arith.constant 200 : i32
    %dma_start3A_22 = tpu.memref_slice %arg5[%dma_start3A_21] : memref<25600xi32, #tpu.memory_space<vmem>> -> memref<120xi32, #tpu.memory_space<vmem>>
    %dma_start3A_23 = arith.constant 0 : i32
    %dma_start3A_24 = arith.constant 0 : i32
    %dma_start3A_25 = tpu.memref_slice %arg3[%dma_start3A_23, %dma_start3A_24] : memref<100000x128xf32, #tpu.memory_space<hbm>> -> memref<100000x128xf32, #tpu.memory_space<hbm>>
    tpu.enqueue_indirect_dma source(%dma_start3A_25 : memref<100000x128xf32, #tpu.memory_space<hbm>>) target(%dma_start3A_20 : memref<120x128xf32, #tpu.memory_space<vmem>>) offsets(%dma_start3A_22 : memref<120xi32, #tpu.memory_space<vmem>>) semaphore(%arg9 : memref<!tpu.dma_semaphore, #tpu.memory_space<semaphore_mem>>)
    %dma_start3A_26 = arith.constant 320 : i32
    %dma_start3A_27 = arith.constant 0 : i32
    %dma_start3A_28 = tpu.memref_slice %arg6[%dma_start3A_26, %dma_start3A_27] : memref<600x128xf32, #tpu.memory_space<vmem>> -> memref<80x128xf32, #tpu.memory_space<vmem>>
    %dma_start3A_29 = arith.constant 320 : i32
    %dma_start3A_30 = tpu.memref_slice %arg5[%dma_start3A_29] : memref<25600xi32, #tpu.memory_space<vmem>> -> memref<80xi32, #tpu.memory_space<vmem>>
    %dma_start3A_31 = arith.constant 0 : i32
    %dma_start3A_32 = arith.constant 0 : i32
    %dma_start3A_33 = tpu.memref_slice %arg3[%dma_start3A_31, %dma_start3A_32] : memref<100000x128xf32, #tpu.memory_space<hbm>> -> memref<100000x128xf32, #tpu.memory_space<hbm>>
    tpu.enqueue_indirect_dma source(%dma_start3A_33 : memref<100000x128xf32, #tpu.memory_space<hbm>>) target(%dma_start3A_28 : memref<80x128xf32, #tpu.memory_space<vmem>>) offsets(%dma_start3A_30 : memref<80xi32, #tpu.memory_space<vmem>>) semaphore(%arg9 : memref<!tpu.dma_semaphore, #tpu.memory_space<semaphore_mem>>)
    %scan3A = arith.constant 0 : i32
    %scan3A_34 = arith.constant 0 : i32
    %scan3A_35 = arith.constant 42 : i32
    %scan3A_36 = arith.addi %scan3A_34, %scan3A_35 : i32
    %scan3A_37 = arith.constant 1 : i32
    scf.for %scan3A_178 = %scan3A_34 to %scan3A_36 step %scan3A_37  : i32 {
      %mul3A_179 = arith.constant 3 : i32
      %mul3A_180 = arith.muli %mul3A_179, %scan3A_178 : i32
      %add3A_181 = arith.constant 2 : i32
      %add3A_182 = arith.addi %mul3A_180, %add3A_181 : i32
      %mul3A_183 = arith.constant 200 : i32
      %mul3A_184 = arith.muli %add3A_182, %mul3A_183 : i32
      %dma_start3A_185 = arith.constant 400 : i32
      %dma_start3A_186 = arith.constant 0 : i32
      %dma_start3A_187 = tpu.memref_slice %arg6[%dma_start3A_185, %dma_start3A_186] : memref<600x128xf32, #tpu.memory_space<vmem>> -> memref<120x128xf32, #tpu.memory_space<vmem>>
      %dma_start3A_188 = tpu.memref_slice %arg5[%mul3A_184] : memref<25600xi32, #tpu.memory_space<vmem>> -> memref<120xi32, #tpu.memory_space<vmem>>
      %dma_start3A_189 = arith.constant 0 : i32
      %dma_start3A_190 = arith.constant 0 : i32
      %dma_start3A_191 = tpu.memref_slice %arg3[%dma_start3A_189, %dma_start3A_190] : memref<100000x128xf32, #tpu.memory_space<hbm>> -> memref<100000x128xf32, #tpu.memory_space<hbm>>
      tpu.enqueue_indirect_dma source(%dma_start3A_191 : memref<100000x128xf32, #tpu.memory_space<hbm>>) target(%dma_start3A_187 : memref<120x128xf32, #tpu.memory_space<vmem>>) offsets(%dma_start3A_188 : memref<120xi32, #tpu.memory_space<vmem>>) semaphore(%arg10 : memref<!tpu.dma_semaphore, #tpu.memory_space<semaphore_mem>>)
      %mul3A_192 = arith.constant 200 : i32
      %mul3A_193 = arith.muli %add3A_182, %mul3A_192 : i32
      %add3A_194 = arith.constant 120 : i32
      %add3A_195 = arith.addi %mul3A_193, %add3A_194 : i32
      %dma_start3A_196 = arith.constant 520 : i32
      %dma_start3A_197 = arith.constant 0 : i32
      %dma_start3A_198 = tpu.memref_slice %arg6[%dma_start3A_196, %dma_start3A_197] : memref<600x128xf32, #tpu.memory_space<vmem>> -> memref<80x128xf32, #tpu.memory_space<vmem>>
      %dma_start3A_199 = tpu.memref_slice %arg5[%add3A_195] : memref<25600xi32, #tpu.memory_space<vmem>> -> memref<80xi32, #tpu.memory_space<vmem>>
      %dma_start3A_200 = arith.constant 0 : i32
      %dma_start3A_201 = arith.constant 0 : i32
      %dma_start3A_202 = tpu.memref_slice %arg3[%dma_start3A_200, %dma_start3A_201] : memref<100000x128xf32, #tpu.memory_space<hbm>> -> memref<100000x128xf32, #tpu.memory_space<hbm>>
      tpu.enqueue_indirect_dma source(%dma_start3A_202 : memref<100000x128xf32, #tpu.memory_space<hbm>>) target(%dma_start3A_198 : memref<80x128xf32, #tpu.memory_space<vmem>>) offsets(%dma_start3A_199 : memref<80xi32, #tpu.memory_space<vmem>>) semaphore(%arg10 : memref<!tpu.dma_semaphore, #tpu.memory_space<semaphore_mem>>)
      %mul3A_203 = arith.constant 200 : i32
      %mul3A_204 = arith.muli %mul3A_180, %mul3A_203 : i32
      %dma_wait3A_205 = arith.constant 0 : i32
      %dma_wait3A_206 = arith.constant 0 : i32
      %dma_wait3A_207 = tpu.memref_slice %arg6[%dma_wait3A_205, %dma_wait3A_206] : memref<600x128xf32, #tpu.memory_space<vmem>> -> memref<120x128xf32, #tpu.memory_space<vmem>>
      %dma_wait3A_208 = tpu.memref_slice %arg5[%mul3A_204] : memref<25600xi32, #tpu.memory_space<vmem>> -> memref<120xi32, #tpu.memory_space<vmem>>
      %dma_wait3A_209 = arith.constant 0 : i32
      %dma_wait3A_210 = arith.constant 0 : i32
      %dma_wait3A_211 = tpu.memref_slice %arg3[%dma_wait3A_209, %dma_wait3A_210] : memref<100000x128xf32, #tpu.memory_space<hbm>> -> memref<100000x128xf32, #tpu.memory_space<hbm>>
      tpu.wait_indirect_dma semaphore(%arg8 : memref<!tpu.dma_semaphore, #tpu.memory_space<semaphore_mem>>) src(%dma_wait3A_211 : memref<100000x128xf32, #tpu.memory_space<hbm>>) dst(%dma_wait3A_207 : memref<120x128xf32, #tpu.memory_space<vmem>>)
      %mul3A_212 = arith.constant 200 : i32
      %mul3A_213 = arith.muli %mul3A_180, %mul3A_212 : i32
      %add3A_214 = arith.constant 120 : i32
      %add3A_215 = arith.addi %mul3A_213, %add3A_214 : i32
      %dma_wait3A_216 = arith.constant 120 : i32
      %dma_wait3A_217 = arith.constant 0 : i32
      %dma_wait3A_218 = tpu.memref_slice %arg6[%dma_wait3A_216, %dma_wait3A_217] : memref<600x128xf32, #tpu.memory_space<vmem>> -> memref<80x128xf32, #tpu.memory_space<vmem>>
      %dma_wait3A_219 = tpu.memref_slice %arg5[%add3A_215] : memref<25600xi32, #tpu.memory_space<vmem>> -> memref<80xi32, #tpu.memory_space<vmem>>
      %dma_wait3A_220 = arith.constant 0 : i32
      %dma_wait3A_221 = arith.constant 0 : i32
      %dma_wait3A_222 = tpu.memref_slice %arg3[%dma_wait3A_220, %dma_wait3A_221] : memref<100000x128xf32, #tpu.memory_space<hbm>> -> memref<100000x128xf32, #tpu.memory_space<hbm>>
      tpu.wait_indirect_dma semaphore(%arg8 : memref<!tpu.dma_semaphore, #tpu.memory_space<semaphore_mem>>) src(%dma_wait3A_222 : memref<100000x128xf32, #tpu.memory_space<hbm>>) dst(%dma_wait3A_218 : memref<80x128xf32, #tpu.memory_space<vmem>>)
      %broadcast_in_dim3A_223 = arith.constant 0.000000e+00 : f32
      %broadcast_in_dim3A_224 = vector.broadcast %broadcast_in_dim3A_223 : f32 to vector<16xf32>
      %broadcast_in_dim3A_225 = arith.constant 0.000000e+00 : f32
      %broadcast_in_dim3A_226 = vector.broadcast %broadcast_in_dim3A_225 : f32 to vector<16xf32>
      %broadcast_in_dim3A_227 = arith.constant 0.000000e+00 : f32
      %broadcast_in_dim3A_228 = vector.broadcast %broadcast_in_dim3A_227 : f32 to vector<16xf32>
      %broadcast_in_dim3A_229 = arith.constant 0.000000e+00 : f32
      %broadcast_in_dim3A_230 = vector.broadcast %broadcast_in_dim3A_229 : f32 to vector<16xf32>
      %broadcast_in_dim3A_231 = arith.constant 0.000000e+00 : f32
      %broadcast_in_dim3A_232 = vector.broadcast %broadcast_in_dim3A_231 : f32 to vector<16xf32>
      %broadcast_in_dim3A_233 = arith.constant 0.000000e+00 : f32
      %broadcast_in_dim3A_234 = vector.broadcast %broadcast_in_dim3A_233 : f32 to vector<16xf32>
      %broadcast_in_dim3A_235 = arith.constant 0.000000e+00 : f32
      %broadcast_in_dim3A_236 = vector.broadcast %broadcast_in_dim3A_235 : f32 to vector<16xf32>
      %broadcast_in_dim3A_237 = arith.constant 0.000000e+00 : f32
      %broadcast_in_dim3A_238 = vector.broadcast %broadcast_in_dim3A_237 : f32 to vector<16xf32>
      %scan3A_239 = arith.constant 0 : i32
      %scan3A_240 = arith.constant 25 : i32
      %scan3A_241 = arith.addi %scan3A_239, %scan3A_240 : i32
      %scan3A_242 = arith.constant 1 : i32
      %scan3A_243:8 = scf.for %scan3A_540 = %scan3A_239 to %scan3A_241 step %scan3A_242 iter_args(%scan3A_541 = %broadcast_in_dim3A_224, %scan3A_542 = %broadcast_in_dim3A_226, %scan3A_543 = %broadcast_in_dim3A_228, %scan3A_544 = %broadcast_in_dim3A_230, %scan3A_545 = %broadcast_in_dim3A_232, %scan3A_546 = %broadcast_in_dim3A_234, %scan3A_547 = %broadcast_in_dim3A_236, %scan3A_548 = %broadcast_in_dim3A_238) -> (vector<16xf32>, vector<16xf32>, vector<16xf32>, vector<16xf32>, vector<16xf32>, vector<16xf32>, vector<16xf32>, vector<16xf32>)  : i32 {
        %mul3A_549 = arith.constant 8 : i32
        %mul3A_550 = arith.muli %scan3A_540, %mul3A_549 : i32
        %add3A_551 = arith.constant 0 : i32
        %add3A_552 = arith.addi %add3A_551, %mul3A_550 : i32
        %add3A_553 = arith.constant 0 : i32
        %add3A_554 = arith.addi %add3A_552, %add3A_553 : i32
        %get3A = arith.index_cast %add3A_554 : i32 to index
        %get3A_555 = arith.constant 0 : index
        %get3A_556 = tpu.vector_load %arg6[%get3A, %get3A_555] {strides = array<i32>} : memref<600x128xf32, #tpu.memory_space<vmem>>, vector<1x16xf32>,
        %get3A_557 = vector.shape_cast %get3A_556 : vector<1x16xf32> to vector<16xf32>
        %add3A_558 = arith.addf %scan3A_541, %get3A_557 : vector<16xf32>
        %add3A_559 = arith.constant 0 : i32
        %add3A_560 = arith.addi %add3A_559, %mul3A_550 : i32
        %add3A_561 = arith.constant 0 : i32
        %add3A_562 = arith.addi %add3A_560, %add3A_561 : i32
        %get3A_563 = arith.index_cast %add3A_562 : i32 to index
        %get3A_564 = arith.constant 16 : index
        %get3A_565 = tpu.vector_load %arg6[%get3A_563, %get3A_564] {strides = array<i32>} : memref<600x128xf32, #tpu.memory_space<vmem>>, vector<1x16xf32>,
        %get3A_566 = vector.shape_cast %get3A_565 : vector<1x16xf32> to vector<16xf32>
        %add3A_567 = arith.addf %scan3A_542, %get3A_566 : vector<16xf32>
        %add3A_568 = arith.constant 0 : i32
        %add3A_569 = arith.addi %add3A_568, %mul3A_550 : i32
        %add3A_570 = arith.constant 0 : i32
        %add3A_571 = arith.addi %add3A_569, %add3A_570 : i32
        %get3A_572 = arith.index_cast %add3A_571 : i32 to index
        %get3A_573 = arith.constant 32 : index
        %get3A_574 = tpu.vector_load %arg6[%get3A_572, %get3A_573] {strides = array<i32>} : memref<600x128xf32, #tpu.memory_space<vmem>>, vector<1x16xf32>,
        %get3A_575 = vector.shape_cast %get3A_574 : vector<1x16xf32> to vector<16xf32>
        %add3A_576 = arith.addf %scan3A_543, %get3A_575 : vector<16xf32>
        %add3A_577 = arith.constant 0 : i32
        %add3A_578 = arith.addi %add3A_577, %mul3A_550 : i32
        %add3A_579 = arith.constant 0 : i32
        %add3A_580 = arith.addi %add3A_578, %add3A_579 : i32
        %get3A_581 = arith.index_cast %add3A_580 : i32 to index
        %get3A_582 = arith.constant 48 : index
        %get3A_583 = tpu.vector_load %arg6[%get3A_581, %get3A_582] {strides = array<i32>} : memref<600x128xf32, #tpu.memory_space<vmem>>, vector<1x16xf32>,
        %get3A_584 = vector.shape_cast %get3A_583 : vector<1x16xf32> to vector<16xf32>
        %add3A_585 = arith.addf %scan3A_544, %get3A_584 : vector<16xf32>
        %add3A_586 = arith.constant 0 : i32
        %add3A_587 = arith.addi %add3A_586, %mul3A_550 : i32
        %add3A_588 = arith.constant 0 : i32
        %add3A_589 = arith.addi %add3A_587, %add3A_588 : i32
        %get3A_590 = arith.index_cast %add3A_589 : i32 to index
        %get3A_591 = arith.constant 64 : index
        %get3A_592 = tpu.vector_load %arg6[%get3A_590, %get3A_591] {strides = array<i32>} : memref<600x128xf32, #tpu.memory_space<vmem>>, vector<1x16xf32>,
        %get3A_593 = vector.shape_cast %get3A_592 : vector<1x16xf32> to vector<16xf32>
        %add3A_594 = arith.addf %scan3A_545, %get3A_593 : vector<16xf32>
        %add3A_595 = arith.constant 0 : i32
        %add3A_596 = arith.addi %add3A_595, %mul3A_550 : i32
        %add3A_597 = arith.constant 0 : i32
        %add3A_598 = arith.addi %add3A_596, %add3A_597 : i32
        %get3A_599 = arith.index_cast %add3A_598 : i32 to index
        %get3A_600 = arith.constant 80 : index
        %get3A_601 = tpu.vector_load %arg6[%get3A_599, %get3A_600] {strides = array<i32>} : memref<600x128xf32, #tpu.memory_space<vmem>>, vector<1x16xf32>,
        %get3A_602 = vector.shape_cast %get3A_601 : vector<1x16xf32> to vector<16xf32>
        %add3A_603 = arith.addf %scan3A_546, %get3A_602 : vector<16xf32>
        %add3A_604 = arith.constant 0 : i32
        %add3A_605 = arith.addi %add3A_604, %mul3A_550 : i32
        %add3A_606 = arith.constant 0 : i32
        %add3A_607 = arith.addi %add3A_605, %add3A_606 : i32
        %get3A_608 = arith.index_cast %add3A_607 : i32 to index
        %get3A_609 = arith.constant 96 : index
        %get3A_610 = tpu.vector_load %arg6[%get3A_608, %get3A_609] {strides = array<i32>} : memref<600x128xf32, #tpu.memory_space<vmem>>, vector<1x16xf32>,
        %get3A_611 = vector.shape_cast %get3A_610 : vector<1x16xf32> to vector<16xf32>
        %add3A_612 = arith.addf %scan3A_547, %get3A_611 : vector<16xf32>
        %add3A_613 = arith.constant 0 : i32
        %add3A_614 = arith.addi %add3A_613, %mul3A_550 : i32
        %add3A_615 = arith.constant 0 : i32
        %add3A_616 = arith.addi %add3A_614, %add3A_615 : i32
        %get3A_617 = arith.index_cast %add3A_616 : i32 to index
        %get3A_618 = arith.constant 112 : index
        %get3A_619 = tpu.vector_load %arg6[%get3A_617, %get3A_618] {strides = array<i32>} : memref<600x128xf32, #tpu.memory_space<vmem>>, vector<1x16xf32>,
        %get3A_620 = vector.shape_cast %get3A_619 : vector<1x16xf32> to vector<16xf32>
        %add3A_621 = arith.addf %scan3A_548, %get3A_620 : vector<16xf32>
        %add3A_622 = arith.constant 0 : i32
        %add3A_623 = arith.addi %add3A_622, %mul3A_550 : i32
        %add3A_624 = arith.constant 1 : i32
        %add3A_625 = arith.addi %add3A_623, %add3A_624 : i32
        %get3A_626 = arith.index_cast %add3A_625 : i32 to index
        %get3A_627 = arith.constant 0 : index
        %get3A_628 = tpu.vector_load %arg6[%get3A_626, %get3A_627] {strides = array<i32>} : memref<600x128xf32, #tpu.memory_space<vmem>>, vector<1x16xf32>,
        %get3A_629 = vector.shape_cast %get3A_628 : vector<1x16xf32> to vector<16xf32>
        %add3A_630 = arith.addf %add3A_558, %get3A_629 : vector<16xf32>
        %add3A_631 = arith.constant 0 : i32
        %add3A_632 = arith.addi %add3A_631, %mul3A_550 : i32
        %add3A_633 = arith.constant 1 : i32
        %add3A_634 = arith.addi %add3A_632, %add3A_633 : i32
        %get3A_635 = arith.index_cast %add3A_634 : i32 to index
        %get3A_636 = arith.constant 16 : index
        %get3A_637 = tpu.vector_load %arg6[%get3A_635, %get3A_636] {strides = array<i32>} : memref<600x128xf32, #tpu.memory_space<vmem>>, vector<1x16xf32>,
        %get3A_638 = vector.shape_cast %get3A_637 : vector<1x16xf32> to vector<16xf32>
        %add3A_639 = arith.addf %add3A_567, %get3A_638 : vector<16xf32>
        %add3A_640 = arith.constant 0 : i32
        %add3A_641 = arith.addi %add3A_640, %mul3A_550 : i32
        %add3A_642 = arith.constant 1 : i32
        %add3A_643 = arith.addi %add3A_641, %add3A_642 : i32
        %get3A_644 = arith.index_cast %add3A_643 : i32 to index
        %get3A_645 = arith.constant 32 : index
        %get3A_646 = tpu.vector_load %arg6[%get3A_644, %get3A_645] {strides = array<i32>} : memref<600x128xf32, #tpu.memory_space<vmem>>, vector<1x16xf32>,
        %get3A_647 = vector.shape_cast %get3A_646 : vector<1x16xf32> to vector<16xf32>
        %add3A_648 = arith.addf %add3A_576, %get3A_647 : vector<16xf32>
        %add3A_649 = arith.constant 0 : i32
        %add3A_650 = arith.addi %add3A_649, %mul3A_550 : i32
        %add3A_651 = arith.constant 1 : i32
        %add3A_652 = arith.addi %add3A_650, %add3A_651 : i32
        %get3A_653 = arith.index_cast %add3A_652 : i32 to index
        %get3A_654 = arith.constant 48 : index
        %get3A_655 = tpu.vector_load %arg6[%get3A_653, %get3A_654] {strides = array<i32>} : memref<600x128xf32, #tpu.memory_space<vmem>>, vector<1x16xf32>,
        %get3A_656 = vector.shape_cast %get3A_655 : vector<1x16xf32> to vector<16xf32>
        %add3A_657 = arith.addf %add3A_585, %get3A_656 : vector<16xf32>
        %add3A_658 = arith.constant 0 : i32
        %add3A_659 = arith.addi %add3A_658, %mul3A_550 : i32
        %add3A_660 = arith.constant 1 : i32
        %add3A_661 = arith.addi %add3A_659, %add3A_660 : i32
        %get3A_662 = arith.index_cast %add3A_661 : i32 to index
        %get3A_663 = arith.constant 64 : index
        %get3A_664 = tpu.vector_load %arg6[%get3A_662, %get3A_663] {strides = array<i32>} : memref<600x128xf32, #tpu.memory_space<vmem>>, vector<1x16xf32>,
        %get3A_665 = vector.shape_cast %get3A_664 : vector<1x16xf32> to vector<16xf32>
        %add3A_666 = arith.addf %add3A_594, %get3A_665 : vector<16xf32>
        %add3A_667 = arith.constant 0 : i32
        %add3A_668 = arith.addi %add3A_667, %mul3A_550 : i32
        %add3A_669 = arith.constant 1 : i32
        %add3A_670 = arith.addi %add3A_668, %add3A_669 : i32
        %get3A_671 = arith.index_cast %add3A_670 : i32 to index
        %get3A_672 = arith.constant 80 : index
        %get3A_673 = tpu.vector_load %arg6[%get3A_671, %get3A_672] {strides = array<i32>} : memref<600x128xf32, #tpu.memory_space<vmem>>, vector<1x16xf32>,
        %get3A_674 = vector.shape_cast %get3A_673 : vector<1x16xf32> to vector<16xf32>
        %add3A_675 = arith.addf %add3A_603, %get3A_674 : vector<16xf32>
        %add3A_676 = arith.constant 0 : i32
        %add3A_677 = arith.addi %add3A_676, %mul3A_550 : i32
        %add3A_678 = arith.constant 1 : i32
        %add3A_679 = arith.addi %add3A_677, %add3A_678 : i32
        %get3A_680 = arith.index_cast %add3A_679 : i32 to index
        %get3A_681 = arith.constant 96 : index
        %get3A_682 = tpu.vector_load %arg6[%get3A_680, %get3A_681] {strides = array<i32>} : memref<600x128xf32, #tpu.memory_space<vmem>>, vector<1x16xf32>,
        %get3A_683 = vector.shape_cast %get3A_682 : vector<1x16xf32> to vector<16xf32>
        %add3A_684 = arith.addf %add3A_612, %get3A_683 : vector<16xf32>
        %add3A_685 = arith.constant 0 : i32
        %add3A_686 = arith.addi %add3A_685, %mul3A_550 : i32
        %add3A_687 = arith.constant 1 : i32
        %add3A_688 = arith.addi %add3A_686, %add3A_687 : i32
        %get3A_689 = arith.index_cast %add3A_688 : i32 to index
        %get3A_690 = arith.constant 112 : index
        %get3A_691 = tpu.vector_load %arg6[%get3A_689, %get3A_690] {strides = array<i32>} : memref<600x128xf32, #tpu.memory_space<vmem>>, vector<1x16xf32>,
        %get3A_692 = vector.shape_cast %get3A_691 : vector<1x16xf32> to vector<16xf32>
        %add3A_693 = arith.addf %add3A_621, %get3A_692 : vector<16xf32>
        %add3A_694 = arith.constant 0 : i32
        %add3A_695 = arith.addi %add3A_694, %mul3A_550 : i32
        %add3A_696 = arith.constant 2 : i32
        %add3A_697 = arith.addi %add3A_695, %add3A_696 : i32
        %get3A_698 = arith.index_cast %add3A_697 : i32 to index
        %get3A_699 = arith.constant 0 : index
        %get3A_700 = tpu.vector_load %arg6[%get3A_698, %get3A_699] {strides = array<i32>} : memref<600x128xf32, #tpu.memory_space<vmem>>, vector<1x16xf32>,
        %get3A_701 = vector.shape_cast %get3A_700 : vector<1x16xf32> to vector<16xf32>
        %add3A_702 = arith.addf %add3A_630, %get3A_701 : vector<16xf32>
        %add3A_703 = arith.constant 0 : i32
        %add3A_704 = arith.addi %add3A_703, %mul3A_550 : i32
        %add3A_705 = arith.constant 2 : i32
        %add3A_706 = arith.addi %add3A_704, %add3A_705 : i32
        %get3A_707 = arith.index_cast %add3A_706 : i32 to index
        %get3A_708 = arith.constant 16 : index
        %get3A_709 = tpu.vector_load %arg6[%get3A_707, %get3A_708] {strides = array<i32>} : memref<600x128xf32, #tpu.memory_space<vmem>>, vector<1x16xf32>,
        %get3A_710 = vector.shape_cast %get3A_709 : vector<1x16xf32> to vector<16xf32>
        %add3A_711 = arith.addf %add3A_639, %get3A_710 : vector<16xf32>
        %add3A_712 = arith.constant 0 : i32
        %add3A_713 = arith.addi %add3A_712, %mul3A_550 : i32
        %add3A_714 = arith.constant 2 : i32
        %add3A_715 = arith.addi %add3A_713, %add3A_714 : i32
        %get3A_716 = arith.index_cast %add3A_715 : i32 to index
        %get3A_717 = arith.constant 32 : index
        %get3A_718 = tpu.vector_load %arg6[%get3A_716, %get3A_717] {strides = array<i32>} : memref<600x128xf32, #tpu.memory_space<vmem>>, vector<1x16xf32>,
        %get3A_719 = vector.shape_cast %get3A_718 : vector<1x16xf32> to vector<16xf32>
        %add3A_720 = arith.addf %add3A_648, %get3A_719 : vector<16xf32>
        %add3A_721 = arith.constant 0 : i32
        %add3A_722 = arith.addi %add3A_721, %mul3A_550 : i32
        %add3A_723 = arith.constant 2 : i32
        %add3A_724 = arith.addi %add3A_722, %add3A_723 : i32
        %get3A_725 = arith.index_cast %add3A_724 : i32 to index
        %get3A_726 = arith.constant 48 : index
        %get3A_727 = tpu.vector_load %arg6[%get3A_725, %get3A_726] {strides = array<i32>} : memref<600x128xf32, #tpu.memory_space<vmem>>, vector<1x16xf32>,
        %get3A_728 = vector.shape_cast %get3A_727 : vector<1x16xf32> to vector<16xf32>
        %add3A_729 = arith.addf %add3A_657, %get3A_728 : vector<16xf32>
        %add3A_730 = arith.constant 0 : i32
        %add3A_731 = arith.addi %add3A_730, %mul3A_550 : i32
        %add3A_732 = arith.constant 2 : i32
        %add3A_733 = arith.addi %add3A_731, %add3A_732 : i32
        %get3A_734 = arith.index_cast %add3A_733 : i32 to index
        %get3A_735 = arith.constant 64 : index
        %get3A_736 = tpu.vector_load %arg6[%get3A_734, %get3A_735] {strides = array<i32>} : memref<600x128xf32, #tpu.memory_space<vmem>>, vector<1x16xf32>,
        %get3A_737 = vector.shape_cast %get3A_736 : vector<1x16xf32> to vector<16xf32>
        %add3A_738 = arith.addf %add3A_666, %get3A_737 : vector<16xf32>
        %add3A_739 = arith.constant 0 : i32
        %add3A_740 = arith.addi %add3A_739, %mul3A_550 : i32
        %add3A_741 = arith.constant 2 : i32
        %add3A_742 = arith.addi %add3A_740, %add3A_741 : i32
        %get3A_743 = arith.index_cast %add3A_742 : i32 to index
        %get3A_744 = arith.constant 80 : index
        %get3A_745 = tpu.vector_load %arg6[%get3A_743, %get3A_744] {strides = array<i32>} : memref<600x128xf32, #tpu.memory_space<vmem>>, vector<1x16xf32>,
        %get3A_746 = vector.shape_cast %get3A_745 : vector<1x16xf32> to vector<16xf32>
        %add3A_747 = arith.addf %add3A_675, %get3A_746 : vector<16xf32>
        %add3A_748 = arith.constant 0 : i32
        %add3A_749 = arith.addi %add3A_748, %mul3A_550 : i32
        %add3A_750 = arith.constant 2 : i32
        %add3A_751 = arith.addi %add3A_749, %add3A_750 : i32
        %get3A_752 = arith.index_cast %add3A_751 : i32 to index
        %get3A_753 = arith.constant 96 : index
        %get3A_754 = tpu.vector_load %arg6[%get3A_752, %get3A_753] {strides = array<i32>} : memref<600x128xf32, #tpu.memory_space<vmem>>, vector<1x16xf32>,
        %get3A_755 = vector.shape_cast %get3A_754 : vector<1x16xf32> to vector<16xf32>
        %add3A_756 = arith.addf %add3A_684, %get3A_755 : vector<16xf32>
        %add3A_757 = arith.constant 0 : i32
        %add3A_758 = arith.addi %add3A_757, %mul3A_550 : i32
        %add3A_759 = arith.constant 2 : i32
        %add3A_760 = arith.addi %add3A_758, %add3A_759 : i32
        %get3A_761 = arith.index_cast %add3A_760 : i32 to index
        %get3A_762 = arith.constant 112 : index
        %get3A_763 = tpu.vector_load %arg6[%get3A_761, %get3A_762] {strides = array<i32>} : memref<600x128xf32, #tpu.memory_space<vmem>>, vector<1x16xf32>,
        %get3A_764 = vector.shape_cast %get3A_763 : vector<1x16xf32> to vector<16xf32>
        %add3A_765 = arith.addf %add3A_693, %get3A_764 : vector<16xf32>
        %add3A_766 = arith.constant 0 : i32
        %add3A_767 = arith.addi %add3A_766, %mul3A_550 : i32
        %add3A_768 = arith.constant 3 : i32
        %add3A_769 = arith.addi %add3A_767, %add3A_768 : i32
        %get3A_770 = arith.index_cast %add3A_769 : i32 to index
        %get3A_771 = arith.constant 0 : index
        %get3A_772 = tpu.vector_load %arg6[%get3A_770, %get3A_771] {strides = array<i32>} : memref<600x128xf32, #tpu.memory_space<vmem>>, vector<1x16xf32>,
        %get3A_773 = vector.shape_cast %get3A_772 : vector<1x16xf32> to vector<16xf32>
        %add3A_774 = arith.addf %add3A_702, %get3A_773 : vector<16xf32>
        %add3A_775 = arith.constant 0 : i32
        %add3A_776 = arith.addi %add3A_775, %mul3A_550 : i32
        %add3A_777 = arith.constant 3 : i32
        %add3A_778 = arith.addi %add3A_776, %add3A_777 : i32
        %get3A_779 = arith.index_cast %add3A_778 : i32 to index
        %get3A_780 = arith.constant 16 : index
        %get3A_781 = tpu.vector_load %arg6[%get3A_779, %get3A_780] {strides = array<i32>} : memref<600x128xf32, #tpu.memory_space<vmem>>, vector<1x16xf32>,
        %get3A_782 = vector.shape_cast %get3A_781 : vector<1x16xf32> to vector<16xf32>
        %add3A_783 = arith.addf %add3A_711, %get3A_782 : vector<16xf32>
        %add3A_784 = arith.constant 0 : i32
        %add3A_785 = arith.addi %add3A_784, %mul3A_550 : i32
        %add3A_786 = arith.constant 3 : i32
        %add3A_787 = arith.addi %add3A_785, %add3A_786 : i32
        %get3A_788 = arith.index_cast %add3A_787 : i32 to index
        %get3A_789 = arith.constant 32 : index
        %get3A_790 = tpu.vector_load %arg6[%get3A_788, %get3A_789] {strides = array<i32>} : memref<600x128xf32, #tpu.memory_space<vmem>>, vector<1x16xf32>,
        %get3A_791 = vector.shape_cast %get3A_790 : vector<1x16xf32> to vector<16xf32>
        %add3A_792 = arith.addf %add3A_720, %get3A_791 : vector<16xf32>
        %add3A_793 = arith.constant 0 : i32
        %add3A_794 = arith.addi %add3A_793, %mul3A_550 : i32
        %add3A_795 = arith.constant 3 : i32
        %add3A_796 = arith.addi %add3A_794, %add3A_795 : i32
        %get3A_797 = arith.index_cast %add3A_796 : i32 to index
        %get3A_798 = arith.constant 48 : index
        %get3A_799 = tpu.vector_load %arg6[%get3A_797, %get3A_798] {strides = array<i32>} : memref<600x128xf32, #tpu.memory_space<vmem>>, vector<1x16xf32>,
        %get3A_800 = vector.shape_cast %get3A_799 : vector<1x16xf32> to vector<16xf32>
        %add3A_801 = arith.addf %add3A_729, %get3A_800 : vector<16xf32>
        %add3A_802 = arith.constant 0 : i32
        %add3A_803 = arith.addi %add3A_802, %mul3A_550 : i32
        %add3A_804 = arith.constant 3 : i32
        %add3A_805 = arith.addi %add3A_803, %add3A_804 : i32
        %get3A_806 = arith.index_cast %add3A_805 : i32 to index
        %get3A_807 = arith.constant 64 : index
        %get3A_808 = tpu.vector_load %arg6[%get3A_806, %get3A_807] {strides = array<i32>} : memref<600x128xf32, #tpu.memory_space<vmem>>, vector<1x16xf32>,
        %get3A_809 = vector.shape_cast %get3A_808 : vector<1x16xf32> to vector<16xf32>
        %add3A_810 = arith.addf %add3A_738, %get3A_809 : vector<16xf32>
        %add3A_811 = arith.constant 0 : i32
        %add3A_812 = arith.addi %add3A_811, %mul3A_550 : i32
        %add3A_813 = arith.constant 3 : i32
        %add3A_814 = arith.addi %add3A_812, %add3A_813 : i32
        %get3A_815 = arith.index_cast %add3A_814 : i32 to index
        %get3A_816 = arith.constant 80 : index
        %get3A_817 = tpu.vector_load %arg6[%get3A_815, %get3A_816] {strides = array<i32>} : memref<600x128xf32, #tpu.memory_space<vmem>>, vector<1x16xf32>,
        %get3A_818 = vector.shape_cast %get3A_817 : vector<1x16xf32> to vector<16xf32>
        %add3A_819 = arith.addf %add3A_747, %get3A_818 : vector<16xf32>
        %add3A_820 = arith.constant 0 : i32
        %add3A_821 = arith.addi %add3A_820, %mul3A_550 : i32
        %add3A_822 = arith.constant 3 : i32
        %add3A_823 = arith.addi %add3A_821, %add3A_822 : i32
        %get3A_824 = arith.index_cast %add3A_823 : i32 to index
        %get3A_825 = arith.constant 96 : index
        %get3A_826 = tpu.vector_load %arg6[%get3A_824, %get3A_825] {strides = array<i32>} : memref<600x128xf32, #tpu.memory_space<vmem>>, vector<1x16xf32>,
        %get3A_827 = vector.shape_cast %get3A_826 : vector<1x16xf32> to vector<16xf32>
        %add3A_828 = arith.addf %add3A_756, %get3A_827 : vector<16xf32>
        %add3A_829 = arith.constant 0 : i32
        %add3A_830 = arith.addi %add3A_829, %mul3A_550 : i32
        %add3A_831 = arith.constant 3 : i32
        %add3A_832 = arith.addi %add3A_830, %add3A_831 : i32
        %get3A_833 = arith.index_cast %add3A_832 : i32 to index
        %get3A_834 = arith.constant 112 : index
        %get3A_835 = tpu.vector_load %arg6[%get3A_833, %get3A_834] {strides = array<i32>} : memref<600x128xf32, #tpu.memory_space<vmem>>, vector<1x16xf32>,
        %get3A_836 = vector.shape_cast %get3A_835 : vector<1x16xf32> to vector<16xf32>
        %add3A_837 = arith.addf %add3A_765, %get3A_836 : vector<16xf32>
        %add3A_838 = arith.constant 0 : i32
        %add3A_839 = arith.addi %add3A_838, %mul3A_550 : i32
        %add3A_840 = arith.constant 4 : i32
        %add3A_841 = arith.addi %add3A_839, %add3A_840 : i32
        %get3A_842 = arith.index_cast %add3A_841 : i32 to index
        %get3A_843 = arith.constant 0 : index
        %get3A_844 = tpu.vector_load %arg6[%get3A_842, %get3A_843] {strides = array<i32>} : memref<600x128xf32, #tpu.memory_space<vmem>>, vector<1x16xf32>,
        %get3A_845 = vector.shape_cast %get3A_844 : vector<1x16xf32> to vector<16xf32>
        %add3A_846 = arith.addf %add3A_774, %get3A_845 : vector<16xf32>
        %add3A_847 = arith.constant 0 : i32
        %add3A_848 = arith.addi %add3A_847, %mul3A_550 : i32
        %add3A_849 = arith.constant 4 : i32
        %add3A_850 = arith.addi %add3A_848, %add3A_849 : i32
        %get3A_851 = arith.index_cast %add3A_850 : i32 to index
        %get3A_852 = arith.constant 16 : index
        %get3A_853 = tpu.vector_load %arg6[%get3A_851, %get3A_852] {strides = array<i32>} : memref<600x128xf32, #tpu.memory_space<vmem>>, vector<1x16xf32>,
        %get3A_854 = vector.shape_cast %get3A_853 : vector<1x16xf32> to vector<16xf32>
        %add3A_855 = arith.addf %add3A_783, %get3A_854 : vector<16xf32>
        %add3A_856 = arith.constant 0 : i32
        %add3A_857 = arith.addi %add3A_856, %mul3A_550 : i32
        %add3A_858 = arith.constant 4 : i32
        %add3A_859 = arith.addi %add3A_857, %add3A_858 : i32
        %get3A_860 = arith.index_cast %add3A_859 : i32 to index
        %get3A_861 = arith.constant 32 : index
        %get3A_862 = tpu.vector_load %arg6[%get3A_860, %get3A_861] {strides = array<i32>} : memref<600x128xf32, #tpu.memory_space<vmem>>, vector<1x16xf32>,
        %get3A_863 = vector.shape_cast %get3A_862 : vector<1x16xf32> to vector<16xf32>
        %add3A_864 = arith.addf %add3A_792, %get3A_863 : vector<16xf32>
        %add3A_865 = arith.constant 0 : i32
        %add3A_866 = arith.addi %add3A_865, %mul3A_550 : i32
        %add3A_867 = arith.constant 4 : i32
        %add3A_868 = arith.addi %add3A_866, %add3A_867 : i32
        %get3A_869 = arith.index_cast %add3A_868 : i32 to index
        %get3A_870 = arith.constant 48 : index
        %get3A_871 = tpu.vector_load %arg6[%get3A_869, %get3A_870] {strides = array<i32>} : memref<600x128xf32, #tpu.memory_space<vmem>>, vector<1x16xf32>,
        %get3A_872 = vector.shape_cast %get3A_871 : vector<1x16xf32> to vector<16xf32>
        %add3A_873 = arith.addf %add3A_801, %get3A_872 : vector<16xf32>
        %add3A_874 = arith.constant 0 : i32
        %add3A_875 = arith.addi %add3A_874, %mul3A_550 : i32
        %add3A_876 = arith.constant 4 : i32
        %add3A_877 = arith.addi %add3A_875, %add3A_876 : i32
        %get3A_878 = arith.index_cast %add3A_877 : i32 to index
        %get3A_879 = arith.constant 64 : index
        %get3A_880 = tpu.vector_load %arg6[%get3A_878, %get3A_879] {strides = array<i32>} : memref<600x128xf32, #tpu.memory_space<vmem>>, vector<1x16xf32>,
        %get3A_881 = vector.shape_cast %get3A_880 : vector<1x16xf32> to vector<16xf32>
        %add3A_882 = arith.addf %add3A_810, %get3A_881 : vector<16xf32>
        %add3A_883 = arith.constant 0 : i32
        %add3A_884 = arith.addi %add3A_883, %mul3A_550 : i32
        %add3A_885 = arith.constant 4 : i32
        %add3A_886 = arith.addi %add3A_884, %add3A_885 : i32
        %get3A_887 = arith.index_cast %add3A_886 : i32 to index
        %get3A_888 = arith.constant 80 : index
        %get3A_889 = tpu.vector_load %arg6[%get3A_887, %get3A_888] {strides = array<i32>} : memref<600x128xf32, #tpu.memory_space<vmem>>, vector<1x16xf32>,
        %get3A_890 = vector.shape_cast %get3A_889 : vector<1x16xf32> to vector<16xf32>
        %add3A_891 = arith.addf %add3A_819, %get3A_890 : vector<16xf32>
        %add3A_892 = arith.constant 0 : i32
        %add3A_893 = arith.addi %add3A_892, %mul3A_550 : i32
        %add3A_894 = arith.constant 4 : i32
        %add3A_895 = arith.addi %add3A_893, %add3A_894 : i32
        %get3A_896 = arith.index_cast %add3A_895 : i32 to index
        %get3A_897 = arith.constant 96 : index
        %get3A_898 = tpu.vector_load %arg6[%get3A_896, %get3A_897] {strides = array<i32>} : memref<600x128xf32, #tpu.memory_space<vmem>>, vector<1x16xf32>,
        %get3A_899 = vector.shape_cast %get3A_898 : vector<1x16xf32> to vector<16xf32>
        %add3A_900 = arith.addf %add3A_828, %get3A_899 : vector<16xf32>
        %add3A_901 = arith.constant 0 : i32
        %add3A_902 = arith.addi %add3A_901, %mul3A_550 : i32
        %add3A_903 = arith.constant 4 : i32
        %add3A_904 = arith.addi %add3A_902, %add3A_903 : i32
        %get3A_905 = arith.index_cast %add3A_904 : i32 to index
        %get3A_906 = arith.constant 112 : index
        %get3A_907 = tpu.vector_load %arg6[%get3A_905, %get3A_906] {strides = array<i32>} : memref<600x128xf32, #tpu.memory_space<vmem>>, vector<1x16xf32>,
        %get3A_908 = vector.shape_cast %get3A_907 : vector<1x16xf32> to vector<16xf32>
        %add3A_909 = arith.addf %add3A_837, %get3A_908 : vector<16xf32>
        %add3A_910 = arith.constant 0 : i32
        %add3A_911 = arith.addi %add3A_910, %mul3A_550 : i32
        %add3A_912 = arith.constant 5 : i32
        %add3A_913 = arith.addi %add3A_911, %add3A_912 : i32
        %get3A_914 = arith.index_cast %add3A_913 : i32 to index
        %get3A_915 = arith.constant 0 : index
        %get3A_916 = tpu.vector_load %arg6[%get3A_914, %get3A_915] {strides = array<i32>} : memref<600x128xf32, #tpu.memory_space<vmem>>, vector<1x16xf32>,
        %get3A_917 = vector.shape_cast %get3A_916 : vector<1x16xf32> to vector<16xf32>
        %add3A_918 = arith.addf %add3A_846, %get3A_917 : vector<16xf32>
        %add3A_919 = arith.constant 0 : i32
        %add3A_920 = arith.addi %add3A_919, %mul3A_550 : i32
        %add3A_921 = arith.constant 5 : i32
        %add3A_922 = arith.addi %add3A_920, %add3A_921 : i32
        %get3A_923 = arith.index_cast %add3A_922 : i32 to index
        %get3A_924 = arith.constant 16 : index
        %get3A_925 = tpu.vector_load %arg6[%get3A_923, %get3A_924] {strides = array<i32>} : memref<600x128xf32, #tpu.memory_space<vmem>>, vector<1x16xf32>,
        %get3A_926 = vector.shape_cast %get3A_925 : vector<1x16xf32> to vector<16xf32>
        %add3A_927 = arith.addf %add3A_855, %get3A_926 : vector<16xf32>
        %add3A_928 = arith.constant 0 : i32
        %add3A_929 = arith.addi %add3A_928, %mul3A_550 : i32
        %add3A_930 = arith.constant 5 : i32
        %add3A_931 = arith.addi %add3A_929, %add3A_930 : i32
        %get3A_932 = arith.index_cast %add3A_931 : i32 to index
        %get3A_933 = arith.constant 32 : index
        %get3A_934 = tpu.vector_load %arg6[%get3A_932, %get3A_933] {strides = array<i32>} : memref<600x128xf32, #tpu.memory_space<vmem>>, vector<1x16xf32>,
        %get3A_935 = vector.shape_cast %get3A_934 : vector<1x16xf32> to vector<16xf32>
        %add3A_936 = arith.addf %add3A_864, %get3A_935 : vector<16xf32>
        %add3A_937 = arith.constant 0 : i32
        %add3A_938 = arith.addi %add3A_937, %mul3A_550 : i32
        %add3A_939 = arith.constant 5 : i32
        %add3A_940 = arith.addi %add3A_938, %add3A_939 : i32
        %get3A_941 = arith.index_cast %add3A_940 : i32 to index
        %get3A_942 = arith.constant 48 : index
        %get3A_943 = tpu.vector_load %arg6[%get3A_941, %get3A_942] {strides = array<i32>} : memref<600x128xf32, #tpu.memory_space<vmem>>, vector<1x16xf32>,
        %get3A_944 = vector.shape_cast %get3A_943 : vector<1x16xf32> to vector<16xf32>
        %add3A_945 = arith.addf %add3A_873, %get3A_944 : vector<16xf32>
        %add3A_946 = arith.constant 0 : i32
        %add3A_947 = arith.addi %add3A_946, %mul3A_550 : i32
        %add3A_948 = arith.constant 5 : i32
        %add3A_949 = arith.addi %add3A_947, %add3A_948 : i32
        %get3A_950 = arith.index_cast %add3A_949 : i32 to index
        %get3A_951 = arith.constant 64 : index
        %get3A_952 = tpu.vector_load %arg6[%get3A_950, %get3A_951] {strides = array<i32>} : memref<600x128xf32, #tpu.memory_space<vmem>>, vector<1x16xf32>,
        %get3A_953 = vector.shape_cast %get3A_952 : vector<1x16xf32> to vector<16xf32>
        %add3A_954 = arith.addf %add3A_882, %get3A_953 : vector<16xf32>
        %add3A_955 = arith.constant 0 : i32
        %add3A_956 = arith.addi %add3A_955, %mul3A_550 : i32
        %add3A_957 = arith.constant 5 : i32
        %add3A_958 = arith.addi %add3A_956, %add3A_957 : i32
        %get3A_959 = arith.index_cast %add3A_958 : i32 to index
        %get3A_960 = arith.constant 80 : index
        %get3A_961 = tpu.vector_load %arg6[%get3A_959, %get3A_960] {strides = array<i32>} : memref<600x128xf32, #tpu.memory_space<vmem>>, vector<1x16xf32>,
        %get3A_962 = vector.shape_cast %get3A_961 : vector<1x16xf32> to vector<16xf32>
        %add3A_963 = arith.addf %add3A_891, %get3A_962 : vector<16xf32>
        %add3A_964 = arith.constant 0 : i32
        %add3A_965 = arith.addi %add3A_964, %mul3A_550 : i32
        %add3A_966 = arith.constant 5 : i32
        %add3A_967 = arith.addi %add3A_965, %add3A_966 : i32
        %get3A_968 = arith.index_cast %add3A_967 : i32 to index
        %get3A_969 = arith.constant 96 : index
        %get3A_970 = tpu.vector_load %arg6[%get3A_968, %get3A_969] {strides = array<i32>} : memref<600x128xf32, #tpu.memory_space<vmem>>, vector<1x16xf32>,
        %get3A_971 = vector.shape_cast %get3A_970 : vector<1x16xf32> to vector<16xf32>
        %add3A_972 = arith.addf %add3A_900, %get3A_971 : vector<16xf32>
        %add3A_973 = arith.constant 0 : i32
        %add3A_974 = arith.addi %add3A_973, %mul3A_550 : i32
        %add3A_975 = arith.constant 5 : i32
        %add3A_976 = arith.addi %add3A_974, %add3A_975 : i32
        %get3A_977 = arith.index_cast %add3A_976 : i32 to index
        %get3A_978 = arith.constant 112 : index
        %get3A_979 = tpu.vector_load %arg6[%get3A_977, %get3A_978] {strides = array<i32>} : memref<600x128xf32, #tpu.memory_space<vmem>>, vector<1x16xf32>,
        %get3A_980 = vector.shape_cast %get3A_979 : vector<1x16xf32> to vector<16xf32>
        %add3A_981 = arith.addf %add3A_909, %get3A_980 : vector<16xf32>
        %add3A_982 = arith.constant 0 : i32
        %add3A_983 = arith.addi %add3A_982, %mul3A_550 : i32
        %add3A_984 = arith.constant 6 : i32
        %add3A_985 = arith.addi %add3A_983, %add3A_984 : i32
        %get3A_986 = arith.index_cast %add3A_985 : i32 to index
        %get3A_987 = arith.constant 0 : index
        %get3A_988 = tpu.vector_load %arg6[%get3A_986, %get3A_987] {strides = array<i32>} : memref<600x128xf32, #tpu.memory_space<vmem>>, vector<1x16xf32>,
        %get3A_989 = vector.shape_cast %get3A_988 : vector<1x16xf32> to vector<16xf32>
        %add3A_990 = arith.addf %add3A_918, %get3A_989 : vector<16xf32>
        %add3A_991 = arith.constant 0 : i32
        %add3A_992 = arith.addi %add3A_991, %mul3A_550 : i32
        %add3A_993 = arith.constant 6 : i32
        %add3A_994 = arith.addi %add3A_992, %add3A_993 : i32
        %get3A_995 = arith.index_cast %add3A_994 : i32 to index
        %get3A_996 = arith.constant 16 : index
        %get3A_997 = tpu.vector_load %arg6[%get3A_995, %get3A_996] {strides = array<i32>} : memref<600x128xf32, #tpu.memory_space<vmem>>, vector<1x16xf32>,
        %get3A_998 = vector.shape_cast %get3A_997 : vector<1x16xf32> to vector<16xf32>
        %add3A_999 = arith.addf %add3A_927, %get3A_998 : vector<16xf32>
        %add3A_1000 = arith.constant 0 : i32
        %add3A_1001 = arith.addi %add3A_1000, %mul3A_550 : i32
        %add3A_1002 = arith.constant 6 : i32
        %add3A_1003 = arith.addi %add3A_1001, %add3A_1002 : i32
        %get3A_1004 = arith.index_cast %add3A_1003 : i32 to index
        %get3A_1005 = arith.constant 32 : index
        %get3A_1006 = tpu.vector_load %arg6[%get3A_1004, %get3A_1005] {strides = array<i32>} : memref<600x128xf32, #tpu.memory_space<vmem>>, vector<1x16xf32>,
        %get3A_1007 = vector.shape_cast %get3A_1006 : vector<1x16xf32> to vector<16xf32>
        %add3A_1008 = arith.addf %add3A_936, %get3A_1007 : vector<16xf32>
        %add3A_1009 = arith.constant 0 : i32
        %add3A_1010 = arith.addi %add3A_1009, %mul3A_550 : i32
        %add3A_1011 = arith.constant 6 : i32
        %add3A_1012 = arith.addi %add3A_1010, %add3A_1011 : i32
        %get3A_1013 = arith.index_cast %add3A_1012 : i32 to index
        %get3A_1014 = arith.constant 48 : index
        %get3A_1015 = tpu.vector_load %arg6[%get3A_1013, %get3A_1014] {strides = array<i32>} : memref<600x128xf32, #tpu.memory_space<vmem>>, vector<1x16xf32>,
        %get3A_1016 = vector.shape_cast %get3A_1015 : vector<1x16xf32> to vector<16xf32>
        %add3A_1017 = arith.addf %add3A_945, %get3A_1016 : vector<16xf32>
        %add3A_1018 = arith.constant 0 : i32
        %add3A_1019 = arith.addi %add3A_1018, %mul3A_550 : i32
        %add3A_1020 = arith.constant 6 : i32
        %add3A_1021 = arith.addi %add3A_1019, %add3A_1020 : i32
        %get3A_1022 = arith.index_cast %add3A_1021 : i32 to index
        %get3A_1023 = arith.constant 64 : index
        %get3A_1024 = tpu.vector_load %arg6[%get3A_1022, %get3A_1023] {strides = array<i32>} : memref<600x128xf32, #tpu.memory_space<vmem>>, vector<1x16xf32>,
        %get3A_1025 = vector.shape_cast %get3A_1024 : vector<1x16xf32> to vector<16xf32>
        %add3A_1026 = arith.addf %add3A_954, %get3A_1025 : vector<16xf32>
        %add3A_1027 = arith.constant 0 : i32
        %add3A_1028 = arith.addi %add3A_1027, %mul3A_550 : i32
        %add3A_1029 = arith.constant 6 : i32
        %add3A_1030 = arith.addi %add3A_1028, %add3A_1029 : i32
        %get3A_1031 = arith.index_cast %add3A_1030 : i32 to index
        %get3A_1032 = arith.constant 80 : index
        %get3A_1033 = tpu.vector_load %arg6[%get3A_1031, %get3A_1032] {strides = array<i32>} : memref<600x128xf32, #tpu.memory_space<vmem>>, vector<1x16xf32>,
        %get3A_1034 = vector.shape_cast %get3A_1033 : vector<1x16xf32> to vector<16xf32>
        %add3A_1035 = arith.addf %add3A_963, %get3A_1034 : vector<16xf32>
        %add3A_1036 = arith.constant 0 : i32
        %add3A_1037 = arith.addi %add3A_1036, %mul3A_550 : i32
        %add3A_1038 = arith.constant 6 : i32
        %add3A_1039 = arith.addi %add3A_1037, %add3A_1038 : i32
        %get3A_1040 = arith.index_cast %add3A_1039 : i32 to index
        %get3A_1041 = arith.constant 96 : index
        %get3A_1042 = tpu.vector_load %arg6[%get3A_1040, %get3A_1041] {strides = array<i32>} : memref<600x128xf32, #tpu.memory_space<vmem>>, vector<1x16xf32>,
        %get3A_1043 = vector.shape_cast %get3A_1042 : vector<1x16xf32> to vector<16xf32>
        %add3A_1044 = arith.addf %add3A_972, %get3A_1043 : vector<16xf32>
        %add3A_1045 = arith.constant 0 : i32
        %add3A_1046 = arith.addi %add3A_1045, %mul3A_550 : i32
        %add3A_1047 = arith.constant 6 : i32
        %add3A_1048 = arith.addi %add3A_1046, %add3A_1047 : i32
        %get3A_1049 = arith.index_cast %add3A_1048 : i32 to index
        %get3A_1050 = arith.constant 112 : index
        %get3A_1051 = tpu.vector_load %arg6[%get3A_1049, %get3A_1050] {strides = array<i32>} : memref<600x128xf32, #tpu.memory_space<vmem>>, vector<1x16xf32>,
        %get3A_1052 = vector.shape_cast %get3A_1051 : vector<1x16xf32> to vector<16xf32>
        %add3A_1053 = arith.addf %add3A_981, %get3A_1052 : vector<16xf32>
        %add3A_1054 = arith.constant 0 : i32
        %add3A_1055 = arith.addi %add3A_1054, %mul3A_550 : i32
        %add3A_1056 = arith.constant 7 : i32
        %add3A_1057 = arith.addi %add3A_1055, %add3A_1056 : i32
        %get3A_1058 = arith.index_cast %add3A_1057 : i32 to index
        %get3A_1059 = arith.constant 0 : index
        %get3A_1060 = tpu.vector_load %arg6[%get3A_1058, %get3A_1059] {strides = array<i32>} : memref<600x128xf32, #tpu.memory_space<vmem>>, vector<1x16xf32>,
        %get3A_1061 = vector.shape_cast %get3A_1060 : vector<1x16xf32> to vector<16xf32>
        %add3A_1062 = arith.addf %add3A_990, %get3A_1061 : vector<16xf32>
        %add3A_1063 = arith.constant 0 : i32
        %add3A_1064 = arith.addi %add3A_1063, %mul3A_550 : i32
        %add3A_1065 = arith.constant 7 : i32
        %add3A_1066 = arith.addi %add3A_1064, %add3A_1065 : i32
        %get3A_1067 = arith.index_cast %add3A_1066 : i32 to index
        %get3A_1068 = arith.constant 16 : index
        %get3A_1069 = tpu.vector_load %arg6[%get3A_1067, %get3A_1068] {strides = array<i32>} : memref<600x128xf32, #tpu.memory_space<vmem>>, vector<1x16xf32>,
        %get3A_1070 = vector.shape_cast %get3A_1069 : vector<1x16xf32> to vector<16xf32>
        %add3A_1071 = arith.addf %add3A_999, %get3A_1070 : vector<16xf32>
        %add3A_1072 = arith.constant 0 : i32
        %add3A_1073 = arith.addi %add3A_1072, %mul3A_550 : i32
        %add3A_1074 = arith.constant 7 : i32
        %add3A_1075 = arith.addi %add3A_1073, %add3A_1074 : i32
        %get3A_1076 = arith.index_cast %add3A_1075 : i32 to index
        %get3A_1077 = arith.constant 32 : index
        %get3A_1078 = tpu.vector_load %arg6[%get3A_1076, %get3A_1077] {strides = array<i32>} : memref<600x128xf32, #tpu.memory_space<vmem>>, vector<1x16xf32>,
        %get3A_1079 = vector.shape_cast %get3A_1078 : vector<1x16xf32> to vector<16xf32>
        %add3A_1080 = arith.addf %add3A_1008, %get3A_1079 : vector<16xf32>
        %add3A_1081 = arith.constant 0 : i32
        %add3A_1082 = arith.addi %add3A_1081, %mul3A_550 : i32
        %add3A_1083 = arith.constant 7 : i32
        %add3A_1084 = arith.addi %add3A_1082, %add3A_1083 : i32
        %get3A_1085 = arith.index_cast %add3A_1084 : i32 to index
        %get3A_1086 = arith.constant 48 : index
        %get3A_1087 = tpu.vector_load %arg6[%get3A_1085, %get3A_1086] {strides = array<i32>} : memref<600x128xf32, #tpu.memory_space<vmem>>, vector<1x16xf32>,
        %get3A_1088 = vector.shape_cast %get3A_1087 : vector<1x16xf32> to vector<16xf32>
        %add3A_1089 = arith.addf %add3A_1017, %get3A_1088 : vector<16xf32>
        %add3A_1090 = arith.constant 0 : i32
        %add3A_1091 = arith.addi %add3A_1090, %mul3A_550 : i32
        %add3A_1092 = arith.constant 7 : i32
        %add3A_1093 = arith.addi %add3A_1091, %add3A_1092 : i32
        %get3A_1094 = arith.index_cast %add3A_1093 : i32 to index
        %get3A_1095 = arith.constant 64 : index
        %get3A_1096 = tpu.vector_load %arg6[%get3A_1094, %get3A_1095] {strides = array<i32>} : memref<600x128xf32, #tpu.memory_space<vmem>>, vector<1x16xf32>,
        %get3A_1097 = vector.shape_cast %get3A_1096 : vector<1x16xf32> to vector<16xf32>
        %add3A_1098 = arith.addf %add3A_1026, %get3A_1097 : vector<16xf32>
        %add3A_1099 = arith.constant 0 : i32
        %add3A_1100 = arith.addi %add3A_1099, %mul3A_550 : i32
        %add3A_1101 = arith.constant 7 : i32
        %add3A_1102 = arith.addi %add3A_1100, %add3A_1101 : i32
        %get3A_1103 = arith.index_cast %add3A_1102 : i32 to index
        %get3A_1104 = arith.constant 80 : index
        %get3A_1105 = tpu.vector_load %arg6[%get3A_1103, %get3A_1104] {strides = array<i32>} : memref<600x128xf32, #tpu.memory_space<vmem>>, vector<1x16xf32>,
        %get3A_1106 = vector.shape_cast %get3A_1105 : vector<1x16xf32> to vector<16xf32>
        %add3A_1107 = arith.addf %add3A_1035, %get3A_1106 : vector<16xf32>
        %add3A_1108 = arith.constant 0 : i32
        %add3A_1109 = arith.addi %add3A_1108, %mul3A_550 : i32
        %add3A_1110 = arith.constant 7 : i32
        %add3A_1111 = arith.addi %add3A_1109, %add3A_1110 : i32
        %get3A_1112 = arith.index_cast %add3A_1111 : i32 to index
        %get3A_1113 = arith.constant 96 : index
        %get3A_1114 = tpu.vector_load %arg6[%get3A_1112, %get3A_1113] {strides = array<i32>} : memref<600x128xf32, #tpu.memory_space<vmem>>, vector<1x16xf32>,
        %get3A_1115 = vector.shape_cast %get3A_1114 : vector<1x16xf32> to vector<16xf32>
        %add3A_1116 = arith.addf %add3A_1044, %get3A_1115 : vector<16xf32>
        %add3A_1117 = arith.constant 0 : i32
        %add3A_1118 = arith.addi %add3A_1117, %mul3A_550 : i32
        %add3A_1119 = arith.constant 7 : i32
        %add3A_1120 = arith.addi %add3A_1118, %add3A_1119 : i32
        %get3A_1121 = arith.index_cast %add3A_1120 : i32 to index
        %get3A_1122 = arith.constant 112 : index
        %get3A_1123 = tpu.vector_load %arg6[%get3A_1121, %get3A_1122] {strides = array<i32>} : memref<600x128xf32, #tpu.memory_space<vmem>>, vector<1x16xf32>,
        %get3A_1124 = vector.shape_cast %get3A_1123 : vector<1x16xf32> to vector<16xf32>
        %add3A_1125 = arith.addf %add3A_1053, %get3A_1124 : vector<16xf32>
        scf.yield %add3A_1062, %add3A_1071, %add3A_1080, %add3A_1089, %add3A_1098, %add3A_1107, %add3A_1116, %add3A_1125 : vector<16xf32>, vector<16xf32>, vector<16xf32>, vector<16xf32>, vector<16xf32>, vector<16xf32>, vector<16xf32>, vector<16xf32>
      }
      %scan3A_244 = arith.constant 25 : i32
      %mul3A_245 = arith.constant 128 : i32
      %mul3A_246 = arith.muli %mul3A_180, %mul3A_245 : i32
      %add3A_247 = arith.constant 0 : i32
      %add3A_248 = arith.addi %mul3A_246, %add3A_247 : i32
      %swap3A_249 = arith.index_cast %add3A_248 : i32 to index
      %swap3A_250 = tpu.vector_load %arg7[%swap3A_249] {strides = array<i32>} : memref<16384xf32, #tpu.memory_space<vmem>>, vector<16xf32>,
      %swap3A_251 = vector.shape_cast %swap3A_250 : vector<16xf32> to vector<16xf32>
      %swap3A_252 = vector.shape_cast %scan3A_243#0 : vector<16xf32> to vector<16xf32>
      tpu.vector_store %arg7[%swap3A_249], %swap3A_252 {strides = array<i32>} : memref<16384xf32, #tpu.memory_space<vmem>>, vector<16xf32>,
      %mul3A_253 = arith.constant 128 : i32
      %mul3A_254 = arith.muli %mul3A_180, %mul3A_253 : i32
      %add3A_255 = arith.constant 16 : i32
      %add3A_256 = arith.addi %mul3A_254, %add3A_255 : i32
      %swap3A_257 = arith.index_cast %add3A_256 : i32 to index
      %swap3A_258 = tpu.vector_load %arg7[%swap3A_257] {strides = array<i32>} : memref<16384xf32, #tpu.memory_space<vmem>>, vector<16xf32>,
      %swap3A_259 = vector.shape_cast %swap3A_258 : vector<16xf32> to vector<16xf32>
      %swap3A_260 = vector.shape_cast %scan3A_243#1 : vector<16xf32> to vector<16xf32>
      tpu.vector_store %arg7[%swap3A_257], %swap3A_260 {strides = array<i32>} : memref<16384xf32, #tpu.memory_space<vmem>>, vector<16xf32>,
      %mul3A_261 = arith.constant 128 : i32
      %mul3A_262 = arith.muli %mul3A_180, %mul3A_261 : i32
      %add3A_263 = arith.constant 32 : i32
      %add3A_264 = arith.addi %mul3A_262, %add3A_263 : i32
      %swap3A_265 = arith.index_cast %add3A_264 : i32 to index
      %swap3A_266 = tpu.vector_load %arg7[%swap3A_265] {strides = array<i32>} : memref<16384xf32, #tpu.memory_space<vmem>>, vector<16xf32>,
      %swap3A_267 = vector.shape_cast %swap3A_266 : vector<16xf32> to vector<16xf32>
      %swap3A_268 = vector.shape_cast %scan3A_243#2 : vector<16xf32> to vector<16xf32>
      tpu.vector_store %arg7[%swap3A_265], %swap3A_268 {strides = array<i32>} : memref<16384xf32, #tpu.memory_space<vmem>>, vector<16xf32>,
      %mul3A_269 = arith.constant 128 : i32
      %mul3A_270 = arith.muli %mul3A_180, %mul3A_269 : i32
      %add3A_271 = arith.constant 48 : i32
      %add3A_272 = arith.addi %mul3A_270, %add3A_271 : i32
      %swap3A_273 = arith.index_cast %add3A_272 : i32 to index
      %swap3A_274 = tpu.vector_load %arg7[%swap3A_273] {strides = array<i32>} : memref<16384xf32, #tpu.memory_space<vmem>>, vector<16xf32>,
      %swap3A_275 = vector.shape_cast %swap3A_274 : vector<16xf32> to vector<16xf32>
      %swap3A_276 = vector.shape_cast %scan3A_243#3 : vector<16xf32> to vector<16xf32>
      tpu.vector_store %arg7[%swap3A_273], %swap3A_276 {strides = array<i32>} : memref<16384xf32, #tpu.memory_space<vmem>>, vector<16xf32>,
      %mul3A_277 = arith.constant 128 : i32
      %mul3A_278 = arith.muli %mul3A_180, %mul3A_277 : i32
      %add3A_279 = arith.constant 64 : i32
      %add3A_280 = arith.addi %mul3A_278, %add3A_279 : i32
      %swap3A_281 = arith.index_cast %add3A_280 : i32 to index
      %swap3A_282 = tpu.vector_load %arg7[%swap3A_281] {strides = array<i32>} : memref<16384xf32, #tpu.memory_space<vmem>>, vector<16xf32>,
      %swap3A_283 = vector.shape_cast %swap3A_282 : vector<16xf32> to vector<16xf32>
      %swap3A_284 = vector.shape_cast %scan3A_243#4 : vector<16xf32> to vector<16xf32>
      tpu.vector_store %arg7[%swap3A_281], %swap3A_284 {strides = array<i32>} : memref<16384xf32, #tpu.memory_space<vmem>>, vector<16xf32>,
      %mul3A_285 = arith.constant 128 : i32
      %mul3A_286 = arith.muli %mul3A_180, %mul3A_285 : i32
      %add3A_287 = arith.constant 80 : i32
      %add3A_288 = arith.addi %mul3A_286, %add3A_287 : i32
      %swap3A_289 = arith.index_cast %add3A_288 : i32 to index
      %swap3A_290 = tpu.vector_load %arg7[%swap3A_289] {strides = array<i32>} : memref<16384xf32, #tpu.memory_space<vmem>>, vector<16xf32>,
      %swap3A_291 = vector.shape_cast %swap3A_290 : vector<16xf32> to vector<16xf32>
      %swap3A_292 = vector.shape_cast %scan3A_243#5 : vector<16xf32> to vector<16xf32>
      tpu.vector_store %arg7[%swap3A_289], %swap3A_292 {strides = array<i32>} : memref<16384xf32, #tpu.memory_space<vmem>>, vector<16xf32>,
      %mul3A_293 = arith.constant 128 : i32
      %mul3A_294 = arith.muli %mul3A_180, %mul3A_293 : i32
      %add3A_295 = arith.constant 96 : i32
      %add3A_296 = arith.addi %mul3A_294, %add3A_295 : i32
      %swap3A_297 = arith.index_cast %add3A_296 : i32 to index
      %swap3A_298 = tpu.vector_load %arg7[%swap3A_297] {strides = array<i32>} : memref<16384xf32, #tpu.memory_space<vmem>>, vector<16xf32>,
      %swap3A_299 = vector.shape_cast %swap3A_298 : vector<16xf32> to vector<16xf32>
      %swap3A_300 = vector.shape_cast %scan3A_243#6 : vector<16xf32> to vector<16xf32>
      tpu.vector_store %arg7[%swap3A_297], %swap3A_300 {strides = array<i32>} : memref<16384xf32, #tpu.memory_space<vmem>>, vector<16xf32>,
      %mul3A_301 = arith.constant 128 : i32
      %mul3A_302 = arith.muli %mul3A_180, %mul3A_301 : i32
      %add3A_303 = arith.constant 112 : i32
      %add3A_304 = arith.addi %mul3A_302, %add3A_303 : i32
      %swap3A_305 = arith.index_cast %add3A_304 : i32 to index
      %swap3A_306 = tpu.vector_load %arg7[%swap3A_305] {strides = array<i32>} : memref<16384xf32, #tpu.memory_space<vmem>>, vector<16xf32>,
      %swap3A_307 = vector.shape_cast %swap3A_306 : vector<16xf32> to vector<16xf32>
      %swap3A_308 = vector.shape_cast %scan3A_243#7 : vector<16xf32> to vector<16xf32>
      tpu.vector_store %arg7[%swap3A_305], %swap3A_308 {strides = array<i32>} : memref<16384xf32, #tpu.memory_space<vmem>>, vector<16xf32>,
      %add3A_309 = arith.constant 3 : i32
      %add3A_310 = arith.addi %mul3A_180, %add3A_309 : i32
      %lt3A = arith.constant 128 : i32
      %lt3A_311 = arith.cmpi slt, %add3A_310, %lt3A : i32
      %convert_element_type3A = arith.extui %lt3A_311 : i1 to i32
      %cond3A = arith.constant 0 : i32
      %cond3A_312 = arith.cmpi ne, %convert_element_type3A, %cond3A : i32
      scf.if %cond3A_312 {
        %add3A_540 = arith.constant 3 : i32
        %add3A_541 = arith.addi %mul3A_180, %add3A_540 : i32
        %mul3A_542 = arith.constant 200 : i32
        %mul3A_543 = arith.muli %add3A_541, %mul3A_542 : i32
        %dma_start3A_544 = arith.constant 0 : i32
        %dma_start3A_545 = arith.constant 0 : i32
        %dma_start3A_546 = tpu.memref_slice %arg6[%dma_start3A_544, %dma_start3A_545] : memref<600x128xf32, #tpu.memory_space<vmem>> -> memref<120x128xf32, #tpu.memory_space<vmem>>
        %dma_start3A_547 = tpu.memref_slice %arg5[%mul3A_543] : memref<25600xi32, #tpu.memory_space<vmem>> -> memref<120xi32, #tpu.memory_space<vmem>>
        %dma_start3A_548 = arith.constant 0 : i32
        %dma_start3A_549 = arith.constant 0 : i32
        %dma_start3A_550 = tpu.memref_slice %arg3[%dma_start3A_548, %dma_start3A_549] : memref<100000x128xf32, #tpu.memory_space<hbm>> -> memref<100000x128xf32, #tpu.memory_space<hbm>>
        tpu.enqueue_indirect_dma source(%dma_start3A_550 : memref<100000x128xf32, #tpu.memory_space<hbm>>) target(%dma_start3A_546 : memref<120x128xf32, #tpu.memory_space<vmem>>) offsets(%dma_start3A_547 : memref<120xi32, #tpu.memory_space<vmem>>) semaphore(%arg8 : memref<!tpu.dma_semaphore, #tpu.memory_space<semaphore_mem>>)
        %mul3A_551 = arith.constant 200 : i32
        %mul3A_552 = arith.muli %add3A_541, %mul3A_551 : i32
        %add3A_553 = arith.constant 120 : i32
        %add3A_554 = arith.addi %mul3A_552, %add3A_553 : i32
        %dma_start3A_555 = arith.constant 120 : i32
        %dma_start3A_556 = arith.constant 0 : i32
        %dma_start3A_557 = tpu.memref_slice %arg6[%dma_start3A_555, %dma_start3A_556] : memref<600x128xf32, #tpu.memory_space<vmem>> -> memref<80x128xf32, #tpu.memory_space<vmem>>
        %dma_start3A_558 = tpu.memref_slice %arg5[%add3A_554] : memref<25600xi32, #tpu.memory_space<vmem>> -> memref<80xi32, #tpu.memory_space<vmem>>
        %dma_start3A_559 = arith.constant 0 : i32
        %dma_start3A_560 = arith.constant 0 : i32
        %dma_start3A_561 = tpu.memref_slice %arg3[%dma_start3A_559, %dma_start3A_560] : memref<100000x128xf32, #tpu.memory_space<hbm>> -> memref<100000x128xf32, #tpu.memory_space<hbm>>
        tpu.enqueue_indirect_dma source(%dma_start3A_561 : memref<100000x128xf32, #tpu.memory_space<hbm>>) target(%dma_start3A_557 : memref<80x128xf32, #tpu.memory_space<vmem>>) offsets(%dma_start3A_558 : memref<80xi32, #tpu.memory_space<vmem>>) semaphore(%arg8 : memref<!tpu.dma_semaphore, #tpu.memory_space<semaphore_mem>>)
      } else {
      }
      %add3A_313 = arith.constant 1 : i32
      %add3A_314 = arith.addi %mul3A_180, %add3A_313 : i32
      %mul3A_315 = arith.constant 200 : i32
      %mul3A_316 = arith.muli %add3A_314, %mul3A_315 : i32
      %dma_wait3A_317 = arith.constant 200 : i32
      %dma_wait3A_318 = arith.constant 0 : i32
      %dma_wait3A_319 = tpu.memref_slice %arg6[%dma_wait3A_317, %dma_wait3A_318] : memref<600x128xf32, #tpu.memory_space<vmem>> -> memref<120x128xf32, #tpu.memory_space<vmem>>
      %dma_wait3A_320 = tpu.memref_slice %arg5[%mul3A_316] : memref<25600xi32, #tpu.memory_space<vmem>> -> memref<120xi32, #tpu.memory_space<vmem>>
      %dma_wait3A_321 = arith.constant 0 : i32
      %dma_wait3A_322 = arith.constant 0 : i32
      %dma_wait3A_323 = tpu.memref_slice %arg3[%dma_wait3A_321, %dma_wait3A_322] : memref<100000x128xf32, #tpu.memory_space<hbm>> -> memref<100000x128xf32, #tpu.memory_space<hbm>>
      tpu.wait_indirect_dma semaphore(%arg9 : memref<!tpu.dma_semaphore, #tpu.memory_space<semaphore_mem>>) src(%dma_wait3A_323 : memref<100000x128xf32, #tpu.memory_space<hbm>>) dst(%dma_wait3A_319 : memref<120x128xf32, #tpu.memory_space<vmem>>)
      %mul3A_324 = arith.constant 200 : i32
      %mul3A_325 = arith.muli %add3A_314, %mul3A_324 : i32
      %add3A_326 = arith.constant 120 : i32
      %add3A_327 = arith.addi %mul3A_325, %add3A_326 : i32
      %dma_wait3A_328 = arith.constant 320 : i32
      %dma_wait3A_329 = arith.constant 0 : i32
      %dma_wait3A_330 = tpu.memref_slice %arg6[%dma_wait3A_328, %dma_wait3A_329] : memref<600x128xf32, #tpu.memory_space<vmem>> -> memref<80x128xf32, #tpu.memory_space<vmem>>
      %dma_wait3A_331 = tpu.memref_slice %arg5[%add3A_327] : memref<25600xi32, #tpu.memory_space<vmem>> -> memref<80xi32, #tpu.memory_space<vmem>>
      %dma_wait3A_332 = arith.constant 0 : i32
      %dma_wait3A_333 = arith.constant 0 : i32
      %dma_wait3A_334 = tpu.memref_slice %arg3[%dma_wait3A_332, %dma_wait3A_333] : memref<100000x128xf32, #tpu.memory_space<hbm>> -> memref<100000x128xf32, #tpu.memory_space<hbm>>
      tpu.wait_indirect_dma semaphore(%arg9 : memref<!tpu.dma_semaphore, #tpu.memory_space<semaphore_mem>>) src(%dma_wait3A_334 : memref<100000x128xf32, #tpu.memory_space<hbm>>) dst(%dma_wait3A_330 : memref<80x128xf32, #tpu.memory_space<vmem>>)
      %add3A_335 = arith.constant 1 : i32
      %add3A_336 = arith.addi %mul3A_180, %add3A_335 : i32
      %broadcast_in_dim3A_337 = arith.constant 0.000000e+00 : f32
      %broadcast_in_dim3A_338 = vector.broadcast %broadcast_in_dim3A_337 : f32 to vector<16xf32>
      %broadcast_in_dim3A_339 = arith.constant 0.000000e+00 : f32
      %broadcast_in_dim3A_340 = vector.broadcast %broadcast_in_dim3A_339 : f32 to vector<16xf32>
      %broadcast_in_dim3A_341 = arith.constant 0.000000e+00 : f32
      %broadcast_in_dim3A_342 = vector.broadcast %broadcast_in_dim3A_341 : f32 to vector<16xf32>
      %broadcast_in_dim3A_343 = arith.constant 0.000000e+00 : f32
      %broadcast_in_dim3A_344 = vector.broadcast %broadcast_in_dim3A_343 : f32 to vector<16xf32>
      %broadcast_in_dim3A_345 = arith.constant 0.000000e+00 : f32
      %broadcast_in_dim3A_346 = vector.broadcast %broadcast_in_dim3A_345 : f32 to vector<16xf32>
      %broadcast_in_dim3A_347 = arith.constant 0.000000e+00 : f32
      %broadcast_in_dim3A_348 = vector.broadcast %broadcast_in_dim3A_347 : f32 to vector<16xf32>
      %broadcast_in_dim3A_349 = arith.constant 0.000000e+00 : f32
      %broadcast_in_dim3A_350 = vector.broadcast %broadcast_in_dim3A_349 : f32 to vector<16xf32>
      %broadcast_in_dim3A_351 = arith.constant 0.000000e+00 : f32
      %broadcast_in_dim3A_352 = vector.broadcast %broadcast_in_dim3A_351 : f32 to vector<16xf32>
      %scan3A_353 = arith.constant 0 : i32
      %scan3A_354 = arith.constant 25 : i32
      %scan3A_355 = arith.addi %scan3A_353, %scan3A_354 : i32
      %scan3A_356 = arith.constant 1 : i32
      %scan3A_357:8 = scf.for %scan3A_540 = %scan3A_353 to %scan3A_355 step %scan3A_356 iter_args(%scan3A_541 = %broadcast_in_dim3A_338, %scan3A_542 = %broadcast_in_dim3A_340, %scan3A_543 = %broadcast_in_dim3A_342, %scan3A_544 = %broadcast_in_dim3A_344, %scan3A_545 = %broadcast_in_dim3A_346, %scan3A_546 = %broadcast_in_dim3A_348, %scan3A_547 = %broadcast_in_dim3A_350, %scan3A_548 = %broadcast_in_dim3A_352) -> (vector<16xf32>, vector<16xf32>, vector<16xf32>, vector<16xf32>, vector<16xf32>, vector<16xf32>, vector<16xf32>, vector<16xf32>)  : i32 {
        %mul3A_549 = arith.constant 8 : i32
        %mul3A_550 = arith.muli %scan3A_540, %mul3A_549 : i32
        %add3A_551 = arith.constant 200 : i32
        %add3A_552 = arith.addi %add3A_551, %mul3A_550 : i32
        %add3A_553 = arith.constant 0 : i32
        %add3A_554 = arith.addi %add3A_552, %add3A_553 : i32
        %get3A = arith.index_cast %add3A_554 : i32 to index
        %get3A_555 = arith.constant 0 : index
        %get3A_556 = tpu.vector_load %arg6[%get3A, %get3A_555] {strides = array<i32>} : memref<600x128xf32, #tpu.memory_space<vmem>>, vector<1x16xf32>,
        %get3A_557 = vector.shape_cast %get3A_556 : vector<1x16xf32> to vector<16xf32>
        %add3A_558 = arith.addf %scan3A_541, %get3A_557 : vector<16xf32>
        %add3A_559 = arith.constant 200 : i32
        %add3A_560 = arith.addi %add3A_559, %mul3A_550 : i32
        %add3A_561 = arith.constant 0 : i32
        %add3A_562 = arith.addi %add3A_560, %add3A_561 : i32
        %get3A_563 = arith.index_cast %add3A_562 : i32 to index
        %get3A_564 = arith.constant 16 : index
        %get3A_565 = tpu.vector_load %arg6[%get3A_563, %get3A_564] {strides = array<i32>} : memref<600x128xf32, #tpu.memory_space<vmem>>, vector<1x16xf32>,
        %get3A_566 = vector.shape_cast %get3A_565 : vector<1x16xf32> to vector<16xf32>
        %add3A_567 = arith.addf %scan3A_542, %get3A_566 : vector<16xf32>
        %add3A_568 = arith.constant 200 : i32
        %add3A_569 = arith.addi %add3A_568, %mul3A_550 : i32
        %add3A_570 = arith.constant 0 : i32
        %add3A_571 = arith.addi %add3A_569, %add3A_570 : i32
        %get3A_572 = arith.index_cast %add3A_571 : i32 to index
        %get3A_573 = arith.constant 32 : index
        %get3A_574 = tpu.vector_load %arg6[%get3A_572, %get3A_573] {strides = array<i32>} : memref<600x128xf32, #tpu.memory_space<vmem>>, vector<1x16xf32>,
        %get3A_575 = vector.shape_cast %get3A_574 : vector<1x16xf32> to vector<16xf32>
        %add3A_576 = arith.addf %scan3A_543, %get3A_575 : vector<16xf32>
        %add3A_577 = arith.constant 200 : i32
        %add3A_578 = arith.addi %add3A_577, %mul3A_550 : i32
        %add3A_579 = arith.constant 0 : i32
        %add3A_580 = arith.addi %add3A_578, %add3A_579 : i32
        %get3A_581 = arith.index_cast %add3A_580 : i32 to index
        %get3A_582 = arith.constant 48 : index
        %get3A_583 = tpu.vector_load %arg6[%get3A_581, %get3A_582] {strides = array<i32>} : memref<600x128xf32, #tpu.memory_space<vmem>>, vector<1x16xf32>,
        %get3A_584 = vector.shape_cast %get3A_583 : vector<1x16xf32> to vector<16xf32>
        %add3A_585 = arith.addf %scan3A_544, %get3A_584 : vector<16xf32>
        %add3A_586 = arith.constant 200 : i32
        %add3A_587 = arith.addi %add3A_586, %mul3A_550 : i32
        %add3A_588 = arith.constant 0 : i32
        %add3A_589 = arith.addi %add3A_587, %add3A_588 : i32
        %get3A_590 = arith.index_cast %add3A_589 : i32 to index
        %get3A_591 = arith.constant 64 : index
        %get3A_592 = tpu.vector_load %arg6[%get3A_590, %get3A_591] {strides = array<i32>} : memref<600x128xf32, #tpu.memory_space<vmem>>, vector<1x16xf32>,
        %get3A_593 = vector.shape_cast %get3A_592 : vector<1x16xf32> to vector<16xf32>
        %add3A_594 = arith.addf %scan3A_545, %get3A_593 : vector<16xf32>
        %add3A_595 = arith.constant 200 : i32
        %add3A_596 = arith.addi %add3A_595, %mul3A_550 : i32
        %add3A_597 = arith.constant 0 : i32
        %add3A_598 = arith.addi %add3A_596, %add3A_597 : i32
        %get3A_599 = arith.index_cast %add3A_598 : i32 to index
        %get3A_600 = arith.constant 80 : index
        %get3A_601 = tpu.vector_load %arg6[%get3A_599, %get3A_600] {strides = array<i32>} : memref<600x128xf32, #tpu.memory_space<vmem>>, vector<1x16xf32>,
        %get3A_602 = vector.shape_cast %get3A_601 : vector<1x16xf32> to vector<16xf32>
        %add3A_603 = arith.addf %scan3A_546, %get3A_602 : vector<16xf32>
        %add3A_604 = arith.constant 200 : i32
        %add3A_605 = arith.addi %add3A_604, %mul3A_550 : i32
        %add3A_606 = arith.constant 0 : i32
        %add3A_607 = arith.addi %add3A_605, %add3A_606 : i32
        %get3A_608 = arith.index_cast %add3A_607 : i32 to index
        %get3A_609 = arith.constant 96 : index
        %get3A_610 = tpu.vector_load %arg6[%get3A_608, %get3A_609] {strides = array<i32>} : memref<600x128xf32, #tpu.memory_space<vmem>>, vector<1x16xf32>,
        %get3A_611 = vector.shape_cast %get3A_610 : vector<1x16xf32> to vector<16xf32>
        %add3A_612 = arith.addf %scan3A_547, %get3A_611 : vector<16xf32>
        %add3A_613 = arith.constant 200 : i32
        %add3A_614 = arith.addi %add3A_613, %mul3A_550 : i32
        %add3A_615 = arith.constant 0 : i32
        %add3A_616 = arith.addi %add3A_614, %add3A_615 : i32
        %get3A_617 = arith.index_cast %add3A_616 : i32 to index
        %get3A_618 = arith.constant 112 : index
        %get3A_619 = tpu.vector_load %arg6[%get3A_617, %get3A_618] {strides = array<i32>} : memref<600x128xf32, #tpu.memory_space<vmem>>, vector<1x16xf32>,
        %get3A_620 = vector.shape_cast %get3A_619 : vector<1x16xf32> to vector<16xf32>
        %add3A_621 = arith.addf %scan3A_548, %get3A_620 : vector<16xf32>
        %add3A_622 = arith.constant 200 : i32
        %add3A_623 = arith.addi %add3A_622, %mul3A_550 : i32
        %add3A_624 = arith.constant 1 : i32
        %add3A_625 = arith.addi %add3A_623, %add3A_624 : i32
        %get3A_626 = arith.index_cast %add3A_625 : i32 to index
        %get3A_627 = arith.constant 0 : index
        %get3A_628 = tpu.vector_load %arg6[%get3A_626, %get3A_627] {strides = array<i32>} : memref<600x128xf32, #tpu.memory_space<vmem>>, vector<1x16xf32>,
        %get3A_629 = vector.shape_cast %get3A_628 : vector<1x16xf32> to vector<16xf32>
        %add3A_630 = arith.addf %add3A_558, %get3A_629 : vector<16xf32>
        %add3A_631 = arith.constant 200 : i32
        %add3A_632 = arith.addi %add3A_631, %mul3A_550 : i32
        %add3A_633 = arith.constant 1 : i32
        %add3A_634 = arith.addi %add3A_632, %add3A_633 : i32
        %get3A_635 = arith.index_cast %add3A_634 : i32 to index
        %get3A_636 = arith.constant 16 : index
        %get3A_637 = tpu.vector_load %arg6[%get3A_635, %get3A_636] {strides = array<i32>} : memref<600x128xf32, #tpu.memory_space<vmem>>, vector<1x16xf32>,
        %get3A_638 = vector.shape_cast %get3A_637 : vector<1x16xf32> to vector<16xf32>
        %add3A_639 = arith.addf %add3A_567, %get3A_638 : vector<16xf32>
        %add3A_640 = arith.constant 200 : i32
        %add3A_641 = arith.addi %add3A_640, %mul3A_550 : i32
        %add3A_642 = arith.constant 1 : i32
        %add3A_643 = arith.addi %add3A_641, %add3A_642 : i32
        %get3A_644 = arith.index_cast %add3A_643 : i32 to index
        %get3A_645 = arith.constant 32 : index
        %get3A_646 = tpu.vector_load %arg6[%get3A_644, %get3A_645] {strides = array<i32>} : memref<600x128xf32, #tpu.memory_space<vmem>>, vector<1x16xf32>,
        %get3A_647 = vector.shape_cast %get3A_646 : vector<1x16xf32> to vector<16xf32>
        %add3A_648 = arith.addf %add3A_576, %get3A_647 : vector<16xf32>
        %add3A_649 = arith.constant 200 : i32
        %add3A_650 = arith.addi %add3A_649, %mul3A_550 : i32
        %add3A_651 = arith.constant 1 : i32
        %add3A_652 = arith.addi %add3A_650, %add3A_651 : i32
        %get3A_653 = arith.index_cast %add3A_652 : i32 to index
        %get3A_654 = arith.constant 48 : index
        %get3A_655 = tpu.vector_load %arg6[%get3A_653, %get3A_654] {strides = array<i32>} : memref<600x128xf32, #tpu.memory_space<vmem>>, vector<1x16xf32>,
        %get3A_656 = vector.shape_cast %get3A_655 : vector<1x16xf32> to vector<16xf32>
        %add3A_657 = arith.addf %add3A_585, %get3A_656 : vector<16xf32>
        %add3A_658 = arith.constant 200 : i32
        %add3A_659 = arith.addi %add3A_658, %mul3A_550 : i32
        %add3A_660 = arith.constant 1 : i32
        %add3A_661 = arith.addi %add3A_659, %add3A_660 : i32
        %get3A_662 = arith.index_cast %add3A_661 : i32 to index
        %get3A_663 = arith.constant 64 : index
        %get3A_664 = tpu.vector_load %arg6[%get3A_662, %get3A_663] {strides = array<i32>} : memref<600x128xf32, #tpu.memory_space<vmem>>, vector<1x16xf32>,
        %get3A_665 = vector.shape_cast %get3A_664 : vector<1x16xf32> to vector<16xf32>
        %add3A_666 = arith.addf %add3A_594, %get3A_665 : vector<16xf32>
        %add3A_667 = arith.constant 200 : i32
        %add3A_668 = arith.addi %add3A_667, %mul3A_550 : i32
        %add3A_669 = arith.constant 1 : i32
        %add3A_670 = arith.addi %add3A_668, %add3A_669 : i32
        %get3A_671 = arith.index_cast %add3A_670 : i32 to index
        %get3A_672 = arith.constant 80 : index
        %get3A_673 = tpu.vector_load %arg6[%get3A_671, %get3A_672] {strides = array<i32>} : memref<600x128xf32, #tpu.memory_space<vmem>>, vector<1x16xf32>,
        %get3A_674 = vector.shape_cast %get3A_673 : vector<1x16xf32> to vector<16xf32>
        %add3A_675 = arith.addf %add3A_603, %get3A_674 : vector<16xf32>
        %add3A_676 = arith.constant 200 : i32
        %add3A_677 = arith.addi %add3A_676, %mul3A_550 : i32
        %add3A_678 = arith.constant 1 : i32
        %add3A_679 = arith.addi %add3A_677, %add3A_678 : i32
        %get3A_680 = arith.index_cast %add3A_679 : i32 to index
        %get3A_681 = arith.constant 96 : index
        %get3A_682 = tpu.vector_load %arg6[%get3A_680, %get3A_681] {strides = array<i32>} : memref<600x128xf32, #tpu.memory_space<vmem>>, vector<1x16xf32>,
        %get3A_683 = vector.shape_cast %get3A_682 : vector<1x16xf32> to vector<16xf32>
        %add3A_684 = arith.addf %add3A_612, %get3A_683 : vector<16xf32>
        %add3A_685 = arith.constant 200 : i32
        %add3A_686 = arith.addi %add3A_685, %mul3A_550 : i32
        %add3A_687 = arith.constant 1 : i32
        %add3A_688 = arith.addi %add3A_686, %add3A_687 : i32
        %get3A_689 = arith.index_cast %add3A_688 : i32 to index
        %get3A_690 = arith.constant 112 : index
        %get3A_691 = tpu.vector_load %arg6[%get3A_689, %get3A_690] {strides = array<i32>} : memref<600x128xf32, #tpu.memory_space<vmem>>, vector<1x16xf32>,
        %get3A_692 = vector.shape_cast %get3A_691 : vector<1x16xf32> to vector<16xf32>
        %add3A_693 = arith.addf %add3A_621, %get3A_692 : vector<16xf32>
        %add3A_694 = arith.constant 200 : i32
        %add3A_695 = arith.addi %add3A_694, %mul3A_550 : i32
        %add3A_696 = arith.constant 2 : i32
        %add3A_697 = arith.addi %add3A_695, %add3A_696 : i32
        %get3A_698 = arith.index_cast %add3A_697 : i32 to index
        %get3A_699 = arith.constant 0 : index
        %get3A_700 = tpu.vector_load %arg6[%get3A_698, %get3A_699] {strides = array<i32>} : memref<600x128xf32, #tpu.memory_space<vmem>>, vector<1x16xf32>,
        %get3A_701 = vector.shape_cast %get3A_700 : vector<1x16xf32> to vector<16xf32>
        %add3A_702 = arith.addf %add3A_630, %get3A_701 : vector<16xf32>
        %add3A_703 = arith.constant 200 : i32
        %add3A_704 = arith.addi %add3A_703, %mul3A_550 : i32
        %add3A_705 = arith.constant 2 : i32
        %add3A_706 = arith.addi %add3A_704, %add3A_705 : i32
        %get3A_707 = arith.index_cast %add3A_706 : i32 to index
        %get3A_708 = arith.constant 16 : index
        %get3A_709 = tpu.vector_load %arg6[%get3A_707, %get3A_708] {strides = array<i32>} : memref<600x128xf32, #tpu.memory_space<vmem>>, vector<1x16xf32>,
        %get3A_710 = vector.shape_cast %get3A_709 : vector<1x16xf32> to vector<16xf32>
        %add3A_711 = arith.addf %add3A_639, %get3A_710 : vector<16xf32>
        %add3A_712 = arith.constant 200 : i32
        %add3A_713 = arith.addi %add3A_712, %mul3A_550 : i32
        %add3A_714 = arith.constant 2 : i32
        %add3A_715 = arith.addi %add3A_713, %add3A_714 : i32
        %get3A_716 = arith.index_cast %add3A_715 : i32 to index
        %get3A_717 = arith.constant 32 : index
        %get3A_718 = tpu.vector_load %arg6[%get3A_716, %get3A_717] {strides = array<i32>} : memref<600x128xf32, #tpu.memory_space<vmem>>, vector<1x16xf32>,
        %get3A_719 = vector.shape_cast %get3A_718 : vector<1x16xf32> to vector<16xf32>
        %add3A_720 = arith.addf %add3A_648, %get3A_719 : vector<16xf32>
        %add3A_721 = arith.constant 200 : i32
        %add3A_722 = arith.addi %add3A_721, %mul3A_550 : i32
        %add3A_723 = arith.constant 2 : i32
        %add3A_724 = arith.addi %add3A_722, %add3A_723 : i32
        %get3A_725 = arith.index_cast %add3A_724 : i32 to index
        %get3A_726 = arith.constant 48 : index
        %get3A_727 = tpu.vector_load %arg6[%get3A_725, %get3A_726] {strides = array<i32>} : memref<600x128xf32, #tpu.memory_space<vmem>>, vector<1x16xf32>,
        %get3A_728 = vector.shape_cast %get3A_727 : vector<1x16xf32> to vector<16xf32>
        %add3A_729 = arith.addf %add3A_657, %get3A_728 : vector<16xf32>
        %add3A_730 = arith.constant 200 : i32
        %add3A_731 = arith.addi %add3A_730, %mul3A_550 : i32
        %add3A_732 = arith.constant 2 : i32
        %add3A_733 = arith.addi %add3A_731, %add3A_732 : i32
        %get3A_734 = arith.index_cast %add3A_733 : i32 to index
        %get3A_735 = arith.constant 64 : index
        %get3A_736 = tpu.vector_load %arg6[%get3A_734, %get3A_735] {strides = array<i32>} : memref<600x128xf32, #tpu.memory_space<vmem>>, vector<1x16xf32>,
        %get3A_737 = vector.shape_cast %get3A_736 : vector<1x16xf32> to vector<16xf32>
        %add3A_738 = arith.addf %add3A_666, %get3A_737 : vector<16xf32>
        %add3A_739 = arith.constant 200 : i32
        %add3A_740 = arith.addi %add3A_739, %mul3A_550 : i32
        %add3A_741 = arith.constant 2 : i32
        %add3A_742 = arith.addi %add3A_740, %add3A_741 : i32
        %get3A_743 = arith.index_cast %add3A_742 : i32 to index
        %get3A_744 = arith.constant 80 : index
        %get3A_745 = tpu.vector_load %arg6[%get3A_743, %get3A_744] {strides = array<i32>} : memref<600x128xf32, #tpu.memory_space<vmem>>, vector<1x16xf32>,
        %get3A_746 = vector.shape_cast %get3A_745 : vector<1x16xf32> to vector<16xf32>
        %add3A_747 = arith.addf %add3A_675, %get3A_746 : vector<16xf32>
        %add3A_748 = arith.constant 200 : i32
        %add3A_749 = arith.addi %add3A_748, %mul3A_550 : i32
        %add3A_750 = arith.constant 2 : i32
        %add3A_751 = arith.addi %add3A_749, %add3A_750 : i32
        %get3A_752 = arith.index_cast %add3A_751 : i32 to index
        %get3A_753 = arith.constant 96 : index
        %get3A_754 = tpu.vector_load %arg6[%get3A_752, %get3A_753] {strides = array<i32>} : memref<600x128xf32, #tpu.memory_space<vmem>>, vector<1x16xf32>,
        %get3A_755 = vector.shape_cast %get3A_754 : vector<1x16xf32> to vector<16xf32>
        %add3A_756 = arith.addf %add3A_684, %get3A_755 : vector<16xf32>
        %add3A_757 = arith.constant 200 : i32
        %add3A_758 = arith.addi %add3A_757, %mul3A_550 : i32
        %add3A_759 = arith.constant 2 : i32
        %add3A_760 = arith.addi %add3A_758, %add3A_759 : i32
        %get3A_761 = arith.index_cast %add3A_760 : i32 to index
        %get3A_762 = arith.constant 112 : index
        %get3A_763 = tpu.vector_load %arg6[%get3A_761, %get3A_762] {strides = array<i32>} : memref<600x128xf32, #tpu.memory_space<vmem>>, vector<1x16xf32>,
        %get3A_764 = vector.shape_cast %get3A_763 : vector<1x16xf32> to vector<16xf32>
        %add3A_765 = arith.addf %add3A_693, %get3A_764 : vector<16xf32>
        %add3A_766 = arith.constant 200 : i32
        %add3A_767 = arith.addi %add3A_766, %mul3A_550 : i32
        %add3A_768 = arith.constant 3 : i32
        %add3A_769 = arith.addi %add3A_767, %add3A_768 : i32
        %get3A_770 = arith.index_cast %add3A_769 : i32 to index
        %get3A_771 = arith.constant 0 : index
        %get3A_772 = tpu.vector_load %arg6[%get3A_770, %get3A_771] {strides = array<i32>} : memref<600x128xf32, #tpu.memory_space<vmem>>, vector<1x16xf32>,
        %get3A_773 = vector.shape_cast %get3A_772 : vector<1x16xf32> to vector<16xf32>
        %add3A_774 = arith.addf %add3A_702, %get3A_773 : vector<16xf32>
        %add3A_775 = arith.constant 200 : i32
        %add3A_776 = arith.addi %add3A_775, %mul3A_550 : i32
        %add3A_777 = arith.constant 3 : i32
        %add3A_778 = arith.addi %add3A_776, %add3A_777 : i32
        %get3A_779 = arith.index_cast %add3A_778 : i32 to index
        %get3A_780 = arith.constant 16 : index
        %get3A_781 = tpu.vector_load %arg6[%get3A_779, %get3A_780] {strides = array<i32>} : memref<600x128xf32, #tpu.memory_space<vmem>>, vector<1x16xf32>,
        %get3A_782 = vector.shape_cast %get3A_781 : vector<1x16xf32> to vector<16xf32>
        %add3A_783 = arith.addf %add3A_711, %get3A_782 : vector<16xf32>
        %add3A_784 = arith.constant 200 : i32
        %add3A_785 = arith.addi %add3A_784, %mul3A_550 : i32
        %add3A_786 = arith.constant 3 : i32
        %add3A_787 = arith.addi %add3A_785, %add3A_786 : i32
        %get3A_788 = arith.index_cast %add3A_787 : i32 to index
        %get3A_789 = arith.constant 32 : index
        %get3A_790 = tpu.vector_load %arg6[%get3A_788, %get3A_789] {strides = array<i32>} : memref<600x128xf32, #tpu.memory_space<vmem>>, vector<1x16xf32>,
        %get3A_791 = vector.shape_cast %get3A_790 : vector<1x16xf32> to vector<16xf32>
        %add3A_792 = arith.addf %add3A_720, %get3A_791 : vector<16xf32>
        %add3A_793 = arith.constant 200 : i32
        %add3A_794 = arith.addi %add3A_793, %mul3A_550 : i32
        %add3A_795 = arith.constant 3 : i32
        %add3A_796 = arith.addi %add3A_794, %add3A_795 : i32
        %get3A_797 = arith.index_cast %add3A_796 : i32 to index
        %get3A_798 = arith.constant 48 : index
        %get3A_799 = tpu.vector_load %arg6[%get3A_797, %get3A_798] {strides = array<i32>} : memref<600x128xf32, #tpu.memory_space<vmem>>, vector<1x16xf32>,
        %get3A_800 = vector.shape_cast %get3A_799 : vector<1x16xf32> to vector<16xf32>
        %add3A_801 = arith.addf %add3A_729, %get3A_800 : vector<16xf32>
        %add3A_802 = arith.constant 200 : i32
        %add3A_803 = arith.addi %add3A_802, %mul3A_550 : i32
        %add3A_804 = arith.constant 3 : i32
        %add3A_805 = arith.addi %add3A_803, %add3A_804 : i32
        %get3A_806 = arith.index_cast %add3A_805 : i32 to index
        %get3A_807 = arith.constant 64 : index
        %get3A_808 = tpu.vector_load %arg6[%get3A_806, %get3A_807] {strides = array<i32>} : memref<600x128xf32, #tpu.memory_space<vmem>>, vector<1x16xf32>,
        %get3A_809 = vector.shape_cast %get3A_808 : vector<1x16xf32> to vector<16xf32>
        %add3A_810 = arith.addf %add3A_738, %get3A_809 : vector<16xf32>
        %add3A_811 = arith.constant 200 : i32
        %add3A_812 = arith.addi %add3A_811, %mul3A_550 : i32
        %add3A_813 = arith.constant 3 : i32
        %add3A_814 = arith.addi %add3A_812, %add3A_813 : i32
        %get3A_815 = arith.index_cast %add3A_814 : i32 to index
        %get3A_816 = arith.constant 80 : index
        %get3A_817 = tpu.vector_load %arg6[%get3A_815, %get3A_816] {strides = array<i32>} : memref<600x128xf32, #tpu.memory_space<vmem>>, vector<1x16xf32>,
        %get3A_818 = vector.shape_cast %get3A_817 : vector<1x16xf32> to vector<16xf32>
        %add3A_819 = arith.addf %add3A_747, %get3A_818 : vector<16xf32>
        %add3A_820 = arith.constant 200 : i32
        %add3A_821 = arith.addi %add3A_820, %mul3A_550 : i32
        %add3A_822 = arith.constant 3 : i32
        %add3A_823 = arith.addi %add3A_821, %add3A_822 : i32
        %get3A_824 = arith.index_cast %add3A_823 : i32 to index
        %get3A_825 = arith.constant 96 : index
        %get3A_826 = tpu.vector_load %arg6[%get3A_824, %get3A_825] {strides = array<i32>} : memref<600x128xf32, #tpu.memory_space<vmem>>, vector<1x16xf32>,
        %get3A_827 = vector.shape_cast %get3A_826 : vector<1x16xf32> to vector<16xf32>
        %add3A_828 = arith.addf %add3A_756, %get3A_827 : vector<16xf32>
        %add3A_829 = arith.constant 200 : i32
        %add3A_830 = arith.addi %add3A_829, %mul3A_550 : i32
        %add3A_831 = arith.constant 3 : i32
        %add3A_832 = arith.addi %add3A_830, %add3A_831 : i32
        %get3A_833 = arith.index_cast %add3A_832 : i32 to index
        %get3A_834 = arith.constant 112 : index
        %get3A_835 = tpu.vector_load %arg6[%get3A_833, %get3A_834] {strides = array<i32>} : memref<600x128xf32, #tpu.memory_space<vmem>>, vector<1x16xf32>,
        %get3A_836 = vector.shape_cast %get3A_835 : vector<1x16xf32> to vector<16xf32>
        %add3A_837 = arith.addf %add3A_765, %get3A_836 : vector<16xf32>
        %add3A_838 = arith.constant 200 : i32
        %add3A_839 = arith.addi %add3A_838, %mul3A_550 : i32
        %add3A_840 = arith.constant 4 : i32
        %add3A_841 = arith.addi %add3A_839, %add3A_840 : i32
        %get3A_842 = arith.index_cast %add3A_841 : i32 to index
        %get3A_843 = arith.constant 0 : index
        %get3A_844 = tpu.vector_load %arg6[%get3A_842, %get3A_843] {strides = array<i32>} : memref<600x128xf32, #tpu.memory_space<vmem>>, vector<1x16xf32>,
        %get3A_845 = vector.shape_cast %get3A_844 : vector<1x16xf32> to vector<16xf32>
        %add3A_846 = arith.addf %add3A_774, %get3A_845 : vector<16xf32>
        %add3A_847 = arith.constant 200 : i32
        %add3A_848 = arith.addi %add3A_847, %mul3A_550 : i32
        %add3A_849 = arith.constant 4 : i32
        %add3A_850 = arith.addi %add3A_848, %add3A_849 : i32
        %get3A_851 = arith.index_cast %add3A_850 : i32 to index
        %get3A_852 = arith.constant 16 : index
        %get3A_853 = tpu.vector_load %arg6[%get3A_851, %get3A_852] {strides = array<i32>} : memref<600x128xf32, #tpu.memory_space<vmem>>, vector<1x16xf32>,
        %get3A_854 = vector.shape_cast %get3A_853 : vector<1x16xf32> to vector<16xf32>
        %add3A_855 = arith.addf %add3A_783, %get3A_854 : vector<16xf32>
        %add3A_856 = arith.constant 200 : i32
        %add3A_857 = arith.addi %add3A_856, %mul3A_550 : i32
        %add3A_858 = arith.constant 4 : i32
        %add3A_859 = arith.addi %add3A_857, %add3A_858 : i32
        %get3A_860 = arith.index_cast %add3A_859 : i32 to index
        %get3A_861 = arith.constant 32 : index
        %get3A_862 = tpu.vector_load %arg6[%get3A_860, %get3A_861] {strides = array<i32>} : memref<600x128xf32, #tpu.memory_space<vmem>>, vector<1x16xf32>,
        %get3A_863 = vector.shape_cast %get3A_862 : vector<1x16xf32> to vector<16xf32>
        %add3A_864 = arith.addf %add3A_792, %get3A_863 : vector<16xf32>
        %add3A_865 = arith.constant 200 : i32
        %add3A_866 = arith.addi %add3A_865, %mul3A_550 : i32
        %add3A_867 = arith.constant 4 : i32
        %add3A_868 = arith.addi %add3A_866, %add3A_867 : i32
        %get3A_869 = arith.index_cast %add3A_868 : i32 to index
        %get3A_870 = arith.constant 48 : index
        %get3A_871 = tpu.vector_load %arg6[%get3A_869, %get3A_870] {strides = array<i32>} : memref<600x128xf32, #tpu.memory_space<vmem>>, vector<1x16xf32>,
        %get3A_872 = vector.shape_cast %get3A_871 : vector<1x16xf32> to vector<16xf32>
        %add3A_873 = arith.addf %add3A_801, %get3A_872 : vector<16xf32>
        %add3A_874 = arith.constant 200 : i32
        %add3A_875 = arith.addi %add3A_874, %mul3A_550 : i32
        %add3A_876 = arith.constant 4 : i32
        %add3A_877 = arith.addi %add3A_875, %add3A_876 : i32
        %get3A_878 = arith.index_cast %add3A_877 : i32 to index
        %get3A_879 = arith.constant 64 : index
        %get3A_880 = tpu.vector_load %arg6[%get3A_878, %get3A_879] {strides = array<i32>} : memref<600x128xf32, #tpu.memory_space<vmem>>, vector<1x16xf32>,
        %get3A_881 = vector.shape_cast %get3A_880 : vector<1x16xf32> to vector<16xf32>
        %add3A_882 = arith.addf %add3A_810, %get3A_881 : vector<16xf32>
        %add3A_883 = arith.constant 200 : i32
        %add3A_884 = arith.addi %add3A_883, %mul3A_550 : i32
        %add3A_885 = arith.constant 4 : i32
        %add3A_886 = arith.addi %add3A_884, %add3A_885 : i32
        %get3A_887 = arith.index_cast %add3A_886 : i32 to index
        %get3A_888 = arith.constant 80 : index
        %get3A_889 = tpu.vector_load %arg6[%get3A_887, %get3A_888] {strides = array<i32>} : memref<600x128xf32, #tpu.memory_space<vmem>>, vector<1x16xf32>,
        %get3A_890 = vector.shape_cast %get3A_889 : vector<1x16xf32> to vector<16xf32>
        %add3A_891 = arith.addf %add3A_819, %get3A_890 : vector<16xf32>
        %add3A_892 = arith.constant 200 : i32
        %add3A_893 = arith.addi %add3A_892, %mul3A_550 : i32
        %add3A_894 = arith.constant 4 : i32
        %add3A_895 = arith.addi %add3A_893, %add3A_894 : i32
        %get3A_896 = arith.index_cast %add3A_895 : i32 to index
        %get3A_897 = arith.constant 96 : index
        %get3A_898 = tpu.vector_load %arg6[%get3A_896, %get3A_897] {strides = array<i32>} : memref<600x128xf32, #tpu.memory_space<vmem>>, vector<1x16xf32>,
        %get3A_899 = vector.shape_cast %get3A_898 : vector<1x16xf32> to vector<16xf32>
        %add3A_900 = arith.addf %add3A_828, %get3A_899 : vector<16xf32>
        %add3A_901 = arith.constant 200 : i32
        %add3A_902 = arith.addi %add3A_901, %mul3A_550 : i32
        %add3A_903 = arith.constant 4 : i32
        %add3A_904 = arith.addi %add3A_902, %add3A_903 : i32
        %get3A_905 = arith.index_cast %add3A_904 : i32 to index
        %get3A_906 = arith.constant 112 : index
        %get3A_907 = tpu.vector_load %arg6[%get3A_905, %get3A_906] {strides = array<i32>} : memref<600x128xf32, #tpu.memory_space<vmem>>, vector<1x16xf32>,
        %get3A_908 = vector.shape_cast %get3A_907 : vector<1x16xf32> to vector<16xf32>
        %add3A_909 = arith.addf %add3A_837, %get3A_908 : vector<16xf32>
        %add3A_910 = arith.constant 200 : i32
        %add3A_911 = arith.addi %add3A_910, %mul3A_550 : i32
        %add3A_912 = arith.constant 5 : i32
        %add3A_913 = arith.addi %add3A_911, %add3A_912 : i32
        %get3A_914 = arith.index_cast %add3A_913 : i32 to index
        %get3A_915 = arith.constant 0 : index
        %get3A_916 = tpu.vector_load %arg6[%get3A_914, %get3A_915] {strides = array<i32>} : memref<600x128xf32, #tpu.memory_space<vmem>>, vector<1x16xf32>,
        %get3A_917 = vector.shape_cast %get3A_916 : vector<1x16xf32> to vector<16xf32>
        %add3A_918 = arith.addf %add3A_846, %get3A_917 : vector<16xf32>
        %add3A_919 = arith.constant 200 : i32
        %add3A_920 = arith.addi %add3A_919, %mul3A_550 : i32
        %add3A_921 = arith.constant 5 : i32
        %add3A_922 = arith.addi %add3A_920, %add3A_921 : i32
        %get3A_923 = arith.index_cast %add3A_922 : i32 to index
        %get3A_924 = arith.constant 16 : index
        %get3A_925 = tpu.vector_load %arg6[%get3A_923, %get3A_924] {strides = array<i32>} : memref<600x128xf32, #tpu.memory_space<vmem>>, vector<1x16xf32>,
        %get3A_926 = vector.shape_cast %get3A_925 : vector<1x16xf32> to vector<16xf32>
        %add3A_927 = arith.addf %add3A_855, %get3A_926 : vector<16xf32>
        %add3A_928 = arith.constant 200 : i32
        %add3A_929 = arith.addi %add3A_928, %mul3A_550 : i32
        %add3A_930 = arith.constant 5 : i32
        %add3A_931 = arith.addi %add3A_929, %add3A_930 : i32
        %get3A_932 = arith.index_cast %add3A_931 : i32 to index
        %get3A_933 = arith.constant 32 : index
        %get3A_934 = tpu.vector_load %arg6[%get3A_932, %get3A_933] {strides = array<i32>} : memref<600x128xf32, #tpu.memory_space<vmem>>, vector<1x16xf32>,
        %get3A_935 = vector.shape_cast %get3A_934 : vector<1x16xf32> to vector<16xf32>
        %add3A_936 = arith.addf %add3A_864, %get3A_935 : vector<16xf32>
        %add3A_937 = arith.constant 200 : i32
        %add3A_938 = arith.addi %add3A_937, %mul3A_550 : i32
        %add3A_939 = arith.constant 5 : i32
        %add3A_940 = arith.addi %add3A_938, %add3A_939 : i32
        %get3A_941 = arith.index_cast %add3A_940 : i32 to index
        %get3A_942 = arith.constant 48 : index
        %get3A_943 = tpu.vector_load %arg6[%get3A_941, %get3A_942] {strides = array<i32>} : memref<600x128xf32, #tpu.memory_space<vmem>>, vector<1x16xf32>,
        %get3A_944 = vector.shape_cast %get3A_943 : vector<1x16xf32> to vector<16xf32>
        %add3A_945 = arith.addf %add3A_873, %get3A_944 : vector<16xf32>
        %add3A_946 = arith.constant 200 : i32
        %add3A_947 = arith.addi %add3A_946, %mul3A_550 : i32
        %add3A_948 = arith.constant 5 : i32
        %add3A_949 = arith.addi %add3A_947, %add3A_948 : i32
        %get3A_950 = arith.index_cast %add3A_949 : i32 to index
        %get3A_951 = arith.constant 64 : index
        %get3A_952 = tpu.vector_load %arg6[%get3A_950, %get3A_951] {strides = array<i32>} : memref<600x128xf32, #tpu.memory_space<vmem>>, vector<1x16xf32>,
        %get3A_953 = vector.shape_cast %get3A_952 : vector<1x16xf32> to vector<16xf32>
        %add3A_954 = arith.addf %add3A_882, %get3A_953 : vector<16xf32>
        %add3A_955 = arith.constant 200 : i32
        %add3A_956 = arith.addi %add3A_955, %mul3A_550 : i32
        %add3A_957 = arith.constant 5 : i32
        %add3A_958 = arith.addi %add3A_956, %add3A_957 : i32
        %get3A_959 = arith.index_cast %add3A_958 : i32 to index
        %get3A_960 = arith.constant 80 : index
        %get3A_961 = tpu.vector_load %arg6[%get3A_959, %get3A_960] {strides = array<i32>} : memref<600x128xf32, #tpu.memory_space<vmem>>, vector<1x16xf32>,
        %get3A_962 = vector.shape_cast %get3A_961 : vector<1x16xf32> to vector<16xf32>
        %add3A_963 = arith.addf %add3A_891, %get3A_962 : vector<16xf32>
        %add3A_964 = arith.constant 200 : i32
        %add3A_965 = arith.addi %add3A_964, %mul3A_550 : i32
        %add3A_966 = arith.constant 5 : i32
        %add3A_967 = arith.addi %add3A_965, %add3A_966 : i32
        %get3A_968 = arith.index_cast %add3A_967 : i32 to index
        %get3A_969 = arith.constant 96 : index
        %get3A_970 = tpu.vector_load %arg6[%get3A_968, %get3A_969] {strides = array<i32>} : memref<600x128xf32, #tpu.memory_space<vmem>>, vector<1x16xf32>,
        %get3A_971 = vector.shape_cast %get3A_970 : vector<1x16xf32> to vector<16xf32>
        %add3A_972 = arith.addf %add3A_900, %get3A_971 : vector<16xf32>
        %add3A_973 = arith.constant 200 : i32
        %add3A_974 = arith.addi %add3A_973, %mul3A_550 : i32
        %add3A_975 = arith.constant 5 : i32
        %add3A_976 = arith.addi %add3A_974, %add3A_975 : i32
        %get3A_977 = arith.index_cast %add3A_976 : i32 to index
        %get3A_978 = arith.constant 112 : index
        %get3A_979 = tpu.vector_load %arg6[%get3A_977, %get3A_978] {strides = array<i32>} : memref<600x128xf32, #tpu.memory_space<vmem>>, vector<1x16xf32>,
        %get3A_980 = vector.shape_cast %get3A_979 : vector<1x16xf32> to vector<16xf32>
        %add3A_981 = arith.addf %add3A_909, %get3A_980 : vector<16xf32>
        %add3A_982 = arith.constant 200 : i32
        %add3A_983 = arith.addi %add3A_982, %mul3A_550 : i32
        %add3A_984 = arith.constant 6 : i32
        %add3A_985 = arith.addi %add3A_983, %add3A_984 : i32
        %get3A_986 = arith.index_cast %add3A_985 : i32 to index
        %get3A_987 = arith.constant 0 : index
        %get3A_988 = tpu.vector_load %arg6[%get3A_986, %get3A_987] {strides = array<i32>} : memref<600x128xf32, #tpu.memory_space<vmem>>, vector<1x16xf32>,
        %get3A_989 = vector.shape_cast %get3A_988 : vector<1x16xf32> to vector<16xf32>
        %add3A_990 = arith.addf %add3A_918, %get3A_989 : vector<16xf32>
        %add3A_991 = arith.constant 200 : i32
        %add3A_992 = arith.addi %add3A_991, %mul3A_550 : i32
        %add3A_993 = arith.constant 6 : i32
        %add3A_994 = arith.addi %add3A_992, %add3A_993 : i32
        %get3A_995 = arith.index_cast %add3A_994 : i32 to index
        %get3A_996 = arith.constant 16 : index
        %get3A_997 = tpu.vector_load %arg6[%get3A_995, %get3A_996] {strides = array<i32>} : memref<600x128xf32, #tpu.memory_space<vmem>>, vector<1x16xf32>,
        %get3A_998 = vector.shape_cast %get3A_997 : vector<1x16xf32> to vector<16xf32>
        %add3A_999 = arith.addf %add3A_927, %get3A_998 : vector<16xf32>
        %add3A_1000 = arith.constant 200 : i32
        %add3A_1001 = arith.addi %add3A_1000, %mul3A_550 : i32
        %add3A_1002 = arith.constant 6 : i32
        %add3A_1003 = arith.addi %add3A_1001, %add3A_1002 : i32
        %get3A_1004 = arith.index_cast %add3A_1003 : i32 to index
        %get3A_1005 = arith.constant 32 : index
        %get3A_1006 = tpu.vector_load %arg6[%get3A_1004, %get3A_1005] {strides = array<i32>} : memref<600x128xf32, #tpu.memory_space<vmem>>, vector<1x16xf32>,
        %get3A_1007 = vector.shape_cast %get3A_1006 : vector<1x16xf32> to vector<16xf32>
        %add3A_1008 = arith.addf %add3A_936, %get3A_1007 : vector<16xf32>
        %add3A_1009 = arith.constant 200 : i32
        %add3A_1010 = arith.addi %add3A_1009, %mul3A_550 : i32
        %add3A_1011 = arith.constant 6 : i32
        %add3A_1012 = arith.addi %add3A_1010, %add3A_1011 : i32
        %get3A_1013 = arith.index_cast %add3A_1012 : i32 to index
        %get3A_1014 = arith.constant 48 : index
        %get3A_1015 = tpu.vector_load %arg6[%get3A_1013, %get3A_1014] {strides = array<i32>} : memref<600x128xf32, #tpu.memory_space<vmem>>, vector<1x16xf32>,
        %get3A_1016 = vector.shape_cast %get3A_1015 : vector<1x16xf32> to vector<16xf32>
        %add3A_1017 = arith.addf %add3A_945, %get3A_1016 : vector<16xf32>
        %add3A_1018 = arith.constant 200 : i32
        %add3A_1019 = arith.addi %add3A_1018, %mul3A_550 : i32
        %add3A_1020 = arith.constant 6 : i32
        %add3A_1021 = arith.addi %add3A_1019, %add3A_1020 : i32
        %get3A_1022 = arith.index_cast %add3A_1021 : i32 to index
        %get3A_1023 = arith.constant 64 : index
        %get3A_1024 = tpu.vector_load %arg6[%get3A_1022, %get3A_1023] {strides = array<i32>} : memref<600x128xf32, #tpu.memory_space<vmem>>, vector<1x16xf32>,
        %get3A_1025 = vector.shape_cast %get3A_1024 : vector<1x16xf32> to vector<16xf32>
        %add3A_1026 = arith.addf %add3A_954, %get3A_1025 : vector<16xf32>
        %add3A_1027 = arith.constant 200 : i32
        %add3A_1028 = arith.addi %add3A_1027, %mul3A_550 : i32
        %add3A_1029 = arith.constant 6 : i32
        %add3A_1030 = arith.addi %add3A_1028, %add3A_1029 : i32
        %get3A_1031 = arith.index_cast %add3A_1030 : i32 to index
        %get3A_1032 = arith.constant 80 : index
        %get3A_1033 = tpu.vector_load %arg6[%get3A_1031, %get3A_1032] {strides = array<i32>} : memref<600x128xf32, #tpu.memory_space<vmem>>, vector<1x16xf32>,
        %get3A_1034 = vector.shape_cast %get3A_1033 : vector<1x16xf32> to vector<16xf32>
        %add3A_1035 = arith.addf %add3A_963, %get3A_1034 : vector<16xf32>
        %add3A_1036 = arith.constant 200 : i32
        %add3A_1037 = arith.addi %add3A_1036, %mul3A_550 : i32
        %add3A_1038 = arith.constant 6 : i32
        %add3A_1039 = arith.addi %add3A_1037, %add3A_1038 : i32
        %get3A_1040 = arith.index_cast %add3A_1039 : i32 to index
        %get3A_1041 = arith.constant 96 : index
        %get3A_1042 = tpu.vector_load %arg6[%get3A_1040, %get3A_1041] {strides = array<i32>} : memref<600x128xf32, #tpu.memory_space<vmem>>, vector<1x16xf32>,
        %get3A_1043 = vector.shape_cast %get3A_1042 : vector<1x16xf32> to vector<16xf32>
        %add3A_1044 = arith.addf %add3A_972, %get3A_1043 : vector<16xf32>
        %add3A_1045 = arith.constant 200 : i32
        %add3A_1046 = arith.addi %add3A_1045, %mul3A_550 : i32
        %add3A_1047 = arith.constant 6 : i32
        %add3A_1048 = arith.addi %add3A_1046, %add3A_1047 : i32
        %get3A_1049 = arith.index_cast %add3A_1048 : i32 to index
        %get3A_1050 = arith.constant 112 : index
        %get3A_1051 = tpu.vector_load %arg6[%get3A_1049, %get3A_1050] {strides = array<i32>} : memref<600x128xf32, #tpu.memory_space<vmem>>, vector<1x16xf32>,
        %get3A_1052 = vector.shape_cast %get3A_1051 : vector<1x16xf32> to vector<16xf32>
        %add3A_1053 = arith.addf %add3A_981, %get3A_1052 : vector<16xf32>
        %add3A_1054 = arith.constant 200 : i32
        %add3A_1055 = arith.addi %add3A_1054, %mul3A_550 : i32
        %add3A_1056 = arith.constant 7 : i32
        %add3A_1057 = arith.addi %add3A_1055, %add3A_1056 : i32
        %get3A_1058 = arith.index_cast %add3A_1057 : i32 to index
        %get3A_1059 = arith.constant 0 : index
        %get3A_1060 = tpu.vector_load %arg6[%get3A_1058, %get3A_1059] {strides = array<i32>} : memref<600x128xf32, #tpu.memory_space<vmem>>, vector<1x16xf32>,
        %get3A_1061 = vector.shape_cast %get3A_1060 : vector<1x16xf32> to vector<16xf32>
        %add3A_1062 = arith.addf %add3A_990, %get3A_1061 : vector<16xf32>
        %add3A_1063 = arith.constant 200 : i32
        %add3A_1064 = arith.addi %add3A_1063, %mul3A_550 : i32
        %add3A_1065 = arith.constant 7 : i32
        %add3A_1066 = arith.addi %add3A_1064, %add3A_1065 : i32
        %get3A_1067 = arith.index_cast %add3A_1066 : i32 to index
        %get3A_1068 = arith.constant 16 : index
        %get3A_1069 = tpu.vector_load %arg6[%get3A_1067, %get3A_1068] {strides = array<i32>} : memref<600x128xf32, #tpu.memory_space<vmem>>, vector<1x16xf32>,
        %get3A_1070 = vector.shape_cast %get3A_1069 : vector<1x16xf32> to vector<16xf32>
        %add3A_1071 = arith.addf %add3A_999, %get3A_1070 : vector<16xf32>
        %add3A_1072 = arith.constant 200 : i32
        %add3A_1073 = arith.addi %add3A_1072, %mul3A_550 : i32
        %add3A_1074 = arith.constant 7 : i32
        %add3A_1075 = arith.addi %add3A_1073, %add3A_1074 : i32
        %get3A_1076 = arith.index_cast %add3A_1075 : i32 to index
        %get3A_1077 = arith.constant 32 : index
        %get3A_1078 = tpu.vector_load %arg6[%get3A_1076, %get3A_1077] {strides = array<i32>} : memref<600x128xf32, #tpu.memory_space<vmem>>, vector<1x16xf32>,
        %get3A_1079 = vector.shape_cast %get3A_1078 : vector<1x16xf32> to vector<16xf32>
        %add3A_1080 = arith.addf %add3A_1008, %get3A_1079 : vector<16xf32>
        %add3A_1081 = arith.constant 200 : i32
        %add3A_1082 = arith.addi %add3A_1081, %mul3A_550 : i32
        %add3A_1083 = arith.constant 7 : i32
        %add3A_1084 = arith.addi %add3A_1082, %add3A_1083 : i32
        %get3A_1085 = arith.index_cast %add3A_1084 : i32 to index
        %get3A_1086 = arith.constant 48 : index
        %get3A_1087 = tpu.vector_load %arg6[%get3A_1085, %get3A_1086] {strides = array<i32>} : memref<600x128xf32, #tpu.memory_space<vmem>>, vector<1x16xf32>,
        %get3A_1088 = vector.shape_cast %get3A_1087 : vector<1x16xf32> to vector<16xf32>
        %add3A_1089 = arith.addf %add3A_1017, %get3A_1088 : vector<16xf32>
        %add3A_1090 = arith.constant 200 : i32
        %add3A_1091 = arith.addi %add3A_1090, %mul3A_550 : i32
        %add3A_1092 = arith.constant 7 : i32
        %add3A_1093 = arith.addi %add3A_1091, %add3A_1092 : i32
        %get3A_1094 = arith.index_cast %add3A_1093 : i32 to index
        %get3A_1095 = arith.constant 64 : index
        %get3A_1096 = tpu.vector_load %arg6[%get3A_1094, %get3A_1095] {strides = array<i32>} : memref<600x128xf32, #tpu.memory_space<vmem>>, vector<1x16xf32>,
        %get3A_1097 = vector.shape_cast %get3A_1096 : vector<1x16xf32> to vector<16xf32>
        %add3A_1098 = arith.addf %add3A_1026, %get3A_1097 : vector<16xf32>
        %add3A_1099 = arith.constant 200 : i32
        %add3A_1100 = arith.addi %add3A_1099, %mul3A_550 : i32
        %add3A_1101 = arith.constant 7 : i32
        %add3A_1102 = arith.addi %add3A_1100, %add3A_1101 : i32
        %get3A_1103 = arith.index_cast %add3A_1102 : i32 to index
        %get3A_1104 = arith.constant 80 : index
        %get3A_1105 = tpu.vector_load %arg6[%get3A_1103, %get3A_1104] {strides = array<i32>} : memref<600x128xf32, #tpu.memory_space<vmem>>, vector<1x16xf32>,
        %get3A_1106 = vector.shape_cast %get3A_1105 : vector<1x16xf32> to vector<16xf32>
        %add3A_1107 = arith.addf %add3A_1035, %get3A_1106 : vector<16xf32>
        %add3A_1108 = arith.constant 200 : i32
        %add3A_1109 = arith.addi %add3A_1108, %mul3A_550 : i32
        %add3A_1110 = arith.constant 7 : i32
        %add3A_1111 = arith.addi %add3A_1109, %add3A_1110 : i32
        %get3A_1112 = arith.index_cast %add3A_1111 : i32 to index
        %get3A_1113 = arith.constant 96 : index
        %get3A_1114 = tpu.vector_load %arg6[%get3A_1112, %get3A_1113] {strides = array<i32>} : memref<600x128xf32, #tpu.memory_space<vmem>>, vector<1x16xf32>,
        %get3A_1115 = vector.shape_cast %get3A_1114 : vector<1x16xf32> to vector<16xf32>
        %add3A_1116 = arith.addf %add3A_1044, %get3A_1115 : vector<16xf32>
        %add3A_1117 = arith.constant 200 : i32
        %add3A_1118 = arith.addi %add3A_1117, %mul3A_550 : i32
        %add3A_1119 = arith.constant 7 : i32
        %add3A_1120 = arith.addi %add3A_1118, %add3A_1119 : i32
        %get3A_1121 = arith.index_cast %add3A_1120 : i32 to index
        %get3A_1122 = arith.constant 112 : index
        %get3A_1123 = tpu.vector_load %arg6[%get3A_1121, %get3A_1122] {strides = array<i32>} : memref<600x128xf32, #tpu.memory_space<vmem>>, vector<1x16xf32>,
        %get3A_1124 = vector.shape_cast %get3A_1123 : vector<1x16xf32> to vector<16xf32>
        %add3A_1125 = arith.addf %add3A_1053, %get3A_1124 : vector<16xf32>
        scf.yield %add3A_1062, %add3A_1071, %add3A_1080, %add3A_1089, %add3A_1098, %add3A_1107, %add3A_1116, %add3A_1125 : vector<16xf32>, vector<16xf32>, vector<16xf32>, vector<16xf32>, vector<16xf32>, vector<16xf32>, vector<16xf32>, vector<16xf32>
      }
      %scan3A_358 = arith.constant 25 : i32
      %mul3A_359 = arith.constant 128 : i32
      %mul3A_360 = arith.muli %add3A_336, %mul3A_359 : i32
      %add3A_361 = arith.constant 0 : i32
      %add3A_362 = arith.addi %mul3A_360, %add3A_361 : i32
      %swap3A_363 = arith.index_cast %add3A_362 : i32 to index
      %swap3A_364 = tpu.vector_load %arg7[%swap3A_363] {strides = array<i32>} : memref<16384xf32, #tpu.memory_space<vmem>>, vector<16xf32>,
      %swap3A_365 = vector.shape_cast %swap3A_364 : vector<16xf32> to vector<16xf32>
      %swap3A_366 = vector.shape_cast %scan3A_357#0 : vector<16xf32> to vector<16xf32>
      tpu.vector_store %arg7[%swap3A_363], %swap3A_366 {strides = array<i32>} : memref<16384xf32, #tpu.memory_space<vmem>>, vector<16xf32>,
      %mul3A_367 = arith.constant 128 : i32
      %mul3A_368 = arith.muli %add3A_336, %mul3A_367 : i32
      %add3A_369 = arith.constant 16 : i32
      %add3A_370 = arith.addi %mul3A_368, %add3A_369 : i32
      %swap3A_371 = arith.index_cast %add3A_370 : i32 to index
      %swap3A_372 = tpu.vector_load %arg7[%swap3A_371] {strides = array<i32>} : memref<16384xf32, #tpu.memory_space<vmem>>, vector<16xf32>,
      %swap3A_373 = vector.shape_cast %swap3A_372 : vector<16xf32> to vector<16xf32>
      %swap3A_374 = vector.shape_cast %scan3A_357#1 : vector<16xf32> to vector<16xf32>
      tpu.vector_store %arg7[%swap3A_371], %swap3A_374 {strides = array<i32>} : memref<16384xf32, #tpu.memory_space<vmem>>, vector<16xf32>,
      %mul3A_375 = arith.constant 128 : i32
      %mul3A_376 = arith.muli %add3A_336, %mul3A_375 : i32
      %add3A_377 = arith.constant 32 : i32
      %add3A_378 = arith.addi %mul3A_376, %add3A_377 : i32
      %swap3A_379 = arith.index_cast %add3A_378 : i32 to index
      %swap3A_380 = tpu.vector_load %arg7[%swap3A_379] {strides = array<i32>} : memref<16384xf32, #tpu.memory_space<vmem>>, vector<16xf32>,
      %swap3A_381 = vector.shape_cast %swap3A_380 : vector<16xf32> to vector<16xf32>
      %swap3A_382 = vector.shape_cast %scan3A_357#2 : vector<16xf32> to vector<16xf32>
      tpu.vector_store %arg7[%swap3A_379], %swap3A_382 {strides = array<i32>} : memref<16384xf32, #tpu.memory_space<vmem>>, vector<16xf32>,
      %mul3A_383 = arith.constant 128 : i32
      %mul3A_384 = arith.muli %add3A_336, %mul3A_383 : i32
      %add3A_385 = arith.constant 48 : i32
      %add3A_386 = arith.addi %mul3A_384, %add3A_385 : i32
      %swap3A_387 = arith.index_cast %add3A_386 : i32 to index
      %swap3A_388 = tpu.vector_load %arg7[%swap3A_387] {strides = array<i32>} : memref<16384xf32, #tpu.memory_space<vmem>>, vector<16xf32>,
      %swap3A_389 = vector.shape_cast %swap3A_388 : vector<16xf32> to vector<16xf32>
      %swap3A_390 = vector.shape_cast %scan3A_357#3 : vector<16xf32> to vector<16xf32>
      tpu.vector_store %arg7[%swap3A_387], %swap3A_390 {strides = array<i32>} : memref<16384xf32, #tpu.memory_space<vmem>>, vector<16xf32>,
      %mul3A_391 = arith.constant 128 : i32
      %mul3A_392 = arith.muli %add3A_336, %mul3A_391 : i32
      %add3A_393 = arith.constant 64 : i32
      %add3A_394 = arith.addi %mul3A_392, %add3A_393 : i32
      %swap3A_395 = arith.index_cast %add3A_394 : i32 to index
      %swap3A_396 = tpu.vector_load %arg7[%swap3A_395] {strides = array<i32>} : memref<16384xf32, #tpu.memory_space<vmem>>, vector<16xf32>,
      %swap3A_397 = vector.shape_cast %swap3A_396 : vector<16xf32> to vector<16xf32>
      %swap3A_398 = vector.shape_cast %scan3A_357#4 : vector<16xf32> to vector<16xf32>
      tpu.vector_store %arg7[%swap3A_395], %swap3A_398 {strides = array<i32>} : memref<16384xf32, #tpu.memory_space<vmem>>, vector<16xf32>,
      %mul3A_399 = arith.constant 128 : i32
      %mul3A_400 = arith.muli %add3A_336, %mul3A_399 : i32
      %add3A_401 = arith.constant 80 : i32
      %add3A_402 = arith.addi %mul3A_400, %add3A_401 : i32
      %swap3A_403 = arith.index_cast %add3A_402 : i32 to index
      %swap3A_404 = tpu.vector_load %arg7[%swap3A_403] {strides = array<i32>} : memref<16384xf32, #tpu.memory_space<vmem>>, vector<16xf32>,
      %swap3A_405 = vector.shape_cast %swap3A_404 : vector<16xf32> to vector<16xf32>
      %swap3A_406 = vector.shape_cast %scan3A_357#5 : vector<16xf32> to vector<16xf32>
      tpu.vector_store %arg7[%swap3A_403], %swap3A_406 {strides = array<i32>} : memref<16384xf32, #tpu.memory_space<vmem>>, vector<16xf32>,
      %mul3A_407 = arith.constant 128 : i32
      %mul3A_408 = arith.muli %add3A_336, %mul3A_407 : i32
      %add3A_409 = arith.constant 96 : i32
      %add3A_410 = arith.addi %mul3A_408, %add3A_409 : i32
      %swap3A_411 = arith.index_cast %add3A_410 : i32 to index
      %swap3A_412 = tpu.vector_load %arg7[%swap3A_411] {strides = array<i32>} : memref<16384xf32, #tpu.memory_space<vmem>>, vector<16xf32>,
      %swap3A_413 = vector.shape_cast %swap3A_412 : vector<16xf32> to vector<16xf32>
      %swap3A_414 = vector.shape_cast %scan3A_357#6 : vector<16xf32> to vector<16xf32>
      tpu.vector_store %arg7[%swap3A_411], %swap3A_414 {strides = array<i32>} : memref<16384xf32, #tpu.memory_space<vmem>>, vector<16xf32>,
      %mul3A_415 = arith.constant 128 : i32
      %mul3A_416 = arith.muli %add3A_336, %mul3A_415 : i32
      %add3A_417 = arith.constant 112 : i32
      %add3A_418 = arith.addi %mul3A_416, %add3A_417 : i32
      %swap3A_419 = arith.index_cast %add3A_418 : i32 to index
      %swap3A_420 = tpu.vector_load %arg7[%swap3A_419] {strides = array<i32>} : memref<16384xf32, #tpu.memory_space<vmem>>, vector<16xf32>,
      %swap3A_421 = vector.shape_cast %swap3A_420 : vector<16xf32> to vector<16xf32>
      %swap3A_422 = vector.shape_cast %scan3A_357#7 : vector<16xf32> to vector<16xf32>
      tpu.vector_store %arg7[%swap3A_419], %swap3A_422 {strides = array<i32>} : memref<16384xf32, #tpu.memory_space<vmem>>, vector<16xf32>,
      %add3A_423 = arith.constant 4 : i32
      %add3A_424 = arith.addi %mul3A_180, %add3A_423 : i32
      %lt3A_425 = arith.constant 128 : i32
      %lt3A_426 = arith.cmpi slt, %add3A_424, %lt3A_425 : i32
      %convert_element_type3A_427 = arith.extui %lt3A_426 : i1 to i32
      %cond3A_428 = arith.constant 0 : i32
      %cond3A_429 = arith.cmpi ne, %convert_element_type3A_427, %cond3A_428 : i32
      scf.if %cond3A_429 {
        %add3A_540 = arith.constant 4 : i32
        %add3A_541 = arith.addi %mul3A_180, %add3A_540 : i32
        %mul3A_542 = arith.constant 200 : i32
        %mul3A_543 = arith.muli %add3A_541, %mul3A_542 : i32
        %dma_start3A_544 = arith.constant 200 : i32
        %dma_start3A_545 = arith.constant 0 : i32
        %dma_start3A_546 = tpu.memref_slice %arg6[%dma_start3A_544, %dma_start3A_545] : memref<600x128xf32, #tpu.memory_space<vmem>> -> memref<120x128xf32, #tpu.memory_space<vmem>>
        %dma_start3A_547 = tpu.memref_slice %arg5[%mul3A_543] : memref<25600xi32, #tpu.memory_space<vmem>> -> memref<120xi32, #tpu.memory_space<vmem>>
        %dma_start3A_548 = arith.constant 0 : i32
        %dma_start3A_549 = arith.constant 0 : i32
        %dma_start3A_550 = tpu.memref_slice %arg3[%dma_start3A_548, %dma_start3A_549] : memref<100000x128xf32, #tpu.memory_space<hbm>> -> memref<100000x128xf32, #tpu.memory_space<hbm>>
        tpu.enqueue_indirect_dma source(%dma_start3A_550 : memref<100000x128xf32, #tpu.memory_space<hbm>>) target(%dma_start3A_546 : memref<120x128xf32, #tpu.memory_space<vmem>>) offsets(%dma_start3A_547 : memref<120xi32, #tpu.memory_space<vmem>>) semaphore(%arg9 : memref<!tpu.dma_semaphore, #tpu.memory_space<semaphore_mem>>)
        %mul3A_551 = arith.constant 200 : i32
        %mul3A_552 = arith.muli %add3A_541, %mul3A_551 : i32
        %add3A_553 = arith.constant 120 : i32
        %add3A_554 = arith.addi %mul3A_552, %add3A_553 : i32
        %dma_start3A_555 = arith.constant 320 : i32
        %dma_start3A_556 = arith.constant 0 : i32
        %dma_start3A_557 = tpu.memref_slice %arg6[%dma_start3A_555, %dma_start3A_556] : memref<600x128xf32, #tpu.memory_space<vmem>> -> memref<80x128xf32, #tpu.memory_space<vmem>>
        %dma_start3A_558 = tpu.memref_slice %arg5[%add3A_554] : memref<25600xi32, #tpu.memory_space<vmem>> -> memref<80xi32, #tpu.memory_space<vmem>>
        %dma_start3A_559 = arith.constant 0 : i32
        %dma_start3A_560 = arith.constant 0 : i32
        %dma_start3A_561 = tpu.memref_slice %arg3[%dma_start3A_559, %dma_start3A_560] : memref<100000x128xf32, #tpu.memory_space<hbm>> -> memref<100000x128xf32, #tpu.memory_space<hbm>>
        tpu.enqueue_indirect_dma source(%dma_start3A_561 : memref<100000x128xf32, #tpu.memory_space<hbm>>) target(%dma_start3A_557 : memref<80x128xf32, #tpu.memory_space<vmem>>) offsets(%dma_start3A_558 : memref<80xi32, #tpu.memory_space<vmem>>) semaphore(%arg9 : memref<!tpu.dma_semaphore, #tpu.memory_space<semaphore_mem>>)
      } else {
      }
      %add3A_430 = arith.constant 2 : i32
      %add3A_431 = arith.addi %mul3A_180, %add3A_430 : i32
      %mul3A_432 = arith.constant 200 : i32
      %mul3A_433 = arith.muli %add3A_431, %mul3A_432 : i32
      %dma_wait3A_434 = arith.constant 400 : i32
      %dma_wait3A_435 = arith.constant 0 : i32
      %dma_wait3A_436 = tpu.memref_slice %arg6[%dma_wait3A_434, %dma_wait3A_435] : memref<600x128xf32, #tpu.memory_space<vmem>> -> memref<120x128xf32, #tpu.memory_space<vmem>>
      %dma_wait3A_437 = tpu.memref_slice %arg5[%mul3A_433] : memref<25600xi32, #tpu.memory_space<vmem>> -> memref<120xi32, #tpu.memory_space<vmem>>
      %dma_wait3A_438 = arith.constant 0 : i32
      %dma_wait3A_439 = arith.constant 0 : i32
      %dma_wait3A_440 = tpu.memref_slice %arg3[%dma_wait3A_438, %dma_wait3A_439] : memref<100000x128xf32, #tpu.memory_space<hbm>> -> memref<100000x128xf32, #tpu.memory_space<hbm>>
      tpu.wait_indirect_dma semaphore(%arg10 : memref<!tpu.dma_semaphore, #tpu.memory_space<semaphore_mem>>) src(%dma_wait3A_440 : memref<100000x128xf32, #tpu.memory_space<hbm>>) dst(%dma_wait3A_436 : memref<120x128xf32, #tpu.memory_space<vmem>>)
      %mul3A_441 = arith.constant 200 : i32
      %mul3A_442 = arith.muli %add3A_431, %mul3A_441 : i32
      %add3A_443 = arith.constant 120 : i32
      %add3A_444 = arith.addi %mul3A_442, %add3A_443 : i32
      %dma_wait3A_445 = arith.constant 520 : i32
      %dma_wait3A_446 = arith.constant 0 : i32
      %dma_wait3A_447 = tpu.memref_slice %arg6[%dma_wait3A_445, %dma_wait3A_446] : memref<600x128xf32, #tpu.memory_space<vmem>> -> memref<80x128xf32, #tpu.memory_space<vmem>>
      %dma_wait3A_448 = tpu.memref_slice %arg5[%add3A_444] : memref<25600xi32, #tpu.memory_space<vmem>> -> memref<80xi32, #tpu.memory_space<vmem>>
      %dma_wait3A_449 = arith.constant 0 : i32
      %dma_wait3A_450 = arith.constant 0 : i32
      %dma_wait3A_451 = tpu.memref_slice %arg3[%dma_wait3A_449, %dma_wait3A_450] : memref<100000x128xf32, #tpu.memory_space<hbm>> -> memref<100000x128xf32, #tpu.memory_space<hbm>>
      tpu.wait_indirect_dma semaphore(%arg10 : memref<!tpu.dma_semaphore, #tpu.memory_space<semaphore_mem>>) src(%dma_wait3A_451 : memref<100000x128xf32, #tpu.memory_space<hbm>>) dst(%dma_wait3A_447 : memref<80x128xf32, #tpu.memory_space<vmem>>)
      %add3A_452 = arith.constant 2 : i32
      %add3A_453 = arith.addi %mul3A_180, %add3A_452 : i32
      %broadcast_in_dim3A_454 = arith.constant 0.000000e+00 : f32
      %broadcast_in_dim3A_455 = vector.broadcast %broadcast_in_dim3A_454 : f32 to vector<16xf32>
      %broadcast_in_dim3A_456 = arith.constant 0.000000e+00 : f32
      %broadcast_in_dim3A_457 = vector.broadcast %broadcast_in_dim3A_456 : f32 to vector<16xf32>
      %broadcast_in_dim3A_458 = arith.constant 0.000000e+00 : f32
      %broadcast_in_dim3A_459 = vector.broadcast %broadcast_in_dim3A_458 : f32 to vector<16xf32>
      %broadcast_in_dim3A_460 = arith.constant 0.000000e+00 : f32
      %broadcast_in_dim3A_461 = vector.broadcast %broadcast_in_dim3A_460 : f32 to vector<16xf32>
      %broadcast_in_dim3A_462 = arith.constant 0.000000e+00 : f32
      %broadcast_in_dim3A_463 = vector.broadcast %broadcast_in_dim3A_462 : f32 to vector<16xf32>
      %broadcast_in_dim3A_464 = arith.constant 0.000000e+00 : f32
      %broadcast_in_dim3A_465 = vector.broadcast %broadcast_in_dim3A_464 : f32 to vector<16xf32>
      %broadcast_in_dim3A_466 = arith.constant 0.000000e+00 : f32
      %broadcast_in_dim3A_467 = vector.broadcast %broadcast_in_dim3A_466 : f32 to vector<16xf32>
      %broadcast_in_dim3A_468 = arith.constant 0.000000e+00 : f32
      %broadcast_in_dim3A_469 = vector.broadcast %broadcast_in_dim3A_468 : f32 to vector<16xf32>
      %scan3A_470 = arith.constant 0 : i32
      %scan3A_471 = arith.constant 25 : i32
      %scan3A_472 = arith.addi %scan3A_470, %scan3A_471 : i32
      %scan3A_473 = arith.constant 1 : i32
      %scan3A_474:8 = scf.for %scan3A_540 = %scan3A_470 to %scan3A_472 step %scan3A_473 iter_args(%scan3A_541 = %broadcast_in_dim3A_455, %scan3A_542 = %broadcast_in_dim3A_457, %scan3A_543 = %broadcast_in_dim3A_459, %scan3A_544 = %broadcast_in_dim3A_461, %scan3A_545 = %broadcast_in_dim3A_463, %scan3A_546 = %broadcast_in_dim3A_465, %scan3A_547 = %broadcast_in_dim3A_467, %scan3A_548 = %broadcast_in_dim3A_469) -> (vector<16xf32>, vector<16xf32>, vector<16xf32>, vector<16xf32>, vector<16xf32>, vector<16xf32>, vector<16xf32>, vector<16xf32>)  : i32 {
        %mul3A_549 = arith.constant 8 : i32
        %mul3A_550 = arith.muli %scan3A_540, %mul3A_549 : i32
        %add3A_551 = arith.constant 400 : i32
        %add3A_552 = arith.addi %add3A_551, %mul3A_550 : i32
        %add3A_553 = arith.constant 0 : i32
        %add3A_554 = arith.addi %add3A_552, %add3A_553 : i32
        %get3A = arith.index_cast %add3A_554 : i32 to index
        %get3A_555 = arith.constant 0 : index
        %get3A_556 = tpu.vector_load %arg6[%get3A, %get3A_555] {strides = array<i32>} : memref<600x128xf32, #tpu.memory_space<vmem>>, vector<1x16xf32>,
        %get3A_557 = vector.shape_cast %get3A_556 : vector<1x16xf32> to vector<16xf32>
        %add3A_558 = arith.addf %scan3A_541, %get3A_557 : vector<16xf32>
        %add3A_559 = arith.constant 400 : i32
        %add3A_560 = arith.addi %add3A_559, %mul3A_550 : i32
        %add3A_561 = arith.constant 0 : i32
        %add3A_562 = arith.addi %add3A_560, %add3A_561 : i32
        %get3A_563 = arith.index_cast %add3A_562 : i32 to index
        %get3A_564 = arith.constant 16 : index
        %get3A_565 = tpu.vector_load %arg6[%get3A_563, %get3A_564] {strides = array<i32>} : memref<600x128xf32, #tpu.memory_space<vmem>>, vector<1x16xf32>,
        %get3A_566 = vector.shape_cast %get3A_565 : vector<1x16xf32> to vector<16xf32>
        %add3A_567 = arith.addf %scan3A_542, %get3A_566 : vector<16xf32>
        %add3A_568 = arith.constant 400 : i32
        %add3A_569 = arith.addi %add3A_568, %mul3A_550 : i32
        %add3A_570 = arith.constant 0 : i32
        %add3A_571 = arith.addi %add3A_569, %add3A_570 : i32
        %get3A_572 = arith.index_cast %add3A_571 : i32 to index
        %get3A_573 = arith.constant 32 : index
        %get3A_574 = tpu.vector_load %arg6[%get3A_572, %get3A_573] {strides = array<i32>} : memref<600x128xf32, #tpu.memory_space<vmem>>, vector<1x16xf32>,
        %get3A_575 = vector.shape_cast %get3A_574 : vector<1x16xf32> to vector<16xf32>
        %add3A_576 = arith.addf %scan3A_543, %get3A_575 : vector<16xf32>
        %add3A_577 = arith.constant 400 : i32
        %add3A_578 = arith.addi %add3A_577, %mul3A_550 : i32
        %add3A_579 = arith.constant 0 : i32
        %add3A_580 = arith.addi %add3A_578, %add3A_579 : i32
        %get3A_581 = arith.index_cast %add3A_580 : i32 to index
        %get3A_582 = arith.constant 48 : index
        %get3A_583 = tpu.vector_load %arg6[%get3A_581, %get3A_582] {strides = array<i32>} : memref<600x128xf32, #tpu.memory_space<vmem>>, vector<1x16xf32>,
        %get3A_584 = vector.shape_cast %get3A_583 : vector<1x16xf32> to vector<16xf32>
        %add3A_585 = arith.addf %scan3A_544, %get3A_584 : vector<16xf32>
        %add3A_586 = arith.constant 400 : i32
        %add3A_587 = arith.addi %add3A_586, %mul3A_550 : i32
        %add3A_588 = arith.constant 0 : i32
        %add3A_589 = arith.addi %add3A_587, %add3A_588 : i32
        %get3A_590 = arith.index_cast %add3A_589 : i32 to index
        %get3A_591 = arith.constant 64 : index
        %get3A_592 = tpu.vector_load %arg6[%get3A_590, %get3A_591] {strides = array<i32>} : memref<600x128xf32, #tpu.memory_space<vmem>>, vector<1x16xf32>,
        %get3A_593 = vector.shape_cast %get3A_592 : vector<1x16xf32> to vector<16xf32>
        %add3A_594 = arith.addf %scan3A_545, %get3A_593 : vector<16xf32>
        %add3A_595 = arith.constant 400 : i32
        %add3A_596 = arith.addi %add3A_595, %mul3A_550 : i32
        %add3A_597 = arith.constant 0 : i32
        %add3A_598 = arith.addi %add3A_596, %add3A_597 : i32
        %get3A_599 = arith.index_cast %add3A_598 : i32 to index
        %get3A_600 = arith.constant 80 : index
        %get3A_601 = tpu.vector_load %arg6[%get3A_599, %get3A_600] {strides = array<i32>} : memref<600x128xf32, #tpu.memory_space<vmem>>, vector<1x16xf32>,
        %get3A_602 = vector.shape_cast %get3A_601 : vector<1x16xf32> to vector<16xf32>
        %add3A_603 = arith.addf %scan3A_546, %get3A_602 : vector<16xf32>
        %add3A_604 = arith.constant 400 : i32
        %add3A_605 = arith.addi %add3A_604, %mul3A_550 : i32
        %add3A_606 = arith.constant 0 : i32
        %add3A_607 = arith.addi %add3A_605, %add3A_606 : i32
        %get3A_608 = arith.index_cast %add3A_607 : i32 to index
        %get3A_609 = arith.constant 96 : index
        %get3A_610 = tpu.vector_load %arg6[%get3A_608, %get3A_609] {strides = array<i32>} : memref<600x128xf32, #tpu.memory_space<vmem>>, vector<1x16xf32>,
        %get3A_611 = vector.shape_cast %get3A_610 : vector<1x16xf32> to vector<16xf32>
        %add3A_612 = arith.addf %scan3A_547, %get3A_611 : vector<16xf32>
        %add3A_613 = arith.constant 400 : i32
        %add3A_614 = arith.addi %add3A_613, %mul3A_550 : i32
        %add3A_615 = arith.constant 0 : i32
        %add3A_616 = arith.addi %add3A_614, %add3A_615 : i32
        %get3A_617 = arith.index_cast %add3A_616 : i32 to index
        %get3A_618 = arith.constant 112 : index
        %get3A_619 = tpu.vector_load %arg6[%get3A_617, %get3A_618] {strides = array<i32>} : memref<600x128xf32, #tpu.memory_space<vmem>>, vector<1x16xf32>,
        %get3A_620 = vector.shape_cast %get3A_619 : vector<1x16xf32> to vector<16xf32>
        %add3A_621 = arith.addf %scan3A_548, %get3A_620 : vector<16xf32>
        %add3A_622 = arith.constant 400 : i32
        %add3A_623 = arith.addi %add3A_622, %mul3A_550 : i32
        %add3A_624 = arith.constant 1 : i32
        %add3A_625 = arith.addi %add3A_623, %add3A_624 : i32
        %get3A_626 = arith.index_cast %add3A_625 : i32 to index
        %get3A_627 = arith.constant 0 : index
        %get3A_628 = tpu.vector_load %arg6[%get3A_626, %get3A_627] {strides = array<i32>} : memref<600x128xf32, #tpu.memory_space<vmem>>, vector<1x16xf32>,
        %get3A_629 = vector.shape_cast %get3A_628 : vector<1x16xf32> to vector<16xf32>
        %add3A_630 = arith.addf %add3A_558, %get3A_629 : vector<16xf32>
        %add3A_631 = arith.constant 400 : i32
        %add3A_632 = arith.addi %add3A_631, %mul3A_550 : i32
        %add3A_633 = arith.constant 1 : i32
        %add3A_634 = arith.addi %add3A_632, %add3A_633 : i32
        %get3A_635 = arith.index_cast %add3A_634 : i32 to index
        %get3A_636 = arith.constant 16 : index
        %get3A_637 = tpu.vector_load %arg6[%get3A_635, %get3A_636] {strides = array<i32>} : memref<600x128xf32, #tpu.memory_space<vmem>>, vector<1x16xf32>,
        %get3A_638 = vector.shape_cast %get3A_637 : vector<1x16xf32> to vector<16xf32>
        %add3A_639 = arith.addf %add3A_567, %get3A_638 : vector<16xf32>
        %add3A_640 = arith.constant 400 : i32
        %add3A_641 = arith.addi %add3A_640, %mul3A_550 : i32
        %add3A_642 = arith.constant 1 : i32
        %add3A_643 = arith.addi %add3A_641, %add3A_642 : i32
        %get3A_644 = arith.index_cast %add3A_643 : i32 to index
        %get3A_645 = arith.constant 32 : index
        %get3A_646 = tpu.vector_load %arg6[%get3A_644, %get3A_645] {strides = array<i32>} : memref<600x128xf32, #tpu.memory_space<vmem>>, vector<1x16xf32>,
        %get3A_647 = vector.shape_cast %get3A_646 : vector<1x16xf32> to vector<16xf32>
        %add3A_648 = arith.addf %add3A_576, %get3A_647 : vector<16xf32>
        %add3A_649 = arith.constant 400 : i32
        %add3A_650 = arith.addi %add3A_649, %mul3A_550 : i32
        %add3A_651 = arith.constant 1 : i32
        %add3A_652 = arith.addi %add3A_650, %add3A_651 : i32
        %get3A_653 = arith.index_cast %add3A_652 : i32 to index
        %get3A_654 = arith.constant 48 : index
        %get3A_655 = tpu.vector_load %arg6[%get3A_653, %get3A_654] {strides = array<i32>} : memref<600x128xf32, #tpu.memory_space<vmem>>, vector<1x16xf32>,
        %get3A_656 = vector.shape_cast %get3A_655 : vector<1x16xf32> to vector<16xf32>
        %add3A_657 = arith.addf %add3A_585, %get3A_656 : vector<16xf32>
        %add3A_658 = arith.constant 400 : i32
        %add3A_659 = arith.addi %add3A_658, %mul3A_550 : i32
        %add3A_660 = arith.constant 1 : i32
        %add3A_661 = arith.addi %add3A_659, %add3A_660 : i32
        %get3A_662 = arith.index_cast %add3A_661 : i32 to index
        %get3A_663 = arith.constant 64 : index
        %get3A_664 = tpu.vector_load %arg6[%get3A_662, %get3A_663] {strides = array<i32>} : memref<600x128xf32, #tpu.memory_space<vmem>>, vector<1x16xf32>,
        %get3A_665 = vector.shape_cast %get3A_664 : vector<1x16xf32> to vector<16xf32>
        %add3A_666 = arith.addf %add3A_594, %get3A_665 : vector<16xf32>
        %add3A_667 = arith.constant 400 : i32
        %add3A_668 = arith.addi %add3A_667, %mul3A_550 : i32
        %add3A_669 = arith.constant 1 : i32
        %add3A_670 = arith.addi %add3A_668, %add3A_669 : i32
        %get3A_671 = arith.index_cast %add3A_670 : i32 to index
        %get3A_672 = arith.constant 80 : index
        %get3A_673 = tpu.vector_load %arg6[%get3A_671, %get3A_672] {strides = array<i32>} : memref<600x128xf32, #tpu.memory_space<vmem>>, vector<1x16xf32>,
        %get3A_674 = vector.shape_cast %get3A_673 : vector<1x16xf32> to vector<16xf32>
        %add3A_675 = arith.addf %add3A_603, %get3A_674 : vector<16xf32>
        %add3A_676 = arith.constant 400 : i32
        %add3A_677 = arith.addi %add3A_676, %mul3A_550 : i32
        %add3A_678 = arith.constant 1 : i32
        %add3A_679 = arith.addi %add3A_677, %add3A_678 : i32
        %get3A_680 = arith.index_cast %add3A_679 : i32 to index
        %get3A_681 = arith.constant 96 : index
        %get3A_682 = tpu.vector_load %arg6[%get3A_680, %get3A_681] {strides = array<i32>} : memref<600x128xf32, #tpu.memory_space<vmem>>, vector<1x16xf32>,
        %get3A_683 = vector.shape_cast %get3A_682 : vector<1x16xf32> to vector<16xf32>
        %add3A_684 = arith.addf %add3A_612, %get3A_683 : vector<16xf32>
        %add3A_685 = arith.constant 400 : i32
        %add3A_686 = arith.addi %add3A_685, %mul3A_550 : i32
        %add3A_687 = arith.constant 1 : i32
        %add3A_688 = arith.addi %add3A_686, %add3A_687 : i32
        %get3A_689 = arith.index_cast %add3A_688 : i32 to index
        %get3A_690 = arith.constant 112 : index
        %get3A_691 = tpu.vector_load %arg6[%get3A_689, %get3A_690] {strides = array<i32>} : memref<600x128xf32, #tpu.memory_space<vmem>>, vector<1x16xf32>,
        %get3A_692 = vector.shape_cast %get3A_691 : vector<1x16xf32> to vector<16xf32>
        %add3A_693 = arith.addf %add3A_621, %get3A_692 : vector<16xf32>
        %add3A_694 = arith.constant 400 : i32
        %add3A_695 = arith.addi %add3A_694, %mul3A_550 : i32
        %add3A_696 = arith.constant 2 : i32
        %add3A_697 = arith.addi %add3A_695, %add3A_696 : i32
        %get3A_698 = arith.index_cast %add3A_697 : i32 to index
        %get3A_699 = arith.constant 0 : index
        %get3A_700 = tpu.vector_load %arg6[%get3A_698, %get3A_699] {strides = array<i32>} : memref<600x128xf32, #tpu.memory_space<vmem>>, vector<1x16xf32>,
        %get3A_701 = vector.shape_cast %get3A_700 : vector<1x16xf32> to vector<16xf32>
        %add3A_702 = arith.addf %add3A_630, %get3A_701 : vector<16xf32>
        %add3A_703 = arith.constant 400 : i32
        %add3A_704 = arith.addi %add3A_703, %mul3A_550 : i32
        %add3A_705 = arith.constant 2 : i32
        %add3A_706 = arith.addi %add3A_704, %add3A_705 : i32
        %get3A_707 = arith.index_cast %add3A_706 : i32 to index
        %get3A_708 = arith.constant 16 : index
        %get3A_709 = tpu.vector_load %arg6[%get3A_707, %get3A_708] {strides = array<i32>} : memref<600x128xf32, #tpu.memory_space<vmem>>, vector<1x16xf32>,
        %get3A_710 = vector.shape_cast %get3A_709 : vector<1x16xf32> to vector<16xf32>
        %add3A_711 = arith.addf %add3A_639, %get3A_710 : vector<16xf32>
        %add3A_712 = arith.constant 400 : i32
        %add3A_713 = arith.addi %add3A_712, %mul3A_550 : i32
        %add3A_714 = arith.constant 2 : i32
        %add3A_715 = arith.addi %add3A_713, %add3A_714 : i32
        %get3A_716 = arith.index_cast %add3A_715 : i32 to index
        %get3A_717 = arith.constant 32 : index
        %get3A_718 = tpu.vector_load %arg6[%get3A_716, %get3A_717] {strides = array<i32>} : memref<600x128xf32, #tpu.memory_space<vmem>>, vector<1x16xf32>,
        %get3A_719 = vector.shape_cast %get3A_718 : vector<1x16xf32> to vector<16xf32>
        %add3A_720 = arith.addf %add3A_648, %get3A_719 : vector<16xf32>
        %add3A_721 = arith.constant 400 : i32
        %add3A_722 = arith.addi %add3A_721, %mul3A_550 : i32
        %add3A_723 = arith.constant 2 : i32
        %add3A_724 = arith.addi %add3A_722, %add3A_723 : i32
        %get3A_725 = arith.index_cast %add3A_724 : i32 to index
        %get3A_726 = arith.constant 48 : index
        %get3A_727 = tpu.vector_load %arg6[%get3A_725, %get3A_726] {strides = array<i32>} : memref<600x128xf32, #tpu.memory_space<vmem>>, vector<1x16xf32>,
        %get3A_728 = vector.shape_cast %get3A_727 : vector<1x16xf32> to vector<16xf32>
        %add3A_729 = arith.addf %add3A_657, %get3A_728 : vector<16xf32>
        %add3A_730 = arith.constant 400 : i32
        %add3A_731 = arith.addi %add3A_730, %mul3A_550 : i32
        %add3A_732 = arith.constant 2 : i32
        %add3A_733 = arith.addi %add3A_731, %add3A_732 : i32
        %get3A_734 = arith.index_cast %add3A_733 : i32 to index
        %get3A_735 = arith.constant 64 : index
        %get3A_736 = tpu.vector_load %arg6[%get3A_734, %get3A_735] {strides = array<i32>} : memref<600x128xf32, #tpu.memory_space<vmem>>, vector<1x16xf32>,
        %get3A_737 = vector.shape_cast %get3A_736 : vector<1x16xf32> to vector<16xf32>
        %add3A_738 = arith.addf %add3A_666, %get3A_737 : vector<16xf32>
        %add3A_739 = arith.constant 400 : i32
        %add3A_740 = arith.addi %add3A_739, %mul3A_550 : i32
        %add3A_741 = arith.constant 2 : i32
        %add3A_742 = arith.addi %add3A_740, %add3A_741 : i32
        %get3A_743 = arith.index_cast %add3A_742 : i32 to index
        %get3A_744 = arith.constant 80 : index
        %get3A_745 = tpu.vector_load %arg6[%get3A_743, %get3A_744] {strides = array<i32>} : memref<600x128xf32, #tpu.memory_space<vmem>>, vector<1x16xf32>,
        %get3A_746 = vector.shape_cast %get3A_745 : vector<1x16xf32> to vector<16xf32>
        %add3A_747 = arith.addf %add3A_675, %get3A_746 : vector<16xf32>
        %add3A_748 = arith.constant 400 : i32
        %add3A_749 = arith.addi %add3A_748, %mul3A_550 : i32
        %add3A_750 = arith.constant 2 : i32
        %add3A_751 = arith.addi %add3A_749, %add3A_750 : i32
        %get3A_752 = arith.index_cast %add3A_751 : i32 to index
        %get3A_753 = arith.constant 96 : index
        %get3A_754 = tpu.vector_load %arg6[%get3A_752, %get3A_753] {strides = array<i32>} : memref<600x128xf32, #tpu.memory_space<vmem>>, vector<1x16xf32>,
        %get3A_755 = vector.shape_cast %get3A_754 : vector<1x16xf32> to vector<16xf32>
        %add3A_756 = arith.addf %add3A_684, %get3A_755 : vector<16xf32>
        %add3A_757 = arith.constant 400 : i32
        %add3A_758 = arith.addi %add3A_757, %mul3A_550 : i32
        %add3A_759 = arith.constant 2 : i32
        %add3A_760 = arith.addi %add3A_758, %add3A_759 : i32
        %get3A_761 = arith.index_cast %add3A_760 : i32 to index
        %get3A_762 = arith.constant 112 : index
        %get3A_763 = tpu.vector_load %arg6[%get3A_761, %get3A_762] {strides = array<i32>} : memref<600x128xf32, #tpu.memory_space<vmem>>, vector<1x16xf32>,
        %get3A_764 = vector.shape_cast %get3A_763 : vector<1x16xf32> to vector<16xf32>
        %add3A_765 = arith.addf %add3A_693, %get3A_764 : vector<16xf32>
        %add3A_766 = arith.constant 400 : i32
        %add3A_767 = arith.addi %add3A_766, %mul3A_550 : i32
        %add3A_768 = arith.constant 3 : i32
        %add3A_769 = arith.addi %add3A_767, %add3A_768 : i32
        %get3A_770 = arith.index_cast %add3A_769 : i32 to index
        %get3A_771 = arith.constant 0 : index
        %get3A_772 = tpu.vector_load %arg6[%get3A_770, %get3A_771] {strides = array<i32>} : memref<600x128xf32, #tpu.memory_space<vmem>>, vector<1x16xf32>,
        %get3A_773 = vector.shape_cast %get3A_772 : vector<1x16xf32> to vector<16xf32>
        %add3A_774 = arith.addf %add3A_702, %get3A_773 : vector<16xf32>
        %add3A_775 = arith.constant 400 : i32
        %add3A_776 = arith.addi %add3A_775, %mul3A_550 : i32
        %add3A_777 = arith.constant 3 : i32
        %add3A_778 = arith.addi %add3A_776, %add3A_777 : i32
        %get3A_779 = arith.index_cast %add3A_778 : i32 to index
        %get3A_780 = arith.constant 16 : index
        %get3A_781 = tpu.vector_load %arg6[%get3A_779, %get3A_780] {strides = array<i32>} : memref<600x128xf32, #tpu.memory_space<vmem>>, vector<1x16xf32>,
        %get3A_782 = vector.shape_cast %get3A_781 : vector<1x16xf32> to vector<16xf32>
        %add3A_783 = arith.addf %add3A_711, %get3A_782 : vector<16xf32>
        %add3A_784 = arith.constant 400 : i32
        %add3A_785 = arith.addi %add3A_784, %mul3A_550 : i32
        %add3A_786 = arith.constant 3 : i32
        %add3A_787 = arith.addi %add3A_785, %add3A_786 : i32
        %get3A_788 = arith.index_cast %add3A_787 : i32 to index
        %get3A_789 = arith.constant 32 : index
        %get3A_790 = tpu.vector_load %arg6[%get3A_788, %get3A_789] {strides = array<i32>} : memref<600x128xf32, #tpu.memory_space<vmem>>, vector<1x16xf32>,
        %get3A_791 = vector.shape_cast %get3A_790 : vector<1x16xf32> to vector<16xf32>
        %add3A_792 = arith.addf %add3A_720, %get3A_791 : vector<16xf32>
        %add3A_793 = arith.constant 400 : i32
        %add3A_794 = arith.addi %add3A_793, %mul3A_550 : i32
        %add3A_795 = arith.constant 3 : i32
        %add3A_796 = arith.addi %add3A_794, %add3A_795 : i32
        %get3A_797 = arith.index_cast %add3A_796 : i32 to index
        %get3A_798 = arith.constant 48 : index
        %get3A_799 = tpu.vector_load %arg6[%get3A_797, %get3A_798] {strides = array<i32>} : memref<600x128xf32, #tpu.memory_space<vmem>>, vector<1x16xf32>,
        %get3A_800 = vector.shape_cast %get3A_799 : vector<1x16xf32> to vector<16xf32>
        %add3A_801 = arith.addf %add3A_729, %get3A_800 : vector<16xf32>
        %add3A_802 = arith.constant 400 : i32
        %add3A_803 = arith.addi %add3A_802, %mul3A_550 : i32
        %add3A_804 = arith.constant 3 : i32
        %add3A_805 = arith.addi %add3A_803, %add3A_804 : i32
        %get3A_806 = arith.index_cast %add3A_805 : i32 to index
        %get3A_807 = arith.constant 64 : index
        %get3A_808 = tpu.vector_load %arg6[%get3A_806, %get3A_807] {strides = array<i32>} : memref<600x128xf32, #tpu.memory_space<vmem>>, vector<1x16xf32>,
        %get3A_809 = vector.shape_cast %get3A_808 : vector<1x16xf32> to vector<16xf32>
        %add3A_810 = arith.addf %add3A_738, %get3A_809 : vector<16xf32>
        %add3A_811 = arith.constant 400 : i32
        %add3A_812 = arith.addi %add3A_811, %mul3A_550 : i32
        %add3A_813 = arith.constant 3 : i32
        %add3A_814 = arith.addi %add3A_812, %add3A_813 : i32
        %get3A_815 = arith.index_cast %add3A_814 : i32 to index
        %get3A_816 = arith.constant 80 : index
        %get3A_817 = tpu.vector_load %arg6[%get3A_815, %get3A_816] {strides = array<i32>} : memref<600x128xf32, #tpu.memory_space<vmem>>, vector<1x16xf32>,
        %get3A_818 = vector.shape_cast %get3A_817 : vector<1x16xf32> to vector<16xf32>
        %add3A_819 = arith.addf %add3A_747, %get3A_818 : vector<16xf32>
        %add3A_820 = arith.constant 400 : i32
        %add3A_821 = arith.addi %add3A_820, %mul3A_550 : i32
        %add3A_822 = arith.constant 3 : i32
        %add3A_823 = arith.addi %add3A_821, %add3A_822 : i32
        %get3A_824 = arith.index_cast %add3A_823 : i32 to index
        %get3A_825 = arith.constant 96 : index
        %get3A_826 = tpu.vector_load %arg6[%get3A_824, %get3A_825] {strides = array<i32>} : memref<600x128xf32, #tpu.memory_space<vmem>>, vector<1x16xf32>,
        %get3A_827 = vector.shape_cast %get3A_826 : vector<1x16xf32> to vector<16xf32>
        %add3A_828 = arith.addf %add3A_756, %get3A_827 : vector<16xf32>
        %add3A_829 = arith.constant 400 : i32
        %add3A_830 = arith.addi %add3A_829, %mul3A_550 : i32
        %add3A_831 = arith.constant 3 : i32
        %add3A_832 = arith.addi %add3A_830, %add3A_831 : i32
        %get3A_833 = arith.index_cast %add3A_832 : i32 to index
        %get3A_834 = arith.constant 112 : index
        %get3A_835 = tpu.vector_load %arg6[%get3A_833, %get3A_834] {strides = array<i32>} : memref<600x128xf32, #tpu.memory_space<vmem>>, vector<1x16xf32>,
        %get3A_836 = vector.shape_cast %get3A_835 : vector<1x16xf32> to vector<16xf32>
        %add3A_837 = arith.addf %add3A_765, %get3A_836 : vector<16xf32>
        %add3A_838 = arith.constant 400 : i32
        %add3A_839 = arith.addi %add3A_838, %mul3A_550 : i32
        %add3A_840 = arith.constant 4 : i32
        %add3A_841 = arith.addi %add3A_839, %add3A_840 : i32
        %get3A_842 = arith.index_cast %add3A_841 : i32 to index
        %get3A_843 = arith.constant 0 : index
        %get3A_844 = tpu.vector_load %arg6[%get3A_842, %get3A_843] {strides = array<i32>} : memref<600x128xf32, #tpu.memory_space<vmem>>, vector<1x16xf32>,
        %get3A_845 = vector.shape_cast %get3A_844 : vector<1x16xf32> to vector<16xf32>
        %add3A_846 = arith.addf %add3A_774, %get3A_845 : vector<16xf32>
        %add3A_847 = arith.constant 400 : i32
        %add3A_848 = arith.addi %add3A_847, %mul3A_550 : i32
        %add3A_849 = arith.constant 4 : i32
        %add3A_850 = arith.addi %add3A_848, %add3A_849 : i32
        %get3A_851 = arith.index_cast %add3A_850 : i32 to index
        %get3A_852 = arith.constant 16 : index
        %get3A_853 = tpu.vector_load %arg6[%get3A_851, %get3A_852] {strides = array<i32>} : memref<600x128xf32, #tpu.memory_space<vmem>>, vector<1x16xf32>,
        %get3A_854 = vector.shape_cast %get3A_853 : vector<1x16xf32> to vector<16xf32>
        %add3A_855 = arith.addf %add3A_783, %get3A_854 : vector<16xf32>
        %add3A_856 = arith.constant 400 : i32
        %add3A_857 = arith.addi %add3A_856, %mul3A_550 : i32
        %add3A_858 = arith.constant 4 : i32
        %add3A_859 = arith.addi %add3A_857, %add3A_858 : i32
        %get3A_860 = arith.index_cast %add3A_859 : i32 to index
        %get3A_861 = arith.constant 32 : index
        %get3A_862 = tpu.vector_load %arg6[%get3A_860, %get3A_861] {strides = array<i32>} : memref<600x128xf32, #tpu.memory_space<vmem>>, vector<1x16xf32>,
        %get3A_863 = vector.shape_cast %get3A_862 : vector<1x16xf32> to vector<16xf32>
        %add3A_864 = arith.addf %add3A_792, %get3A_863 : vector<16xf32>
        %add3A_865 = arith.constant 400 : i32
        %add3A_866 = arith.addi %add3A_865, %mul3A_550 : i32
        %add3A_867 = arith.constant 4 : i32
        %add3A_868 = arith.addi %add3A_866, %add3A_867 : i32
        %get3A_869 = arith.index_cast %add3A_868 : i32 to index
        %get3A_870 = arith.constant 48 : index
        %get3A_871 = tpu.vector_load %arg6[%get3A_869, %get3A_870] {strides = array<i32>} : memref<600x128xf32, #tpu.memory_space<vmem>>, vector<1x16xf32>,
        %get3A_872 = vector.shape_cast %get3A_871 : vector<1x16xf32> to vector<16xf32>
        %add3A_873 = arith.addf %add3A_801, %get3A_872 : vector<16xf32>
        %add3A_874 = arith.constant 400 : i32
        %add3A_875 = arith.addi %add3A_874, %mul3A_550 : i32
        %add3A_876 = arith.constant 4 : i32
        %add3A_877 = arith.addi %add3A_875, %add3A_876 : i32
        %get3A_878 = arith.index_cast %add3A_877 : i32 to index
        %get3A_879 = arith.constant 64 : index
        %get3A_880 = tpu.vector_load %arg6[%get3A_878, %get3A_879] {strides = array<i32>} : memref<600x128xf32, #tpu.memory_space<vmem>>, vector<1x16xf32>,
        %get3A_881 = vector.shape_cast %get3A_880 : vector<1x16xf32> to vector<16xf32>
        %add3A_882 = arith.addf %add3A_810, %get3A_881 : vector<16xf32>
        %add3A_883 = arith.constant 400 : i32
        %add3A_884 = arith.addi %add3A_883, %mul3A_550 : i32
        %add3A_885 = arith.constant 4 : i32
        %add3A_886 = arith.addi %add3A_884, %add3A_885 : i32
        %get3A_887 = arith.index_cast %add3A_886 : i32 to index
        %get3A_888 = arith.constant 80 : index
        %get3A_889 = tpu.vector_load %arg6[%get3A_887, %get3A_888] {strides = array<i32>} : memref<600x128xf32, #tpu.memory_space<vmem>>, vector<1x16xf32>,
        %get3A_890 = vector.shape_cast %get3A_889 : vector<1x16xf32> to vector<16xf32>
        %add3A_891 = arith.addf %add3A_819, %get3A_890 : vector<16xf32>
        %add3A_892 = arith.constant 400 : i32
        %add3A_893 = arith.addi %add3A_892, %mul3A_550 : i32
        %add3A_894 = arith.constant 4 : i32
        %add3A_895 = arith.addi %add3A_893, %add3A_894 : i32
        %get3A_896 = arith.index_cast %add3A_895 : i32 to index
        %get3A_897 = arith.constant 96 : index
        %get3A_898 = tpu.vector_load %arg6[%get3A_896, %get3A_897] {strides = array<i32>} : memref<600x128xf32, #tpu.memory_space<vmem>>, vector<1x16xf32>,
        %get3A_899 = vector.shape_cast %get3A_898 : vector<1x16xf32> to vector<16xf32>
        %add3A_900 = arith.addf %add3A_828, %get3A_899 : vector<16xf32>
        %add3A_901 = arith.constant 400 : i32
        %add3A_902 = arith.addi %add3A_901, %mul3A_550 : i32
        %add3A_903 = arith.constant 4 : i32
        %add3A_904 = arith.addi %add3A_902, %add3A_903 : i32
        %get3A_905 = arith.index_cast %add3A_904 : i32 to index
        %get3A_906 = arith.constant 112 : index
        %get3A_907 = tpu.vector_load %arg6[%get3A_905, %get3A_906] {strides = array<i32>} : memref<600x128xf32, #tpu.memory_space<vmem>>, vector<1x16xf32>,
        %get3A_908 = vector.shape_cast %get3A_907 : vector<1x16xf32> to vector<16xf32>
        %add3A_909 = arith.addf %add3A_837, %get3A_908 : vector<16xf32>
        %add3A_910 = arith.constant 400 : i32
        %add3A_911 = arith.addi %add3A_910, %mul3A_550 : i32
        %add3A_912 = arith.constant 5 : i32
        %add3A_913 = arith.addi %add3A_911, %add3A_912 : i32
        %get3A_914 = arith.index_cast %add3A_913 : i32 to index
        %get3A_915 = arith.constant 0 : index
        %get3A_916 = tpu.vector_load %arg6[%get3A_914, %get3A_915] {strides = array<i32>} : memref<600x128xf32, #tpu.memory_space<vmem>>, vector<1x16xf32>,
        %get3A_917 = vector.shape_cast %get3A_916 : vector<1x16xf32> to vector<16xf32>
        %add3A_918 = arith.addf %add3A_846, %get3A_917 : vector<16xf32>
        %add3A_919 = arith.constant 400 : i32
        %add3A_920 = arith.addi %add3A_919, %mul3A_550 : i32
        %add3A_921 = arith.constant 5 : i32
        %add3A_922 = arith.addi %add3A_920, %add3A_921 : i32
        %get3A_923 = arith.index_cast %add3A_922 : i32 to index
        %get3A_924 = arith.constant 16 : index
        %get3A_925 = tpu.vector_load %arg6[%get3A_923, %get3A_924] {strides = array<i32>} : memref<600x128xf32, #tpu.memory_space<vmem>>, vector<1x16xf32>,
        %get3A_926 = vector.shape_cast %get3A_925 : vector<1x16xf32> to vector<16xf32>
        %add3A_927 = arith.addf %add3A_855, %get3A_926 : vector<16xf32>
        %add3A_928 = arith.constant 400 : i32
        %add3A_929 = arith.addi %add3A_928, %mul3A_550 : i32
        %add3A_930 = arith.constant 5 : i32
        %add3A_931 = arith.addi %add3A_929, %add3A_930 : i32
        %get3A_932 = arith.index_cast %add3A_931 : i32 to index
        %get3A_933 = arith.constant 32 : index
        %get3A_934 = tpu.vector_load %arg6[%get3A_932, %get3A_933] {strides = array<i32>} : memref<600x128xf32, #tpu.memory_space<vmem>>, vector<1x16xf32>,
        %get3A_935 = vector.shape_cast %get3A_934 : vector<1x16xf32> to vector<16xf32>
        %add3A_936 = arith.addf %add3A_864, %get3A_935 : vector<16xf32>
        %add3A_937 = arith.constant 400 : i32
        %add3A_938 = arith.addi %add3A_937, %mul3A_550 : i32
        %add3A_939 = arith.constant 5 : i32
        %add3A_940 = arith.addi %add3A_938, %add3A_939 : i32
        %get3A_941 = arith.index_cast %add3A_940 : i32 to index
        %get3A_942 = arith.constant 48 : index
        %get3A_943 = tpu.vector_load %arg6[%get3A_941, %get3A_942] {strides = array<i32>} : memref<600x128xf32, #tpu.memory_space<vmem>>, vector<1x16xf32>,
        %get3A_944 = vector.shape_cast %get3A_943 : vector<1x16xf32> to vector<16xf32>
        %add3A_945 = arith.addf %add3A_873, %get3A_944 : vector<16xf32>
        %add3A_946 = arith.constant 400 : i32
        %add3A_947 = arith.addi %add3A_946, %mul3A_550 : i32
        %add3A_948 = arith.constant 5 : i32
        %add3A_949 = arith.addi %add3A_947, %add3A_948 : i32
        %get3A_950 = arith.index_cast %add3A_949 : i32 to index
        %get3A_951 = arith.constant 64 : index
        %get3A_952 = tpu.vector_load %arg6[%get3A_950, %get3A_951] {strides = array<i32>} : memref<600x128xf32, #tpu.memory_space<vmem>>, vector<1x16xf32>,
        %get3A_953 = vector.shape_cast %get3A_952 : vector<1x16xf32> to vector<16xf32>
        %add3A_954 = arith.addf %add3A_882, %get3A_953 : vector<16xf32>
        %add3A_955 = arith.constant 400 : i32
        %add3A_956 = arith.addi %add3A_955, %mul3A_550 : i32
        %add3A_957 = arith.constant 5 : i32
        %add3A_958 = arith.addi %add3A_956, %add3A_957 : i32
        %get3A_959 = arith.index_cast %add3A_958 : i32 to index
        %get3A_960 = arith.constant 80 : index
        %get3A_961 = tpu.vector_load %arg6[%get3A_959, %get3A_960] {strides = array<i32>} : memref<600x128xf32, #tpu.memory_space<vmem>>, vector<1x16xf32>,
        %get3A_962 = vector.shape_cast %get3A_961 : vector<1x16xf32> to vector<16xf32>
        %add3A_963 = arith.addf %add3A_891, %get3A_962 : vector<16xf32>
        %add3A_964 = arith.constant 400 : i32
        %add3A_965 = arith.addi %add3A_964, %mul3A_550 : i32
        %add3A_966 = arith.constant 5 : i32
        %add3A_967 = arith.addi %add3A_965, %add3A_966 : i32
        %get3A_968 = arith.index_cast %add3A_967 : i32 to index
        %get3A_969 = arith.constant 96 : index
        %get3A_970 = tpu.vector_load %arg6[%get3A_968, %get3A_969] {strides = array<i32>} : memref<600x128xf32, #tpu.memory_space<vmem>>, vector<1x16xf32>,
        %get3A_971 = vector.shape_cast %get3A_970 : vector<1x16xf32> to vector<16xf32>
        %add3A_972 = arith.addf %add3A_900, %get3A_971 : vector<16xf32>
        %add3A_973 = arith.constant 400 : i32
        %add3A_974 = arith.addi %add3A_973, %mul3A_550 : i32
        %add3A_975 = arith.constant 5 : i32
        %add3A_976 = arith.addi %add3A_974, %add3A_975 : i32
        %get3A_977 = arith.index_cast %add3A_976 : i32 to index
        %get3A_978 = arith.constant 112 : index
        %get3A_979 = tpu.vector_load %arg6[%get3A_977, %get3A_978] {strides = array<i32>} : memref<600x128xf32, #tpu.memory_space<vmem>>, vector<1x16xf32>,
        %get3A_980 = vector.shape_cast %get3A_979 : vector<1x16xf32> to vector<16xf32>
        %add3A_981 = arith.addf %add3A_909, %get3A_980 : vector<16xf32>
        %add3A_982 = arith.constant 400 : i32
        %add3A_983 = arith.addi %add3A_982, %mul3A_550 : i32
        %add3A_984 = arith.constant 6 : i32
        %add3A_985 = arith.addi %add3A_983, %add3A_984 : i32
        %get3A_986 = arith.index_cast %add3A_985 : i32 to index
        %get3A_987 = arith.constant 0 : index
        %get3A_988 = tpu.vector_load %arg6[%get3A_986, %get3A_987] {strides = array<i32>} : memref<600x128xf32, #tpu.memory_space<vmem>>, vector<1x16xf32>,
        %get3A_989 = vector.shape_cast %get3A_988 : vector<1x16xf32> to vector<16xf32>
        %add3A_990 = arith.addf %add3A_918, %get3A_989 : vector<16xf32>
        %add3A_991 = arith.constant 400 : i32
        %add3A_992 = arith.addi %add3A_991, %mul3A_550 : i32
        %add3A_993 = arith.constant 6 : i32
        %add3A_994 = arith.addi %add3A_992, %add3A_993 : i32
        %get3A_995 = arith.index_cast %add3A_994 : i32 to index
        %get3A_996 = arith.constant 16 : index
        %get3A_997 = tpu.vector_load %arg6[%get3A_995, %get3A_996] {strides = array<i32>} : memref<600x128xf32, #tpu.memory_space<vmem>>, vector<1x16xf32>,
        %get3A_998 = vector.shape_cast %get3A_997 : vector<1x16xf32> to vector<16xf32>
        %add3A_999 = arith.addf %add3A_927, %get3A_998 : vector<16xf32>
        %add3A_1000 = arith.constant 400 : i32
        %add3A_1001 = arith.addi %add3A_1000, %mul3A_550 : i32
        %add3A_1002 = arith.constant 6 : i32
        %add3A_1003 = arith.addi %add3A_1001, %add3A_1002 : i32
        %get3A_1004 = arith.index_cast %add3A_1003 : i32 to index
        %get3A_1005 = arith.constant 32 : index
        %get3A_1006 = tpu.vector_load %arg6[%get3A_1004, %get3A_1005] {strides = array<i32>} : memref<600x128xf32, #tpu.memory_space<vmem>>, vector<1x16xf32>,
        %get3A_1007 = vector.shape_cast %get3A_1006 : vector<1x16xf32> to vector<16xf32>
        %add3A_1008 = arith.addf %add3A_936, %get3A_1007 : vector<16xf32>
        %add3A_1009 = arith.constant 400 : i32
        %add3A_1010 = arith.addi %add3A_1009, %mul3A_550 : i32
        %add3A_1011 = arith.constant 6 : i32
        %add3A_1012 = arith.addi %add3A_1010, %add3A_1011 : i32
        %get3A_1013 = arith.index_cast %add3A_1012 : i32 to index
        %get3A_1014 = arith.constant 48 : index
        %get3A_1015 = tpu.vector_load %arg6[%get3A_1013, %get3A_1014] {strides = array<i32>} : memref<600x128xf32, #tpu.memory_space<vmem>>, vector<1x16xf32>,
        %get3A_1016 = vector.shape_cast %get3A_1015 : vector<1x16xf32> to vector<16xf32>
        %add3A_1017 = arith.addf %add3A_945, %get3A_1016 : vector<16xf32>
        %add3A_1018 = arith.constant 400 : i32
        %add3A_1019 = arith.addi %add3A_1018, %mul3A_550 : i32
        %add3A_1020 = arith.constant 6 : i32
        %add3A_1021 = arith.addi %add3A_1019, %add3A_1020 : i32
        %get3A_1022 = arith.index_cast %add3A_1021 : i32 to index
        %get3A_1023 = arith.constant 64 : index
        %get3A_1024 = tpu.vector_load %arg6[%get3A_1022, %get3A_1023] {strides = array<i32>} : memref<600x128xf32, #tpu.memory_space<vmem>>, vector<1x16xf32>,
        %get3A_1025 = vector.shape_cast %get3A_1024 : vector<1x16xf32> to vector<16xf32>
        %add3A_1026 = arith.addf %add3A_954, %get3A_1025 : vector<16xf32>
        %add3A_1027 = arith.constant 400 : i32
        %add3A_1028 = arith.addi %add3A_1027, %mul3A_550 : i32
        %add3A_1029 = arith.constant 6 : i32
        %add3A_1030 = arith.addi %add3A_1028, %add3A_1029 : i32
        %get3A_1031 = arith.index_cast %add3A_1030 : i32 to index
        %get3A_1032 = arith.constant 80 : index
        %get3A_1033 = tpu.vector_load %arg6[%get3A_1031, %get3A_1032] {strides = array<i32>} : memref<600x128xf32, #tpu.memory_space<vmem>>, vector<1x16xf32>,
        %get3A_1034 = vector.shape_cast %get3A_1033 : vector<1x16xf32> to vector<16xf32>
        %add3A_1035 = arith.addf %add3A_963, %get3A_1034 : vector<16xf32>
        %add3A_1036 = arith.constant 400 : i32
        %add3A_1037 = arith.addi %add3A_1036, %mul3A_550 : i32
        %add3A_1038 = arith.constant 6 : i32
        %add3A_1039 = arith.addi %add3A_1037, %add3A_1038 : i32
        %get3A_1040 = arith.index_cast %add3A_1039 : i32 to index
        %get3A_1041 = arith.constant 96 : index
        %get3A_1042 = tpu.vector_load %arg6[%get3A_1040, %get3A_1041] {strides = array<i32>} : memref<600x128xf32, #tpu.memory_space<vmem>>, vector<1x16xf32>,
        %get3A_1043 = vector.shape_cast %get3A_1042 : vector<1x16xf32> to vector<16xf32>
        %add3A_1044 = arith.addf %add3A_972, %get3A_1043 : vector<16xf32>
        %add3A_1045 = arith.constant 400 : i32
        %add3A_1046 = arith.addi %add3A_1045, %mul3A_550 : i32
        %add3A_1047 = arith.constant 6 : i32
        %add3A_1048 = arith.addi %add3A_1046, %add3A_1047 : i32
        %get3A_1049 = arith.index_cast %add3A_1048 : i32 to index
        %get3A_1050 = arith.constant 112 : index
        %get3A_1051 = tpu.vector_load %arg6[%get3A_1049, %get3A_1050] {strides = array<i32>} : memref<600x128xf32, #tpu.memory_space<vmem>>, vector<1x16xf32>,
        %get3A_1052 = vector.shape_cast %get3A_1051 : vector<1x16xf32> to vector<16xf32>
        %add3A_1053 = arith.addf %add3A_981, %get3A_1052 : vector<16xf32>
        %add3A_1054 = arith.constant 400 : i32
        %add3A_1055 = arith.addi %add3A_1054, %mul3A_550 : i32
        %add3A_1056 = arith.constant 7 : i32
        %add3A_1057 = arith.addi %add3A_1055, %add3A_1056 : i32
        %get3A_1058 = arith.index_cast %add3A_1057 : i32 to index
        %get3A_1059 = arith.constant 0 : index
        %get3A_1060 = tpu.vector_load %arg6[%get3A_1058, %get3A_1059] {strides = array<i32>} : memref<600x128xf32, #tpu.memory_space<vmem>>, vector<1x16xf32>,
        %get3A_1061 = vector.shape_cast %get3A_1060 : vector<1x16xf32> to vector<16xf32>
        %add3A_1062 = arith.addf %add3A_990, %get3A_1061 : vector<16xf32>
        %add3A_1063 = arith.constant 400 : i32
        %add3A_1064 = arith.addi %add3A_1063, %mul3A_550 : i32
        %add3A_1065 = arith.constant 7 : i32
        %add3A_1066 = arith.addi %add3A_1064, %add3A_1065 : i32
        %get3A_1067 = arith.index_cast %add3A_1066 : i32 to index
        %get3A_1068 = arith.constant 16 : index
        %get3A_1069 = tpu.vector_load %arg6[%get3A_1067, %get3A_1068] {strides = array<i32>} : memref<600x128xf32, #tpu.memory_space<vmem>>, vector<1x16xf32>,
        %get3A_1070 = vector.shape_cast %get3A_1069 : vector<1x16xf32> to vector<16xf32>
        %add3A_1071 = arith.addf %add3A_999, %get3A_1070 : vector<16xf32>
        %add3A_1072 = arith.constant 400 : i32
        %add3A_1073 = arith.addi %add3A_1072, %mul3A_550 : i32
        %add3A_1074 = arith.constant 7 : i32
        %add3A_1075 = arith.addi %add3A_1073, %add3A_1074 : i32
        %get3A_1076 = arith.index_cast %add3A_1075 : i32 to index
        %get3A_1077 = arith.constant 32 : index
        %get3A_1078 = tpu.vector_load %arg6[%get3A_1076, %get3A_1077] {strides = array<i32>} : memref<600x128xf32, #tpu.memory_space<vmem>>, vector<1x16xf32>,
        %get3A_1079 = vector.shape_cast %get3A_1078 : vector<1x16xf32> to vector<16xf32>
        %add3A_1080 = arith.addf %add3A_1008, %get3A_1079 : vector<16xf32>
        %add3A_1081 = arith.constant 400 : i32
        %add3A_1082 = arith.addi %add3A_1081, %mul3A_550 : i32
        %add3A_1083 = arith.constant 7 : i32
        %add3A_1084 = arith.addi %add3A_1082, %add3A_1083 : i32
        %get3A_1085 = arith.index_cast %add3A_1084 : i32 to index
        %get3A_1086 = arith.constant 48 : index
        %get3A_1087 = tpu.vector_load %arg6[%get3A_1085, %get3A_1086] {strides = array<i32>} : memref<600x128xf32, #tpu.memory_space<vmem>>, vector<1x16xf32>,
        %get3A_1088 = vector.shape_cast %get3A_1087 : vector<1x16xf32> to vector<16xf32>
        %add3A_1089 = arith.addf %add3A_1017, %get3A_1088 : vector<16xf32>
        %add3A_1090 = arith.constant 400 : i32
        %add3A_1091 = arith.addi %add3A_1090, %mul3A_550 : i32
        %add3A_1092 = arith.constant 7 : i32
        %add3A_1093 = arith.addi %add3A_1091, %add3A_1092 : i32
        %get3A_1094 = arith.index_cast %add3A_1093 : i32 to index
        %get3A_1095 = arith.constant 64 : index
        %get3A_1096 = tpu.vector_load %arg6[%get3A_1094, %get3A_1095] {strides = array<i32>} : memref<600x128xf32, #tpu.memory_space<vmem>>, vector<1x16xf32>,
        %get3A_1097 = vector.shape_cast %get3A_1096 : vector<1x16xf32> to vector<16xf32>
        %add3A_1098 = arith.addf %add3A_1026, %get3A_1097 : vector<16xf32>
        %add3A_1099 = arith.constant 400 : i32
        %add3A_1100 = arith.addi %add3A_1099, %mul3A_550 : i32
        %add3A_1101 = arith.constant 7 : i32
        %add3A_1102 = arith.addi %add3A_1100, %add3A_1101 : i32
        %get3A_1103 = arith.index_cast %add3A_1102 : i32 to index
        %get3A_1104 = arith.constant 80 : index
        %get3A_1105 = tpu.vector_load %arg6[%get3A_1103, %get3A_1104] {strides = array<i32>} : memref<600x128xf32, #tpu.memory_space<vmem>>, vector<1x16xf32>,
        %get3A_1106 = vector.shape_cast %get3A_1105 : vector<1x16xf32> to vector<16xf32>
        %add3A_1107 = arith.addf %add3A_1035, %get3A_1106 : vector<16xf32>
        %add3A_1108 = arith.constant 400 : i32
        %add3A_1109 = arith.addi %add3A_1108, %mul3A_550 : i32
        %add3A_1110 = arith.constant 7 : i32
        %add3A_1111 = arith.addi %add3A_1109, %add3A_1110 : i32
        %get3A_1112 = arith.index_cast %add3A_1111 : i32 to index
        %get3A_1113 = arith.constant 96 : index
        %get3A_1114 = tpu.vector_load %arg6[%get3A_1112, %get3A_1113] {strides = array<i32>} : memref<600x128xf32, #tpu.memory_space<vmem>>, vector<1x16xf32>,
        %get3A_1115 = vector.shape_cast %get3A_1114 : vector<1x16xf32> to vector<16xf32>
        %add3A_1116 = arith.addf %add3A_1044, %get3A_1115 : vector<16xf32>
        %add3A_1117 = arith.constant 400 : i32
        %add3A_1118 = arith.addi %add3A_1117, %mul3A_550 : i32
        %add3A_1119 = arith.constant 7 : i32
        %add3A_1120 = arith.addi %add3A_1118, %add3A_1119 : i32
        %get3A_1121 = arith.index_cast %add3A_1120 : i32 to index
        %get3A_1122 = arith.constant 112 : index
        %get3A_1123 = tpu.vector_load %arg6[%get3A_1121, %get3A_1122] {strides = array<i32>} : memref<600x128xf32, #tpu.memory_space<vmem>>, vector<1x16xf32>,
        %get3A_1124 = vector.shape_cast %get3A_1123 : vector<1x16xf32> to vector<16xf32>
        %add3A_1125 = arith.addf %add3A_1053, %get3A_1124 : vector<16xf32>
        scf.yield %add3A_1062, %add3A_1071, %add3A_1080, %add3A_1089, %add3A_1098, %add3A_1107, %add3A_1116, %add3A_1125 : vector<16xf32>, vector<16xf32>, vector<16xf32>, vector<16xf32>, vector<16xf32>, vector<16xf32>, vector<16xf32>, vector<16xf32>
      }
      %scan3A_475 = arith.constant 25 : i32
      %mul3A_476 = arith.constant 128 : i32
      %mul3A_477 = arith.muli %add3A_453, %mul3A_476 : i32
      %add3A_478 = arith.constant 0 : i32
      %add3A_479 = arith.addi %mul3A_477, %add3A_478 : i32
      %swap3A_480 = arith.index_cast %add3A_479 : i32 to index
      %swap3A_481 = tpu.vector_load %arg7[%swap3A_480] {strides = array<i32>} : memref<16384xf32, #tpu.memory_space<vmem>>, vector<16xf32>,
      %swap3A_482 = vector.shape_cast %swap3A_481 : vector<16xf32> to vector<16xf32>
      %swap3A_483 = vector.shape_cast %scan3A_474#0 : vector<16xf32> to vector<16xf32>
      tpu.vector_store %arg7[%swap3A_480], %swap3A_483 {strides = array<i32>} : memref<16384xf32, #tpu.memory_space<vmem>>, vector<16xf32>,
      %mul3A_484 = arith.constant 128 : i32
      %mul3A_485 = arith.muli %add3A_453, %mul3A_484 : i32
      %add3A_486 = arith.constant 16 : i32
      %add3A_487 = arith.addi %mul3A_485, %add3A_486 : i32
      %swap3A_488 = arith.index_cast %add3A_487 : i32 to index
      %swap3A_489 = tpu.vector_load %arg7[%swap3A_488] {strides = array<i32>} : memref<16384xf32, #tpu.memory_space<vmem>>, vector<16xf32>,
      %swap3A_490 = vector.shape_cast %swap3A_489 : vector<16xf32> to vector<16xf32>
      %swap3A_491 = vector.shape_cast %scan3A_474#1 : vector<16xf32> to vector<16xf32>
      tpu.vector_store %arg7[%swap3A_488], %swap3A_491 {strides = array<i32>} : memref<16384xf32, #tpu.memory_space<vmem>>, vector<16xf32>,
      %mul3A_492 = arith.constant 128 : i32
      %mul3A_493 = arith.muli %add3A_453, %mul3A_492 : i32
      %add3A_494 = arith.constant 32 : i32
      %add3A_495 = arith.addi %mul3A_493, %add3A_494 : i32
      %swap3A_496 = arith.index_cast %add3A_495 : i32 to index
      %swap3A_497 = tpu.vector_load %arg7[%swap3A_496] {strides = array<i32>} : memref<16384xf32, #tpu.memory_space<vmem>>, vector<16xf32>,
      %swap3A_498 = vector.shape_cast %swap3A_497 : vector<16xf32> to vector<16xf32>
      %swap3A_499 = vector.shape_cast %scan3A_474#2 : vector<16xf32> to vector<16xf32>
      tpu.vector_store %arg7[%swap3A_496], %swap3A_499 {strides = array<i32>} : memref<16384xf32, #tpu.memory_space<vmem>>, vector<16xf32>,
      %mul3A_500 = arith.constant 128 : i32
      %mul3A_501 = arith.muli %add3A_453, %mul3A_500 : i32
      %add3A_502 = arith.constant 48 : i32
      %add3A_503 = arith.addi %mul3A_501, %add3A_502 : i32
      %swap3A_504 = arith.index_cast %add3A_503 : i32 to index
      %swap3A_505 = tpu.vector_load %arg7[%swap3A_504] {strides = array<i32>} : memref<16384xf32, #tpu.memory_space<vmem>>, vector<16xf32>,
      %swap3A_506 = vector.shape_cast %swap3A_505 : vector<16xf32> to vector<16xf32>
      %swap3A_507 = vector.shape_cast %scan3A_474#3 : vector<16xf32> to vector<16xf32>
      tpu.vector_store %arg7[%swap3A_504], %swap3A_507 {strides = array<i32>} : memref<16384xf32, #tpu.memory_space<vmem>>, vector<16xf32>,
      %mul3A_508 = arith.constant 128 : i32
      %mul3A_509 = arith.muli %add3A_453, %mul3A_508 : i32
      %add3A_510 = arith.constant 64 : i32
      %add3A_511 = arith.addi %mul3A_509, %add3A_510 : i32
      %swap3A_512 = arith.index_cast %add3A_511 : i32 to index
      %swap3A_513 = tpu.vector_load %arg7[%swap3A_512] {strides = array<i32>} : memref<16384xf32, #tpu.memory_space<vmem>>, vector<16xf32>,
      %swap3A_514 = vector.shape_cast %swap3A_513 : vector<16xf32> to vector<16xf32>
      %swap3A_515 = vector.shape_cast %scan3A_474#4 : vector<16xf32> to vector<16xf32>
      tpu.vector_store %arg7[%swap3A_512], %swap3A_515 {strides = array<i32>} : memref<16384xf32, #tpu.memory_space<vmem>>, vector<16xf32>,
      %mul3A_516 = arith.constant 128 : i32
      %mul3A_517 = arith.muli %add3A_453, %mul3A_516 : i32
      %add3A_518 = arith.constant 80 : i32
      %add3A_519 = arith.addi %mul3A_517, %add3A_518 : i32
      %swap3A_520 = arith.index_cast %add3A_519 : i32 to index
      %swap3A_521 = tpu.vector_load %arg7[%swap3A_520] {strides = array<i32>} : memref<16384xf32, #tpu.memory_space<vmem>>, vector<16xf32>,
      %swap3A_522 = vector.shape_cast %swap3A_521 : vector<16xf32> to vector<16xf32>
      %swap3A_523 = vector.shape_cast %scan3A_474#5 : vector<16xf32> to vector<16xf32>
      tpu.vector_store %arg7[%swap3A_520], %swap3A_523 {strides = array<i32>} : memref<16384xf32, #tpu.memory_space<vmem>>, vector<16xf32>,
      %mul3A_524 = arith.constant 128 : i32
      %mul3A_525 = arith.muli %add3A_453, %mul3A_524 : i32
      %add3A_526 = arith.constant 96 : i32
      %add3A_527 = arith.addi %mul3A_525, %add3A_526 : i32
      %swap3A_528 = arith.index_cast %add3A_527 : i32 to index
      %swap3A_529 = tpu.vector_load %arg7[%swap3A_528] {strides = array<i32>} : memref<16384xf32, #tpu.memory_space<vmem>>, vector<16xf32>,
      %swap3A_530 = vector.shape_cast %swap3A_529 : vector<16xf32> to vector<16xf32>
      %swap3A_531 = vector.shape_cast %scan3A_474#6 : vector<16xf32> to vector<16xf32>
      tpu.vector_store %arg7[%swap3A_528], %swap3A_531 {strides = array<i32>} : memref<16384xf32, #tpu.memory_space<vmem>>, vector<16xf32>,
      %mul3A_532 = arith.constant 128 : i32
      %mul3A_533 = arith.muli %add3A_453, %mul3A_532 : i32
      %add3A_534 = arith.constant 112 : i32
      %add3A_535 = arith.addi %mul3A_533, %add3A_534 : i32
      %swap3A_536 = arith.index_cast %add3A_535 : i32 to index
      %swap3A_537 = tpu.vector_load %arg7[%swap3A_536] {strides = array<i32>} : memref<16384xf32, #tpu.memory_space<vmem>>, vector<16xf32>,
      %swap3A_538 = vector.shape_cast %swap3A_537 : vector<16xf32> to vector<16xf32>
      %swap3A_539 = vector.shape_cast %scan3A_474#7 : vector<16xf32> to vector<16xf32>
      tpu.vector_store %arg7[%swap3A_536], %swap3A_539 {strides = array<i32>} : memref<16384xf32, #tpu.memory_space<vmem>>, vector<16xf32>,
    }
    %scan3A_38 = arith.constant 42 : i32
    %dma_wait3A = arith.constant 0 : i32
    %dma_wait3A_39 = arith.constant 0 : i32
    %dma_wait3A_40 = tpu.memref_slice %arg6[%dma_wait3A, %dma_wait3A_39] : memref<600x128xf32, #tpu.memory_space<vmem>> -> memref<120x128xf32, #tpu.memory_space<vmem>>
    %dma_wait3A_41 = arith.constant 25200 : i32
    %dma_wait3A_42 = tpu.memref_slice %arg5[%dma_wait3A_41] : memref<25600xi32, #tpu.memory_space<vmem>> -> memref<120xi32, #tpu.memory_space<vmem>>
    %dma_wait3A_43 = arith.constant 0 : i32
    %dma_wait3A_44 = arith.constant 0 : i32
    %dma_wait3A_45 = tpu.memref_slice %arg3[%dma_wait3A_43, %dma_wait3A_44] : memref<100000x128xf32, #tpu.memory_space<hbm>> -> memref<100000x128xf32, #tpu.memory_space<hbm>>
    tpu.wait_indirect_dma semaphore(%arg8 : memref<!tpu.dma_semaphore, #tpu.memory_space<semaphore_mem>>) src(%dma_wait3A_45 : memref<100000x128xf32, #tpu.memory_space<hbm>>) dst(%dma_wait3A_40 : memref<120x128xf32, #tpu.memory_space<vmem>>)
    %dma_wait3A_46 = arith.constant 120 : i32
    %dma_wait3A_47 = arith.constant 0 : i32
    %dma_wait3A_48 = tpu.memref_slice %arg6[%dma_wait3A_46, %dma_wait3A_47] : memref<600x128xf32, #tpu.memory_space<vmem>> -> memref<80x128xf32, #tpu.memory_space<vmem>>
    %dma_wait3A_49 = arith.constant 25320 : i32
    %dma_wait3A_50 = tpu.memref_slice %arg5[%dma_wait3A_49] : memref<25600xi32, #tpu.memory_space<vmem>> -> memref<80xi32, #tpu.memory_space<vmem>>
    %dma_wait3A_51 = arith.constant 0 : i32
    %dma_wait3A_52 = arith.constant 0 : i32
    %dma_wait3A_53 = tpu.memref_slice %arg3[%dma_wait3A_51, %dma_wait3A_52] : memref<100000x128xf32, #tpu.memory_space<hbm>> -> memref<100000x128xf32, #tpu.memory_space<hbm>>
    tpu.wait_indirect_dma semaphore(%arg8 : memref<!tpu.dma_semaphore, #tpu.memory_space<semaphore_mem>>) src(%dma_wait3A_53 : memref<100000x128xf32, #tpu.memory_space<hbm>>) dst(%dma_wait3A_48 : memref<80x128xf32, #tpu.memory_space<vmem>>)
    %broadcast_in_dim3A = arith.constant 0.000000e+00 : f32
    %broadcast_in_dim3A_54 = vector.broadcast %broadcast_in_dim3A : f32 to vector<16xf32>
    %broadcast_in_dim3A_55 = arith.constant 0.000000e+00 : f32
    %broadcast_in_dim3A_56 = vector.broadcast %broadcast_in_dim3A_55 : f32 to vector<16xf32>
    %broadcast_in_dim3A_57 = arith.constant 0.000000e+00 : f32
    %broadcast_in_dim3A_58 = vector.broadcast %broadcast_in_dim3A_57 : f32 to vector<16xf32>
    %broadcast_in_dim3A_59 = arith.constant 0.000000e+00 : f32
    %broadcast_in_dim3A_60 = vector.broadcast %broadcast_in_dim3A_59 : f32 to vector<16xf32>
    %broadcast_in_dim3A_61 = arith.constant 0.000000e+00 : f32
    %broadcast_in_dim3A_62 = vector.broadcast %broadcast_in_dim3A_61 : f32 to vector<16xf32>
    %broadcast_in_dim3A_63 = arith.constant 0.000000e+00 : f32
    %broadcast_in_dim3A_64 = vector.broadcast %broadcast_in_dim3A_63 : f32 to vector<16xf32>
    %broadcast_in_dim3A_65 = arith.constant 0.000000e+00 : f32
    %broadcast_in_dim3A_66 = vector.broadcast %broadcast_in_dim3A_65 : f32 to vector<16xf32>
    %broadcast_in_dim3A_67 = arith.constant 0.000000e+00 : f32
    %broadcast_in_dim3A_68 = vector.broadcast %broadcast_in_dim3A_67 : f32 to vector<16xf32>
    %scan3A_69 = arith.constant 0 : i32
    %scan3A_70 = arith.constant 25 : i32
    %scan3A_71 = arith.addi %scan3A_69, %scan3A_70 : i32
    %scan3A_72 = arith.constant 1 : i32
    %scan3A_73:8 = scf.for %scan3A_178 = %scan3A_69 to %scan3A_71 step %scan3A_72 iter_args(%scan3A_179 = %broadcast_in_dim3A_54, %scan3A_180 = %broadcast_in_dim3A_56, %scan3A_181 = %broadcast_in_dim3A_58, %scan3A_182 = %broadcast_in_dim3A_60, %scan3A_183 = %broadcast_in_dim3A_62, %scan3A_184 = %broadcast_in_dim3A_64, %scan3A_185 = %broadcast_in_dim3A_66, %scan3A_186 = %broadcast_in_dim3A_68) -> (vector<16xf32>, vector<16xf32>, vector<16xf32>, vector<16xf32>, vector<16xf32>, vector<16xf32>, vector<16xf32>, vector<16xf32>)  : i32 {
      %mul3A_187 = arith.constant 8 : i32
      %mul3A_188 = arith.muli %scan3A_178, %mul3A_187 : i32
      %add3A_189 = arith.constant 0 : i32
      %add3A_190 = arith.addi %add3A_189, %mul3A_188 : i32
      %add3A_191 = arith.constant 0 : i32
      %add3A_192 = arith.addi %add3A_190, %add3A_191 : i32
      %get3A = arith.index_cast %add3A_192 : i32 to index
      %get3A_193 = arith.constant 0 : index
      %get3A_194 = tpu.vector_load %arg6[%get3A, %get3A_193] {strides = array<i32>} : memref<600x128xf32, #tpu.memory_space<vmem>>, vector<1x16xf32>,
      %get3A_195 = vector.shape_cast %get3A_194 : vector<1x16xf32> to vector<16xf32>
      %add3A_196 = arith.addf %scan3A_179, %get3A_195 : vector<16xf32>
      %add3A_197 = arith.constant 0 : i32
      %add3A_198 = arith.addi %add3A_197, %mul3A_188 : i32
      %add3A_199 = arith.constant 0 : i32
      %add3A_200 = arith.addi %add3A_198, %add3A_199 : i32
      %get3A_201 = arith.index_cast %add3A_200 : i32 to index
      %get3A_202 = arith.constant 16 : index
      %get3A_203 = tpu.vector_load %arg6[%get3A_201, %get3A_202] {strides = array<i32>} : memref<600x128xf32, #tpu.memory_space<vmem>>, vector<1x16xf32>,
      %get3A_204 = vector.shape_cast %get3A_203 : vector<1x16xf32> to vector<16xf32>
      %add3A_205 = arith.addf %scan3A_180, %get3A_204 : vector<16xf32>
      %add3A_206 = arith.constant 0 : i32
      %add3A_207 = arith.addi %add3A_206, %mul3A_188 : i32
      %add3A_208 = arith.constant 0 : i32
      %add3A_209 = arith.addi %add3A_207, %add3A_208 : i32
      %get3A_210 = arith.index_cast %add3A_209 : i32 to index
      %get3A_211 = arith.constant 32 : index
      %get3A_212 = tpu.vector_load %arg6[%get3A_210, %get3A_211] {strides = array<i32>} : memref<600x128xf32, #tpu.memory_space<vmem>>, vector<1x16xf32>,
      %get3A_213 = vector.shape_cast %get3A_212 : vector<1x16xf32> to vector<16xf32>
      %add3A_214 = arith.addf %scan3A_181, %get3A_213 : vector<16xf32>
      %add3A_215 = arith.constant 0 : i32
      %add3A_216 = arith.addi %add3A_215, %mul3A_188 : i32
      %add3A_217 = arith.constant 0 : i32
      %add3A_218 = arith.addi %add3A_216, %add3A_217 : i32
      %get3A_219 = arith.index_cast %add3A_218 : i32 to index
      %get3A_220 = arith.constant 48 : index
      %get3A_221 = tpu.vector_load %arg6[%get3A_219, %get3A_220] {strides = array<i32>} : memref<600x128xf32, #tpu.memory_space<vmem>>, vector<1x16xf32>,
      %get3A_222 = vector.shape_cast %get3A_221 : vector<1x16xf32> to vector<16xf32>
      %add3A_223 = arith.addf %scan3A_182, %get3A_222 : vector<16xf32>
      %add3A_224 = arith.constant 0 : i32
      %add3A_225 = arith.addi %add3A_224, %mul3A_188 : i32
      %add3A_226 = arith.constant 0 : i32
      %add3A_227 = arith.addi %add3A_225, %add3A_226 : i32
      %get3A_228 = arith.index_cast %add3A_227 : i32 to index
      %get3A_229 = arith.constant 64 : index
      %get3A_230 = tpu.vector_load %arg6[%get3A_228, %get3A_229] {strides = array<i32>} : memref<600x128xf32, #tpu.memory_space<vmem>>, vector<1x16xf32>,
      %get3A_231 = vector.shape_cast %get3A_230 : vector<1x16xf32> to vector<16xf32>
      %add3A_232 = arith.addf %scan3A_183, %get3A_231 : vector<16xf32>
      %add3A_233 = arith.constant 0 : i32
      %add3A_234 = arith.addi %add3A_233, %mul3A_188 : i32
      %add3A_235 = arith.constant 0 : i32
      %add3A_236 = arith.addi %add3A_234, %add3A_235 : i32
      %get3A_237 = arith.index_cast %add3A_236 : i32 to index
      %get3A_238 = arith.constant 80 : index
      %get3A_239 = tpu.vector_load %arg6[%get3A_237, %get3A_238] {strides = array<i32>} : memref<600x128xf32, #tpu.memory_space<vmem>>, vector<1x16xf32>,
      %get3A_240 = vector.shape_cast %get3A_239 : vector<1x16xf32> to vector<16xf32>
      %add3A_241 = arith.addf %scan3A_184, %get3A_240 : vector<16xf32>
      %add3A_242 = arith.constant 0 : i32
      %add3A_243 = arith.addi %add3A_242, %mul3A_188 : i32
      %add3A_244 = arith.constant 0 : i32
      %add3A_245 = arith.addi %add3A_243, %add3A_244 : i32
      %get3A_246 = arith.index_cast %add3A_245 : i32 to index
      %get3A_247 = arith.constant 96 : index
      %get3A_248 = tpu.vector_load %arg6[%get3A_246, %get3A_247] {strides = array<i32>} : memref<600x128xf32, #tpu.memory_space<vmem>>, vector<1x16xf32>,
      %get3A_249 = vector.shape_cast %get3A_248 : vector<1x16xf32> to vector<16xf32>
      %add3A_250 = arith.addf %scan3A_185, %get3A_249 : vector<16xf32>
      %add3A_251 = arith.constant 0 : i32
      %add3A_252 = arith.addi %add3A_251, %mul3A_188 : i32
      %add3A_253 = arith.constant 0 : i32
      %add3A_254 = arith.addi %add3A_252, %add3A_253 : i32
      %get3A_255 = arith.index_cast %add3A_254 : i32 to index
      %get3A_256 = arith.constant 112 : index
      %get3A_257 = tpu.vector_load %arg6[%get3A_255, %get3A_256] {strides = array<i32>} : memref<600x128xf32, #tpu.memory_space<vmem>>, vector<1x16xf32>,
      %get3A_258 = vector.shape_cast %get3A_257 : vector<1x16xf32> to vector<16xf32>
      %add3A_259 = arith.addf %scan3A_186, %get3A_258 : vector<16xf32>
      %add3A_260 = arith.constant 0 : i32
      %add3A_261 = arith.addi %add3A_260, %mul3A_188 : i32
      %add3A_262 = arith.constant 1 : i32
      %add3A_263 = arith.addi %add3A_261, %add3A_262 : i32
      %get3A_264 = arith.index_cast %add3A_263 : i32 to index
      %get3A_265 = arith.constant 0 : index
      %get3A_266 = tpu.vector_load %arg6[%get3A_264, %get3A_265] {strides = array<i32>} : memref<600x128xf32, #tpu.memory_space<vmem>>, vector<1x16xf32>,
      %get3A_267 = vector.shape_cast %get3A_266 : vector<1x16xf32> to vector<16xf32>
      %add3A_268 = arith.addf %add3A_196, %get3A_267 : vector<16xf32>
      %add3A_269 = arith.constant 0 : i32
      %add3A_270 = arith.addi %add3A_269, %mul3A_188 : i32
      %add3A_271 = arith.constant 1 : i32
      %add3A_272 = arith.addi %add3A_270, %add3A_271 : i32
      %get3A_273 = arith.index_cast %add3A_272 : i32 to index
      %get3A_274 = arith.constant 16 : index
      %get3A_275 = tpu.vector_load %arg6[%get3A_273, %get3A_274] {strides = array<i32>} : memref<600x128xf32, #tpu.memory_space<vmem>>, vector<1x16xf32>,
      %get3A_276 = vector.shape_cast %get3A_275 : vector<1x16xf32> to vector<16xf32>
      %add3A_277 = arith.addf %add3A_205, %get3A_276 : vector<16xf32>
      %add3A_278 = arith.constant 0 : i32
      %add3A_279 = arith.addi %add3A_278, %mul3A_188 : i32
      %add3A_280 = arith.constant 1 : i32
      %add3A_281 = arith.addi %add3A_279, %add3A_280 : i32
      %get3A_282 = arith.index_cast %add3A_281 : i32 to index
      %get3A_283 = arith.constant 32 : index
      %get3A_284 = tpu.vector_load %arg6[%get3A_282, %get3A_283] {strides = array<i32>} : memref<600x128xf32, #tpu.memory_space<vmem>>, vector<1x16xf32>,
      %get3A_285 = vector.shape_cast %get3A_284 : vector<1x16xf32> to vector<16xf32>
      %add3A_286 = arith.addf %add3A_214, %get3A_285 : vector<16xf32>
      %add3A_287 = arith.constant 0 : i32
      %add3A_288 = arith.addi %add3A_287, %mul3A_188 : i32
      %add3A_289 = arith.constant 1 : i32
      %add3A_290 = arith.addi %add3A_288, %add3A_289 : i32
      %get3A_291 = arith.index_cast %add3A_290 : i32 to index
      %get3A_292 = arith.constant 48 : index
      %get3A_293 = tpu.vector_load %arg6[%get3A_291, %get3A_292] {strides = array<i32>} : memref<600x128xf32, #tpu.memory_space<vmem>>, vector<1x16xf32>,
      %get3A_294 = vector.shape_cast %get3A_293 : vector<1x16xf32> to vector<16xf32>
      %add3A_295 = arith.addf %add3A_223, %get3A_294 : vector<16xf32>
      %add3A_296 = arith.constant 0 : i32
      %add3A_297 = arith.addi %add3A_296, %mul3A_188 : i32
      %add3A_298 = arith.constant 1 : i32
      %add3A_299 = arith.addi %add3A_297, %add3A_298 : i32
      %get3A_300 = arith.index_cast %add3A_299 : i32 to index
      %get3A_301 = arith.constant 64 : index
      %get3A_302 = tpu.vector_load %arg6[%get3A_300, %get3A_301] {strides = array<i32>} : memref<600x128xf32, #tpu.memory_space<vmem>>, vector<1x16xf32>,
      %get3A_303 = vector.shape_cast %get3A_302 : vector<1x16xf32> to vector<16xf32>
      %add3A_304 = arith.addf %add3A_232, %get3A_303 : vector<16xf32>
      %add3A_305 = arith.constant 0 : i32
      %add3A_306 = arith.addi %add3A_305, %mul3A_188 : i32
      %add3A_307 = arith.constant 1 : i32
      %add3A_308 = arith.addi %add3A_306, %add3A_307 : i32
      %get3A_309 = arith.index_cast %add3A_308 : i32 to index
      %get3A_310 = arith.constant 80 : index
      %get3A_311 = tpu.vector_load %arg6[%get3A_309, %get3A_310] {strides = array<i32>} : memref<600x128xf32, #tpu.memory_space<vmem>>, vector<1x16xf32>,
      %get3A_312 = vector.shape_cast %get3A_311 : vector<1x16xf32> to vector<16xf32>
      %add3A_313 = arith.addf %add3A_241, %get3A_312 : vector<16xf32>
      %add3A_314 = arith.constant 0 : i32
      %add3A_315 = arith.addi %add3A_314, %mul3A_188 : i32
      %add3A_316 = arith.constant 1 : i32
      %add3A_317 = arith.addi %add3A_315, %add3A_316 : i32
      %get3A_318 = arith.index_cast %add3A_317 : i32 to index
      %get3A_319 = arith.constant 96 : index
      %get3A_320 = tpu.vector_load %arg6[%get3A_318, %get3A_319] {strides = array<i32>} : memref<600x128xf32, #tpu.memory_space<vmem>>, vector<1x16xf32>,
      %get3A_321 = vector.shape_cast %get3A_320 : vector<1x16xf32> to vector<16xf32>
      %add3A_322 = arith.addf %add3A_250, %get3A_321 : vector<16xf32>
      %add3A_323 = arith.constant 0 : i32
      %add3A_324 = arith.addi %add3A_323, %mul3A_188 : i32
      %add3A_325 = arith.constant 1 : i32
      %add3A_326 = arith.addi %add3A_324, %add3A_325 : i32
      %get3A_327 = arith.index_cast %add3A_326 : i32 to index
      %get3A_328 = arith.constant 112 : index
      %get3A_329 = tpu.vector_load %arg6[%get3A_327, %get3A_328] {strides = array<i32>} : memref<600x128xf32, #tpu.memory_space<vmem>>, vector<1x16xf32>,
      %get3A_330 = vector.shape_cast %get3A_329 : vector<1x16xf32> to vector<16xf32>
      %add3A_331 = arith.addf %add3A_259, %get3A_330 : vector<16xf32>
      %add3A_332 = arith.constant 0 : i32
      %add3A_333 = arith.addi %add3A_332, %mul3A_188 : i32
      %add3A_334 = arith.constant 2 : i32
      %add3A_335 = arith.addi %add3A_333, %add3A_334 : i32
      %get3A_336 = arith.index_cast %add3A_335 : i32 to index
      %get3A_337 = arith.constant 0 : index
      %get3A_338 = tpu.vector_load %arg6[%get3A_336, %get3A_337] {strides = array<i32>} : memref<600x128xf32, #tpu.memory_space<vmem>>, vector<1x16xf32>,
      %get3A_339 = vector.shape_cast %get3A_338 : vector<1x16xf32> to vector<16xf32>
      %add3A_340 = arith.addf %add3A_268, %get3A_339 : vector<16xf32>
      %add3A_341 = arith.constant 0 : i32
      %add3A_342 = arith.addi %add3A_341, %mul3A_188 : i32
      %add3A_343 = arith.constant 2 : i32
      %add3A_344 = arith.addi %add3A_342, %add3A_343 : i32
      %get3A_345 = arith.index_cast %add3A_344 : i32 to index
      %get3A_346 = arith.constant 16 : index
      %get3A_347 = tpu.vector_load %arg6[%get3A_345, %get3A_346] {strides = array<i32>} : memref<600x128xf32, #tpu.memory_space<vmem>>, vector<1x16xf32>,
      %get3A_348 = vector.shape_cast %get3A_347 : vector<1x16xf32> to vector<16xf32>
      %add3A_349 = arith.addf %add3A_277, %get3A_348 : vector<16xf32>
      %add3A_350 = arith.constant 0 : i32
      %add3A_351 = arith.addi %add3A_350, %mul3A_188 : i32
      %add3A_352 = arith.constant 2 : i32
      %add3A_353 = arith.addi %add3A_351, %add3A_352 : i32
      %get3A_354 = arith.index_cast %add3A_353 : i32 to index
      %get3A_355 = arith.constant 32 : index
      %get3A_356 = tpu.vector_load %arg6[%get3A_354, %get3A_355] {strides = array<i32>} : memref<600x128xf32, #tpu.memory_space<vmem>>, vector<1x16xf32>,
      %get3A_357 = vector.shape_cast %get3A_356 : vector<1x16xf32> to vector<16xf32>
      %add3A_358 = arith.addf %add3A_286, %get3A_357 : vector<16xf32>
      %add3A_359 = arith.constant 0 : i32
      %add3A_360 = arith.addi %add3A_359, %mul3A_188 : i32
      %add3A_361 = arith.constant 2 : i32
      %add3A_362 = arith.addi %add3A_360, %add3A_361 : i32
      %get3A_363 = arith.index_cast %add3A_362 : i32 to index
      %get3A_364 = arith.constant 48 : index
      %get3A_365 = tpu.vector_load %arg6[%get3A_363, %get3A_364] {strides = array<i32>} : memref<600x128xf32, #tpu.memory_space<vmem>>, vector<1x16xf32>,
      %get3A_366 = vector.shape_cast %get3A_365 : vector<1x16xf32> to vector<16xf32>
      %add3A_367 = arith.addf %add3A_295, %get3A_366 : vector<16xf32>
      %add3A_368 = arith.constant 0 : i32
      %add3A_369 = arith.addi %add3A_368, %mul3A_188 : i32
      %add3A_370 = arith.constant 2 : i32
      %add3A_371 = arith.addi %add3A_369, %add3A_370 : i32
      %get3A_372 = arith.index_cast %add3A_371 : i32 to index
      %get3A_373 = arith.constant 64 : index
      %get3A_374 = tpu.vector_load %arg6[%get3A_372, %get3A_373] {strides = array<i32>} : memref<600x128xf32, #tpu.memory_space<vmem>>, vector<1x16xf32>,
      %get3A_375 = vector.shape_cast %get3A_374 : vector<1x16xf32> to vector<16xf32>
      %add3A_376 = arith.addf %add3A_304, %get3A_375 : vector<16xf32>
      %add3A_377 = arith.constant 0 : i32
      %add3A_378 = arith.addi %add3A_377, %mul3A_188 : i32
      %add3A_379 = arith.constant 2 : i32
      %add3A_380 = arith.addi %add3A_378, %add3A_379 : i32
      %get3A_381 = arith.index_cast %add3A_380 : i32 to index
      %get3A_382 = arith.constant 80 : index
      %get3A_383 = tpu.vector_load %arg6[%get3A_381, %get3A_382] {strides = array<i32>} : memref<600x128xf32, #tpu.memory_space<vmem>>, vector<1x16xf32>,
      %get3A_384 = vector.shape_cast %get3A_383 : vector<1x16xf32> to vector<16xf32>
      %add3A_385 = arith.addf %add3A_313, %get3A_384 : vector<16xf32>
      %add3A_386 = arith.constant 0 : i32
      %add3A_387 = arith.addi %add3A_386, %mul3A_188 : i32
      %add3A_388 = arith.constant 2 : i32
      %add3A_389 = arith.addi %add3A_387, %add3A_388 : i32
      %get3A_390 = arith.index_cast %add3A_389 : i32 to index
      %get3A_391 = arith.constant 96 : index
      %get3A_392 = tpu.vector_load %arg6[%get3A_390, %get3A_391] {strides = array<i32>} : memref<600x128xf32, #tpu.memory_space<vmem>>, vector<1x16xf32>,
      %get3A_393 = vector.shape_cast %get3A_392 : vector<1x16xf32> to vector<16xf32>
      %add3A_394 = arith.addf %add3A_322, %get3A_393 : vector<16xf32>
      %add3A_395 = arith.constant 0 : i32
      %add3A_396 = arith.addi %add3A_395, %mul3A_188 : i32
      %add3A_397 = arith.constant 2 : i32
      %add3A_398 = arith.addi %add3A_396, %add3A_397 : i32
      %get3A_399 = arith.index_cast %add3A_398 : i32 to index
      %get3A_400 = arith.constant 112 : index
      %get3A_401 = tpu.vector_load %arg6[%get3A_399, %get3A_400] {strides = array<i32>} : memref<600x128xf32, #tpu.memory_space<vmem>>, vector<1x16xf32>,
      %get3A_402 = vector.shape_cast %get3A_401 : vector<1x16xf32> to vector<16xf32>
      %add3A_403 = arith.addf %add3A_331, %get3A_402 : vector<16xf32>
      %add3A_404 = arith.constant 0 : i32
      %add3A_405 = arith.addi %add3A_404, %mul3A_188 : i32
      %add3A_406 = arith.constant 3 : i32
      %add3A_407 = arith.addi %add3A_405, %add3A_406 : i32
      %get3A_408 = arith.index_cast %add3A_407 : i32 to index
      %get3A_409 = arith.constant 0 : index
      %get3A_410 = tpu.vector_load %arg6[%get3A_408, %get3A_409] {strides = array<i32>} : memref<600x128xf32, #tpu.memory_space<vmem>>, vector<1x16xf32>,
      %get3A_411 = vector.shape_cast %get3A_410 : vector<1x16xf32> to vector<16xf32>
      %add3A_412 = arith.addf %add3A_340, %get3A_411 : vector<16xf32>
      %add3A_413 = arith.constant 0 : i32
      %add3A_414 = arith.addi %add3A_413, %mul3A_188 : i32
      %add3A_415 = arith.constant 3 : i32
      %add3A_416 = arith.addi %add3A_414, %add3A_415 : i32
      %get3A_417 = arith.index_cast %add3A_416 : i32 to index
      %get3A_418 = arith.constant 16 : index
      %get3A_419 = tpu.vector_load %arg6[%get3A_417, %get3A_418] {strides = array<i32>} : memref<600x128xf32, #tpu.memory_space<vmem>>, vector<1x16xf32>,
      %get3A_420 = vector.shape_cast %get3A_419 : vector<1x16xf32> to vector<16xf32>
      %add3A_421 = arith.addf %add3A_349, %get3A_420 : vector<16xf32>
      %add3A_422 = arith.constant 0 : i32
      %add3A_423 = arith.addi %add3A_422, %mul3A_188 : i32
      %add3A_424 = arith.constant 3 : i32
      %add3A_425 = arith.addi %add3A_423, %add3A_424 : i32
      %get3A_426 = arith.index_cast %add3A_425 : i32 to index
      %get3A_427 = arith.constant 32 : index
      %get3A_428 = tpu.vector_load %arg6[%get3A_426, %get3A_427] {strides = array<i32>} : memref<600x128xf32, #tpu.memory_space<vmem>>, vector<1x16xf32>,
      %get3A_429 = vector.shape_cast %get3A_428 : vector<1x16xf32> to vector<16xf32>
      %add3A_430 = arith.addf %add3A_358, %get3A_429 : vector<16xf32>
      %add3A_431 = arith.constant 0 : i32
      %add3A_432 = arith.addi %add3A_431, %mul3A_188 : i32
      %add3A_433 = arith.constant 3 : i32
      %add3A_434 = arith.addi %add3A_432, %add3A_433 : i32
      %get3A_435 = arith.index_cast %add3A_434 : i32 to index
      %get3A_436 = arith.constant 48 : index
      %get3A_437 = tpu.vector_load %arg6[%get3A_435, %get3A_436] {strides = array<i32>} : memref<600x128xf32, #tpu.memory_space<vmem>>, vector<1x16xf32>,
      %get3A_438 = vector.shape_cast %get3A_437 : vector<1x16xf32> to vector<16xf32>
      %add3A_439 = arith.addf %add3A_367, %get3A_438 : vector<16xf32>
      %add3A_440 = arith.constant 0 : i32
      %add3A_441 = arith.addi %add3A_440, %mul3A_188 : i32
      %add3A_442 = arith.constant 3 : i32
      %add3A_443 = arith.addi %add3A_441, %add3A_442 : i32
      %get3A_444 = arith.index_cast %add3A_443 : i32 to index
      %get3A_445 = arith.constant 64 : index
      %get3A_446 = tpu.vector_load %arg6[%get3A_444, %get3A_445] {strides = array<i32>} : memref<600x128xf32, #tpu.memory_space<vmem>>, vector<1x16xf32>,
      %get3A_447 = vector.shape_cast %get3A_446 : vector<1x16xf32> to vector<16xf32>
      %add3A_448 = arith.addf %add3A_376, %get3A_447 : vector<16xf32>
      %add3A_449 = arith.constant 0 : i32
      %add3A_450 = arith.addi %add3A_449, %mul3A_188 : i32
      %add3A_451 = arith.constant 3 : i32
      %add3A_452 = arith.addi %add3A_450, %add3A_451 : i32
      %get3A_453 = arith.index_cast %add3A_452 : i32 to index
      %get3A_454 = arith.constant 80 : index
      %get3A_455 = tpu.vector_load %arg6[%get3A_453, %get3A_454] {strides = array<i32>} : memref<600x128xf32, #tpu.memory_space<vmem>>, vector<1x16xf32>,
      %get3A_456 = vector.shape_cast %get3A_455 : vector<1x16xf32> to vector<16xf32>
      %add3A_457 = arith.addf %add3A_385, %get3A_456 : vector<16xf32>
      %add3A_458 = arith.constant 0 : i32
      %add3A_459 = arith.addi %add3A_458, %mul3A_188 : i32
      %add3A_460 = arith.constant 3 : i32
      %add3A_461 = arith.addi %add3A_459, %add3A_460 : i32
      %get3A_462 = arith.index_cast %add3A_461 : i32 to index
      %get3A_463 = arith.constant 96 : index
      %get3A_464 = tpu.vector_load %arg6[%get3A_462, %get3A_463] {strides = array<i32>} : memref<600x128xf32, #tpu.memory_space<vmem>>, vector<1x16xf32>,
      %get3A_465 = vector.shape_cast %get3A_464 : vector<1x16xf32> to vector<16xf32>
      %add3A_466 = arith.addf %add3A_394, %get3A_465 : vector<16xf32>
      %add3A_467 = arith.constant 0 : i32
      %add3A_468 = arith.addi %add3A_467, %mul3A_188 : i32
      %add3A_469 = arith.constant 3 : i32
      %add3A_470 = arith.addi %add3A_468, %add3A_469 : i32
      %get3A_471 = arith.index_cast %add3A_470 : i32 to index
      %get3A_472 = arith.constant 112 : index
      %get3A_473 = tpu.vector_load %arg6[%get3A_471, %get3A_472] {strides = array<i32>} : memref<600x128xf32, #tpu.memory_space<vmem>>, vector<1x16xf32>,
      %get3A_474 = vector.shape_cast %get3A_473 : vector<1x16xf32> to vector<16xf32>
      %add3A_475 = arith.addf %add3A_403, %get3A_474 : vector<16xf32>
      %add3A_476 = arith.constant 0 : i32
      %add3A_477 = arith.addi %add3A_476, %mul3A_188 : i32
      %add3A_478 = arith.constant 4 : i32
      %add3A_479 = arith.addi %add3A_477, %add3A_478 : i32
      %get3A_480 = arith.index_cast %add3A_479 : i32 to index
      %get3A_481 = arith.constant 0 : index
      %get3A_482 = tpu.vector_load %arg6[%get3A_480, %get3A_481] {strides = array<i32>} : memref<600x128xf32, #tpu.memory_space<vmem>>, vector<1x16xf32>,
      %get3A_483 = vector.shape_cast %get3A_482 : vector<1x16xf32> to vector<16xf32>
      %add3A_484 = arith.addf %add3A_412, %get3A_483 : vector<16xf32>
      %add3A_485 = arith.constant 0 : i32
      %add3A_486 = arith.addi %add3A_485, %mul3A_188 : i32
      %add3A_487 = arith.constant 4 : i32
      %add3A_488 = arith.addi %add3A_486, %add3A_487 : i32
      %get3A_489 = arith.index_cast %add3A_488 : i32 to index
      %get3A_490 = arith.constant 16 : index
      %get3A_491 = tpu.vector_load %arg6[%get3A_489, %get3A_490] {strides = array<i32>} : memref<600x128xf32, #tpu.memory_space<vmem>>, vector<1x16xf32>,
      %get3A_492 = vector.shape_cast %get3A_491 : vector<1x16xf32> to vector<16xf32>
      %add3A_493 = arith.addf %add3A_421, %get3A_492 : vector<16xf32>
      %add3A_494 = arith.constant 0 : i32
      %add3A_495 = arith.addi %add3A_494, %mul3A_188 : i32
      %add3A_496 = arith.constant 4 : i32
      %add3A_497 = arith.addi %add3A_495, %add3A_496 : i32
      %get3A_498 = arith.index_cast %add3A_497 : i32 to index
      %get3A_499 = arith.constant 32 : index
      %get3A_500 = tpu.vector_load %arg6[%get3A_498, %get3A_499] {strides = array<i32>} : memref<600x128xf32, #tpu.memory_space<vmem>>, vector<1x16xf32>,
      %get3A_501 = vector.shape_cast %get3A_500 : vector<1x16xf32> to vector<16xf32>
      %add3A_502 = arith.addf %add3A_430, %get3A_501 : vector<16xf32>
      %add3A_503 = arith.constant 0 : i32
      %add3A_504 = arith.addi %add3A_503, %mul3A_188 : i32
      %add3A_505 = arith.constant 4 : i32
      %add3A_506 = arith.addi %add3A_504, %add3A_505 : i32
      %get3A_507 = arith.index_cast %add3A_506 : i32 to index
      %get3A_508 = arith.constant 48 : index
      %get3A_509 = tpu.vector_load %arg6[%get3A_507, %get3A_508] {strides = array<i32>} : memref<600x128xf32, #tpu.memory_space<vmem>>, vector<1x16xf32>,
      %get3A_510 = vector.shape_cast %get3A_509 : vector<1x16xf32> to vector<16xf32>
      %add3A_511 = arith.addf %add3A_439, %get3A_510 : vector<16xf32>
      %add3A_512 = arith.constant 0 : i32
      %add3A_513 = arith.addi %add3A_512, %mul3A_188 : i32
      %add3A_514 = arith.constant 4 : i32
      %add3A_515 = arith.addi %add3A_513, %add3A_514 : i32
      %get3A_516 = arith.index_cast %add3A_515 : i32 to index
      %get3A_517 = arith.constant 64 : index
      %get3A_518 = tpu.vector_load %arg6[%get3A_516, %get3A_517] {strides = array<i32>} : memref<600x128xf32, #tpu.memory_space<vmem>>, vector<1x16xf32>,
      %get3A_519 = vector.shape_cast %get3A_518 : vector<1x16xf32> to vector<16xf32>
      %add3A_520 = arith.addf %add3A_448, %get3A_519 : vector<16xf32>
      %add3A_521 = arith.constant 0 : i32
      %add3A_522 = arith.addi %add3A_521, %mul3A_188 : i32
      %add3A_523 = arith.constant 4 : i32
      %add3A_524 = arith.addi %add3A_522, %add3A_523 : i32
      %get3A_525 = arith.index_cast %add3A_524 : i32 to index
      %get3A_526 = arith.constant 80 : index
      %get3A_527 = tpu.vector_load %arg6[%get3A_525, %get3A_526] {strides = array<i32>} : memref<600x128xf32, #tpu.memory_space<vmem>>, vector<1x16xf32>,
      %get3A_528 = vector.shape_cast %get3A_527 : vector<1x16xf32> to vector<16xf32>
      %add3A_529 = arith.addf %add3A_457, %get3A_528 : vector<16xf32>
      %add3A_530 = arith.constant 0 : i32
      %add3A_531 = arith.addi %add3A_530, %mul3A_188 : i32
      %add3A_532 = arith.constant 4 : i32
      %add3A_533 = arith.addi %add3A_531, %add3A_532 : i32
      %get3A_534 = arith.index_cast %add3A_533 : i32 to index
      %get3A_535 = arith.constant 96 : index
      %get3A_536 = tpu.vector_load %arg6[%get3A_534, %get3A_535] {strides = array<i32>} : memref<600x128xf32, #tpu.memory_space<vmem>>, vector<1x16xf32>,
      %get3A_537 = vector.shape_cast %get3A_536 : vector<1x16xf32> to vector<16xf32>
      %add3A_538 = arith.addf %add3A_466, %get3A_537 : vector<16xf32>
      %add3A_539 = arith.constant 0 : i32
      %add3A_540 = arith.addi %add3A_539, %mul3A_188 : i32
      %add3A_541 = arith.constant 4 : i32
      %add3A_542 = arith.addi %add3A_540, %add3A_541 : i32
      %get3A_543 = arith.index_cast %add3A_542 : i32 to index
      %get3A_544 = arith.constant 112 : index
      %get3A_545 = tpu.vector_load %arg6[%get3A_543, %get3A_544] {strides = array<i32>} : memref<600x128xf32, #tpu.memory_space<vmem>>, vector<1x16xf32>,
      %get3A_546 = vector.shape_cast %get3A_545 : vector<1x16xf32> to vector<16xf32>
      %add3A_547 = arith.addf %add3A_475, %get3A_546 : vector<16xf32>
      %add3A_548 = arith.constant 0 : i32
      %add3A_549 = arith.addi %add3A_548, %mul3A_188 : i32
      %add3A_550 = arith.constant 5 : i32
      %add3A_551 = arith.addi %add3A_549, %add3A_550 : i32
      %get3A_552 = arith.index_cast %add3A_551 : i32 to index
      %get3A_553 = arith.constant 0 : index
      %get3A_554 = tpu.vector_load %arg6[%get3A_552, %get3A_553] {strides = array<i32>} : memref<600x128xf32, #tpu.memory_space<vmem>>, vector<1x16xf32>,
      %get3A_555 = vector.shape_cast %get3A_554 : vector<1x16xf32> to vector<16xf32>
      %add3A_556 = arith.addf %add3A_484, %get3A_555 : vector<16xf32>
      %add3A_557 = arith.constant 0 : i32
      %add3A_558 = arith.addi %add3A_557, %mul3A_188 : i32
      %add3A_559 = arith.constant 5 : i32
      %add3A_560 = arith.addi %add3A_558, %add3A_559 : i32
      %get3A_561 = arith.index_cast %add3A_560 : i32 to index
      %get3A_562 = arith.constant 16 : index
      %get3A_563 = tpu.vector_load %arg6[%get3A_561, %get3A_562] {strides = array<i32>} : memref<600x128xf32, #tpu.memory_space<vmem>>, vector<1x16xf32>,
      %get3A_564 = vector.shape_cast %get3A_563 : vector<1x16xf32> to vector<16xf32>
      %add3A_565 = arith.addf %add3A_493, %get3A_564 : vector<16xf32>
      %add3A_566 = arith.constant 0 : i32
      %add3A_567 = arith.addi %add3A_566, %mul3A_188 : i32
      %add3A_568 = arith.constant 5 : i32
      %add3A_569 = arith.addi %add3A_567, %add3A_568 : i32
      %get3A_570 = arith.index_cast %add3A_569 : i32 to index
      %get3A_571 = arith.constant 32 : index
      %get3A_572 = tpu.vector_load %arg6[%get3A_570, %get3A_571] {strides = array<i32>} : memref<600x128xf32, #tpu.memory_space<vmem>>, vector<1x16xf32>,
      %get3A_573 = vector.shape_cast %get3A_572 : vector<1x16xf32> to vector<16xf32>
      %add3A_574 = arith.addf %add3A_502, %get3A_573 : vector<16xf32>
      %add3A_575 = arith.constant 0 : i32
      %add3A_576 = arith.addi %add3A_575, %mul3A_188 : i32
      %add3A_577 = arith.constant 5 : i32
      %add3A_578 = arith.addi %add3A_576, %add3A_577 : i32
      %get3A_579 = arith.index_cast %add3A_578 : i32 to index
      %get3A_580 = arith.constant 48 : index
      %get3A_581 = tpu.vector_load %arg6[%get3A_579, %get3A_580] {strides = array<i32>} : memref<600x128xf32, #tpu.memory_space<vmem>>, vector<1x16xf32>,
      %get3A_582 = vector.shape_cast %get3A_581 : vector<1x16xf32> to vector<16xf32>
      %add3A_583 = arith.addf %add3A_511, %get3A_582 : vector<16xf32>
      %add3A_584 = arith.constant 0 : i32
      %add3A_585 = arith.addi %add3A_584, %mul3A_188 : i32
      %add3A_586 = arith.constant 5 : i32
      %add3A_587 = arith.addi %add3A_585, %add3A_586 : i32
      %get3A_588 = arith.index_cast %add3A_587 : i32 to index
      %get3A_589 = arith.constant 64 : index
      %get3A_590 = tpu.vector_load %arg6[%get3A_588, %get3A_589] {strides = array<i32>} : memref<600x128xf32, #tpu.memory_space<vmem>>, vector<1x16xf32>,
      %get3A_591 = vector.shape_cast %get3A_590 : vector<1x16xf32> to vector<16xf32>
      %add3A_592 = arith.addf %add3A_520, %get3A_591 : vector<16xf32>
      %add3A_593 = arith.constant 0 : i32
      %add3A_594 = arith.addi %add3A_593, %mul3A_188 : i32
      %add3A_595 = arith.constant 5 : i32
      %add3A_596 = arith.addi %add3A_594, %add3A_595 : i32
      %get3A_597 = arith.index_cast %add3A_596 : i32 to index
      %get3A_598 = arith.constant 80 : index
      %get3A_599 = tpu.vector_load %arg6[%get3A_597, %get3A_598] {strides = array<i32>} : memref<600x128xf32, #tpu.memory_space<vmem>>, vector<1x16xf32>,
      %get3A_600 = vector.shape_cast %get3A_599 : vector<1x16xf32> to vector<16xf32>
      %add3A_601 = arith.addf %add3A_529, %get3A_600 : vector<16xf32>
      %add3A_602 = arith.constant 0 : i32
      %add3A_603 = arith.addi %add3A_602, %mul3A_188 : i32
      %add3A_604 = arith.constant 5 : i32
      %add3A_605 = arith.addi %add3A_603, %add3A_604 : i32
      %get3A_606 = arith.index_cast %add3A_605 : i32 to index
      %get3A_607 = arith.constant 96 : index
      %get3A_608 = tpu.vector_load %arg6[%get3A_606, %get3A_607] {strides = array<i32>} : memref<600x128xf32, #tpu.memory_space<vmem>>, vector<1x16xf32>,
      %get3A_609 = vector.shape_cast %get3A_608 : vector<1x16xf32> to vector<16xf32>
      %add3A_610 = arith.addf %add3A_538, %get3A_609 : vector<16xf32>
      %add3A_611 = arith.constant 0 : i32
      %add3A_612 = arith.addi %add3A_611, %mul3A_188 : i32
      %add3A_613 = arith.constant 5 : i32
      %add3A_614 = arith.addi %add3A_612, %add3A_613 : i32
      %get3A_615 = arith.index_cast %add3A_614 : i32 to index
      %get3A_616 = arith.constant 112 : index
      %get3A_617 = tpu.vector_load %arg6[%get3A_615, %get3A_616] {strides = array<i32>} : memref<600x128xf32, #tpu.memory_space<vmem>>, vector<1x16xf32>,
      %get3A_618 = vector.shape_cast %get3A_617 : vector<1x16xf32> to vector<16xf32>
      %add3A_619 = arith.addf %add3A_547, %get3A_618 : vector<16xf32>
      %add3A_620 = arith.constant 0 : i32
      %add3A_621 = arith.addi %add3A_620, %mul3A_188 : i32
      %add3A_622 = arith.constant 6 : i32
      %add3A_623 = arith.addi %add3A_621, %add3A_622 : i32
      %get3A_624 = arith.index_cast %add3A_623 : i32 to index
      %get3A_625 = arith.constant 0 : index
      %get3A_626 = tpu.vector_load %arg6[%get3A_624, %get3A_625] {strides = array<i32>} : memref<600x128xf32, #tpu.memory_space<vmem>>, vector<1x16xf32>,
      %get3A_627 = vector.shape_cast %get3A_626 : vector<1x16xf32> to vector<16xf32>
      %add3A_628 = arith.addf %add3A_556, %get3A_627 : vector<16xf32>
      %add3A_629 = arith.constant 0 : i32
      %add3A_630 = arith.addi %add3A_629, %mul3A_188 : i32
      %add3A_631 = arith.constant 6 : i32
      %add3A_632 = arith.addi %add3A_630, %add3A_631 : i32
      %get3A_633 = arith.index_cast %add3A_632 : i32 to index
      %get3A_634 = arith.constant 16 : index
      %get3A_635 = tpu.vector_load %arg6[%get3A_633, %get3A_634] {strides = array<i32>} : memref<600x128xf32, #tpu.memory_space<vmem>>, vector<1x16xf32>,
      %get3A_636 = vector.shape_cast %get3A_635 : vector<1x16xf32> to vector<16xf32>
      %add3A_637 = arith.addf %add3A_565, %get3A_636 : vector<16xf32>
      %add3A_638 = arith.constant 0 : i32
      %add3A_639 = arith.addi %add3A_638, %mul3A_188 : i32
      %add3A_640 = arith.constant 6 : i32
      %add3A_641 = arith.addi %add3A_639, %add3A_640 : i32
      %get3A_642 = arith.index_cast %add3A_641 : i32 to index
      %get3A_643 = arith.constant 32 : index
      %get3A_644 = tpu.vector_load %arg6[%get3A_642, %get3A_643] {strides = array<i32>} : memref<600x128xf32, #tpu.memory_space<vmem>>, vector<1x16xf32>,
      %get3A_645 = vector.shape_cast %get3A_644 : vector<1x16xf32> to vector<16xf32>
      %add3A_646 = arith.addf %add3A_574, %get3A_645 : vector<16xf32>
      %add3A_647 = arith.constant 0 : i32
      %add3A_648 = arith.addi %add3A_647, %mul3A_188 : i32
      %add3A_649 = arith.constant 6 : i32
      %add3A_650 = arith.addi %add3A_648, %add3A_649 : i32
      %get3A_651 = arith.index_cast %add3A_650 : i32 to index
      %get3A_652 = arith.constant 48 : index
      %get3A_653 = tpu.vector_load %arg6[%get3A_651, %get3A_652] {strides = array<i32>} : memref<600x128xf32, #tpu.memory_space<vmem>>, vector<1x16xf32>,
      %get3A_654 = vector.shape_cast %get3A_653 : vector<1x16xf32> to vector<16xf32>
      %add3A_655 = arith.addf %add3A_583, %get3A_654 : vector<16xf32>
      %add3A_656 = arith.constant 0 : i32
      %add3A_657 = arith.addi %add3A_656, %mul3A_188 : i32
      %add3A_658 = arith.constant 6 : i32
      %add3A_659 = arith.addi %add3A_657, %add3A_658 : i32
      %get3A_660 = arith.index_cast %add3A_659 : i32 to index
      %get3A_661 = arith.constant 64 : index
      %get3A_662 = tpu.vector_load %arg6[%get3A_660, %get3A_661] {strides = array<i32>} : memref<600x128xf32, #tpu.memory_space<vmem>>, vector<1x16xf32>,
      %get3A_663 = vector.shape_cast %get3A_662 : vector<1x16xf32> to vector<16xf32>
      %add3A_664 = arith.addf %add3A_592, %get3A_663 : vector<16xf32>
      %add3A_665 = arith.constant 0 : i32
      %add3A_666 = arith.addi %add3A_665, %mul3A_188 : i32
      %add3A_667 = arith.constant 6 : i32
      %add3A_668 = arith.addi %add3A_666, %add3A_667 : i32
      %get3A_669 = arith.index_cast %add3A_668 : i32 to index
      %get3A_670 = arith.constant 80 : index
      %get3A_671 = tpu.vector_load %arg6[%get3A_669, %get3A_670] {strides = array<i32>} : memref<600x128xf32, #tpu.memory_space<vmem>>, vector<1x16xf32>,
      %get3A_672 = vector.shape_cast %get3A_671 : vector<1x16xf32> to vector<16xf32>
      %add3A_673 = arith.addf %add3A_601, %get3A_672 : vector<16xf32>
      %add3A_674 = arith.constant 0 : i32
      %add3A_675 = arith.addi %add3A_674, %mul3A_188 : i32
      %add3A_676 = arith.constant 6 : i32
      %add3A_677 = arith.addi %add3A_675, %add3A_676 : i32
      %get3A_678 = arith.index_cast %add3A_677 : i32 to index
      %get3A_679 = arith.constant 96 : index
      %get3A_680 = tpu.vector_load %arg6[%get3A_678, %get3A_679] {strides = array<i32>} : memref<600x128xf32, #tpu.memory_space<vmem>>, vector<1x16xf32>,
      %get3A_681 = vector.shape_cast %get3A_680 : vector<1x16xf32> to vector<16xf32>
      %add3A_682 = arith.addf %add3A_610, %get3A_681 : vector<16xf32>
      %add3A_683 = arith.constant 0 : i32
      %add3A_684 = arith.addi %add3A_683, %mul3A_188 : i32
      %add3A_685 = arith.constant 6 : i32
      %add3A_686 = arith.addi %add3A_684, %add3A_685 : i32
      %get3A_687 = arith.index_cast %add3A_686 : i32 to index
      %get3A_688 = arith.constant 112 : index
      %get3A_689 = tpu.vector_load %arg6[%get3A_687, %get3A_688] {strides = array<i32>} : memref<600x128xf32, #tpu.memory_space<vmem>>, vector<1x16xf32>,
      %get3A_690 = vector.shape_cast %get3A_689 : vector<1x16xf32> to vector<16xf32>
      %add3A_691 = arith.addf %add3A_619, %get3A_690 : vector<16xf32>
      %add3A_692 = arith.constant 0 : i32
      %add3A_693 = arith.addi %add3A_692, %mul3A_188 : i32
      %add3A_694 = arith.constant 7 : i32
      %add3A_695 = arith.addi %add3A_693, %add3A_694 : i32
      %get3A_696 = arith.index_cast %add3A_695 : i32 to index
      %get3A_697 = arith.constant 0 : index
      %get3A_698 = tpu.vector_load %arg6[%get3A_696, %get3A_697] {strides = array<i32>} : memref<600x128xf32, #tpu.memory_space<vmem>>, vector<1x16xf32>,
      %get3A_699 = vector.shape_cast %get3A_698 : vector<1x16xf32> to vector<16xf32>
      %add3A_700 = arith.addf %add3A_628, %get3A_699 : vector<16xf32>
      %add3A_701 = arith.constant 0 : i32
      %add3A_702 = arith.addi %add3A_701, %mul3A_188 : i32
      %add3A_703 = arith.constant 7 : i32
      %add3A_704 = arith.addi %add3A_702, %add3A_703 : i32
      %get3A_705 = arith.index_cast %add3A_704 : i32 to index
      %get3A_706 = arith.constant 16 : index
      %get3A_707 = tpu.vector_load %arg6[%get3A_705, %get3A_706] {strides = array<i32>} : memref<600x128xf32, #tpu.memory_space<vmem>>, vector<1x16xf32>,
      %get3A_708 = vector.shape_cast %get3A_707 : vector<1x16xf32> to vector<16xf32>
      %add3A_709 = arith.addf %add3A_637, %get3A_708 : vector<16xf32>
      %add3A_710 = arith.constant 0 : i32
      %add3A_711 = arith.addi %add3A_710, %mul3A_188 : i32
      %add3A_712 = arith.constant 7 : i32
      %add3A_713 = arith.addi %add3A_711, %add3A_712 : i32
      %get3A_714 = arith.index_cast %add3A_713 : i32 to index
      %get3A_715 = arith.constant 32 : index
      %get3A_716 = tpu.vector_load %arg6[%get3A_714, %get3A_715] {strides = array<i32>} : memref<600x128xf32, #tpu.memory_space<vmem>>, vector<1x16xf32>,
      %get3A_717 = vector.shape_cast %get3A_716 : vector<1x16xf32> to vector<16xf32>
      %add3A_718 = arith.addf %add3A_646, %get3A_717 : vector<16xf32>
      %add3A_719 = arith.constant 0 : i32
      %add3A_720 = arith.addi %add3A_719, %mul3A_188 : i32
      %add3A_721 = arith.constant 7 : i32
      %add3A_722 = arith.addi %add3A_720, %add3A_721 : i32
      %get3A_723 = arith.index_cast %add3A_722 : i32 to index
      %get3A_724 = arith.constant 48 : index
      %get3A_725 = tpu.vector_load %arg6[%get3A_723, %get3A_724] {strides = array<i32>} : memref<600x128xf32, #tpu.memory_space<vmem>>, vector<1x16xf32>,
      %get3A_726 = vector.shape_cast %get3A_725 : vector<1x16xf32> to vector<16xf32>
      %add3A_727 = arith.addf %add3A_655, %get3A_726 : vector<16xf32>
      %add3A_728 = arith.constant 0 : i32
      %add3A_729 = arith.addi %add3A_728, %mul3A_188 : i32
      %add3A_730 = arith.constant 7 : i32
      %add3A_731 = arith.addi %add3A_729, %add3A_730 : i32
      %get3A_732 = arith.index_cast %add3A_731 : i32 to index
      %get3A_733 = arith.constant 64 : index
      %get3A_734 = tpu.vector_load %arg6[%get3A_732, %get3A_733] {strides = array<i32>} : memref<600x128xf32, #tpu.memory_space<vmem>>, vector<1x16xf32>,
      %get3A_735 = vector.shape_cast %get3A_734 : vector<1x16xf32> to vector<16xf32>
      %add3A_736 = arith.addf %add3A_664, %get3A_735 : vector<16xf32>
      %add3A_737 = arith.constant 0 : i32
      %add3A_738 = arith.addi %add3A_737, %mul3A_188 : i32
      %add3A_739 = arith.constant 7 : i32
      %add3A_740 = arith.addi %add3A_738, %add3A_739 : i32
      %get3A_741 = arith.index_cast %add3A_740 : i32 to index
      %get3A_742 = arith.constant 80 : index
      %get3A_743 = tpu.vector_load %arg6[%get3A_741, %get3A_742] {strides = array<i32>} : memref<600x128xf32, #tpu.memory_space<vmem>>, vector<1x16xf32>,
      %get3A_744 = vector.shape_cast %get3A_743 : vector<1x16xf32> to vector<16xf32>
      %add3A_745 = arith.addf %add3A_673, %get3A_744 : vector<16xf32>
      %add3A_746 = arith.constant 0 : i32
      %add3A_747 = arith.addi %add3A_746, %mul3A_188 : i32
      %add3A_748 = arith.constant 7 : i32
      %add3A_749 = arith.addi %add3A_747, %add3A_748 : i32
      %get3A_750 = arith.index_cast %add3A_749 : i32 to index
      %get3A_751 = arith.constant 96 : index
      %get3A_752 = tpu.vector_load %arg6[%get3A_750, %get3A_751] {strides = array<i32>} : memref<600x128xf32, #tpu.memory_space<vmem>>, vector<1x16xf32>,
      %get3A_753 = vector.shape_cast %get3A_752 : vector<1x16xf32> to vector<16xf32>
      %add3A_754 = arith.addf %add3A_682, %get3A_753 : vector<16xf32>
      %add3A_755 = arith.constant 0 : i32
      %add3A_756 = arith.addi %add3A_755, %mul3A_188 : i32
      %add3A_757 = arith.constant 7 : i32
      %add3A_758 = arith.addi %add3A_756, %add3A_757 : i32
      %get3A_759 = arith.index_cast %add3A_758 : i32 to index
      %get3A_760 = arith.constant 112 : index
      %get3A_761 = tpu.vector_load %arg6[%get3A_759, %get3A_760] {strides = array<i32>} : memref<600x128xf32, #tpu.memory_space<vmem>>, vector<1x16xf32>,
      %get3A_762 = vector.shape_cast %get3A_761 : vector<1x16xf32> to vector<16xf32>
      %add3A_763 = arith.addf %add3A_691, %get3A_762 : vector<16xf32>
      scf.yield %add3A_700, %add3A_709, %add3A_718, %add3A_727, %add3A_736, %add3A_745, %add3A_754, %add3A_763 : vector<16xf32>, vector<16xf32>, vector<16xf32>, vector<16xf32>, vector<16xf32>, vector<16xf32>, vector<16xf32>, vector<16xf32>
    }
    %scan3A_74 = arith.constant 25 : i32
    %swap3A = arith.constant 16128 : index
    %swap3A_75 = tpu.vector_load %arg7[%swap3A] {strides = array<i32>} : memref<16384xf32, #tpu.memory_space<vmem>>, vector<16xf32>,
    %swap3A_76 = vector.shape_cast %swap3A_75 : vector<16xf32> to vector<16xf32>
    %swap3A_77 = vector.shape_cast %scan3A_73#0 : vector<16xf32> to vector<16xf32>
    tpu.vector_store %arg7[%swap3A], %swap3A_77 {strides = array<i32>} : memref<16384xf32, #tpu.memory_space<vmem>>, vector<16xf32>,
    %swap3A_78 = arith.constant 16144 : index
    %swap3A_79 = tpu.vector_load %arg7[%swap3A_78] {strides = array<i32>} : memref<16384xf32, #tpu.memory_space<vmem>>, vector<16xf32>,
    %swap3A_80 = vector.shape_cast %swap3A_79 : vector<16xf32> to vector<16xf32>
    %swap3A_81 = vector.shape_cast %scan3A_73#1 : vector<16xf32> to vector<16xf32>
    tpu.vector_store %arg7[%swap3A_78], %swap3A_81 {strides = array<i32>} : memref<16384xf32, #tpu.memory_space<vmem>>, vector<16xf32>,
    %swap3A_82 = arith.constant 16160 : index
    %swap3A_83 = tpu.vector_load %arg7[%swap3A_82] {strides = array<i32>} : memref<16384xf32, #tpu.memory_space<vmem>>, vector<16xf32>,
    %swap3A_84 = vector.shape_cast %swap3A_83 : vector<16xf32> to vector<16xf32>
    %swap3A_85 = vector.shape_cast %scan3A_73#2 : vector<16xf32> to vector<16xf32>
    tpu.vector_store %arg7[%swap3A_82], %swap3A_85 {strides = array<i32>} : memref<16384xf32, #tpu.memory_space<vmem>>, vector<16xf32>,
    %swap3A_86 = arith.constant 16176 : index
    %swap3A_87 = tpu.vector_load %arg7[%swap3A_86] {strides = array<i32>} : memref<16384xf32, #tpu.memory_space<vmem>>, vector<16xf32>,
    %swap3A_88 = vector.shape_cast %swap3A_87 : vector<16xf32> to vector<16xf32>
    %swap3A_89 = vector.shape_cast %scan3A_73#3 : vector<16xf32> to vector<16xf32>
    tpu.vector_store %arg7[%swap3A_86], %swap3A_89 {strides = array<i32>} : memref<16384xf32, #tpu.memory_space<vmem>>, vector<16xf32>,
    %swap3A_90 = arith.constant 16192 : index
    %swap3A_91 = tpu.vector_load %arg7[%swap3A_90] {strides = array<i32>} : memref<16384xf32, #tpu.memory_space<vmem>>, vector<16xf32>,
    %swap3A_92 = vector.shape_cast %swap3A_91 : vector<16xf32> to vector<16xf32>
    %swap3A_93 = vector.shape_cast %scan3A_73#4 : vector<16xf32> to vector<16xf32>
    tpu.vector_store %arg7[%swap3A_90], %swap3A_93 {strides = array<i32>} : memref<16384xf32, #tpu.memory_space<vmem>>, vector<16xf32>,
    %swap3A_94 = arith.constant 16208 : index
    %swap3A_95 = tpu.vector_load %arg7[%swap3A_94] {strides = array<i32>} : memref<16384xf32, #tpu.memory_space<vmem>>, vector<16xf32>,
    %swap3A_96 = vector.shape_cast %swap3A_95 : vector<16xf32> to vector<16xf32>
    %swap3A_97 = vector.shape_cast %scan3A_73#5 : vector<16xf32> to vector<16xf32>
    tpu.vector_store %arg7[%swap3A_94], %swap3A_97 {strides = array<i32>} : memref<16384xf32, #tpu.memory_space<vmem>>, vector<16xf32>,
    %swap3A_98 = arith.constant 16224 : index
    %swap3A_99 = tpu.vector_load %arg7[%swap3A_98] {strides = array<i32>} : memref<16384xf32, #tpu.memory_space<vmem>>, vector<16xf32>,
    %swap3A_100 = vector.shape_cast %swap3A_99 : vector<16xf32> to vector<16xf32>
    %swap3A_101 = vector.shape_cast %scan3A_73#6 : vector<16xf32> to vector<16xf32>
    tpu.vector_store %arg7[%swap3A_98], %swap3A_101 {strides = array<i32>} : memref<16384xf32, #tpu.memory_space<vmem>>, vector<16xf32>,
    %swap3A_102 = arith.constant 16240 : index
    %swap3A_103 = tpu.vector_load %arg7[%swap3A_102] {strides = array<i32>} : memref<16384xf32, #tpu.memory_space<vmem>>, vector<16xf32>,
    %swap3A_104 = vector.shape_cast %swap3A_103 : vector<16xf32> to vector<16xf32>
    %swap3A_105 = vector.shape_cast %scan3A_73#7 : vector<16xf32> to vector<16xf32>
    tpu.vector_store %arg7[%swap3A_102], %swap3A_105 {strides = array<i32>} : memref<16384xf32, #tpu.memory_space<vmem>>, vector<16xf32>,
    %dma_wait3A_106 = arith.constant 200 : i32
    %dma_wait3A_107 = arith.constant 0 : i32
    %dma_wait3A_108 = tpu.memref_slice %arg6[%dma_wait3A_106, %dma_wait3A_107] : memref<600x128xf32, #tpu.memory_space<vmem>> -> memref<120x128xf32, #tpu.memory_space<vmem>>
    %dma_wait3A_109 = arith.constant 25400 : i32
    %dma_wait3A_110 = tpu.memref_slice %arg5[%dma_wait3A_109] : memref<25600xi32, #tpu.memory_space<vmem>> -> memref<120xi32, #tpu.memory_space<vmem>>
    %dma_wait3A_111 = arith.constant 0 : i32
    %dma_wait3A_112 = arith.constant 0 : i32
    %dma_wait3A_113 = tpu.memref_slice %arg3[%dma_wait3A_111, %dma_wait3A_112] : memref<100000x128xf32, #tpu.memory_space<hbm>> -> memref<100000x128xf32, #tpu.memory_space<hbm>>
    tpu.wait_indirect_dma semaphore(%arg9 : memref<!tpu.dma_semaphore, #tpu.memory_space<semaphore_mem>>) src(%dma_wait3A_113 : memref<100000x128xf32, #tpu.memory_space<hbm>>) dst(%dma_wait3A_108 : memref<120x128xf32, #tpu.memory_space<vmem>>)
    %dma_wait3A_114 = arith.constant 320 : i32
    %dma_wait3A_115 = arith.constant 0 : i32
    %dma_wait3A_116 = tpu.memref_slice %arg6[%dma_wait3A_114, %dma_wait3A_115] : memref<600x128xf32, #tpu.memory_space<vmem>> -> memref<80x128xf32, #tpu.memory_space<vmem>>
    %dma_wait3A_117 = arith.constant 25520 : i32
    %dma_wait3A_118 = tpu.memref_slice %arg5[%dma_wait3A_117] : memref<25600xi32, #tpu.memory_space<vmem>> -> memref<80xi32, #tpu.memory_space<vmem>>
    %dma_wait3A_119 = arith.constant 0 : i32
    %dma_wait3A_120 = arith.constant 0 : i32
    %dma_wait3A_121 = tpu.memref_slice %arg3[%dma_wait3A_119, %dma_wait3A_120] : memref<100000x128xf32, #tpu.memory_space<hbm>> -> memref<100000x128xf32, #tpu.memory_space<hbm>>
    tpu.wait_indirect_dma semaphore(%arg9 : memref<!tpu.dma_semaphore, #tpu.memory_space<semaphore_mem>>) src(%dma_wait3A_121 : memref<100000x128xf32, #tpu.memory_space<hbm>>) dst(%dma_wait3A_116 : memref<80x128xf32, #tpu.memory_space<vmem>>)
    %broadcast_in_dim3A_122 = arith.constant 0.000000e+00 : f32
    %broadcast_in_dim3A_123 = vector.broadcast %broadcast_in_dim3A_122 : f32 to vector<16xf32>
    %broadcast_in_dim3A_124 = arith.constant 0.000000e+00 : f32
    %broadcast_in_dim3A_125 = vector.broadcast %broadcast_in_dim3A_124 : f32 to vector<16xf32>
    %broadcast_in_dim3A_126 = arith.constant 0.000000e+00 : f32
    %broadcast_in_dim3A_127 = vector.broadcast %broadcast_in_dim3A_126 : f32 to vector<16xf32>
    %broadcast_in_dim3A_128 = arith.constant 0.000000e+00 : f32
    %broadcast_in_dim3A_129 = vector.broadcast %broadcast_in_dim3A_128 : f32 to vector<16xf32>
    %broadcast_in_dim3A_130 = arith.constant 0.000000e+00 : f32
    %broadcast_in_dim3A_131 = vector.broadcast %broadcast_in_dim3A_130 : f32 to vector<16xf32>
    %broadcast_in_dim3A_132 = arith.constant 0.000000e+00 : f32
    %broadcast_in_dim3A_133 = vector.broadcast %broadcast_in_dim3A_132 : f32 to vector<16xf32>
    %broadcast_in_dim3A_134 = arith.constant 0.000000e+00 : f32
    %broadcast_in_dim3A_135 = vector.broadcast %broadcast_in_dim3A_134 : f32 to vector<16xf32>
    %broadcast_in_dim3A_136 = arith.constant 0.000000e+00 : f32
    %broadcast_in_dim3A_137 = vector.broadcast %broadcast_in_dim3A_136 : f32 to vector<16xf32>
    %scan3A_138 = arith.constant 0 : i32
    %scan3A_139 = arith.constant 25 : i32
    %scan3A_140 = arith.addi %scan3A_138, %scan3A_139 : i32
    %scan3A_141 = arith.constant 1 : i32
    %scan3A_142:8 = scf.for %scan3A_178 = %scan3A_138 to %scan3A_140 step %scan3A_141 iter_args(%scan3A_179 = %broadcast_in_dim3A_123, %scan3A_180 = %broadcast_in_dim3A_125, %scan3A_181 = %broadcast_in_dim3A_127, %scan3A_182 = %broadcast_in_dim3A_129, %scan3A_183 = %broadcast_in_dim3A_131, %scan3A_184 = %broadcast_in_dim3A_133, %scan3A_185 = %broadcast_in_dim3A_135, %scan3A_186 = %broadcast_in_dim3A_137) -> (vector<16xf32>, vector<16xf32>, vector<16xf32>, vector<16xf32>, vector<16xf32>, vector<16xf32>, vector<16xf32>, vector<16xf32>)  : i32 {
      %mul3A_187 = arith.constant 8 : i32
      %mul3A_188 = arith.muli %scan3A_178, %mul3A_187 : i32
      %add3A_189 = arith.constant 200 : i32
      %add3A_190 = arith.addi %add3A_189, %mul3A_188 : i32
      %add3A_191 = arith.constant 0 : i32
      %add3A_192 = arith.addi %add3A_190, %add3A_191 : i32
      %get3A = arith.index_cast %add3A_192 : i32 to index
      %get3A_193 = arith.constant 0 : index
      %get3A_194 = tpu.vector_load %arg6[%get3A, %get3A_193] {strides = array<i32>} : memref<600x128xf32, #tpu.memory_space<vmem>>, vector<1x16xf32>,
      %get3A_195 = vector.shape_cast %get3A_194 : vector<1x16xf32> to vector<16xf32>
      %add3A_196 = arith.addf %scan3A_179, %get3A_195 : vector<16xf32>
      %add3A_197 = arith.constant 200 : i32
      %add3A_198 = arith.addi %add3A_197, %mul3A_188 : i32
      %add3A_199 = arith.constant 0 : i32
      %add3A_200 = arith.addi %add3A_198, %add3A_199 : i32
      %get3A_201 = arith.index_cast %add3A_200 : i32 to index
      %get3A_202 = arith.constant 16 : index
      %get3A_203 = tpu.vector_load %arg6[%get3A_201, %get3A_202] {strides = array<i32>} : memref<600x128xf32, #tpu.memory_space<vmem>>, vector<1x16xf32>,
      %get3A_204 = vector.shape_cast %get3A_203 : vector<1x16xf32> to vector<16xf32>
      %add3A_205 = arith.addf %scan3A_180, %get3A_204 : vector<16xf32>
      %add3A_206 = arith.constant 200 : i32
      %add3A_207 = arith.addi %add3A_206, %mul3A_188 : i32
      %add3A_208 = arith.constant 0 : i32
      %add3A_209 = arith.addi %add3A_207, %add3A_208 : i32
      %get3A_210 = arith.index_cast %add3A_209 : i32 to index
      %get3A_211 = arith.constant 32 : index
      %get3A_212 = tpu.vector_load %arg6[%get3A_210, %get3A_211] {strides = array<i32>} : memref<600x128xf32, #tpu.memory_space<vmem>>, vector<1x16xf32>,
      %get3A_213 = vector.shape_cast %get3A_212 : vector<1x16xf32> to vector<16xf32>
      %add3A_214 = arith.addf %scan3A_181, %get3A_213 : vector<16xf32>
      %add3A_215 = arith.constant 200 : i32
      %add3A_216 = arith.addi %add3A_215, %mul3A_188 : i32
      %add3A_217 = arith.constant 0 : i32
      %add3A_218 = arith.addi %add3A_216, %add3A_217 : i32
      %get3A_219 = arith.index_cast %add3A_218 : i32 to index
      %get3A_220 = arith.constant 48 : index
      %get3A_221 = tpu.vector_load %arg6[%get3A_219, %get3A_220] {strides = array<i32>} : memref<600x128xf32, #tpu.memory_space<vmem>>, vector<1x16xf32>,
      %get3A_222 = vector.shape_cast %get3A_221 : vector<1x16xf32> to vector<16xf32>
      %add3A_223 = arith.addf %scan3A_182, %get3A_222 : vector<16xf32>
      %add3A_224 = arith.constant 200 : i32
      %add3A_225 = arith.addi %add3A_224, %mul3A_188 : i32
      %add3A_226 = arith.constant 0 : i32
      %add3A_227 = arith.addi %add3A_225, %add3A_226 : i32
      %get3A_228 = arith.index_cast %add3A_227 : i32 to index
      %get3A_229 = arith.constant 64 : index
      %get3A_230 = tpu.vector_load %arg6[%get3A_228, %get3A_229] {strides = array<i32>} : memref<600x128xf32, #tpu.memory_space<vmem>>, vector<1x16xf32>,
      %get3A_231 = vector.shape_cast %get3A_230 : vector<1x16xf32> to vector<16xf32>
      %add3A_232 = arith.addf %scan3A_183, %get3A_231 : vector<16xf32>
      %add3A_233 = arith.constant 200 : i32
      %add3A_234 = arith.addi %add3A_233, %mul3A_188 : i32
      %add3A_235 = arith.constant 0 : i32
      %add3A_236 = arith.addi %add3A_234, %add3A_235 : i32
      %get3A_237 = arith.index_cast %add3A_236 : i32 to index
      %get3A_238 = arith.constant 80 : index
      %get3A_239 = tpu.vector_load %arg6[%get3A_237, %get3A_238] {strides = array<i32>} : memref<600x128xf32, #tpu.memory_space<vmem>>, vector<1x16xf32>,
      %get3A_240 = vector.shape_cast %get3A_239 : vector<1x16xf32> to vector<16xf32>
      %add3A_241 = arith.addf %scan3A_184, %get3A_240 : vector<16xf32>
      %add3A_242 = arith.constant 200 : i32
      %add3A_243 = arith.addi %add3A_242, %mul3A_188 : i32
      %add3A_244 = arith.constant 0 : i32
      %add3A_245 = arith.addi %add3A_243, %add3A_244 : i32
      %get3A_246 = arith.index_cast %add3A_245 : i32 to index
      %get3A_247 = arith.constant 96 : index
      %get3A_248 = tpu.vector_load %arg6[%get3A_246, %get3A_247] {strides = array<i32>} : memref<600x128xf32, #tpu.memory_space<vmem>>, vector<1x16xf32>,
      %get3A_249 = vector.shape_cast %get3A_248 : vector<1x16xf32> to vector<16xf32>
      %add3A_250 = arith.addf %scan3A_185, %get3A_249 : vector<16xf32>
      %add3A_251 = arith.constant 200 : i32
      %add3A_252 = arith.addi %add3A_251, %mul3A_188 : i32
      %add3A_253 = arith.constant 0 : i32
      %add3A_254 = arith.addi %add3A_252, %add3A_253 : i32
      %get3A_255 = arith.index_cast %add3A_254 : i32 to index
      %get3A_256 = arith.constant 112 : index
      %get3A_257 = tpu.vector_load %arg6[%get3A_255, %get3A_256] {strides = array<i32>} : memref<600x128xf32, #tpu.memory_space<vmem>>, vector<1x16xf32>,
      %get3A_258 = vector.shape_cast %get3A_257 : vector<1x16xf32> to vector<16xf32>
      %add3A_259 = arith.addf %scan3A_186, %get3A_258 : vector<16xf32>
      %add3A_260 = arith.constant 200 : i32
      %add3A_261 = arith.addi %add3A_260, %mul3A_188 : i32
      %add3A_262 = arith.constant 1 : i32
      %add3A_263 = arith.addi %add3A_261, %add3A_262 : i32
      %get3A_264 = arith.index_cast %add3A_263 : i32 to index
      %get3A_265 = arith.constant 0 : index
      %get3A_266 = tpu.vector_load %arg6[%get3A_264, %get3A_265] {strides = array<i32>} : memref<600x128xf32, #tpu.memory_space<vmem>>, vector<1x16xf32>,
      %get3A_267 = vector.shape_cast %get3A_266 : vector<1x16xf32> to vector<16xf32>
      %add3A_268 = arith.addf %add3A_196, %get3A_267 : vector<16xf32>
      %add3A_269 = arith.constant 200 : i32
      %add3A_270 = arith.addi %add3A_269, %mul3A_188 : i32
      %add3A_271 = arith.constant 1 : i32
      %add3A_272 = arith.addi %add3A_270, %add3A_271 : i32
      %get3A_273 = arith.index_cast %add3A_272 : i32 to index
      %get3A_274 = arith.constant 16 : index
      %get3A_275 = tpu.vector_load %arg6[%get3A_273, %get3A_274] {strides = array<i32>} : memref<600x128xf32, #tpu.memory_space<vmem>>, vector<1x16xf32>,
      %get3A_276 = vector.shape_cast %get3A_275 : vector<1x16xf32> to vector<16xf32>
      %add3A_277 = arith.addf %add3A_205, %get3A_276 : vector<16xf32>
      %add3A_278 = arith.constant 200 : i32
      %add3A_279 = arith.addi %add3A_278, %mul3A_188 : i32
      %add3A_280 = arith.constant 1 : i32
      %add3A_281 = arith.addi %add3A_279, %add3A_280 : i32
      %get3A_282 = arith.index_cast %add3A_281 : i32 to index
      %get3A_283 = arith.constant 32 : index
      %get3A_284 = tpu.vector_load %arg6[%get3A_282, %get3A_283] {strides = array<i32>} : memref<600x128xf32, #tpu.memory_space<vmem>>, vector<1x16xf32>,
      %get3A_285 = vector.shape_cast %get3A_284 : vector<1x16xf32> to vector<16xf32>
      %add3A_286 = arith.addf %add3A_214, %get3A_285 : vector<16xf32>
      %add3A_287 = arith.constant 200 : i32
      %add3A_288 = arith.addi %add3A_287, %mul3A_188 : i32
      %add3A_289 = arith.constant 1 : i32
      %add3A_290 = arith.addi %add3A_288, %add3A_289 : i32
      %get3A_291 = arith.index_cast %add3A_290 : i32 to index
      %get3A_292 = arith.constant 48 : index
      %get3A_293 = tpu.vector_load %arg6[%get3A_291, %get3A_292] {strides = array<i32>} : memref<600x128xf32, #tpu.memory_space<vmem>>, vector<1x16xf32>,
      %get3A_294 = vector.shape_cast %get3A_293 : vector<1x16xf32> to vector<16xf32>
      %add3A_295 = arith.addf %add3A_223, %get3A_294 : vector<16xf32>
      %add3A_296 = arith.constant 200 : i32
      %add3A_297 = arith.addi %add3A_296, %mul3A_188 : i32
      %add3A_298 = arith.constant 1 : i32
      %add3A_299 = arith.addi %add3A_297, %add3A_298 : i32
      %get3A_300 = arith.index_cast %add3A_299 : i32 to index
      %get3A_301 = arith.constant 64 : index
      %get3A_302 = tpu.vector_load %arg6[%get3A_300, %get3A_301] {strides = array<i32>} : memref<600x128xf32, #tpu.memory_space<vmem>>, vector<1x16xf32>,
      %get3A_303 = vector.shape_cast %get3A_302 : vector<1x16xf32> to vector<16xf32>
      %add3A_304 = arith.addf %add3A_232, %get3A_303 : vector<16xf32>
      %add3A_305 = arith.constant 200 : i32
      %add3A_306 = arith.addi %add3A_305, %mul3A_188 : i32
      %add3A_307 = arith.constant 1 : i32
      %add3A_308 = arith.addi %add3A_306, %add3A_307 : i32
      %get3A_309 = arith.index_cast %add3A_308 : i32 to index
      %get3A_310 = arith.constant 80 : index
      %get3A_311 = tpu.vector_load %arg6[%get3A_309, %get3A_310] {strides = array<i32>} : memref<600x128xf32, #tpu.memory_space<vmem>>, vector<1x16xf32>,
      %get3A_312 = vector.shape_cast %get3A_311 : vector<1x16xf32> to vector<16xf32>
      %add3A_313 = arith.addf %add3A_241, %get3A_312 : vector<16xf32>
      %add3A_314 = arith.constant 200 : i32
      %add3A_315 = arith.addi %add3A_314, %mul3A_188 : i32
      %add3A_316 = arith.constant 1 : i32
      %add3A_317 = arith.addi %add3A_315, %add3A_316 : i32
      %get3A_318 = arith.index_cast %add3A_317 : i32 to index
      %get3A_319 = arith.constant 96 : index
      %get3A_320 = tpu.vector_load %arg6[%get3A_318, %get3A_319] {strides = array<i32>} : memref<600x128xf32, #tpu.memory_space<vmem>>, vector<1x16xf32>,
      %get3A_321 = vector.shape_cast %get3A_320 : vector<1x16xf32> to vector<16xf32>
      %add3A_322 = arith.addf %add3A_250, %get3A_321 : vector<16xf32>
      %add3A_323 = arith.constant 200 : i32
      %add3A_324 = arith.addi %add3A_323, %mul3A_188 : i32
      %add3A_325 = arith.constant 1 : i32
      %add3A_326 = arith.addi %add3A_324, %add3A_325 : i32
      %get3A_327 = arith.index_cast %add3A_326 : i32 to index
      %get3A_328 = arith.constant 112 : index
      %get3A_329 = tpu.vector_load %arg6[%get3A_327, %get3A_328] {strides = array<i32>} : memref<600x128xf32, #tpu.memory_space<vmem>>, vector<1x16xf32>,
      %get3A_330 = vector.shape_cast %get3A_329 : vector<1x16xf32> to vector<16xf32>
      %add3A_331 = arith.addf %add3A_259, %get3A_330 : vector<16xf32>
      %add3A_332 = arith.constant 200 : i32
      %add3A_333 = arith.addi %add3A_332, %mul3A_188 : i32
      %add3A_334 = arith.constant 2 : i32
      %add3A_335 = arith.addi %add3A_333, %add3A_334 : i32
      %get3A_336 = arith.index_cast %add3A_335 : i32 to index
      %get3A_337 = arith.constant 0 : index
      %get3A_338 = tpu.vector_load %arg6[%get3A_336, %get3A_337] {strides = array<i32>} : memref<600x128xf32, #tpu.memory_space<vmem>>, vector<1x16xf32>,
      %get3A_339 = vector.shape_cast %get3A_338 : vector<1x16xf32> to vector<16xf32>
      %add3A_340 = arith.addf %add3A_268, %get3A_339 : vector<16xf32>
      %add3A_341 = arith.constant 200 : i32
      %add3A_342 = arith.addi %add3A_341, %mul3A_188 : i32
      %add3A_343 = arith.constant 2 : i32
      %add3A_344 = arith.addi %add3A_342, %add3A_343 : i32
      %get3A_345 = arith.index_cast %add3A_344 : i32 to index
      %get3A_346 = arith.constant 16 : index
      %get3A_347 = tpu.vector_load %arg6[%get3A_345, %get3A_346] {strides = array<i32>} : memref<600x128xf32, #tpu.memory_space<vmem>>, vector<1x16xf32>,
      %get3A_348 = vector.shape_cast %get3A_347 : vector<1x16xf32> to vector<16xf32>
      %add3A_349 = arith.addf %add3A_277, %get3A_348 : vector<16xf32>
      %add3A_350 = arith.constant 200 : i32
      %add3A_351 = arith.addi %add3A_350, %mul3A_188 : i32
      %add3A_352 = arith.constant 2 : i32
      %add3A_353 = arith.addi %add3A_351, %add3A_352 : i32
      %get3A_354 = arith.index_cast %add3A_353 : i32 to index
      %get3A_355 = arith.constant 32 : index
      %get3A_356 = tpu.vector_load %arg6[%get3A_354, %get3A_355] {strides = array<i32>} : memref<600x128xf32, #tpu.memory_space<vmem>>, vector<1x16xf32>,
      %get3A_357 = vector.shape_cast %get3A_356 : vector<1x16xf32> to vector<16xf32>
      %add3A_358 = arith.addf %add3A_286, %get3A_357 : vector<16xf32>
      %add3A_359 = arith.constant 200 : i32
      %add3A_360 = arith.addi %add3A_359, %mul3A_188 : i32
      %add3A_361 = arith.constant 2 : i32
      %add3A_362 = arith.addi %add3A_360, %add3A_361 : i32
      %get3A_363 = arith.index_cast %add3A_362 : i32 to index
      %get3A_364 = arith.constant 48 : index
      %get3A_365 = tpu.vector_load %arg6[%get3A_363, %get3A_364] {strides = array<i32>} : memref<600x128xf32, #tpu.memory_space<vmem>>, vector<1x16xf32>,
      %get3A_366 = vector.shape_cast %get3A_365 : vector<1x16xf32> to vector<16xf32>
      %add3A_367 = arith.addf %add3A_295, %get3A_366 : vector<16xf32>
      %add3A_368 = arith.constant 200 : i32
      %add3A_369 = arith.addi %add3A_368, %mul3A_188 : i32
      %add3A_370 = arith.constant 2 : i32
      %add3A_371 = arith.addi %add3A_369, %add3A_370 : i32
      %get3A_372 = arith.index_cast %add3A_371 : i32 to index
      %get3A_373 = arith.constant 64 : index
      %get3A_374 = tpu.vector_load %arg6[%get3A_372, %get3A_373] {strides = array<i32>} : memref<600x128xf32, #tpu.memory_space<vmem>>, vector<1x16xf32>,
      %get3A_375 = vector.shape_cast %get3A_374 : vector<1x16xf32> to vector<16xf32>
      %add3A_376 = arith.addf %add3A_304, %get3A_375 : vector<16xf32>
      %add3A_377 = arith.constant 200 : i32
      %add3A_378 = arith.addi %add3A_377, %mul3A_188 : i32
      %add3A_379 = arith.constant 2 : i32
      %add3A_380 = arith.addi %add3A_378, %add3A_379 : i32
      %get3A_381 = arith.index_cast %add3A_380 : i32 to index
      %get3A_382 = arith.constant 80 : index
      %get3A_383 = tpu.vector_load %arg6[%get3A_381, %get3A_382] {strides = array<i32>} : memref<600x128xf32, #tpu.memory_space<vmem>>, vector<1x16xf32>,
      %get3A_384 = vector.shape_cast %get3A_383 : vector<1x16xf32> to vector<16xf32>
      %add3A_385 = arith.addf %add3A_313, %get3A_384 : vector<16xf32>
      %add3A_386 = arith.constant 200 : i32
      %add3A_387 = arith.addi %add3A_386, %mul3A_188 : i32
      %add3A_388 = arith.constant 2 : i32
      %add3A_389 = arith.addi %add3A_387, %add3A_388 : i32
      %get3A_390 = arith.index_cast %add3A_389 : i32 to index
      %get3A_391 = arith.constant 96 : index
      %get3A_392 = tpu.vector_load %arg6[%get3A_390, %get3A_391] {strides = array<i32>} : memref<600x128xf32, #tpu.memory_space<vmem>>, vector<1x16xf32>,
      %get3A_393 = vector.shape_cast %get3A_392 : vector<1x16xf32> to vector<16xf32>
      %add3A_394 = arith.addf %add3A_322, %get3A_393 : vector<16xf32>
      %add3A_395 = arith.constant 200 : i32
      %add3A_396 = arith.addi %add3A_395, %mul3A_188 : i32
      %add3A_397 = arith.constant 2 : i32
      %add3A_398 = arith.addi %add3A_396, %add3A_397 : i32
      %get3A_399 = arith.index_cast %add3A_398 : i32 to index
      %get3A_400 = arith.constant 112 : index
      %get3A_401 = tpu.vector_load %arg6[%get3A_399, %get3A_400] {strides = array<i32>} : memref<600x128xf32, #tpu.memory_space<vmem>>, vector<1x16xf32>,
      %get3A_402 = vector.shape_cast %get3A_401 : vector<1x16xf32> to vector<16xf32>
      %add3A_403 = arith.addf %add3A_331, %get3A_402 : vector<16xf32>
      %add3A_404 = arith.constant 200 : i32
      %add3A_405 = arith.addi %add3A_404, %mul3A_188 : i32
      %add3A_406 = arith.constant 3 : i32
      %add3A_407 = arith.addi %add3A_405, %add3A_406 : i32
      %get3A_408 = arith.index_cast %add3A_407 : i32 to index
      %get3A_409 = arith.constant 0 : index
      %get3A_410 = tpu.vector_load %arg6[%get3A_408, %get3A_409] {strides = array<i32>} : memref<600x128xf32, #tpu.memory_space<vmem>>, vector<1x16xf32>,
      %get3A_411 = vector.shape_cast %get3A_410 : vector<1x16xf32> to vector<16xf32>
      %add3A_412 = arith.addf %add3A_340, %get3A_411 : vector<16xf32>
      %add3A_413 = arith.constant 200 : i32
      %add3A_414 = arith.addi %add3A_413, %mul3A_188 : i32
      %add3A_415 = arith.constant 3 : i32
      %add3A_416 = arith.addi %add3A_414, %add3A_415 : i32
      %get3A_417 = arith.index_cast %add3A_416 : i32 to index
      %get3A_418 = arith.constant 16 : index
      %get3A_419 = tpu.vector_load %arg6[%get3A_417, %get3A_418] {strides = array<i32>} : memref<600x128xf32, #tpu.memory_space<vmem>>, vector<1x16xf32>,
      %get3A_420 = vector.shape_cast %get3A_419 : vector<1x16xf32> to vector<16xf32>
      %add3A_421 = arith.addf %add3A_349, %get3A_420 : vector<16xf32>
      %add3A_422 = arith.constant 200 : i32
      %add3A_423 = arith.addi %add3A_422, %mul3A_188 : i32
      %add3A_424 = arith.constant 3 : i32
      %add3A_425 = arith.addi %add3A_423, %add3A_424 : i32
      %get3A_426 = arith.index_cast %add3A_425 : i32 to index
      %get3A_427 = arith.constant 32 : index
      %get3A_428 = tpu.vector_load %arg6[%get3A_426, %get3A_427] {strides = array<i32>} : memref<600x128xf32, #tpu.memory_space<vmem>>, vector<1x16xf32>,
      %get3A_429 = vector.shape_cast %get3A_428 : vector<1x16xf32> to vector<16xf32>
      %add3A_430 = arith.addf %add3A_358, %get3A_429 : vector<16xf32>
      %add3A_431 = arith.constant 200 : i32
      %add3A_432 = arith.addi %add3A_431, %mul3A_188 : i32
      %add3A_433 = arith.constant 3 : i32
      %add3A_434 = arith.addi %add3A_432, %add3A_433 : i32
      %get3A_435 = arith.index_cast %add3A_434 : i32 to index
      %get3A_436 = arith.constant 48 : index
      %get3A_437 = tpu.vector_load %arg6[%get3A_435, %get3A_436] {strides = array<i32>} : memref<600x128xf32, #tpu.memory_space<vmem>>, vector<1x16xf32>,
      %get3A_438 = vector.shape_cast %get3A_437 : vector<1x16xf32> to vector<16xf32>
      %add3A_439 = arith.addf %add3A_367, %get3A_438 : vector<16xf32>
      %add3A_440 = arith.constant 200 : i32
      %add3A_441 = arith.addi %add3A_440, %mul3A_188 : i32
      %add3A_442 = arith.constant 3 : i32
      %add3A_443 = arith.addi %add3A_441, %add3A_442 : i32
      %get3A_444 = arith.index_cast %add3A_443 : i32 to index
      %get3A_445 = arith.constant 64 : index
      %get3A_446 = tpu.vector_load %arg6[%get3A_444, %get3A_445] {strides = array<i32>} : memref<600x128xf32, #tpu.memory_space<vmem>>, vector<1x16xf32>,
      %get3A_447 = vector.shape_cast %get3A_446 : vector<1x16xf32> to vector<16xf32>
      %add3A_448 = arith.addf %add3A_376, %get3A_447 : vector<16xf32>
      %add3A_449 = arith.constant 200 : i32
      %add3A_450 = arith.addi %add3A_449, %mul3A_188 : i32
      %add3A_451 = arith.constant 3 : i32
      %add3A_452 = arith.addi %add3A_450, %add3A_451 : i32
      %get3A_453 = arith.index_cast %add3A_452 : i32 to index
      %get3A_454 = arith.constant 80 : index
      %get3A_455 = tpu.vector_load %arg6[%get3A_453, %get3A_454] {strides = array<i32>} : memref<600x128xf32, #tpu.memory_space<vmem>>, vector<1x16xf32>,
      %get3A_456 = vector.shape_cast %get3A_455 : vector<1x16xf32> to vector<16xf32>
      %add3A_457 = arith.addf %add3A_385, %get3A_456 : vector<16xf32>
      %add3A_458 = arith.constant 200 : i32
      %add3A_459 = arith.addi %add3A_458, %mul3A_188 : i32
      %add3A_460 = arith.constant 3 : i32
      %add3A_461 = arith.addi %add3A_459, %add3A_460 : i32
      %get3A_462 = arith.index_cast %add3A_461 : i32 to index
      %get3A_463 = arith.constant 96 : index
      %get3A_464 = tpu.vector_load %arg6[%get3A_462, %get3A_463] {strides = array<i32>} : memref<600x128xf32, #tpu.memory_space<vmem>>, vector<1x16xf32>,
      %get3A_465 = vector.shape_cast %get3A_464 : vector<1x16xf32> to vector<16xf32>
      %add3A_466 = arith.addf %add3A_394, %get3A_465 : vector<16xf32>
      %add3A_467 = arith.constant 200 : i32
      %add3A_468 = arith.addi %add3A_467, %mul3A_188 : i32
      %add3A_469 = arith.constant 3 : i32
      %add3A_470 = arith.addi %add3A_468, %add3A_469 : i32
      %get3A_471 = arith.index_cast %add3A_470 : i32 to index
      %get3A_472 = arith.constant 112 : index
      %get3A_473 = tpu.vector_load %arg6[%get3A_471, %get3A_472] {strides = array<i32>} : memref<600x128xf32, #tpu.memory_space<vmem>>, vector<1x16xf32>,
      %get3A_474 = vector.shape_cast %get3A_473 : vector<1x16xf32> to vector<16xf32>
      %add3A_475 = arith.addf %add3A_403, %get3A_474 : vector<16xf32>
      %add3A_476 = arith.constant 200 : i32
      %add3A_477 = arith.addi %add3A_476, %mul3A_188 : i32
      %add3A_478 = arith.constant 4 : i32
      %add3A_479 = arith.addi %add3A_477, %add3A_478 : i32
      %get3A_480 = arith.index_cast %add3A_479 : i32 to index
      %get3A_481 = arith.constant 0 : index
      %get3A_482 = tpu.vector_load %arg6[%get3A_480, %get3A_481] {strides = array<i32>} : memref<600x128xf32, #tpu.memory_space<vmem>>, vector<1x16xf32>,
      %get3A_483 = vector.shape_cast %get3A_482 : vector<1x16xf32> to vector<16xf32>
      %add3A_484 = arith.addf %add3A_412, %get3A_483 : vector<16xf32>
      %add3A_485 = arith.constant 200 : i32
      %add3A_486 = arith.addi %add3A_485, %mul3A_188 : i32
      %add3A_487 = arith.constant 4 : i32
      %add3A_488 = arith.addi %add3A_486, %add3A_487 : i32
      %get3A_489 = arith.index_cast %add3A_488 : i32 to index
      %get3A_490 = arith.constant 16 : index
      %get3A_491 = tpu.vector_load %arg6[%get3A_489, %get3A_490] {strides = array<i32>} : memref<600x128xf32, #tpu.memory_space<vmem>>, vector<1x16xf32>,
      %get3A_492 = vector.shape_cast %get3A_491 : vector<1x16xf32> to vector<16xf32>
      %add3A_493 = arith.addf %add3A_421, %get3A_492 : vector<16xf32>
      %add3A_494 = arith.constant 200 : i32
      %add3A_495 = arith.addi %add3A_494, %mul3A_188 : i32
      %add3A_496 = arith.constant 4 : i32
      %add3A_497 = arith.addi %add3A_495, %add3A_496 : i32
      %get3A_498 = arith.index_cast %add3A_497 : i32 to index
      %get3A_499 = arith.constant 32 : index
      %get3A_500 = tpu.vector_load %arg6[%get3A_498, %get3A_499] {strides = array<i32>} : memref<600x128xf32, #tpu.memory_space<vmem>>, vector<1x16xf32>,
      %get3A_501 = vector.shape_cast %get3A_500 : vector<1x16xf32> to vector<16xf32>
      %add3A_502 = arith.addf %add3A_430, %get3A_501 : vector<16xf32>
      %add3A_503 = arith.constant 200 : i32
      %add3A_504 = arith.addi %add3A_503, %mul3A_188 : i32
      %add3A_505 = arith.constant 4 : i32
      %add3A_506 = arith.addi %add3A_504, %add3A_505 : i32
      %get3A_507 = arith.index_cast %add3A_506 : i32 to index
      %get3A_508 = arith.constant 48 : index
      %get3A_509 = tpu.vector_load %arg6[%get3A_507, %get3A_508] {strides = array<i32>} : memref<600x128xf32, #tpu.memory_space<vmem>>, vector<1x16xf32>,
      %get3A_510 = vector.shape_cast %get3A_509 : vector<1x16xf32> to vector<16xf32>
      %add3A_511 = arith.addf %add3A_439, %get3A_510 : vector<16xf32>
      %add3A_512 = arith.constant 200 : i32
      %add3A_513 = arith.addi %add3A_512, %mul3A_188 : i32
      %add3A_514 = arith.constant 4 : i32
      %add3A_515 = arith.addi %add3A_513, %add3A_514 : i32
      %get3A_516 = arith.index_cast %add3A_515 : i32 to index
      %get3A_517 = arith.constant 64 : index
      %get3A_518 = tpu.vector_load %arg6[%get3A_516, %get3A_517] {strides = array<i32>} : memref<600x128xf32, #tpu.memory_space<vmem>>, vector<1x16xf32>,
      %get3A_519 = vector.shape_cast %get3A_518 : vector<1x16xf32> to vector<16xf32>
      %add3A_520 = arith.addf %add3A_448, %get3A_519 : vector<16xf32>
      %add3A_521 = arith.constant 200 : i32
      %add3A_522 = arith.addi %add3A_521, %mul3A_188 : i32
      %add3A_523 = arith.constant 4 : i32
      %add3A_524 = arith.addi %add3A_522, %add3A_523 : i32
      %get3A_525 = arith.index_cast %add3A_524 : i32 to index
      %get3A_526 = arith.constant 80 : index
      %get3A_527 = tpu.vector_load %arg6[%get3A_525, %get3A_526] {strides = array<i32>} : memref<600x128xf32, #tpu.memory_space<vmem>>, vector<1x16xf32>,
      %get3A_528 = vector.shape_cast %get3A_527 : vector<1x16xf32> to vector<16xf32>
      %add3A_529 = arith.addf %add3A_457, %get3A_528 : vector<16xf32>
      %add3A_530 = arith.constant 200 : i32
      %add3A_531 = arith.addi %add3A_530, %mul3A_188 : i32
      %add3A_532 = arith.constant 4 : i32
      %add3A_533 = arith.addi %add3A_531, %add3A_532 : i32
      %get3A_534 = arith.index_cast %add3A_533 : i32 to index
      %get3A_535 = arith.constant 96 : index
      %get3A_536 = tpu.vector_load %arg6[%get3A_534, %get3A_535] {strides = array<i32>} : memref<600x128xf32, #tpu.memory_space<vmem>>, vector<1x16xf32>,
      %get3A_537 = vector.shape_cast %get3A_536 : vector<1x16xf32> to vector<16xf32>
      %add3A_538 = arith.addf %add3A_466, %get3A_537 : vector<16xf32>
      %add3A_539 = arith.constant 200 : i32
      %add3A_540 = arith.addi %add3A_539, %mul3A_188 : i32
      %add3A_541 = arith.constant 4 : i32
      %add3A_542 = arith.addi %add3A_540, %add3A_541 : i32
      %get3A_543 = arith.index_cast %add3A_542 : i32 to index
      %get3A_544 = arith.constant 112 : index
      %get3A_545 = tpu.vector_load %arg6[%get3A_543, %get3A_544] {strides = array<i32>} : memref<600x128xf32, #tpu.memory_space<vmem>>, vector<1x16xf32>,
      %get3A_546 = vector.shape_cast %get3A_545 : vector<1x16xf32> to vector<16xf32>
      %add3A_547 = arith.addf %add3A_475, %get3A_546 : vector<16xf32>
      %add3A_548 = arith.constant 200 : i32
      %add3A_549 = arith.addi %add3A_548, %mul3A_188 : i32
      %add3A_550 = arith.constant 5 : i32
      %add3A_551 = arith.addi %add3A_549, %add3A_550 : i32
      %get3A_552 = arith.index_cast %add3A_551 : i32 to index
      %get3A_553 = arith.constant 0 : index
      %get3A_554 = tpu.vector_load %arg6[%get3A_552, %get3A_553] {strides = array<i32>} : memref<600x128xf32, #tpu.memory_space<vmem>>, vector<1x16xf32>,
      %get3A_555 = vector.shape_cast %get3A_554 : vector<1x16xf32> to vector<16xf32>
      %add3A_556 = arith.addf %add3A_484, %get3A_555 : vector<16xf32>
      %add3A_557 = arith.constant 200 : i32
      %add3A_558 = arith.addi %add3A_557, %mul3A_188 : i32
      %add3A_559 = arith.constant 5 : i32
      %add3A_560 = arith.addi %add3A_558, %add3A_559 : i32
      %get3A_561 = arith.index_cast %add3A_560 : i32 to index
      %get3A_562 = arith.constant 16 : index
      %get3A_563 = tpu.vector_load %arg6[%get3A_561, %get3A_562] {strides = array<i32>} : memref<600x128xf32, #tpu.memory_space<vmem>>, vector<1x16xf32>,
      %get3A_564 = vector.shape_cast %get3A_563 : vector<1x16xf32> to vector<16xf32>
      %add3A_565 = arith.addf %add3A_493, %get3A_564 : vector<16xf32>
      %add3A_566 = arith.constant 200 : i32
      %add3A_567 = arith.addi %add3A_566, %mul3A_188 : i32
      %add3A_568 = arith.constant 5 : i32
      %add3A_569 = arith.addi %add3A_567, %add3A_568 : i32
      %get3A_570 = arith.index_cast %add3A_569 : i32 to index
      %get3A_571 = arith.constant 32 : index
      %get3A_572 = tpu.vector_load %arg6[%get3A_570, %get3A_571] {strides = array<i32>} : memref<600x128xf32, #tpu.memory_space<vmem>>, vector<1x16xf32>,
      %get3A_573 = vector.shape_cast %get3A_572 : vector<1x16xf32> to vector<16xf32>
      %add3A_574 = arith.addf %add3A_502, %get3A_573 : vector<16xf32>
      %add3A_575 = arith.constant 200 : i32
      %add3A_576 = arith.addi %add3A_575, %mul3A_188 : i32
      %add3A_577 = arith.constant 5 : i32
      %add3A_578 = arith.addi %add3A_576, %add3A_577 : i32
      %get3A_579 = arith.index_cast %add3A_578 : i32 to index
      %get3A_580 = arith.constant 48 : index
      %get3A_581 = tpu.vector_load %arg6[%get3A_579, %get3A_580] {strides = array<i32>} : memref<600x128xf32, #tpu.memory_space<vmem>>, vector<1x16xf32>,
      %get3A_582 = vector.shape_cast %get3A_581 : vector<1x16xf32> to vector<16xf32>
      %add3A_583 = arith.addf %add3A_511, %get3A_582 : vector<16xf32>
      %add3A_584 = arith.constant 200 : i32
      %add3A_585 = arith.addi %add3A_584, %mul3A_188 : i32
      %add3A_586 = arith.constant 5 : i32
      %add3A_587 = arith.addi %add3A_585, %add3A_586 : i32
      %get3A_588 = arith.index_cast %add3A_587 : i32 to index
      %get3A_589 = arith.constant 64 : index
      %get3A_590 = tpu.vector_load %arg6[%get3A_588, %get3A_589] {strides = array<i32>} : memref<600x128xf32, #tpu.memory_space<vmem>>, vector<1x16xf32>,
      %get3A_591 = vector.shape_cast %get3A_590 : vector<1x16xf32> to vector<16xf32>
      %add3A_592 = arith.addf %add3A_520, %get3A_591 : vector<16xf32>
      %add3A_593 = arith.constant 200 : i32
      %add3A_594 = arith.addi %add3A_593, %mul3A_188 : i32
      %add3A_595 = arith.constant 5 : i32
      %add3A_596 = arith.addi %add3A_594, %add3A_595 : i32
      %get3A_597 = arith.index_cast %add3A_596 : i32 to index
      %get3A_598 = arith.constant 80 : index
      %get3A_599 = tpu.vector_load %arg6[%get3A_597, %get3A_598] {strides = array<i32>} : memref<600x128xf32, #tpu.memory_space<vmem>>, vector<1x16xf32>,
      %get3A_600 = vector.shape_cast %get3A_599 : vector<1x16xf32> to vector<16xf32>
      %add3A_601 = arith.addf %add3A_529, %get3A_600 : vector<16xf32>
      %add3A_602 = arith.constant 200 : i32
      %add3A_603 = arith.addi %add3A_602, %mul3A_188 : i32
      %add3A_604 = arith.constant 5 : i32
      %add3A_605 = arith.addi %add3A_603, %add3A_604 : i32
      %get3A_606 = arith.index_cast %add3A_605 : i32 to index
      %get3A_607 = arith.constant 96 : index
      %get3A_608 = tpu.vector_load %arg6[%get3A_606, %get3A_607] {strides = array<i32>} : memref<600x128xf32, #tpu.memory_space<vmem>>, vector<1x16xf32>,
      %get3A_609 = vector.shape_cast %get3A_608 : vector<1x16xf32> to vector<16xf32>
      %add3A_610 = arith.addf %add3A_538, %get3A_609 : vector<16xf32>
      %add3A_611 = arith.constant 200 : i32
      %add3A_612 = arith.addi %add3A_611, %mul3A_188 : i32
      %add3A_613 = arith.constant 5 : i32
      %add3A_614 = arith.addi %add3A_612, %add3A_613 : i32
      %get3A_615 = arith.index_cast %add3A_614 : i32 to index
      %get3A_616 = arith.constant 112 : index
      %get3A_617 = tpu.vector_load %arg6[%get3A_615, %get3A_616] {strides = array<i32>} : memref<600x128xf32, #tpu.memory_space<vmem>>, vector<1x16xf32>,
      %get3A_618 = vector.shape_cast %get3A_617 : vector<1x16xf32> to vector<16xf32>
      %add3A_619 = arith.addf %add3A_547, %get3A_618 : vector<16xf32>
      %add3A_620 = arith.constant 200 : i32
      %add3A_621 = arith.addi %add3A_620, %mul3A_188 : i32
      %add3A_622 = arith.constant 6 : i32
      %add3A_623 = arith.addi %add3A_621, %add3A_622 : i32
      %get3A_624 = arith.index_cast %add3A_623 : i32 to index
      %get3A_625 = arith.constant 0 : index
      %get3A_626 = tpu.vector_load %arg6[%get3A_624, %get3A_625] {strides = array<i32>} : memref<600x128xf32, #tpu.memory_space<vmem>>, vector<1x16xf32>,
      %get3A_627 = vector.shape_cast %get3A_626 : vector<1x16xf32> to vector<16xf32>
      %add3A_628 = arith.addf %add3A_556, %get3A_627 : vector<16xf32>
      %add3A_629 = arith.constant 200 : i32
      %add3A_630 = arith.addi %add3A_629, %mul3A_188 : i32
      %add3A_631 = arith.constant 6 : i32
      %add3A_632 = arith.addi %add3A_630, %add3A_631 : i32
      %get3A_633 = arith.index_cast %add3A_632 : i32 to index
      %get3A_634 = arith.constant 16 : index
      %get3A_635 = tpu.vector_load %arg6[%get3A_633, %get3A_634] {strides = array<i32>} : memref<600x128xf32, #tpu.memory_space<vmem>>, vector<1x16xf32>,
      %get3A_636 = vector.shape_cast %get3A_635 : vector<1x16xf32> to vector<16xf32>
      %add3A_637 = arith.addf %add3A_565, %get3A_636 : vector<16xf32>
      %add3A_638 = arith.constant 200 : i32
      %add3A_639 = arith.addi %add3A_638, %mul3A_188 : i32
      %add3A_640 = arith.constant 6 : i32
      %add3A_641 = arith.addi %add3A_639, %add3A_640 : i32
      %get3A_642 = arith.index_cast %add3A_641 : i32 to index
      %get3A_643 = arith.constant 32 : index
      %get3A_644 = tpu.vector_load %arg6[%get3A_642, %get3A_643] {strides = array<i32>} : memref<600x128xf32, #tpu.memory_space<vmem>>, vector<1x16xf32>,
      %get3A_645 = vector.shape_cast %get3A_644 : vector<1x16xf32> to vector<16xf32>
      %add3A_646 = arith.addf %add3A_574, %get3A_645 : vector<16xf32>
      %add3A_647 = arith.constant 200 : i32
      %add3A_648 = arith.addi %add3A_647, %mul3A_188 : i32
      %add3A_649 = arith.constant 6 : i32
      %add3A_650 = arith.addi %add3A_648, %add3A_649 : i32
      %get3A_651 = arith.index_cast %add3A_650 : i32 to index
      %get3A_652 = arith.constant 48 : index
      %get3A_653 = tpu.vector_load %arg6[%get3A_651, %get3A_652] {strides = array<i32>} : memref<600x128xf32, #tpu.memory_space<vmem>>, vector<1x16xf32>,
      %get3A_654 = vector.shape_cast %get3A_653 : vector<1x16xf32> to vector<16xf32>
      %add3A_655 = arith.addf %add3A_583, %get3A_654 : vector<16xf32>
      %add3A_656 = arith.constant 200 : i32
      %add3A_657 = arith.addi %add3A_656, %mul3A_188 : i32
      %add3A_658 = arith.constant 6 : i32
      %add3A_659 = arith.addi %add3A_657, %add3A_658 : i32
      %get3A_660 = arith.index_cast %add3A_659 : i32 to index
      %get3A_661 = arith.constant 64 : index
      %get3A_662 = tpu.vector_load %arg6[%get3A_660, %get3A_661] {strides = array<i32>} : memref<600x128xf32, #tpu.memory_space<vmem>>, vector<1x16xf32>,
      %get3A_663 = vector.shape_cast %get3A_662 : vector<1x16xf32> to vector<16xf32>
      %add3A_664 = arith.addf %add3A_592, %get3A_663 : vector<16xf32>
      %add3A_665 = arith.constant 200 : i32
      %add3A_666 = arith.addi %add3A_665, %mul3A_188 : i32
      %add3A_667 = arith.constant 6 : i32
      %add3A_668 = arith.addi %add3A_666, %add3A_667 : i32
      %get3A_669 = arith.index_cast %add3A_668 : i32 to index
      %get3A_670 = arith.constant 80 : index
      %get3A_671 = tpu.vector_load %arg6[%get3A_669, %get3A_670] {strides = array<i32>} : memref<600x128xf32, #tpu.memory_space<vmem>>, vector<1x16xf32>,
      %get3A_672 = vector.shape_cast %get3A_671 : vector<1x16xf32> to vector<16xf32>
      %add3A_673 = arith.addf %add3A_601, %get3A_672 : vector<16xf32>
      %add3A_674 = arith.constant 200 : i32
      %add3A_675 = arith.addi %add3A_674, %mul3A_188 : i32
      %add3A_676 = arith.constant 6 : i32
      %add3A_677 = arith.addi %add3A_675, %add3A_676 : i32
      %get3A_678 = arith.index_cast %add3A_677 : i32 to index
      %get3A_679 = arith.constant 96 : index
      %get3A_680 = tpu.vector_load %arg6[%get3A_678, %get3A_679] {strides = array<i32>} : memref<600x128xf32, #tpu.memory_space<vmem>>, vector<1x16xf32>,
      %get3A_681 = vector.shape_cast %get3A_680 : vector<1x16xf32> to vector<16xf32>
      %add3A_682 = arith.addf %add3A_610, %get3A_681 : vector<16xf32>
      %add3A_683 = arith.constant 200 : i32
      %add3A_684 = arith.addi %add3A_683, %mul3A_188 : i32
      %add3A_685 = arith.constant 6 : i32
      %add3A_686 = arith.addi %add3A_684, %add3A_685 : i32
      %get3A_687 = arith.index_cast %add3A_686 : i32 to index
      %get3A_688 = arith.constant 112 : index
      %get3A_689 = tpu.vector_load %arg6[%get3A_687, %get3A_688] {strides = array<i32>} : memref<600x128xf32, #tpu.memory_space<vmem>>, vector<1x16xf32>,
      %get3A_690 = vector.shape_cast %get3A_689 : vector<1x16xf32> to vector<16xf32>
      %add3A_691 = arith.addf %add3A_619, %get3A_690 : vector<16xf32>
      %add3A_692 = arith.constant 200 : i32
      %add3A_693 = arith.addi %add3A_692, %mul3A_188 : i32
      %add3A_694 = arith.constant 7 : i32
      %add3A_695 = arith.addi %add3A_693, %add3A_694 : i32
      %get3A_696 = arith.index_cast %add3A_695 : i32 to index
      %get3A_697 = arith.constant 0 : index
      %get3A_698 = tpu.vector_load %arg6[%get3A_696, %get3A_697] {strides = array<i32>} : memref<600x128xf32, #tpu.memory_space<vmem>>, vector<1x16xf32>,
      %get3A_699 = vector.shape_cast %get3A_698 : vector<1x16xf32> to vector<16xf32>
      %add3A_700 = arith.addf %add3A_628, %get3A_699 : vector<16xf32>
      %add3A_701 = arith.constant 200 : i32
      %add3A_702 = arith.addi %add3A_701, %mul3A_188 : i32
      %add3A_703 = arith.constant 7 : i32
      %add3A_704 = arith.addi %add3A_702, %add3A_703 : i32
      %get3A_705 = arith.index_cast %add3A_704 : i32 to index
      %get3A_706 = arith.constant 16 : index
      %get3A_707 = tpu.vector_load %arg6[%get3A_705, %get3A_706] {strides = array<i32>} : memref<600x128xf32, #tpu.memory_space<vmem>>, vector<1x16xf32>,
      %get3A_708 = vector.shape_cast %get3A_707 : vector<1x16xf32> to vector<16xf32>
      %add3A_709 = arith.addf %add3A_637, %get3A_708 : vector<16xf32>
      %add3A_710 = arith.constant 200 : i32
      %add3A_711 = arith.addi %add3A_710, %mul3A_188 : i32
      %add3A_712 = arith.constant 7 : i32
      %add3A_713 = arith.addi %add3A_711, %add3A_712 : i32
      %get3A_714 = arith.index_cast %add3A_713 : i32 to index
      %get3A_715 = arith.constant 32 : index
      %get3A_716 = tpu.vector_load %arg6[%get3A_714, %get3A_715] {strides = array<i32>} : memref<600x128xf32, #tpu.memory_space<vmem>>, vector<1x16xf32>,
      %get3A_717 = vector.shape_cast %get3A_716 : vector<1x16xf32> to vector<16xf32>
      %add3A_718 = arith.addf %add3A_646, %get3A_717 : vector<16xf32>
      %add3A_719 = arith.constant 200 : i32
      %add3A_720 = arith.addi %add3A_719, %mul3A_188 : i32
      %add3A_721 = arith.constant 7 : i32
      %add3A_722 = arith.addi %add3A_720, %add3A_721 : i32
      %get3A_723 = arith.index_cast %add3A_722 : i32 to index
      %get3A_724 = arith.constant 48 : index
      %get3A_725 = tpu.vector_load %arg6[%get3A_723, %get3A_724] {strides = array<i32>} : memref<600x128xf32, #tpu.memory_space<vmem>>, vector<1x16xf32>,
      %get3A_726 = vector.shape_cast %get3A_725 : vector<1x16xf32> to vector<16xf32>
      %add3A_727 = arith.addf %add3A_655, %get3A_726 : vector<16xf32>
      %add3A_728 = arith.constant 200 : i32
      %add3A_729 = arith.addi %add3A_728, %mul3A_188 : i32
      %add3A_730 = arith.constant 7 : i32
      %add3A_731 = arith.addi %add3A_729, %add3A_730 : i32
      %get3A_732 = arith.index_cast %add3A_731 : i32 to index
      %get3A_733 = arith.constant 64 : index
      %get3A_734 = tpu.vector_load %arg6[%get3A_732, %get3A_733] {strides = array<i32>} : memref<600x128xf32, #tpu.memory_space<vmem>>, vector<1x16xf32>,
      %get3A_735 = vector.shape_cast %get3A_734 : vector<1x16xf32> to vector<16xf32>
      %add3A_736 = arith.addf %add3A_664, %get3A_735 : vector<16xf32>
      %add3A_737 = arith.constant 200 : i32
      %add3A_738 = arith.addi %add3A_737, %mul3A_188 : i32
      %add3A_739 = arith.constant 7 : i32
      %add3A_740 = arith.addi %add3A_738, %add3A_739 : i32
      %get3A_741 = arith.index_cast %add3A_740 : i32 to index
      %get3A_742 = arith.constant 80 : index
      %get3A_743 = tpu.vector_load %arg6[%get3A_741, %get3A_742] {strides = array<i32>} : memref<600x128xf32, #tpu.memory_space<vmem>>, vector<1x16xf32>,
      %get3A_744 = vector.shape_cast %get3A_743 : vector<1x16xf32> to vector<16xf32>
      %add3A_745 = arith.addf %add3A_673, %get3A_744 : vector<16xf32>
      %add3A_746 = arith.constant 200 : i32
      %add3A_747 = arith.addi %add3A_746, %mul3A_188 : i32
      %add3A_748 = arith.constant 7 : i32
      %add3A_749 = arith.addi %add3A_747, %add3A_748 : i32
      %get3A_750 = arith.index_cast %add3A_749 : i32 to index
      %get3A_751 = arith.constant 96 : index
      %get3A_752 = tpu.vector_load %arg6[%get3A_750, %get3A_751] {strides = array<i32>} : memref<600x128xf32, #tpu.memory_space<vmem>>, vector<1x16xf32>,
      %get3A_753 = vector.shape_cast %get3A_752 : vector<1x16xf32> to vector<16xf32>
      %add3A_754 = arith.addf %add3A_682, %get3A_753 : vector<16xf32>
      %add3A_755 = arith.constant 200 : i32
      %add3A_756 = arith.addi %add3A_755, %mul3A_188 : i32
      %add3A_757 = arith.constant 7 : i32
      %add3A_758 = arith.addi %add3A_756, %add3A_757 : i32
      %get3A_759 = arith.index_cast %add3A_758 : i32 to index
      %get3A_760 = arith.constant 112 : index
      %get3A_761 = tpu.vector_load %arg6[%get3A_759, %get3A_760] {strides = array<i32>} : memref<600x128xf32, #tpu.memory_space<vmem>>, vector<1x16xf32>,
      %get3A_762 = vector.shape_cast %get3A_761 : vector<1x16xf32> to vector<16xf32>
      %add3A_763 = arith.addf %add3A_691, %get3A_762 : vector<16xf32>
      scf.yield %add3A_700, %add3A_709, %add3A_718, %add3A_727, %add3A_736, %add3A_745, %add3A_754, %add3A_763 : vector<16xf32>, vector<16xf32>, vector<16xf32>, vector<16xf32>, vector<16xf32>, vector<16xf32>, vector<16xf32>, vector<16xf32>
    }
    %scan3A_143 = arith.constant 25 : i32
    %swap3A_144 = arith.constant 16256 : index
    %swap3A_145 = tpu.vector_load %arg7[%swap3A_144] {strides = array<i32>} : memref<16384xf32, #tpu.memory_space<vmem>>, vector<16xf32>,
    %swap3A_146 = vector.shape_cast %swap3A_145 : vector<16xf32> to vector<16xf32>
    %swap3A_147 = vector.shape_cast %scan3A_142#0 : vector<16xf32> to vector<16xf32>
    tpu.vector_store %arg7[%swap3A_144], %swap3A_147 {strides = array<i32>} : memref<16384xf32, #tpu.memory_space<vmem>>, vector<16xf32>,
    %swap3A_148 = arith.constant 16272 : index
    %swap3A_149 = tpu.vector_load %arg7[%swap3A_148] {strides = array<i32>} : memref<16384xf32, #tpu.memory_space<vmem>>, vector<16xf32>,
    %swap3A_150 = vector.shape_cast %swap3A_149 : vector<16xf32> to vector<16xf32>
    %swap3A_151 = vector.shape_cast %scan3A_142#1 : vector<16xf32> to vector<16xf32>
    tpu.vector_store %arg7[%swap3A_148], %swap3A_151 {strides = array<i32>} : memref<16384xf32, #tpu.memory_space<vmem>>, vector<16xf32>,
    %swap3A_152 = arith.constant 16288 : index
    %swap3A_153 = tpu.vector_load %arg7[%swap3A_152] {strides = array<i32>} : memref<16384xf32, #tpu.memory_space<vmem>>, vector<16xf32>,
    %swap3A_154 = vector.shape_cast %swap3A_153 : vector<16xf32> to vector<16xf32>
    %swap3A_155 = vector.shape_cast %scan3A_142#2 : vector<16xf32> to vector<16xf32>
    tpu.vector_store %arg7[%swap3A_152], %swap3A_155 {strides = array<i32>} : memref<16384xf32, #tpu.memory_space<vmem>>, vector<16xf32>,
    %swap3A_156 = arith.constant 16304 : index
    %swap3A_157 = tpu.vector_load %arg7[%swap3A_156] {strides = array<i32>} : memref<16384xf32, #tpu.memory_space<vmem>>, vector<16xf32>,
    %swap3A_158 = vector.shape_cast %swap3A_157 : vector<16xf32> to vector<16xf32>
    %swap3A_159 = vector.shape_cast %scan3A_142#3 : vector<16xf32> to vector<16xf32>
    tpu.vector_store %arg7[%swap3A_156], %swap3A_159 {strides = array<i32>} : memref<16384xf32, #tpu.memory_space<vmem>>, vector<16xf32>,
    %swap3A_160 = arith.constant 16320 : index
    %swap3A_161 = tpu.vector_load %arg7[%swap3A_160] {strides = array<i32>} : memref<16384xf32, #tpu.memory_space<vmem>>, vector<16xf32>,
    %swap3A_162 = vector.shape_cast %swap3A_161 : vector<16xf32> to vector<16xf32>
    %swap3A_163 = vector.shape_cast %scan3A_142#4 : vector<16xf32> to vector<16xf32>
    tpu.vector_store %arg7[%swap3A_160], %swap3A_163 {strides = array<i32>} : memref<16384xf32, #tpu.memory_space<vmem>>, vector<16xf32>,
    %swap3A_164 = arith.constant 16336 : index
    %swap3A_165 = tpu.vector_load %arg7[%swap3A_164] {strides = array<i32>} : memref<16384xf32, #tpu.memory_space<vmem>>, vector<16xf32>,
    %swap3A_166 = vector.shape_cast %swap3A_165 : vector<16xf32> to vector<16xf32>
    %swap3A_167 = vector.shape_cast %scan3A_142#5 : vector<16xf32> to vector<16xf32>
    tpu.vector_store %arg7[%swap3A_164], %swap3A_167 {strides = array<i32>} : memref<16384xf32, #tpu.memory_space<vmem>>, vector<16xf32>,
    %swap3A_168 = arith.constant 16352 : index
    %swap3A_169 = tpu.vector_load %arg7[%swap3A_168] {strides = array<i32>} : memref<16384xf32, #tpu.memory_space<vmem>>, vector<16xf32>,
    %swap3A_170 = vector.shape_cast %swap3A_169 : vector<16xf32> to vector<16xf32>
    %swap3A_171 = vector.shape_cast %scan3A_142#6 : vector<16xf32> to vector<16xf32>
    tpu.vector_store %arg7[%swap3A_168], %swap3A_171 {strides = array<i32>} : memref<16384xf32, #tpu.memory_space<vmem>>, vector<16xf32>,
    %swap3A_172 = arith.constant 16368 : index
    %swap3A_173 = tpu.vector_load %arg7[%swap3A_172] {strides = array<i32>} : memref<16384xf32, #tpu.memory_space<vmem>>, vector<16xf32>,
    %swap3A_174 = vector.shape_cast %swap3A_173 : vector<16xf32> to vector<16xf32>
    %swap3A_175 = vector.shape_cast %scan3A_142#7 : vector<16xf32> to vector<16xf32>
    tpu.vector_store %arg7[%swap3A_172], %swap3A_175 {strides = array<i32>} : memref<16384xf32, #tpu.memory_space<vmem>>, vector<16xf32>,
    %mul3A_176 = arith.constant 16384 : i32
    %mul3A_177 = arith.muli %add3A, %mul3A_176 : i32
    "tpu.region"() ({
      %run_scoped3A = tpu.sem_alloc : memref<!tpu.dma_semaphore, #tpu.memory_space<semaphore_mem>>
      %dma_start3A_178 = tpu.memref_slice %arg4[%mul3A_177] : memref<524288xf32, #tpu.memory_space<hbm>> -> memref<16384xf32, #tpu.memory_space<hbm>>
      %dma_start3A_179 = tpu.memref_slice %arg4[%mul3A_177] : memref<524288xf32, #tpu.memory_space<hbm>> -> memref<16384xf32, #tpu.memory_space<hbm>>
      tpu.enqueue_dma source(%arg7 : memref<16384xf32, #tpu.memory_space<vmem>>) target(%dma_start3A_179 : memref<16384xf32, #tpu.memory_space<hbm>>) target_semaphore(%run_scoped3A : memref<!tpu.dma_semaphore, #tpu.memory_space<semaphore_mem>>)
      %dma_wait3A_180 = tpu.memref_slice %arg4[%mul3A_177] : memref<524288xf32, #tpu.memory_space<hbm>> -> memref<16384xf32, #tpu.memory_space<hbm>>
      %dma_wait3A_181 = tpu.memref_slice %arg4[%mul3A_177] : memref<524288xf32, #tpu.memory_space<hbm>> -> memref<16384xf32, #tpu.memory_space<hbm>>
      tpu.wait_dma2 semaphore(%run_scoped3A : memref<!tpu.dma_semaphore, #tpu.memory_space<semaphore_mem>>) src(%arg7 : memref<16384xf32, #tpu.memory_space<vmem>>) dst(%dma_wait3A_181 : memref<16384xf32, #tpu.memory_space<hbm>>)
      tpu.yield
    }) : () -> ()
    return
  }
}

module attributes {stable_mosaic.version = 14 : i64} {
  func.func @_dense_body(%arg0: memref<4096x128xf32, #tpu.memory_space<vmem>>, %arg1: memref<512x128xf32, #tpu.memory_space<vmem>>, %arg2: memref<1x512xf32, #tpu.memory_space<vmem>>, %arg3: memref<1x512xf32, #tpu.memory_space<vmem>>, %arg4: memref<1x512xf32, #tpu.memory_space<vmem>>, %arg5: memref<4096x512xf32, #tpu.memory_space<vmem>>) attributes {dimension_semantics = [], scalar_prefetch = 0 : i64, scratch_operands = 0 : i64, tpu.core_type = #tpu.core_type<tc>} {
    %get3A = arith.constant 0 : index
    %get3A_0 = arith.constant 0 : index
    %get3A_1 = vector.load %arg0[%get3A, %get3A_0] : memref<4096x128xf32, #tpu.memory_space<vmem>>, vector<4096x128xf32>
    %get3A_2 = arith.constant 0 : index
    %get3A_3 = arith.constant 0 : index
    %get3A_4 = vector.load %arg1[%get3A_2, %get3A_3] : memref<512x128xf32, #tpu.memory_space<vmem>>, vector<512x128xf32>
    %dot_general3A = arith.constant dense<0.000000e+00> : vector<4096x512xf32>
    %dot_general3A_5 = tpu.matmul %get3A_1, %get3A_4, %dot_general3A {dimension_numbers = #tpu.dot_dimension_numbers<[1], [1], [0], [0], [0, 0, 1, 0], [], []>, transpose_lhs_hint = false} : vector<4096x128xf32>, vector<512x128xf32>, vector<4096x512xf32> -> vector<4096x512xf32>
    %mul3A = arith.constant 5.000000e-03 : f32
    %mul3A_6 = vector.broadcast %mul3A : f32 to vector<4096x512xf32>
    %mul3A_7 = arith.mulf %dot_general3A_5, %mul3A_6 : vector<4096x512xf32>
    %get3A_8 = arith.constant 0 : index
    %get3A_9 = arith.constant 0 : index
    %get3A_10 = vector.load %arg2[%get3A_8, %get3A_9] : memref<1x512xf32, #tpu.memory_space<vmem>>, vector<1x512xf32>
    %add3A = vector.broadcast %get3A_10 : vector<1x512xf32> to vector<4096x512xf32>
    %add3A_11 = arith.addf %mul3A_7, %add3A : vector<4096x512xf32>
    %logistic3A = arith.negf %add3A_11 : vector<4096x512xf32>
    %logistic3A_12 = math.exp %logistic3A : vector<4096x512xf32>
    %logistic3A_13 = arith.constant 1.000000e+00 : f32
    %logistic3A_14 = vector.broadcast %logistic3A_13 : f32 to vector<4096x512xf32>
    %logistic3A_15 = arith.addf %logistic3A_14, %logistic3A_12 : vector<4096x512xf32>
    %logistic3A_16 = arith.divf %logistic3A_14, %logistic3A_15 : vector<4096x512xf32>
    %reduce_sum3A = arith.constant dense<0.000000e+00> : vector<512xf32>
    %reduce_sum3A_17 = vector.multi_reduction <add>, %logistic3A_16, %reduce_sum3A [0] : vector<4096x512xf32> to vector<512xf32>
    %broadcast_in_dim3A = vector.shape_cast %reduce_sum3A_17 : vector<512xf32> to vector<1x512xf32>
    %div3A = arith.constant 4.096000e+03 : f32
    %div3A_18 = vector.broadcast %div3A : f32 to vector<1x512xf32>
    %div3A_19 = arith.divf %broadcast_in_dim3A, %div3A_18 : vector<1x512xf32>
    %sub3A = vector.broadcast %div3A_19 : vector<1x512xf32> to vector<4096x512xf32>
    %sub3A_20 = arith.subf %logistic3A_16, %sub3A : vector<4096x512xf32>
    %integer_pow3A = arith.mulf %sub3A_20, %sub3A_20 : vector<4096x512xf32>
    %reduce_sum3A_21 = arith.constant dense<0.000000e+00> : vector<512xf32>
    %reduce_sum3A_22 = vector.multi_reduction <add>, %integer_pow3A, %reduce_sum3A_21 [0] : vector<4096x512xf32> to vector<512xf32>
    %broadcast_in_dim3A_23 = vector.shape_cast %reduce_sum3A_22 : vector<512xf32> to vector<1x512xf32>
    %div3A_24 = arith.constant 4.096000e+03 : f32
    %div3A_25 = vector.broadcast %div3A_24 : f32 to vector<1x512xf32>
    %div3A_26 = arith.divf %broadcast_in_dim3A_23, %div3A_25 : vector<1x512xf32>
    %sub3A_27 = vector.broadcast %div3A_19 : vector<1x512xf32> to vector<4096x512xf32>
    %sub3A_28 = arith.subf %logistic3A_16, %sub3A_27 : vector<4096x512xf32>
    %add3A_29 = arith.constant 9.99999974E-6 : f32
    %add3A_30 = vector.broadcast %add3A_29 : f32 to vector<1x512xf32>
    %add3A_31 = arith.addf %div3A_26, %add3A_30 : vector<1x512xf32>
    %rsqrt3A = math.rsqrt %add3A_31 : vector<1x512xf32>
    %mul3A_32 = vector.broadcast %rsqrt3A : vector<1x512xf32> to vector<4096x512xf32>
    %mul3A_33 = arith.mulf %sub3A_28, %mul3A_32 : vector<4096x512xf32>
    %get3A_34 = arith.constant 0 : index
    %get3A_35 = arith.constant 0 : index
    %get3A_36 = vector.load %arg3[%get3A_34, %get3A_35] : memref<1x512xf32, #tpu.memory_space<vmem>>, vector<1x512xf32>
    %mul3A_37 = vector.broadcast %get3A_36 : vector<1x512xf32> to vector<4096x512xf32>
    %mul3A_38 = arith.mulf %mul3A_33, %mul3A_37 : vector<4096x512xf32>
    %get3A_39 = arith.constant 0 : index
    %get3A_40 = arith.constant 0 : index
    %get3A_41 = vector.load %arg4[%get3A_39, %get3A_40] : memref<1x512xf32, #tpu.memory_space<vmem>>, vector<1x512xf32>
    %add3A_42 = vector.broadcast %get3A_41 : vector<1x512xf32> to vector<4096x512xf32>
    %add3A_43 = arith.addf %mul3A_38, %add3A_42 : vector<4096x512xf32>
    %swap3A = arith.constant 0 : index
    %swap3A_44 = arith.constant 0 : index
    %swap3A_45 = vector.load %arg5[%swap3A, %swap3A_44] : memref<4096x512xf32, #tpu.memory_space<vmem>>, vector<4096x512xf32>
    tpu.vector_store %arg5[%swap3A, %swap3A_44], %add3A_43 {strides = array<i32>} : memref<4096x512xf32, #tpu.memory_space<vmem>>, vector<4096x512xf32>,
    return
  }
}

</mosaic_0001>

<sc_bundles>
// kernel: kernel.4.cloned.1.call-start
scs
__scs_entry_jumppad:
0x0: {  	(pc) =	sbr.rel $0x88, $3  }
0x1: {  	(tag) =	ssettag $0x0;
	lr =	simm.s32 $0x1  }
0x2: {  	[smem:$0x3F9B] =	sst lr;
	_ =	strace $0xD0000000  }
0x3: {  	_ = 	snop  }
0x4: {  	_ = 	snop  }
0x5: {  	_ = 	snop  }
0x6: {  	_ = 	snop  }
0x7: {  	_ = 	snop  }
__scs_overlays_trampoline_lowered:
0x8: {  	[smem:$0x3FAA] =	sst s0  }
0x9: {  	[smem:$0x3FAB] =	sst s1  }
0xa: {  	[smem:$0x3FAC] =	sst s2  }
0xb: {  	[smem:$0x3FAD] =	sst s3  }
0xc: {  	[smem:$0x3FAE] =	sst s4  }
0xd: {  	[smem:$0x3FAF] =	sst s5  }
0xe: {  	[smem:$0x3FB0] =	sst s6  }
0xf: {  	[smem:$0x3FB1] =	sst s7  }
0x10: {  	[smem:$0x3FB2] =	sst s8  }
0x11: {  	[smem:$0x3FB3] =	sst s9;
	s0 =	simm.s32 @!p0 $0x0  }
0x12: {  	s1 =	sld [smem:$0x3F99];
	s0 =	simm.s32 @p0 $0x1  }
0x13: {  	[smem:$0x3FB4] =	sst s0;
	s0 =	simm.s32 @!p1 $0x0  }
0x14: {  	s2 =	sld [smem:$0x3F98];
	s0 =	simm.s32 @p1 $0x1  }
0x15: {  	[smem:$0x3FB5] =	sst s0;
	s0 =	simm.s32 @!p2 $0x0  }
0x16: {  	s3 =	sld [smem:$0x3FDB];
	s0 =	simm.s32 @p2 $0x1  }
0x17: {  	s4 =	simm.s32 $0x1BF5;
	[smem:$0x3FB7] =	sst s0  }
0x18: {  	s0 =	sld [smem:$0x3F9A];
	_ =	swait.ge [sflag:s4], $0x0  }
0x19: {  	s7 =	sld [smem:$0x3F9B]  }
0x1a: {  	s8 =	sadd.s32 $0xFFFFE003, lr  }
0x1b: {  	s9 =	sadd.s32 $0xFFFFFEF7, lr;
	s5 =	simm.s32 $0xFFFFFFFF;
	p2 =	slt.u32 s8, $0xFFFFF086  }
0x1c: {  	p1 =	slt.u32 s9, $0xF7A;
	s5 =	simm.s32 @!p2 $0x0  }
0x1d: {  	s5 =	simm.s32 @p1 $0x1;
	p0 =	seq.s32 s7, s2  }
0x1e: {  	s7 =	smul.u32 @!p0 $0xF7A, s2;
	p2 =	seq.s32 @!p0 s5, $0x0  }
0x1f: {  	s9 =	smul.u32 $0xF7A, s1;
	s8 =	simm.s32 @!p0 $0x1BF5;
	p2 =	por !p2, p0  }
0x20: {  	[sflag:s8] =	ssyncset.s32 @!p0 $0xFFFFF086;
	s6 =	sadd.s32 @!p0 s3, s7;
	s7 =	simm.s32 @!p0 $0x108  }
0x21: {  	s3 =	sadd.s32 s3, s9;
	s6 =	sadd.s32 @!p0 $0x88, s6;
	s7 =	simm.s32 @p2 $0x1082  }
0x22: {  	[simem:s7], [sflag:s8] =	dma.local @!p0 [hbm:s6], $0xF7A  }
0x23: {  	s9 =	sor.u32 $0xD0000000, s2;
	s6 =	simm.s32 $0x108;
	_ =	swait.ge @!p0 [sflag:s8], $0x0  }
0x24: {  	s3 =	sadd.s32 $0x88, s3;
	s6 =	simm.s32 @!p1 $0x1082;
	[sflag:s4] =	ssyncset.s32 $0xFFFFF086  }
0x25: {  	[simem:s6], [sflag:s4] =	dma.local [hbm:s3], $0xF7A  }
0x26: {  	[smem:$0x3F9B] =	sst s1;
	(tag) =	ssettag s2;
	_ =	strace s9  }
0x27: {  	s1 =	sld [smem:$0x3FAB]  }
0x28: {  	s2 =	sld [smem:$0x3FAC]  }
0x29: {  	s4 =	sld [smem:$0x3FAE]  }
0x2a: {  	p0 =	seq.s32 s5, $0x0;
	s5 =	sld [smem:$0x3FAF]  }
0x2b: {  	s6 =	sld [smem:$0x3FB0]  }
0x2c: {  	s7 =	sld [smem:$0x3FB1]  }
0x2d: {  	s3 =	simm.s32 $0x108;
	s8 =	sld [smem:$0x3FB2]  }
0x2e: {  	s3 =	simm.s32 @!p0 $0x1082;
	s9 =	sld [smem:$0x3FB3]  }
0x2f: {  	lr =	sadd.s32 s0, s3;
	s0 =	sld [smem:$0x3FAA]  }
0x30: {  	s3 =	sld [smem:$0x3FAD]  }
0x31: {  	[smem:$0x3FB6] =	sst s10  }
0x32: {  	s10 =	sld [smem:$0x3FB4];
	_ =	sdelay $0x3  }
0x33: {  	p0 =	seq.s32 s10, $0x1;
	s10 =	sld [smem:$0x3FB6];
	_ =	sdelay $0x3  }
0x34: {  	[smem:$0x3FB6] =	sst s10  }
0x35: {  	s10 =	sld [smem:$0x3FB5];
	_ =	sdelay $0x3  }
0x36: {  	p1 =	seq.s32 s10, $0x1;
	s10 =	sld [smem:$0x3FB6];
	_ =	sdelay $0x3  }
0x37: {  	[smem:$0x3FB6] =	sst s10  }
0x38: {  	s10 =	sld [smem:$0x3FB7]  }
0x39: {  	_ = 	snop;
	(pc) =	sbr.ind lr, $3  }
0x3a: {  	_ = 	snop  }
0x3b: {  	_ = 	snop  }
0x3c: {  	p2 =	seq.s32 s10, $0x1;
	s10 =	sld [smem:$0x3FB6]  }
0x3d: {  	_ =	shalt  }
0x3e: {  	_ =	shalt  }
0x3f: {  	_ =	shalt  }
0x40: {  	_ =	shalt  }
0x41: {  	_ =	shalt  }
0x42: {  	_ =	shalt  }
0x43: {  	_ =	shalt  }
0x44: {  	_ =	shalt  }
0x45: {  	_ =	shalt  }
0x46: {  	_ =	shalt  }
0x47: {  	_ =	shalt  }
0x48: {  	_ =	shalt  }
0x49: {  	_ =	shalt  }
0x4a: {  	_ =	shalt  }
0x4b: {  	_ =	shalt  }
0x4c: {  	_ =	shalt  }
0x4d: {  	_ =	shalt  }
0x4e: {  	_ =	shalt  }
0x4f: {  	_ =	shalt  }
0x50: {  	_ =	shalt  }
0x51: {  	_ =	shalt  }
0x52: {  	_ =	shalt  }
0x53: {  	_ =	shalt  }
0x54: {  	_ =	shalt  }
0x55: {  	_ =	shalt  }
0x56: {  	_ =	shalt  }
0x57: {  	_ =	shalt  }
0x58: {  	_ =	shalt  }
0x59: {  	_ =	shalt  }
0x5a: {  	_ =	shalt  }
0x5b: {  	_ =	shalt  }
0x5c: {  	_ =	shalt  }
0x5d: {  	_ =	shalt  }
0x5e: {  	_ =	shalt  }
0x5f: {  	_ =	shalt  }
0x60: {  	_ =	shalt  }
0x61: {  	_ =	shalt  }
0x62: {  	_ =	shalt  }
0x63: {  	_ =	shalt  }
0x64: {  	_ =	shalt  }
0x65: {  	_ =	shalt  }
0x66: {  	_ =	shalt  }
0x67: {  	_ =	shalt  }
0x68: {  	_ =	shalt  }
0x69: {  	_ =	shalt  }
0x6a: {  	_ =	shalt  }
0x6b: {  	_ =	shalt  }
0x6c: {  	_ =	shalt  }
0x6d: {  	_ =	shalt  }
0x6e: {  	_ =	shalt  }
0x6f: {  	_ =	shalt  }
0x70: {  	_ =	shalt  }
0x71: {  	_ =	shalt  }
0x72: {  	_ =	shalt  }
0x73: {  	_ =	shalt  }
0x74: {  	_ =	shalt  }
0x75: {  	_ =	shalt  }
0x76: {  	_ =	shalt  }
0x77: {  	_ =	shalt  }
0x78: {  	_ =	shalt  }
0x79: {  	_ =	shalt  }
0x7a: {  	_ =	shalt  }
0x7b: {  	_ =	shalt  }
0x7c: {  	_ =	shalt  }
0x7d: {  	_ =	shalt  }
0x7e: {  	_ =	shalt  }
0x7f: {  	_ =	shalt  }
0x80: {  	_ =	shalt  }
0x81: {  	_ =	shalt  }
0x82: {  	_ =	shalt  }
0x83: {  	_ =	shalt  }
0x84: {  	_ =	shalt  }
0x85: {  	_ =	shalt  }
0x86: {  	_ =	shalt  }
0x87: {  	_ =	shalt  }
.Lfunc_end0:
.L_simem_size_0:
called_computation_lowered:
.L_overlay_start_0:
0x88: {  	s2 =	sld [smem:$0x3FD9]  }
0x89: {  	s3 =	sld [smem:$0x3FFE];
	_ =	sdelay $0x1  }
0x8a: {  	s1 =	srdreg.scid  }
0x8b: {  	s0 =	sand.u32 $0x1, s1  }
0x8c: {  	s17 =	sshll.u32 s0, $0xA;
	s2 =	sadd.s32 s3, s2  }
0x8d: {  	s2 =	sadd.s32 s2, s17  }
0x8e: {  	[smem:$0x3FC2] =	sst s2  }
0x8f: {  	_ = 	snop  }
0x90: {  	s2 =	sld [smem:$0x3FC8]  }
0x91: {  	s18 =	sld [smem:$0x3FD0];
	(tm) =	ssettm $0x1  }
0x92: {  	s4 =	sld [smem:$0x3FFB];
	_ =	sdelay $0x3  }
0x93: {  	_ =	strace s4  }
0x94: {  	s4 =	sld [smem:$0x3FFC];
	_ =	sdelay $0x3  }
0x95: {  	_ =	strace s4  }
0x96: {  	s4 =	sld [smem:$0x3FFD];
	_ =	sdelay $0x3  }
0x97: {  	_ =	strace s4  }
0x98: {  	_ =	strace $0x8FFFFFFF  }
0x99: {  	s19 =	sld [smem:$0x3FDB];
	_ =	sdelay $0x1  }
0x9a: {  	s5 =	simm.s32 $_scs_section_size  }
0x9b: {  	s6 =	simm.s32 $_size__tile_overlayer_lowered;
	s7 =	simm.s32 $_tile_overlayer_lowered  }
0x9c: {  	s22 =	simm.s32 $0x1BFF;
	s21 =	sshll.u32 s7, $0x1;
	s4 =	sadd.s32 s5, s19  }
0x9d: {  	s8 =	simm.s32 $0x0;
	s20 =	sshll.u32 s6, $0x1;
	s6 =	sadd.s32 s21, s4  }
0x9e: {  	[timem:s8], [sflag:s22] =	dma.local [hbm:s6], s20  }
0x9f: {  	_ =	swait.ge [sflag:s22], s20  }
0xa0: {  	s5 =	ssub.s32 $0x0, s20;
	[sflag:s22] =	ssyncset.done $0x0  }
0xa1: {  	[sflag:s22] =	ssyncadd.s32 s5;
	_ =	sdelay $0x1  }
0xa2: {  	s23 =	simm.s32 $0x1B8B  }
0xa3: {  	_ =	swait.ge [sflag:s23], $0x1  }
0xa4: {  	[sflag:s23] =	ssyncset.done $0x0  }
0xa5: {  	s25 =	simm.s32 $0x1B8E;
	s24 =	sld [smem:$0x3FFE];
	[sflag:s23] =	ssyncadd.s32 $0xFFFFFFFF  }
0xa6: {  	s26 =	simm.s32 $execute0_lowered;
	[smem:$0x3FD2] =	sst s25  }
0xa7: {  	s6 =	sshll.u32 s26, $0x1;
	_ =	strace $0x80000046;
	[dreg:$0x1] =	wrdreg $0xFFFFFFFF  }
0xa8: {  	s28 =	simm.s32 $_size_execute0_lowered;
	s4 =	sadd.s32 s4, s6;
	[dreg:$0x0] =	wrdreg $0x0  }
0xa9: {  	s6 =	sshll.u32 s28, $0x1;
	[dreg:$0x2] =	wrdreg s4  }
0xaa: {  	[dreg:$0x3] =	wrdreg s6  }
0xab: {  	[dreg:$0x4] =	wrdreg $0xC0  }
0xac: {  	_ =	task [dreg:s8], $0x5FFFF  }
0xad: {  	[dreg:$0x1] =	wrdreg $0xFFFFFFFF  }
0xae: {  	[dreg:$0x0] =	wrdreg $0x60  }
0xaf: {  	[dreg:$0x2] =	wrdreg s18  }
0xb0: {  	[dreg:$0x3] =	wrdreg s2  }
0xb1: {  	[dreg:$0x4] =	wrdreg s24  }
0xb2: {  	[dreg:$0x5] =	wrdreg $0x9  }
0xb3: {  	_ =	task.clear_ibuf [dreg:s8], $0x6FFFF;
	_ =	strace $0x90000046  }
0xb4: {  	s29 =	simm.s32 $0x9;
	_ =	strace $0x80000048  }
0xb5: {  	_ =	swait.ge [sflag:s29], $0x1  }
0xb6: {  	[sflag:s29] =	ssyncadd.s32 $0xFFFFFFFF  }
0xb7: {  	_ =	strace $0x90000048  }
0xb8: {  	_ =	sfence  }
0xb9: {  	s30 =	sld [smem:$0x0];
	_ =	sdelay $0x2  }
0xba: {  	s31 =	sshll.u32 s1, $0xD;
	s1 =	sshrl.u32 s1, $0x2  }
0xbb: {  	s3 =	sand.u32 $0x4000, s31;
	s1 =	sadd.s32 s1, s30  }
0xbc: {  	s0 =	sor.u32 s3, s0;
	s1 =	sshll.u32 s1, $0x11  }
0xbd: {  	s0 =	sor.u32 s1, s0  }
0xbe: {  	s0 =	sadd.s32 $0x8F2B, s0  }
0xbf: {  	[sflag:s0] =	ssyncadd.remote.s32 $0x1  }
0xc0: {  	_ =	sfence.sel $0xFFFF  }
0xc1: {  	[dreg:$0x0] =	wrdreg $0xFFFFFFFF;
	(pc) =	sbr.abs _section_cstart, $3  }
0xc2: {  	[dreg:$0x1] =	wrdreg $0xFFFFFFFF  }
0xc3: {  	_ =	task.clear_ibuf [dreg:s8], $0x2FFFF;
	_ =	strace $0x9FFFFFFF  }
0xc4: {  	(tm) =	ssettm $0x7FFFFFFF  }
0xc5: {  	_ =	shalt  }
tec
execute0_lowered:
.L_overlay_start_1:
0x0: {  	(tag) =	ssettag $0x1  }
0x1: {  	s4 =	rddreg [dreg:$0x0]  }
0x2: {  	s2 =	rddreg [dreg:$0x1]  }
0x3: {  	s1 =	srdreg.scid;
	s0 =	stileid.u32  }
0x4: {  	s5 =	rddreg [dreg:$0x2];
	s3 =	simm.s32 $0x0;
	s10 =	simm.s32 $0x50  }
0x5: {  	s11 =	simm.s32 $0xA000;
	s12 =	simm.s32 $0xC8;
	s13 =	simm.s32 $0xC800  }
0x6: {  	s14 =	simm.s32 $0x140;
	s15 =	simm.s32 $0x10400;
	s16 =	simm.s32 $0x12C00  }
0x7: {  	s17 =	simm.s32 $0x16800;
	s18 =	simm.s32 $0x1;
	s19 =	simm.s32 $0x2  }
0x8: {  	s20 =	simm.s32 $0x3;
	s21 =	simm.s32 $0x19000;
	s22 =	simm.s32 $0x0  }
0x9: {  	s6 =	sand.u32 $0x1, s1;
	s7 =	sshll.u32 s0, $0x1;
	s1 =	rddreg [dreg:$0x3]  }
0xa: {  	[smem:$0x7FF] =	sst s3;
	s7 =	sor.u32 s6, s7;
	s6 =	ssub.s32 $0x2, s6  }
0xb: {  	s8 =	smul.u32 $0xC80, s7;
	s7 =	sshll.u32 s7, $0xB;
	s9 =	sshrl.u32 s6, $0x1  }
0xc: {  	_ =	strace $0x80000047;
	s5 =	sadd.s32 s7, s5;
	s6 =	ssub.s32 s6, s9  }
0xd: {  	s7 =	simm.s32 $0x4;
	s9 =	simm.s32 $0x6400;
	s4 =	sadd.s32 s4, s8  }
0xe: {  	s5 =	sadd.s32 $0xE00, s5;
	s6 =	smax.u32 s6, $0x1;
	s8 =	simm.s32 $0x78  }
.LBB2_1:
0xf: {  	[tilespmem:s3], [sflag:$0x4] =	stream.linear.gather [hbm4b:s4+s3], $0x6400, $0x38;
	[tilespmem:$0x1D000] =	vst v63  }
0x10: {  	_ =	swait.ge [sflag:s7], $0x6400  }
0x11: {  	[sflag:s7] =	ssyncset.done $0x0  }
0x12: {  	[sflag:s7] =	ssyncadd.s32 $0xFFFF9C00  }
0x13: {  	[tilespmem:s9], [sflag:$0x1] =	stream.indirect.gather [hbm4b:s2+s8], $0x80, s3, s8, $0xb8;
	[tilespmem:$0x1D000] =	vst v63  }
0x14: {  	_ = 	snop  }
0x15: {  	[tilespmem:s11], [sflag:$0x1] =	stream.indirect.gather [hbm4b:s2+s10], $0x80, s8, s10, $0xb8;
	[tilespmem:$0x1D000] =	vst v63  }
0x16: {  	_ = 	snop  }
0x17: {  	[tilespmem:s13], [sflag:$0x2] =	stream.indirect.gather [hbm4b:s2+s8], $0x80, s12, s8, $0xb8;
	[tilespmem:$0x1D000] =	vst v63  }
0x18: {  	s23 =	simm.s32 $0x0  }
0x19: {  	[tilespmem:s15], [sflag:$0x2] =	stream.indirect.gather [hbm4b:s2+s10], $0x80, s14, s10, $0xb8;
	[tilespmem:$0x1D000] =	vst v63  }
.LBB2_2:
0x1a: {  	s24 =	smul.u32 $0x3, s23;
	_ =	sdelay $0x1  }
0x1b: {  	s24 =	sadd.s32 $0x2, s24  }
0x1c: {  	s25 =	smul.u32 $0x320, s24;
	_ =	sdelay $0x1  }
0x1d: {  	s25 =	sshra.s32 s25, $0x2  }
0x1e: {  	[tilespmem:s16], [sflag:$0x3] =	stream.indirect.gather [hbm4b:s2+s8], $0x80, s25, s8, $0xb8;
	[tilespmem:$0x1D000] =	vst v63  }
0x1f: {  	s25 =	sadd.s32 $0x78, s25  }
0x20: {  	[tilespmem:s17], [sflag:$0x3] =	stream.indirect.gather [hbm4b:s2+s10], $0x80, s25, s10, $0xb8;
	[tilespmem:$0x1D000] =	vst v63  }
0x21: {  	_ =	swait.ge [sflag:s18], $0x3C00  }
0x22: {  	[sflag:s18] =	ssyncset.done $0x0  }
0x23: {  	[sflag:s18] =	ssyncadd.s32 $0xFFFFC400  }
0x24: {  	_ =	swait.ge [sflag:s18], $0x2800  }
0x25: {  	[sflag:s18] =	ssyncset.done $0x0  }
0x26: {  	s25 =	simm.s32 $0x0;
	[sflag:s18] =	ssyncadd.s32 $0xFFFFD800  }
0x27: {  	v6 =	vld [tilespmem:s25+$0x6780]  }
0x28: {  	v7 =	vld [tilespmem:s25+$0x6790]  }
0x29: {  	v8 =	vld [tilespmem:s25+$0x67A0]  }
0x2a: {  	v9 =	vld [tilespmem:s25+$0x67B0]  }
0x2b: {  	v0 =	vld [tilespmem:s25+$0x67C0]  }
0x2c: {  	v1 =	vld [tilespmem:s25+$0x67D0]  }
0x2d: {  	v14 =	vld [tilespmem:s25+$0x6700]  }
0x2e: {  	v16 =	vld [tilespmem:s25+$0x6710]  }
0x2f: {  	v13 =	vld [tilespmem:s25+$0x6720]  }
0x30: {  	v15 =	vld [tilespmem:s25+$0x6730]  }
0x31: {  	v3 =	vld [tilespmem:s25+$0x6740]  }
0x32: {  	v2 =	vld [tilespmem:s25+$0x6750]  }
0x33: {  	v17 =	vld [tilespmem:s25+$0x6680]  }
0x34: {  	v18 =	vld [tilespmem:s25+$0x6690]  }
0x35: {  	v19 =	vld [tilespmem:s25+$0x66A0]  }
0x36: {  	v24 =	vld [tilespmem:s25+$0x66B0]  }
0x37: {  	v4 =	vld [tilespmem:s25+$0x66C0]  }
0x38: {  	v5 =	vld [tilespmem:s25+$0x66D0]  }
0x39: {  	v21 =	vld [tilespmem:s25+$0x6600]  }
0x3a: {  	v22 =	vld [tilespmem:s25+$0x6610]  }
0x3b: {  	v23 =	vld [tilespmem:s25+$0x6620]  }
0x3c: {  	v30 =	vld [tilespmem:s25+$0x6630]  }
0x3d: {  	v10 =	vld [tilespmem:s25+$0x6640]  }
0x3e: {  	v27 =	vld [tilespmem:s25+$0x6580]  }
0x3f: {  	v28 =	vld [tilespmem:s25+$0x6590]  }
0x40: {  	v25 =	vld [tilespmem:s25+$0x6500]  }
0x41: {  	v26 =	vld [tilespmem:s25+$0x6510]  }
0x42: {  	v11 =	vld [tilespmem:s25+$0x6480]  }
0x43: {  	v20 =	vld [tilespmem:s25+$0x6490]  }
0x44: {  	v29 =	vld [tilespmem:s25+$0x6400]  }
0x45: {  	v31 =	vld [tilespmem:s25+$0x6410]  }
0x46: {  	v32 =	vld [tilespmem:s25+$0x6420]  }
0x47: {  	v33 =	vld [tilespmem:s25+$0x6430]  }
0x48: {  	v34 =	vld [tilespmem:s25+$0x64A0]  }
0x49: {  	v35 =	vld [tilespmem:s25+$0x64B0]  }
0x4a: {  	v12 =	vimm.f32 $0.0e+00;
	v36 =	vld [tilespmem:s25+$0x6520]  }
0x4b: {  	v37 =	vld [tilespmem:s25+$0x6530];
	v29 =	vadd.f32 v29, v12;
	v31 =	vadd.f32 v31, v12  }
0x4c: {  	v38 =	vld [tilespmem:s25+$0x65A0];
	v32 =	vadd.f32 v32, v12;
	v33 =	vadd.f32 v33, v12  }
0x4d: {  	v39 =	vld [tilespmem:s25+$0x65B0];
	v29 =	vadd.f32 v11, v29;
	v31 =	vadd.f32 v20, v31  }
0x4e: {  	v11 =	vld [tilespmem:s25+$0x6650];
	v32 =	vadd.f32 v34, v32;
	v33 =	vadd.f32 v35, v33  }
0x4f: {  	v20 =	vld [tilespmem:s25+$0x65C0];
	v29 =	vadd.f32 v25, v29;
	v31 =	vadd.f32 v26, v31  }
0x50: {  	v25 =	vld [tilespmem:s25+$0x65D0];
	v32 =	vadd.f32 v36, v32;
	v33 =	vadd.f32 v37, v33  }
0x51: {  	v26 =	vld [tilespmem:s25+$0x6540];
	v29 =	vadd.f32 v27, v29;
	v31 =	vadd.f32 v28, v31  }
0x52: {  	v27 =	vld [tilespmem:s25+$0x6550];
	v32 =	vadd.f32 v38, v32;
	v33 =	vadd.f32 v39, v33  }
0x53: {  	v28 =	vld [tilespmem:s25+$0x64C0];
	v21 =	vadd.f32 v21, v29;
	v22 =	vadd.f32 v22, v31  }
0x54: {  	v29 =	vld [tilespmem:s25+$0x64D0];
	v23 =	vadd.f32 v23, v32;
	v63 =	vadd.f32 v30, v33  }
0x55: {  	v30 =	vld [tilespmem:s25+$0x6440];
	v21 =	vadd.f32 v17, v21;
	v22 =	vadd.f32 v18, v22  }
0x56: {  	v31 =	vld [tilespmem:s25+$0x6450];
	v23 =	vadd.f32 v19, v23;
	v24 =	vadd.f32 v24, v63  }
0x57: {  	s26 =	simm.s32 $0x1000;
	v32 =	vld [tilespmem:s25+$0x6460];
	v19 =	vimm.f32 $0.0e+00;
	v18 =	vimm.f32 $0.0e+00;
	v17 =	vimm.f32 $0.0e+00  }
.LBB2_3:
0x58: {  	p0 =	sne.s32 s26, $0x18000;
	v33 =	vld [tilespmem:s25+$0x6470];
	v14 =	vadd.f32 v14, v21;
	v16 =	vadd.f32 v16, v22  }
0x59: {  	v34 =	vld [tilespmem:s25+$0x64E0];
	v13 =	vadd.f32 v13, v23;
	v15 =	vadd.f32 v15, v24  }
0x5a: {  	v35 =	vld [tilespmem:s25+$0x64F0];
	v21 =	vadd.f32 v6, v14;
	v22 =	vadd.f32 v7, v16  }
0x5b: {  	v6 =	vld [tilespmem:s25+$0x6560];
	v23 =	vadd.f32 v8, v13;
	v24 =	vadd.f32 v9, v15  }
0x5c: {  	v7 =	vadd.f32 v30, v12;
	v8 =	vadd.f32 v31, v19;
	v9 =	vld [tilespmem:s25+$0x6570]  }
0x5d: {  	v12 =	vadd.f32 v32, v18;
	v13 =	vadd.f32 v33, v17;
	v14 =	vld [tilespmem:s25+$0x65E0]  }
0x5e: {  	v7 =	vadd.f32 v28, v7;
	v8 =	vadd.f32 v29, v8;
	v15 =	vld [tilespmem:s25+$0x65F0]  }
0x5f: {  	v12 =	vadd.f32 v34, v12;
	v13 =	vadd.f32 v35, v13;
	v16 =	vld [tilespmem:s25+$0x6660]  }
0x60: {  	v7 =	vadd.f32 v26, v7;
	v8 =	vadd.f32 v27, v8;
	v17 =	vld [tilespmem:s25+$0x6670]  }
0x61: {  	v6 =	vadd.f32 v6, v12;
	v9 =	vadd.f32 v9, v13;
	v12 =	vld [tilespmem:s25+$0x66E0]  }
0x62: {  	v7 =	vadd.f32 v20, v7;
	v8 =	vadd.f32 v25, v8;
	v13 =	vld [tilespmem:s25+$0x66F0]  }
0x63: {  	v6 =	vadd.f32 v14, v6;
	v9 =	vadd.f32 v15, v9;
	v14 =	vld [tilespmem:s25+$0x6760]  }
0x64: {  	v7 =	vadd.f32 v10, v7;
	v8 =	vadd.f32 v11, v8;
	v10 =	vld [tilespmem:s25+$0x6770]  }
0x65: {  	v11 =	vadd.f32 v16, v6;
	v9 =	vadd.f32 v17, v9;
	v15 =	vld [tilespmem:s25+$0x67E0]  }
0x66: {  	v4 =	vadd.f32 v4, v7;
	v5 =	vadd.f32 v5, v8;
	v16 =	vld [tilespmem:s25+$0x67F0];
	s25 =	sshra.s32 s26, $0x2  }
0x67: {  	v11 =	vadd.f32 v12, v11;
	v6 =	vld [tilespmem:s25+$0x6780];
	v9 =	vadd.f32 v13, v9  }
0x68: {  	v3 =	vadd.f32 v3, v4;
	v2 =	vadd.f32 v2, v5;
	v7 =	vld [tilespmem:s25+$0x6790]  }
0x69: {  	v4 =	vadd.f32 v14, v11;
	v8 =	vld [tilespmem:s25+$0x67A0];
	v5 =	vadd.f32 v10, v9  }
0x6a: {  	v12 =	vadd.f32 v0, v3;
	v19 =	vadd.f32 v1, v2;
	v9 =	vld [tilespmem:s25+$0x67B0]  }
0x6b: {  	v18 =	vadd.f32 v15, v4;
	v0 =	vld [tilespmem:s25+$0x67C0];
	v17 =	vadd.f32 v16, v5  }
0x6c: {  	v1 =	vld [tilespmem:s25+$0x67D0]  }
0x6d: {  	v14 =	vld [tilespmem:s25+$0x6700]  }
0x6e: {  	v16 =	vld [tilespmem:s25+$0x6710]  }
0x6f: {  	v13 =	vld [tilespmem:s25+$0x6720]  }
0x70: {  	v15 =	vld [tilespmem:s25+$0x6730]  }
0x71: {  	v3 =	vld [tilespmem:s25+$0x6740]  }
0x72: {  	v2 =	vld [tilespmem:s25+$0x6750]  }
0x73: {  	v32 =	vld [tilespmem:s25+$0x6680]  }
0x74: {  	v33 =	vld [tilespmem:s25+$0x6690]  }
0x75: {  	v34 =	vld [tilespmem:s25+$0x66A0]  }
0x76: {  	v35 =	vld [tilespmem:s25+$0x66B0]  }
0x77: {  	v4 =	vld [tilespmem:s25+$0x66C0]  }
0x78: {  	v5 =	vld [tilespmem:s25+$0x66D0]  }
0x79: {  	v30 =	vld [tilespmem:s25+$0x6600]  }
0x7a: {  	v31 =	vld [tilespmem:s25+$0x6610]  }
0x7b: {  	v36 =	vld [tilespmem:s25+$0x6620]  }
0x7c: {  	v37 =	vld [tilespmem:s25+$0x6630]  }
0x7d: {  	v10 =	vld [tilespmem:s25+$0x6640]  }
0x7e: {  	v11 =	vld [tilespmem:s25+$0x6650]  }
0x7f: {  	v28 =	vld [tilespmem:s25+$0x6580]  }
0x80: {  	v29 =	vld [tilespmem:s25+$0x6590]  }
0x81: {  	v25 =	vld [tilespmem:s25+$0x6500]  }
0x82: {  	v26 =	vld [tilespmem:s25+$0x6510]  }
0x83: {  	v20 =	vld [tilespmem:s25+$0x6480]  }
0x84: {  	v27 =	vld [tilespmem:s25+$0x6490]  }
0x85: {  	v38 =	vld [tilespmem:s25+$0x6400]  }
0x86: {  	v39 =	vld [tilespmem:s25+$0x6410]  }
0x87: {  	v40 =	vld [tilespmem:s25+$0x6420]  }
0x88: {  	v41 =	vld [tilespmem:s25+$0x6430]  }
0x89: {  	v42 =	vld [tilespmem:s25+$0x64A0]  }
0x8a: {  	v43 =	vld [tilespmem:s25+$0x64B0]  }
0x8b: {  	v44 =	vld [tilespmem:s25+$0x6520]  }
0x8c: {  	v21 =	vadd.f32 v38, v21;
	v22 =	vadd.f32 v39, v22;
	v38 =	vld [tilespmem:s25+$0x6530]  }
0x8d: {  	v23 =	vadd.f32 v40, v23;
	v24 =	vadd.f32 v41, v24;
	v39 =	vld [tilespmem:s25+$0x65A0]  }
0x8e: {  	v21 =	vadd.f32 v20, v21;
	v22 =	vadd.f32 v27, v22;
	v40 =	vld [tilespmem:s25+$0x65B0]  }
0x8f: {  	v23 =	vadd.f32 v42, v23;
	v24 =	vadd.f32 v43, v24;
	v20 =	vld [tilespmem:s25+$0x65C0]  }
0x90: {  	v21 =	vadd.f32 v25, v21;
	v22 =	vadd.f32 v26, v22;
	v25 =	vld [tilespmem:s25+$0x65D0]  }
0x91: {  	v23 =	vadd.f32 v44, v23;
	v24 =	vadd.f32 v38, v24;
	v26 =	vld [tilespmem:s25+$0x6540]  }
0x92: {  	v21 =	vadd.f32 v28, v21;
	v22 =	vadd.f32 v29, v22;
	v27 =	vld [tilespmem:s25+$0x6550]  }
.Ltmp0:
0x93: {  	v23 =	vadd.f32 v39, v23;
	v28 =	vld [tilespmem:s25+$0x64C0];
	v24 =	vadd.f32 v40, v24;
	(pc) =	sbr.rel @p0 .LBB2_3-.Ltmp0, $4  }
0x94: {  	v21 =	vadd.f32 v30, v21;
	v22 =	vadd.f32 v31, v22;
	v29 =	vld [tilespmem:s25+$0x64D0]  }
0x95: {  	v23 =	vadd.f32 v36, v23;
	v30 =	vld [tilespmem:s25+$0x6440];
	v24 =	vadd.f32 v37, v24  }
0x96: {  	v21 =	vadd.f32 v32, v21;
	v22 =	vadd.f32 v33, v22;
	v31 =	vld [tilespmem:s25+$0x6450]  }
0x97: {  	s26 =	sadd.s32 $0x1000, s26;
	v23 =	vadd.f32 v34, v23;
	v32 =	vld [tilespmem:s25+$0x6460];
	v24 =	vadd.f32 v35, v24  }
0x98: {  	v33 =	vld [tilespmem:s25+$0x6470];
	v14 =	vadd.f32 v14, v21;
	v16 =	vadd.f32 v16, v22  }
0x99: {  	v21 =	vld [tilespmem:s25+$0x64E0];
	v13 =	vadd.f32 v13, v23;
	v15 =	vadd.f32 v15, v24  }
0x9a: {  	v22 =	vld [tilespmem:s25+$0x64F0];
	v6 =	vadd.f32 v6, v14;
	v7 =	vadd.f32 v7, v16  }
0x9b: {  	v14 =	vld [tilespmem:s25+$0x6560];
	v12 =	vadd.f32 v30, v12;
	v8 =	vadd.f32 v8, v13  }
0x9c: {  	v9 =	vadd.f32 v9, v15;
	v13 =	vadd.f32 v31, v19;
	v15 =	vld [tilespmem:s25+$0x6570]  }
0x9d: {  	v19 =	vld [tilespmem:s25+$0x65F0];
	v16 =	vadd.f32 v32, v18;
	v12 =	vadd.f32 v28, v12  }
0x9e: {  	v18 =	vld [tilespmem:s25+$0x65E0];
	v17 =	vadd.f32 v33, v17;
	v13 =	vadd.f32 v29, v13  }
0x9f: {  	v16 =	vadd.f32 v21, v16;
	v21 =	vld [tilespmem:s25+$0x6660];
	v12 =	vadd.f32 v26, v12  }
0xa0: {  	v17 =	vadd.f32 v22, v17;
	v13 =	vadd.f32 v27, v13;
	v22 =	vld [tilespmem:s25+$0x6670]  }
0xa1: {  	v14 =	vadd.f32 v14, v16;
	v16 =	vld [tilespmem:s25+$0x66E0];
	v12 =	vadd.f32 v20, v12  }
0xa2: {  	v15 =	vadd.f32 v15, v17;
	v13 =	vadd.f32 v25, v13;
	v17 =	vld [tilespmem:s25+$0x66F0]  }
0xa3: {  	v14 =	vadd.f32 v18, v14;
	v18 =	vld [tilespmem:s25+$0x6760];
	v10 =	vadd.f32 v10, v12  }
0xa4: {  	s26 =	smul.u32 $0x600, s23;
	v12 =	vadd.f32 v19, v15;
	v11 =	vadd.f32 v11, v13;
	v13 =	vld [tilespmem:s25+$0x6770]  }
0xa5: {  	v15 =	vld [tilespmem:s25+$0x67E0];
	v14 =	vadd.f32 v21, v14;
	v4 =	vadd.f32 v4, v10  }
0xa6: {  	v10 =	vadd.f32 v22, v12;
	v5 =	vadd.f32 v5, v11;
	v11 =	vld [tilespmem:s25+$0x67F0];
	s25 =	sshra.s32 s26, $0x2  }
0xa7: {  	v12 =	vadd.f32 v16, v14;
	v3 =	vadd.f32 v3, v4;
	[tilespmem:s25+$0x19000] =	vst v6  }
0xa8: {  	[tilespmem:s25+$0x19010] =	vst v7;
	v4 =	vadd.f32 v17, v10;
	v2 =	vadd.f32 v2, v5  }
0xa9: {  	[tilespmem:s25+$0x19020] =	vst v8;
	v5 =	vadd.f32 v18, v12;
	v0 =	vadd.f32 v0, v3  }
0xaa: {  	[tilespmem:s25+$0x19030] =	vst v9;
	v3 =	vadd.f32 v13, v4;
	v1 =	vadd.f32 v1, v2  }
0xab: {  	s31 =	smul.u32 $0x960, s23;
	v2 =	vadd.f32 v15, v5;
	[tilespmem:s25+$0x19040] =	vst v0  }
0xac: {  	v0 =	vadd.f32 v11, v3;
	[tilespmem:s25+$0x19050] =	vst v1  }
0xad: {  	s26 =	sshra.s32 s31, $0x2;
	[tilespmem:s25+$0x19060] =	vst v2  }
0xae: {  	s28 =	sadd.s32 $0x258, s26;
	[tilespmem:s25+$0x19070] =	vst v0  }
0xaf: {  	[tilespmem:s9], [sflag:$0x1] =	stream.indirect.gather [hbm4b:s2+s8], $0x80, s28, s8, $0xb8;
	[tilespmem:$0x1D000] =	vst v63  }
0xb0: {  	s28 =	sadd.s32 $0x2D0, s26  }
0xb1: {  	[tilespmem:s11], [sflag:$0x1] =	stream.indirect.gather [hbm4b:s2+s10], $0x80, s28, s10, $0xb8;
	[tilespmem:$0x1D000] =	vst v63  }
0xb2: {  	_ =	swait.ge [sflag:s19], $0x3C00  }
0xb3: {  	[sflag:s19] =	ssyncset.done $0x0  }
0xb4: {  	[sflag:s19] =	ssyncadd.s32 $0xFFFFC400  }
0xb5: {  	_ =	swait.ge [sflag:s19], $0x2800  }
0xb6: {  	[sflag:s19] =	ssyncset.done $0x0  }
0xb7: {  	s28 =	simm.s32 $0x0;
	[sflag:s19] =	ssyncadd.s32 $0xFFFFD800  }
0xb8: {  	v6 =	vld [tilespmem:s28+$0xCB80]  }
0xb9: {  	v7 =	vld [tilespmem:s28+$0xCB90]  }
0xba: {  	v8 =	vld [tilespmem:s28+$0xCBA0]  }
0xbb: {  	v9 =	vld [tilespmem:s28+$0xCBB0]  }
0xbc: {  	v0 =	vld [tilespmem:s28+$0xCBC0]  }
0xbd: {  	v1 =	vld [tilespmem:s28+$0xCBD0]  }
0xbe: {  	v14 =	vld [tilespmem:s28+$0xCB00]  }
0xbf: {  	v16 =	vld [tilespmem:s28+$0xCB10]  }
0xc0: {  	v13 =	vld [tilespmem:s28+$0xCB20]  }
0xc1: {  	v15 =	vld [tilespmem:s28+$0xCB30]  }
0xc2: {  	v3 =	vld [tilespmem:s28+$0xCB40]  }
0xc3: {  	v2 =	vld [tilespmem:s28+$0xCB50]  }
0xc4: {  	v17 =	vld [tilespmem:s28+$0xCA80]  }
0xc5: {  	v18 =	vld [tilespmem:s28+$0xCA90]  }
0xc6: {  	v19 =	vld [tilespmem:s28+$0xCAA0]  }
0xc7: {  	v24 =	vld [tilespmem:s28+$0xCAB0]  }
0xc8: {  	v4 =	vld [tilespmem:s28+$0xCAC0]  }
0xc9: {  	v5 =	vld [tilespmem:s28+$0xCAD0]  }
0xca: {  	v21 =	vld [tilespmem:s28+$0xCA00]  }
0xcb: {  	v22 =	vld [tilespmem:s28+$0xCA10]  }
0xcc: {  	v23 =	vld [tilespmem:s28+$0xCA20]  }
0xcd: {  	v30 =	vld [tilespmem:s28+$0xCA30]  }
0xce: {  	v10 =	vld [tilespmem:s28+$0xCA40]  }
0xcf: {  	v27 =	vld [tilespmem:s28+$0xC980]  }
0xd0: {  	v28 =	vld [tilespmem:s28+$0xC990]  }
0xd1: {  	v25 =	vld [tilespmem:s28+$0xC900]  }
0xd2: {  	v26 =	vld [tilespmem:s28+$0xC910]  }
0xd3: {  	v11 =	vld [tilespmem:s28+$0xC880]  }
0xd4: {  	v20 =	vld [tilespmem:s28+$0xC890]  }
0xd5: {  	v29 =	vld [tilespmem:s28+$0xC800]  }
0xd6: {  	v31 =	vld [tilespmem:s28+$0xC810]  }
0xd7: {  	v61 =	vld [tilespmem:s28+$0xC820]  }
0xd8: {  	v62 =	vld [tilespmem:s28+$0xC830]  }
0xd9: {  	v34 =	vld [tilespmem:s28+$0xC8A0]  }
0xda: {  	v35 =	vld [tilespmem:s28+$0xC8B0]  }
0xdb: {  	v12 =	vimm.f32 $0.0e+00;
	v36 =	vld [tilespmem:s28+$0xC920]  }
0xdc: {  	v37 =	vld [tilespmem:s28+$0xC930];
	v29 =	vadd.f32 v29, v12;
	v31 =	vadd.f32 v31, v12  }
0xdd: {  	v38 =	vld [tilespmem:s28+$0xC9A0];
	v32 =	vadd.f32 v61, v12;
	v33 =	vadd.f32 v62, v12  }
0xde: {  	v39 =	vld [tilespmem:s28+$0xC9B0];
	v29 =	vadd.f32 v11, v29;
	v31 =	vadd.f32 v20, v31  }
0xdf: {  	v11 =	vld [tilespmem:s28+$0xCA50];
	v32 =	vadd.f32 v34, v32;
	v33 =	vadd.f32 v35, v33  }
0xe0: {  	v20 =	vld [tilespmem:s28+$0xC9C0];
	v29 =	vadd.f32 v25, v29;
	v31 =	vadd.f32 v26, v31  }
0xe1: {  	v25 =	vld [tilespmem:s28+$0xC9D0];
	v32 =	vadd.f32 v36, v32;
	v33 =	vadd.f32 v37, v33  }
0xe2: {  	v26 =	vld [tilespmem:s28+$0xC940];
	v29 =	vadd.f32 v27, v29;
	v31 =	vadd.f32 v28, v31  }
0xe3: {  	v27 =	vld [tilespmem:s28+$0xC950];
	v32 =	vadd.f32 v38, v32;
	v33 =	vadd.f32 v39, v33  }
0xe4: {  	v28 =	vld [tilespmem:s28+$0xC8C0];
	v21 =	vadd.f32 v21, v29;
	v22 =	vadd.f32 v22, v31  }
0xe5: {  	v29 =	vld [tilespmem:s28+$0xC8D0];
	v23 =	vadd.f32 v23, v32;
	v63 =	vadd.f32 v30, v33  }
0xe6: {  	v30 =	vld [tilespmem:s28+$0xC840];
	v21 =	vadd.f32 v17, v21;
	v22 =	vadd.f32 v18, v22  }
0xe7: {  	v31 =	vld [tilespmem:s28+$0xC850];
	v23 =	vadd.f32 v19, v23;
	v24 =	vadd.f32 v24, v63  }
0xe8: {  	s29 =	simm.s32 $0x1000;
	v32 =	vld [tilespmem:s28+$0xC860];
	v19 =	vimm.f32 $0.0e+00;
	v18 =	vimm.f32 $0.0e+00;
	v17 =	vimm.f32 $0.0e+00  }
.LBB2_5:
0xe9: {  	p0 =	sne.s32 s29, $0x18000;
	v33 =	vld [tilespmem:s28+$0xC870];
	v14 =	vadd.f32 v14, v21;
	v16 =	vadd.f32 v16, v22  }
0xea: {  	v34 =	vld [tilespmem:s28+$0xC8E0];
	v13 =	vadd.f32 v13, v23;
	v15 =	vadd.f32 v15, v24  }
0xeb: {  	v35 =	vld [tilespmem:s28+$0xC8F0];
	v21 =	vadd.f32 v6, v14;
	v22 =	vadd.f32 v7, v16  }
0xec: {  	v6 =	vld [tilespmem:s28+$0xC960];
	v23 =	vadd.f32 v8, v13;
	v24 =	vadd.f32 v9, v15  }
0xed: {  	v7 =	vadd.f32 v30, v12;
	v8 =	vadd.f32 v31, v19;
	v9 =	vld [tilespmem:s28+$0xC970]  }
0xee: {  	v12 =	vadd.f32 v32, v18;
	v13 =	vadd.f32 v33, v17;
	v14 =	vld [tilespmem:s28+$0xC9E0]  }
0xef: {  	v7 =	vadd.f32 v28, v7;
	v8 =	vadd.f32 v29, v8;
	v15 =	vld [tilespmem:s28+$0xC9F0]  }
0xf0: {  	v12 =	vadd.f32 v34, v12;
	v13 =	vadd.f32 v35, v13;
	v16 =	vld [tilespmem:s28+$0xCA60]  }
0xf1: {  	v7 =	vadd.f32 v26, v7;
	v8 =	vadd.f32 v27, v8;
	v17 =	vld [tilespmem:s28+$0xCA70]  }
0xf2: {  	v6 =	vadd.f32 v6, v12;
	v9 =	vadd.f32 v9, v13;
	v12 =	vld [tilespmem:s28+$0xCAE0]  }
0xf3: {  	v7 =	vadd.f32 v20, v7;
	v8 =	vadd.f32 v25, v8;
	v13 =	vld [tilespmem:s28+$0xCAF0]  }
0xf4: {  	v6 =	vadd.f32 v14, v6;
	v9 =	vadd.f32 v15, v9;
	v14 =	vld [tilespmem:s28+$0xCB60]  }
0xf5: {  	v7 =	vadd.f32 v10, v7;
	v8 =	vadd.f32 v11, v8;
	v10 =	vld [tilespmem:s28+$0xCB70]  }
0xf6: {  	v11 =	vadd.f32 v16, v6;
	v9 =	vadd.f32 v17, v9;
	v15 =	vld [tilespmem:s28+$0xCBE0]  }
0xf7: {  	v4 =	vadd.f32 v4, v7;
	v5 =	vadd.f32 v5, v8;
	v16 =	vld [tilespmem:s28+$0xCBF0];
	s28 =	sshra.s32 s29, $0x2  }
0xf8: {  	v11 =	vadd.f32 v12, v11;
	v6 =	vld [tilespmem:s28+$0xCB80];
	v9 =	vadd.f32 v13, v9  }
0xf9: {  	v3 =	vadd.f32 v3, v4;
	v2 =	vadd.f32 v2, v5;
	v7 =	vld [tilespmem:s28+$0xCB90]  }
0xfa: {  	v4 =	vadd.f32 v14, v11;
	v8 =	vld [tilespmem:s28+$0xCBA0];
	v5 =	vadd.f32 v10, v9  }
0xfb: {  	v12 =	vadd.f32 v0, v3;
	v19 =	vadd.f32 v1, v2;
	v9 =	vld [tilespmem:s28+$0xCBB0]  }
0xfc: {  	v18 =	vadd.f32 v15, v4;
	v0 =	vld [tilespmem:s28+$0xCBC0];
	v17 =	vadd.f32 v16, v5  }
0xfd: {  	v1 =	vld [tilespmem:s28+$0xCBD0]  }
0xfe: {  	v14 =	vld [tilespmem:s28+$0xCB00]  }
0xff: {  	v16 =	vld [tilespmem:s28+$0xCB10]  }
0x100: {  	v13 =	vld [tilespmem:s28+$0xCB20]  }
0x101: {  	v15 =	vld [tilespmem:s28+$0xCB30]  }
0x102: {  	v3 =	vld [tilespmem:s28+$0xCB40]  }
0x103: {  	v2 =	vld [tilespmem:s28+$0xCB50]  }
0x104: {  	v32 =	vld [tilespmem:s28+$0xCA80]  }
0x105: {  	v33 =	vld [tilespmem:s28+$0xCA90]  }
0x106: {  	v34 =	vld [tilespmem:s28+$0xCAA0]  }
0x107: {  	v35 =	vld [tilespmem:s28+$0xCAB0]  }
0x108: {  	v4 =	vld [tilespmem:s28+$0xCAC0]  }
0x109: {  	v5 =	vld [tilespmem:s28+$0xCAD0]  }
0x10a: {  	v30 =	vld [tilespmem:s28+$0xCA00]  }
0x10b: {  	v31 =	vld [tilespmem:s28+$0xCA10]  }
0x10c: {  	v36 =	vld [tilespmem:s28+$0xCA20]  }
0x10d: {  	v37 =	vld [tilespmem:s28+$0xCA30]  }
0x10e: {  	v10 =	vld [tilespmem:s28+$0xCA40]  }
0x10f: {  	v11 =	vld [tilespmem:s28+$0xCA50]  }
0x110: {  	v28 =	vld [tilespmem:s28+$0xC980]  }
0x111: {  	v29 =	vld [tilespmem:s28+$0xC990]  }
0x112: {  	v25 =	vld [tilespmem:s28+$0xC900]  }
0x113: {  	v26 =	vld [tilespmem:s28+$0xC910]  }
0x114: {  	v20 =	vld [tilespmem:s28+$0xC880]  }
0x115: {  	v27 =	vld [tilespmem:s28+$0xC890]  }
0x116: {  	v38 =	vld [tilespmem:s28+$0xC800]  }
0x117: {  	v39 =	vld [tilespmem:s28+$0xC810]  }
0x118: {  	v40 =	vld [tilespmem:s28+$0xC820]  }
0x119: {  	v41 =	vld [tilespmem:s28+$0xC830]  }
0x11a: {  	v42 =	vld [tilespmem:s28+$0xC8A0]  }
0x11b: {  	v43 =	vld [tilespmem:s28+$0xC8B0]  }
0x11c: {  	v44 =	vld [tilespmem:s28+$0xC920]  }
0x11d: {  	v21 =	vadd.f32 v38, v21;
	v22 =	vadd.f32 v39, v22;
	v38 =	vld [tilespmem:s28+$0xC930]  }
0x11e: {  	v23 =	vadd.f32 v40, v23;
	v24 =	vadd.f32 v41, v24;
	v39 =	vld [tilespmem:s28+$0xC9A0]  }
0x11f: {  	v21 =	vadd.f32 v20, v21;
	v22 =	vadd.f32 v27, v22;
	v40 =	vld [tilespmem:s28+$0xC9B0]  }
0x120: {  	v23 =	vadd.f32 v42, v23;
	v24 =	vadd.f32 v43, v24;
	v20 =	vld [tilespmem:s28+$0xC9C0]  }
0x121: {  	v21 =	vadd.f32 v25, v21;
	v22 =	vadd.f32 v26, v22;
	v25 =	vld [tilespmem:s28+$0xC9D0]  }
0x122: {  	v23 =	vadd.f32 v44, v23;
	v24 =	vadd.f32 v38, v24;
	v26 =	vld [tilespmem:s28+$0xC940]  }
0x123: {  	v21 =	vadd.f32 v28, v21;
	v22 =	vadd.f32 v29, v22;
	v27 =	vld [tilespmem:s28+$0xC950]  }
.Ltmp1:
0x124: {  	v23 =	vadd.f32 v39, v23;
	v28 =	vld [tilespmem:s28+$0xC8C0];
	v24 =	vadd.f32 v40, v24;
	(pc) =	sbr.rel @p0 .LBB2_5-.Ltmp1, $4  }
0x125: {  	v21 =	vadd.f32 v30, v21;
	v22 =	vadd.f32 v31, v22;
	v29 =	vld [tilespmem:s28+$0xC8D0]  }
0x126: {  	v23 =	vadd.f32 v36, v23;
	v30 =	vld [tilespmem:s28+$0xC840];
	v24 =	vadd.f32 v37, v24  }
0x127: {  	v21 =	vadd.f32 v32, v21;
	v22 =	vadd.f32 v33, v22;
	v31 =	vld [tilespmem:s28+$0xC850]  }
0x128: {  	s29 =	sadd.s32 $0x1000, s29;
	v23 =	vadd.f32 v34, v23;
	v32 =	vld [tilespmem:s28+$0xC860];
	v24 =	vadd.f32 v35, v24  }
0x129: {  	v14 =	vadd.f32 v14, v21;
	v16 =	vadd.f32 v16, v22  }
0x12a: {  	v33 =	vld [tilespmem:s28+$0xC870];
	v13 =	vadd.f32 v13, v23;
	v15 =	vadd.f32 v15, v24  }
0x12b: {  	v21 =	vld [tilespmem:s28+$0xC8E0];
	v6 =	vadd.f32 v6, v14;
	v7 =	vadd.f32 v7, v16  }
0x12c: {  	v22 =	vld [tilespmem:s28+$0xC8F0];
	v12 =	vadd.f32 v30, v12;
	v8 =	vadd.f32 v8, v13  }
0x12d: {  	v14 =	vld [tilespmem:s28+$0xC960];
	v9 =	vadd.f32 v9, v15;
	v13 =	vadd.f32 v31, v19  }
0x12e: {  	v15 =	vld [tilespmem:s28+$0xC970];
	v16 =	vadd.f32 v32, v18;
	v12 =	vadd.f32 v28, v12  }
0x12f: {  	v18 =	vld [tilespmem:s28+$0xC9E0];
	v17 =	vadd.f32 v33, v17;
	v13 =	vadd.f32 v29, v13  }
0x130: {  	v19 =	vld [tilespmem:s28+$0xC9F0];
	v16 =	vadd.f32 v21, v16;
	v12 =	vadd.f32 v26, v12  }
0x131: {  	v21 =	vld [tilespmem:s28+$0xCA60];
	v17 =	vadd.f32 v22, v17;
	v13 =	vadd.f32 v27, v13  }
0x132: {  	v22 =	vld [tilespmem:s28+$0xCA70];
	v14 =	vadd.f32 v14, v16;
	v12 =	vadd.f32 v20, v12  }
0x133: {  	v16 =	vld [tilespmem:s28+$0xCAE0];
	v15 =	vadd.f32 v15, v17;
	v13 =	vadd.f32 v25, v13  }
0x134: {  	v17 =	vld [tilespmem:s28+$0xCAF0];
	v14 =	vadd.f32 v18, v14;
	v10 =	vadd.f32 v10, v12  }
0x135: {  	v18 =	vld [tilespmem:s28+$0xCB60];
	v12 =	vadd.f32 v19, v15;
	v11 =	vadd.f32 v11, v13  }
0x136: {  	v13 =	vld [tilespmem:s28+$0xCB70];
	v14 =	vadd.f32 v21, v14;
	v4 =	vadd.f32 v4, v10  }
0x137: {  	v15 =	vld [tilespmem:s28+$0xCBE0];
	v10 =	vadd.f32 v22, v12;
	v5 =	vadd.f32 v5, v11  }
0x138: {  	v11 =	vld [tilespmem:s28+$0xCBF0];
	[tilespmem:s25+$0x19080] =	vst v6;
	v12 =	vadd.f32 v16, v14;
	v3 =	vadd.f32 v3, v4  }
0x139: {  	[tilespmem:s25+$0x19090] =	vst v7;
	v4 =	vadd.f32 v17, v10;
	v2 =	vadd.f32 v2, v5  }
0x13a: {  	[tilespmem:s25+$0x190A0] =	vst v8;
	v5 =	vadd.f32 v18, v12;
	v0 =	vadd.f32 v0, v3  }
0x13b: {  	[tilespmem:s25+$0x190B0] =	vst v9;
	v3 =	vadd.f32 v13, v4;
	v1 =	vadd.f32 v1, v2  }
0x13c: {  	v2 =	vadd.f32 v15, v5;
	[tilespmem:s25+$0x190C0] =	vst v0  }
0x13d: {  	v0 =	vadd.f32 v11, v3;
	[tilespmem:s25+$0x190D0] =	vst v1  }
0x13e: {  	[tilespmem:s25+$0x190E0] =	vst v2  }
0x13f: {  	s30 =	sadd.s32 $0x320, s26;
	[tilespmem:s25+$0x190F0] =	vst v0  }
0x140: {  	[tilespmem:s13], [sflag:$0x2] =	stream.indirect.gather [hbm4b:s2+s8], $0x80, s30, s8, $0xb8;
	[tilespmem:$0x1D000] =	vst v63  }
0x141: {  	s31 =	sadd.s32 $0x398, s26  }
0x142: {  	[tilespmem:s15], [sflag:$0x2] =	stream.indirect.gather [hbm4b:s2+s10], $0x80, s31, s10, $0xb8;
	[tilespmem:$0x1D000] =	vst v63  }
0x143: {  	_ =	swait.ge [sflag:s20], $0x3C00  }
0x144: {  	[sflag:s20] =	ssyncset.done $0x0  }
0x145: {  	[sflag:s20] =	ssyncadd.s32 $0xFFFFC400  }
0x146: {  	_ =	swait.ge [sflag:s20], $0x2800  }
0x147: {  	[sflag:s20] =	ssyncset.done $0x0  }
0x148: {  	s25 =	simm.s32 $0x0;
	[sflag:s20] =	ssyncadd.s32 $0xFFFFD800  }
0x149: {  	v6 =	vld [tilespmem:s25+$0x12F80]  }
0x14a: {  	v7 =	vld [tilespmem:s25+$0x12F90]  }
0x14b: {  	v8 =	vld [tilespmem:s25+$0x12FA0]  }
0x14c: {  	v9 =	vld [tilespmem:s25+$0x12FB0]  }
0x14d: {  	v0 =	vld [tilespmem:s25+$0x12FC0]  }
0x14e: {  	v1 =	vld [tilespmem:s25+$0x12FD0]  }
0x14f: {  	v14 =	vld [tilespmem:s25+$0x12F00]  }
0x150: {  	v16 =	vld [tilespmem:s25+$0x12F10]  }
0x151: {  	v13 =	vld [tilespmem:s25+$0x12F20]  }
0x152: {  	v15 =	vld [tilespmem:s25+$0x12F30]  }
0x153: {  	v3 =	vld [tilespmem:s25+$0x12F40]  }
0x154: {  	v2 =	vld [tilespmem:s25+$0x12F50]  }
0x155: {  	v17 =	vld [tilespmem:s25+$0x12E80]  }
0x156: {  	v18 =	vld [tilespmem:s25+$0x12E90]  }
0x157: {  	v19 =	vld [tilespmem:s25+$0x12EA0]  }
0x158: {  	v24 =	vld [tilespmem:s25+$0x12EB0]  }
0x159: {  	v5 =	vld [tilespmem:s25+$0x12EC0]  }
0x15a: {  	v4 =	vld [tilespmem:s25+$0x12ED0]  }
0x15b: {  	v21 =	vld [tilespmem:s25+$0x12E00]  }
0x15c: {  	v22 =	vld [tilespmem:s25+$0x12E10]  }
0x15d: {  	v23 =	vld [tilespmem:s25+$0x12E20]  }
0x15e: {  	v30 =	vld [tilespmem:s25+$0x12E30]  }
0x15f: {  	v10 =	vld [tilespmem:s25+$0x12E40]  }
0x160: {  	v27 =	vld [tilespmem:s25+$0x12D80]  }
0x161: {  	v28 =	vld [tilespmem:s25+$0x12D90]  }
0x162: {  	v25 =	vld [tilespmem:s25+$0x12D00]  }
0x163: {  	v26 =	vld [tilespmem:s25+$0x12D10]  }
0x164: {  	v11 =	vld [tilespmem:s25+$0x12C80]  }
0x165: {  	v20 =	vld [tilespmem:s25+$0x12C90]  }
0x166: {  	v29 =	vld [tilespmem:s25+$0x12C00]  }
0x167: {  	v31 =	vld [tilespmem:s25+$0x12C10]  }
0x168: {  	v61 =	vld [tilespmem:s25+$0x12C20]  }
0x169: {  	v62 =	vld [tilespmem:s25+$0x12C30]  }
0x16a: {  	v34 =	vld [tilespmem:s25+$0x12CA0]  }
0x16b: {  	v35 =	vld [tilespmem:s25+$0x12CB0]  }
0x16c: {  	v12 =	vimm.f32 $0.0e+00;
	v36 =	vld [tilespmem:s25+$0x12D20]  }
0x16d: {  	v37 =	vld [tilespmem:s25+$0x12D30];
	v29 =	vadd.f32 v29, v12;
	v31 =	vadd.f32 v31, v12  }
0x16e: {  	v38 =	vld [tilespmem:s25+$0x12DA0];
	v32 =	vadd.f32 v61, v12;
	v33 =	vadd.f32 v62, v12  }
0x16f: {  	v39 =	vld [tilespmem:s25+$0x12DB0];
	v29 =	vadd.f32 v11, v29;
	v31 =	vadd.f32 v20, v31  }
0x170: {  	v11 =	vld [tilespmem:s25+$0x12E50];
	v32 =	vadd.f32 v34, v32;
	v33 =	vadd.f32 v35, v33  }
0x171: {  	v20 =	vld [tilespmem:s25+$0x12DC0];
	v29 =	vadd.f32 v25, v29;
	v31 =	vadd.f32 v26, v31  }
0x172: {  	v25 =	vld [tilespmem:s25+$0x12DD0];
	v32 =	vadd.f32 v36, v32;
	v33 =	vadd.f32 v37, v33  }
0x173: {  	v26 =	vld [tilespmem:s25+$0x12D40];
	v29 =	vadd.f32 v27, v29;
	v31 =	vadd.f32 v28, v31  }
0x174: {  	v27 =	vld [tilespmem:s25+$0x12D50];
	v32 =	vadd.f32 v38, v32;
	v33 =	vadd.f32 v39, v33  }
0x175: {  	v28 =	vld [tilespmem:s25+$0x12CC0];
	v21 =	vadd.f32 v21, v29;
	v22 =	vadd.f32 v22, v31  }
0x176: {  	v29 =	vld [tilespmem:s25+$0x12CD0];
	v23 =	vadd.f32 v23, v32;
	v63 =	vadd.f32 v30, v33  }
0x177: {  	v30 =	vld [tilespmem:s25+$0x12C40];
	v21 =	vadd.f32 v17, v21;
	v22 =	vadd.f32 v18, v22  }
0x178: {  	v31 =	vld [tilespmem:s25+$0x12C50];
	v23 =	vadd.f32 v19, v23;
	v24 =	vadd.f32 v24, v63  }
0x179: {  	s26 =	simm.s32 $0x1000;
	v32 =	vld [tilespmem:s25+$0x12C60];
	v19 =	vimm.f32 $0.0e+00;
	v18 =	vimm.f32 $0.0e+00;
	v17 =	vimm.f32 $0.0e+00  }
.LBB2_7:
0x17a: {  	p0 =	sne.s32 s26, $0x18000;
	v33 =	vld [tilespmem:s25+$0x12C70];
	v14 =	vadd.f32 v14, v21;
	v16 =	vadd.f32 v16, v22  }
0x17b: {  	v34 =	vld [tilespmem:s25+$0x12CE0];
	v13 =	vadd.f32 v13, v23;
	v15 =	vadd.f32 v15, v24  }
0x17c: {  	v35 =	vld [tilespmem:s25+$0x12CF0];
	v21 =	vadd.f32 v6, v14;
	v22 =	vadd.f32 v7, v16  }
0x17d: {  	v6 =	vld [tilespmem:s25+$0x12D60];
	v23 =	vadd.f32 v8, v13;
	v24 =	vadd.f32 v9, v15  }
0x17e: {  	v7 =	vadd.f32 v30, v12;
	v8 =	vadd.f32 v31, v19;
	v9 =	vld [tilespmem:s25+$0x12D70]  }
0x17f: {  	v12 =	vadd.f32 v32, v18;
	v13 =	vadd.f32 v33, v17;
	v14 =	vld [tilespmem:s25+$0x12DE0]  }
0x180: {  	v7 =	vadd.f32 v28, v7;
	v8 =	vadd.f32 v29, v8;
	v15 =	vld [tilespmem:s25+$0x12DF0]  }
0x181: {  	v12 =	vadd.f32 v34, v12;
	v13 =	vadd.f32 v35, v13;
	v16 =	vld [tilespmem:s25+$0x12E60]  }
0x182: {  	v7 =	vadd.f32 v26, v7;
	v8 =	vadd.f32 v27, v8;
	v17 =	vld [tilespmem:s25+$0x12E70]  }
0x183: {  	v6 =	vadd.f32 v6, v12;
	v9 =	vadd.f32 v9, v13;
	v12 =	vld [tilespmem:s25+$0x12EE0]  }
0x184: {  	v7 =	vadd.f32 v20, v7;
	v8 =	vadd.f32 v25, v8;
	v13 =	vld [tilespmem:s25+$0x12EF0]  }
0x185: {  	v6 =	vadd.f32 v14, v6;
	v9 =	vadd.f32 v15, v9;
	v14 =	vld [tilespmem:s25+$0x12F60]  }
0x186: {  	v7 =	vadd.f32 v10, v7;
	v8 =	vadd.f32 v11, v8;
	v10 =	vld [tilespmem:s25+$0x12F70]  }
0x187: {  	v11 =	vadd.f32 v16, v6;
	v9 =	vadd.f32 v17, v9;
	v15 =	vld [tilespmem:s25+$0x12FE0]  }
0x188: {  	v5 =	vadd.f32 v5, v7;
	v4 =	vadd.f32 v4, v8;
	v16 =	vld [tilespmem:s25+$0x12FF0];
	s25 =	sshra.s32 s26, $0x2  }
0x189: {  	v11 =	vadd.f32 v12, v11;
	v6 =	vld [tilespmem:s25+$0x12F80];
	v9 =	vadd.f32 v13, v9  }
0x18a: {  	v3 =	vadd.f32 v3, v5;
	v2 =	vadd.f32 v2, v4;
	v7 =	vld [tilespmem:s25+$0x12F90]  }
0x18b: {  	v4 =	vadd.f32 v14, v11;
	v8 =	vld [tilespmem:s25+$0x12FA0];
	v5 =	vadd.f32 v10, v9  }
0x18c: {  	v12 =	vadd.f32 v0, v3;
	v19 =	vadd.f32 v1, v2;
	v9 =	vld [tilespmem:s25+$0x12FB0]  }
0x18d: {  	v18 =	vadd.f32 v15, v4;
	v0 =	vld [tilespmem:s25+$0x12FC0];
	v17 =	vadd.f32 v16, v5  }
0x18e: {  	v1 =	vld [tilespmem:s25+$0x12FD0]  }
0x18f: {  	v14 =	vld [tilespmem:s25+$0x12F00]  }
0x190: {  	v16 =	vld [tilespmem:s25+$0x12F10]  }
0x191: {  	v13 =	vld [tilespmem:s25+$0x12F20]  }
0x192: {  	v15 =	vld [tilespmem:s25+$0x12F30]  }
0x193: {  	v3 =	vld [tilespmem:s25+$0x12F40]  }
0x194: {  	v2 =	vld [tilespmem:s25+$0x12F50]  }
0x195: {  	v32 =	vld [tilespmem:s25+$0x12E80]  }
0x196: {  	v33 =	vld [tilespmem:s25+$0x12E90]  }
0x197: {  	v34 =	vld [tilespmem:s25+$0x12EA0]  }
0x198: {  	v35 =	vld [tilespmem:s25+$0x12EB0]  }
0x199: {  	v5 =	vld [tilespmem:s25+$0x12EC0]  }
0x19a: {  	v4 =	vld [tilespmem:s25+$0x12ED0]  }
0x19b: {  	v30 =	vld [tilespmem:s25+$0x12E00]  }
0x19c: {  	v31 =	vld [tilespmem:s25+$0x12E10]  }
0x19d: {  	v36 =	vld [tilespmem:s25+$0x12E20]  }
0x19e: {  	v37 =	vld [tilespmem:s25+$0x12E30]  }
0x19f: {  	v10 =	vld [tilespmem:s25+$0x12E40]  }
0x1a0: {  	v11 =	vld [tilespmem:s25+$0x12E50]  }
0x1a1: {  	v28 =	vld [tilespmem:s25+$0x12D80]  }
0x1a2: {  	v29 =	vld [tilespmem:s25+$0x12D90]  }
0x1a3: {  	v25 =	vld [tilespmem:s25+$0x12D00]  }
0x1a4: {  	v26 =	vld [tilespmem:s25+$0x12D10]  }
0x1a5: {  	v20 =	vld [tilespmem:s25+$0x12C80]  }
0x1a6: {  	v27 =	vld [tilespmem:s25+$0x12C90]  }
0x1a7: {  	v38 =	vld [tilespmem:s25+$0x12C00]  }
0x1a8: {  	v39 =	vld [tilespmem:s25+$0x12C10]  }
0x1a9: {  	v40 =	vld [tilespmem:s25+$0x12C20]  }
0x1aa: {  	v41 =	vld [tilespmem:s25+$0x12C30]  }
0x1ab: {  	v42 =	vld [tilespmem:s25+$0x12CA0]  }
0x1ac: {  	v43 =	vld [tilespmem:s25+$0x12CB0]  }
0x1ad: {  	v44 =	vld [tilespmem:s25+$0x12D20]  }
0x1ae: {  	v21 =	vadd.f32 v38, v21;
	v22 =	vadd.f32 v39, v22;
	v38 =	vld [tilespmem:s25+$0x12D30]  }
0x1af: {  	v23 =	vadd.f32 v40, v23;
	v24 =	vadd.f32 v41, v24;
	v39 =	vld [tilespmem:s25+$0x12DA0]  }
0x1b0: {  	v21 =	vadd.f32 v20, v21;
	v22 =	vadd.f32 v27, v22;
	v40 =	vld [tilespmem:s25+$0x12DB0]  }
0x1b1: {  	v23 =	vadd.f32 v42, v23;
	v24 =	vadd.f32 v43, v24;
	v20 =	vld [tilespmem:s25+$0x12DC0]  }
0x1b2: {  	v21 =	vadd.f32 v25, v21;
	v22 =	vadd.f32 v26, v22;
	v25 =	vld [tilespmem:s25+$0x12DD0]  }
0x1b3: {  	v23 =	vadd.f32 v44, v23;
	v24 =	vadd.f32 v38, v24;
	v26 =	vld [tilespmem:s25+$0x12D40]  }
0x1b4: {  	v21 =	vadd.f32 v28, v21;
	v22 =	vadd.f32 v29, v22;
	v27 =	vld [tilespmem:s25+$0x12D50]  }
.Ltmp2:
0x1b5: {  	v23 =	vadd.f32 v39, v23;
	v28 =	vld [tilespmem:s25+$0x12CC0];
	v24 =	vadd.f32 v40, v24;
	(pc) =	sbr.rel @p0 .LBB2_7-.Ltmp2, $4  }
0x1b6: {  	v21 =	vadd.f32 v30, v21;
	v22 =	vadd.f32 v31, v22;
	v29 =	vld [tilespmem:s25+$0x12CD0]  }
0x1b7: {  	v23 =	vadd.f32 v36, v23;
	v30 =	vld [tilespmem:s25+$0x12C40];
	v24 =	vadd.f32 v37, v24  }
0x1b8: {  	v21 =	vadd.f32 v32, v21;
	v22 =	vadd.f32 v33, v22;
	v31 =	vld [tilespmem:s25+$0x12C50]  }
0x1b9: {  	s26 =	sadd.s32 $0x1000, s26;
	v23 =	vadd.f32 v34, v23;
	v32 =	vld [tilespmem:s25+$0x12C60];
	v24 =	vadd.f32 v35, v24  }
0x1ba: {  	v14 =	vadd.f32 v14, v21;
	v16 =	vadd.f32 v16, v22  }
0x1bb: {  	v33 =	vld [tilespmem:s25+$0x12C70];
	v13 =	vadd.f32 v13, v23;
	v15 =	vadd.f32 v15, v24  }
0x1bc: {  	v40 =	vld [tilespmem:s25+$0x12CE0];
	v6 =	vadd.f32 v6, v14;
	v7 =	vadd.f32 v7, v16  }
0x1bd: {  	v41 =	vld [tilespmem:s25+$0x12CF0];
	v12 =	vadd.f32 v30, v12;
	v8 =	vadd.f32 v8, v13  }
0x1be: {  	v42 =	vld [tilespmem:s25+$0x12D60];
	v9 =	vadd.f32 v9, v15;
	v43 =	vadd.f32 v31, v19  }
0x1bf: {  	v44 =	vld [tilespmem:s25+$0x12D70];
	v45 =	vadd.f32 v32, v18;
	v12 =	vadd.f32 v28, v12  }
0x1c0: {  	v46 =	vld [tilespmem:s25+$0x12DE0];
	v17 =	vadd.f32 v33, v17;
	v13 =	vadd.f32 v29, v43  }
0x1c1: {  	v47 =	vld [tilespmem:s25+$0x12DF0];
	v16 =	vadd.f32 v40, v45;
	v12 =	vadd.f32 v26, v12  }
0x1c2: {  	v48 =	vld [tilespmem:s25+$0x12E60];
	v17 =	vadd.f32 v41, v17;
	v13 =	vadd.f32 v27, v13  }
0x1c3: {  	v49 =	vld [tilespmem:s25+$0x12E70];
	v14 =	vadd.f32 v42, v16;
	v12 =	vadd.f32 v20, v12  }
0x1c4: {  	v50 =	vld [tilespmem:s25+$0x12EE0];
	v15 =	vadd.f32 v44, v17;
	v13 =	vadd.f32 v25, v13  }
0x1c5: {  	v51 =	vld [tilespmem:s25+$0x12EF0];
	v14 =	vadd.f32 v46, v14;
	v10 =	vadd.f32 v10, v12  }
0x1c6: {  	v52 =	vld [tilespmem:s25+$0x12F60];
	v53 =	vadd.f32 v47, v15;
	v11 =	vadd.f32 v11, v13  }
0x1c7: {  	v54 =	vld [tilespmem:s25+$0x12F70];
	s24 =	sshll.u32 s24, $0x7;
	v14 =	vadd.f32 v48, v14;
	v5 =	vadd.f32 v5, v10  }
0x1c8: {  	v55 =	vld [tilespmem:s25+$0x12FE0];
	s24 =	sand.u32 $0x3FFFFF80, s24;
	v56 =	vadd.f32 v49, v53;
	v4 =	vadd.f32 v4, v11  }
0x1c9: {  	v57 =	vld [tilespmem:s25+$0x12FF0];
	[tilespmem:s24+$0x19000] =	vst v6;
	v58 =	vadd.f32 v50, v14;
	v3 =	vadd.f32 v3, v5  }
0x1ca: {  	s23 =	sadd.s32 $0x1, s23;
	[tilespmem:s24+$0x19010] =	vst v7;
	v59 =	vadd.f32 v51, v56;
	v2 =	vadd.f32 v2, v4  }
0x1cb: {  	p0 =	sne.s32 s23, $0x2A;
	[tilespmem:s24+$0x19020] =	vst v8;
	v60 =	vadd.f32 v52, v58;
	v0 =	vadd.f32 v0, v3  }
.Ltmp3:
0x1cc: {  	[tilespmem:s24+$0x19030] =	vst v9;
	v61 =	vadd.f32 v54, v59;
	v1 =	vadd.f32 v1, v2;
	(pc) =	sbr.rel @p0 .LBB2_2-.Ltmp3, $4  }
0x1cd: {  	v62 =	vadd.f32 v55, v60;
	[tilespmem:s24+$0x19040] =	vst v0  }
0x1ce: {  	v63 =	vadd.f32 v57, v61;
	[tilespmem:s24+$0x19050] =	vst v1  }
0x1cf: {  	[tilespmem:s24+$0x19060] =	vst v62  }
0x1d0: {  	[tilespmem:s24+$0x19070] =	vst v63  }
0x1d1: {  	_ =	swait.ge [sflag:s18], $0x3C00  }
0x1d2: {  	[sflag:s18] =	ssyncset.done $0x0  }
0x1d3: {  	[sflag:s18] =	ssyncadd.s32 $0xFFFFC400  }
0x1d4: {  	_ =	swait.ge [sflag:s18], $0x2800  }
0x1d5: {  	[sflag:s18] =	ssyncset.done $0x0  }
0x1d6: {  	s23 =	simm.s32 $0x0;
	[sflag:s18] =	ssyncadd.s32 $0xFFFFD800  }
0x1d7: {  	v6 =	vld [tilespmem:s23+$0x6780]  }
0x1d8: {  	v7 =	vld [tilespmem:s23+$0x6790]  }
0x1d9: {  	v8 =	vld [tilespmem:s23+$0x67A0]  }
0x1da: {  	v9 =	vld [tilespmem:s23+$0x67B0]  }
0x1db: {  	v0 =	vld [tilespmem:s23+$0x67C0]  }
0x1dc: {  	v1 =	vld [tilespmem:s23+$0x67D0]  }
0x1dd: {  	v14 =	vld [tilespmem:s23+$0x6700]  }
0x1de: {  	v16 =	vld [tilespmem:s23+$0x6710]  }
0x1df: {  	v13 =	vld [tilespmem:s23+$0x6720]  }
0x1e0: {  	v15 =	vld [tilespmem:s23+$0x6730]  }
0x1e1: {  	v3 =	vld [tilespmem:s23+$0x6740]  }
0x1e2: {  	v2 =	vld [tilespmem:s23+$0x6750]  }
0x1e3: {  	v17 =	vld [tilespmem:s23+$0x6680]  }
0x1e4: {  	v18 =	vld [tilespmem:s23+$0x6690]  }
0x1e5: {  	v19 =	vld [tilespmem:s23+$0x66A0]  }
0x1e6: {  	v24 =	vld [tilespmem:s23+$0x66B0]  }
0x1e7: {  	v4 =	vld [tilespmem:s23+$0x66C0]  }
0x1e8: {  	v5 =	vld [tilespmem:s23+$0x66D0]  }
0x1e9: {  	v21 =	vld [tilespmem:s23+$0x6600]  }
0x1ea: {  	v22 =	vld [tilespmem:s23+$0x6610]  }
0x1eb: {  	v23 =	vld [tilespmem:s23+$0x6620]  }
0x1ec: {  	v30 =	vld [tilespmem:s23+$0x6630]  }
0x1ed: {  	v10 =	vld [tilespmem:s23+$0x6640]  }
0x1ee: {  	v27 =	vld [tilespmem:s23+$0x6580]  }
0x1ef: {  	v28 =	vld [tilespmem:s23+$0x6590]  }
0x1f0: {  	v25 =	vld [tilespmem:s23+$0x6500]  }
0x1f1: {  	v26 =	vld [tilespmem:s23+$0x6510]  }
0x1f2: {  	v11 =	vld [tilespmem:s23+$0x6480]  }
0x1f3: {  	v20 =	vld [tilespmem:s23+$0x6490]  }
0x1f4: {  	v29 =	vld [tilespmem:s23+$0x6400]  }
0x1f5: {  	v31 =	vld [tilespmem:s23+$0x6410]  }
0x1f6: {  	v32 =	vld [tilespmem:s23+$0x6420]  }
0x1f7: {  	v33 =	vld [tilespmem:s23+$0x6430]  }
0x1f8: {  	v34 =	vld [tilespmem:s23+$0x64A0]  }
0x1f9: {  	v35 =	vld [tilespmem:s23+$0x64B0]  }
0x1fa: {  	v12 =	vimm.f32 $0.0e+00;
	v36 =	vld [tilespmem:s23+$0x6520]  }
0x1fb: {  	v37 =	vld [tilespmem:s23+$0x6530];
	v29 =	vadd.f32 v29, v12;
	v31 =	vadd.f32 v31, v12  }
0x1fc: {  	v38 =	vld [tilespmem:s23+$0x65A0];
	v32 =	vadd.f32 v32, v12;
	v33 =	vadd.f32 v33, v12  }
0x1fd: {  	v39 =	vld [tilespmem:s23+$0x65B0];
	v29 =	vadd.f32 v11, v29;
	v31 =	vadd.f32 v20, v31  }
0x1fe: {  	v11 =	vld [tilespmem:s23+$0x6650];
	v32 =	vadd.f32 v34, v32;
	v33 =	vadd.f32 v35, v33  }
0x1ff: {  	v20 =	vld [tilespmem:s23+$0x65C0];
	v29 =	vadd.f32 v25, v29;
	v31 =	vadd.f32 v26, v31  }
0x200: {  	v25 =	vld [tilespmem:s23+$0x65D0];
	v32 =	vadd.f32 v36, v32;
	v33 =	vadd.f32 v37, v33  }
0x201: {  	v26 =	vld [tilespmem:s23+$0x6540];
	v29 =	vadd.f32 v27, v29;
	v31 =	vadd.f32 v28, v31  }
0x202: {  	v27 =	vld [tilespmem:s23+$0x6550];
	v32 =	vadd.f32 v38, v32;
	v33 =	vadd.f32 v39, v33  }
0x203: {  	v28 =	vld [tilespmem:s23+$0x64C0];
	v21 =	vadd.f32 v21, v29;
	v22 =	vadd.f32 v22, v31  }
0x204: {  	v29 =	vld [tilespmem:s23+$0x64D0];
	v23 =	vadd.f32 v23, v32;
	v63 =	vadd.f32 v30, v33  }
0x205: {  	v30 =	vld [tilespmem:s23+$0x6440];
	v21 =	vadd.f32 v17, v21;
	v22 =	vadd.f32 v18, v22  }
0x206: {  	v31 =	vld [tilespmem:s23+$0x6450];
	v23 =	vadd.f32 v19, v23;
	v24 =	vadd.f32 v24, v63  }
0x207: {  	s24 =	simm.s32 $0x1000;
	v32 =	vld [tilespmem:s23+$0x6460];
	v19 =	vimm.f32 $0.0e+00;
	v18 =	vimm.f32 $0.0e+00;
	v17 =	vimm.f32 $0.0e+00  }
.LBB2_10:
0x208: {  	p0 =	sne.s32 s24, $0x18000;
	v33 =	vld [tilespmem:s23+$0x6470];
	v14 =	vadd.f32 v14, v21;
	v16 =	vadd.f32 v16, v22  }
0x209: {  	v34 =	vld [tilespmem:s23+$0x64E0];
	v13 =	vadd.f32 v13, v23;
	v15 =	vadd.f32 v15, v24  }
0x20a: {  	v35 =	vld [tilespmem:s23+$0x64F0];
	v21 =	vadd.f32 v6, v14;
	v22 =	vadd.f32 v7, v16  }
0x20b: {  	v6 =	vld [tilespmem:s23+$0x6560];
	v23 =	vadd.f32 v8, v13;
	v24 =	vadd.f32 v9, v15  }
0x20c: {  	v7 =	vadd.f32 v30, v12;
	v8 =	vadd.f32 v31, v19;
	v9 =	vld [tilespmem:s23+$0x6570]  }
0x20d: {  	v12 =	vadd.f32 v32, v18;
	v13 =	vadd.f32 v33, v17;
	v14 =	vld [tilespmem:s23+$0x65E0]  }
0x20e: {  	v7 =	vadd.f32 v28, v7;
	v8 =	vadd.f32 v29, v8;
	v15 =	vld [tilespmem:s23+$0x65F0]  }
0x20f: {  	v12 =	vadd.f32 v34, v12;
	v13 =	vadd.f32 v35, v13;
	v16 =	vld [tilespmem:s23+$0x6660]  }
0x210: {  	v7 =	vadd.f32 v26, v7;
	v8 =	vadd.f32 v27, v8;
	v17 =	vld [tilespmem:s23+$0x6670]  }
0x211: {  	v6 =	vadd.f32 v6, v12;
	v9 =	vadd.f32 v9, v13;
	v12 =	vld [tilespmem:s23+$0x66E0]  }
0x212: {  	v7 =	vadd.f32 v20, v7;
	v8 =	vadd.f32 v25, v8;
	v13 =	vld [tilespmem:s23+$0x66F0]  }
0x213: {  	v6 =	vadd.f32 v14, v6;
	v9 =	vadd.f32 v15, v9;
	v14 =	vld [tilespmem:s23+$0x6760]  }
0x214: {  	v7 =	vadd.f32 v10, v7;
	v8 =	vadd.f32 v11, v8;
	v10 =	vld [tilespmem:s23+$0x6770]  }
0x215: {  	v11 =	vadd.f32 v16, v6;
	v9 =	vadd.f32 v17, v9;
	v15 =	vld [tilespmem:s23+$0x67E0]  }
0x216: {  	v4 =	vadd.f32 v4, v7;
	v5 =	vadd.f32 v5, v8;
	v16 =	vld [tilespmem:s23+$0x67F0];
	s23 =	sshra.s32 s24, $0x2  }
0x217: {  	v11 =	vadd.f32 v12, v11;
	v6 =	vld [tilespmem:s23+$0x6780];
	v9 =	vadd.f32 v13, v9  }
0x218: {  	v3 =	vadd.f32 v3, v4;
	v2 =	vadd.f32 v2, v5;
	v7 =	vld [tilespmem:s23+$0x6790]  }
0x219: {  	v4 =	vadd.f32 v14, v11;
	v8 =	vld [tilespmem:s23+$0x67A0];
	v5 =	vadd.f32 v10, v9  }
0x21a: {  	v12 =	vadd.f32 v0, v3;
	v19 =	vadd.f32 v1, v2;
	v9 =	vld [tilespmem:s23+$0x67B0]  }
0x21b: {  	v18 =	vadd.f32 v15, v4;
	v0 =	vld [tilespmem:s23+$0x67C0];
	v17 =	vadd.f32 v16, v5  }
0x21c: {  	v1 =	vld [tilespmem:s23+$0x67D0]  }
0x21d: {  	v14 =	vld [tilespmem:s23+$0x6700]  }
0x21e: {  	v16 =	vld [tilespmem:s23+$0x6710]  }
0x21f: {  	v13 =	vld [tilespmem:s23+$0x6720]  }
0x220: {  	v15 =	vld [tilespmem:s23+$0x6730]  }
0x221: {  	v3 =	vld [tilespmem:s23+$0x6740]  }
0x222: {  	v2 =	vld [tilespmem:s23+$0x6750]  }
0x223: {  	v32 =	vld [tilespmem:s23+$0x6680]  }
0x224: {  	v33 =	vld [tilespmem:s23+$0x6690]  }
0x225: {  	v34 =	vld [tilespmem:s23+$0x66A0]  }
0x226: {  	v35 =	vld [tilespmem:s23+$0x66B0]  }
0x227: {  	v4 =	vld [tilespmem:s23+$0x66C0]  }
0x228: {  	v5 =	vld [tilespmem:s23+$0x66D0]  }
0x229: {  	v30 =	vld [tilespmem:s23+$0x6600]  }
0x22a: {  	v31 =	vld [tilespmem:s23+$0x6610]  }
0x22b: {  	v36 =	vld [tilespmem:s23+$0x6620]  }
0x22c: {  	v37 =	vld [tilespmem:s23+$0x6630]  }
0x22d: {  	v10 =	vld [tilespmem:s23+$0x6640]  }
0x22e: {  	v11 =	vld [tilespmem:s23+$0x6650]  }
0x22f: {  	v28 =	vld [tilespmem:s23+$0x6580]  }
0x230: {  	v29 =	vld [tilespmem:s23+$0x6590]  }
0x231: {  	v25 =	vld [tilespmem:s23+$0x6500]  }
0x232: {  	v26 =	vld [tilespmem:s23+$0x6510]  }
0x233: {  	v20 =	vld [tilespmem:s23+$0x6480]  }
0x234: {  	v27 =	vld [tilespmem:s23+$0x6490]  }
0x235: {  	v38 =	vld [tilespmem:s23+$0x6400]  }
0x236: {  	v39 =	vld [tilespmem:s23+$0x6410]  }
0x237: {  	v40 =	vld [tilespmem:s23+$0x6420]  }
0x238: {  	v41 =	vld [tilespmem:s23+$0x6430]  }
0x239: {  	v42 =	vld [tilespmem:s23+$0x64A0]  }
0x23a: {  	v43 =	vld [tilespmem:s23+$0x64B0]  }
0x23b: {  	v44 =	vld [tilespmem:s23+$0x6520]  }
0x23c: {  	v21 =	vadd.f32 v38, v21;
	v22 =	vadd.f32 v39, v22;
	v38 =	vld [tilespmem:s23+$0x6530]  }
0x23d: {  	v23 =	vadd.f32 v40, v23;
	v24 =	vadd.f32 v41, v24;
	v39 =	vld [tilespmem:s23+$0x65A0]  }
0x23e: {  	v21 =	vadd.f32 v20, v21;
	v22 =	vadd.f32 v27, v22;
	v40 =	vld [tilespmem:s23+$0x65B0]  }
0x23f: {  	v23 =	vadd.f32 v42, v23;
	v24 =	vadd.f32 v43, v24;
	v20 =	vld [tilespmem:s23+$0x65C0]  }
0x240: {  	v21 =	vadd.f32 v25, v21;
	v22 =	vadd.f32 v26, v22;
	v25 =	vld [tilespmem:s23+$0x65D0]  }
0x241: {  	v23 =	vadd.f32 v44, v23;
	v24 =	vadd.f32 v38, v24;
	v26 =	vld [tilespmem:s23+$0x6540]  }
0x242: {  	v21 =	vadd.f32 v28, v21;
	v22 =	vadd.f32 v29, v22;
	v27 =	vld [tilespmem:s23+$0x6550]  }
.Ltmp4:
0x243: {  	v23 =	vadd.f32 v39, v23;
	v28 =	vld [tilespmem:s23+$0x64C0];
	v24 =	vadd.f32 v40, v24;
	(pc) =	sbr.rel @p0 .LBB2_10-.Ltmp4, $4  }
0x244: {  	v21 =	vadd.f32 v30, v21;
	v22 =	vadd.f32 v31, v22;
	v29 =	vld [tilespmem:s23+$0x64D0]  }
0x245: {  	v23 =	vadd.f32 v36, v23;
	v30 =	vld [tilespmem:s23+$0x6440];
	v24 =	vadd.f32 v37, v24  }
0x246: {  	v21 =	vadd.f32 v32, v21;
	v22 =	vadd.f32 v33, v22;
	v31 =	vld [tilespmem:s23+$0x6450]  }
0x247: {  	s24 =	sadd.s32 $0x1000, s24;
	v23 =	vadd.f32 v34, v23;
	v32 =	vld [tilespmem:s23+$0x6460];
	v24 =	vadd.f32 v35, v24  }
0x248: {  	v14 =	vadd.f32 v14, v21;
	v16 =	vadd.f32 v16, v22  }
0x249: {  	v33 =	vld [tilespmem:s23+$0x6470];
	v13 =	vadd.f32 v13, v23;
	v15 =	vadd.f32 v15, v24  }
0x24a: {  	v21 =	vld [tilespmem:s23+$0x64E0];
	v6 =	vadd.f32 v6, v14;
	v7 =	vadd.f32 v7, v16  }
0x24b: {  	v22 =	vld [tilespmem:s23+$0x64F0];
	v12 =	vadd.f32 v30, v12;
	v8 =	vadd.f32 v8, v13  }
0x24c: {  	v14 =	vld [tilespmem:s23+$0x6560];
	v9 =	vadd.f32 v9, v15;
	v13 =	vadd.f32 v31, v19  }
0x24d: {  	v15 =	vld [tilespmem:s23+$0x6570];
	v16 =	vadd.f32 v32, v18;
	v12 =	vadd.f32 v28, v12  }
0x24e: {  	v18 =	vld [tilespmem:s23+$0x65E0];
	v17 =	vadd.f32 v33, v17;
	v13 =	vadd.f32 v29, v13  }
0x24f: {  	v19 =	vld [tilespmem:s23+$0x65F0];
	v16 =	vadd.f32 v21, v16;
	v12 =	vadd.f32 v26, v12  }
0x250: {  	v21 =	vld [tilespmem:s23+$0x6660];
	v17 =	vadd.f32 v22, v17;
	v13 =	vadd.f32 v27, v13  }
0x251: {  	v22 =	vld [tilespmem:s23+$0x6670];
	v14 =	vadd.f32 v14, v16;
	v12 =	vadd.f32 v20, v12  }
0x252: {  	v16 =	vld [tilespmem:s23+$0x66E0];
	v15 =	vadd.f32 v15, v17;
	v13 =	vadd.f32 v25, v13  }
0x253: {  	v17 =	vld [tilespmem:s23+$0x66F0];
	v14 =	vadd.f32 v18, v14;
	v10 =	vadd.f32 v10, v12  }
0x254: {  	v18 =	vld [tilespmem:s23+$0x6760];
	v12 =	vadd.f32 v19, v15;
	v11 =	vadd.f32 v11, v13  }
0x255: {  	v13 =	vld [tilespmem:s23+$0x6770];
	v14 =	vadd.f32 v21, v14;
	v4 =	vadd.f32 v4, v10  }
0x256: {  	v15 =	vld [tilespmem:s23+$0x67E0];
	v10 =	vadd.f32 v22, v12;
	v5 =	vadd.f32 v5, v11  }
0x257: {  	v11 =	vld [tilespmem:s23+$0x67F0];
	[tilespmem:$0x1CF00] =	vst v6;
	v12 =	vadd.f32 v16, v14;
	v3 =	vadd.f32 v3, v4  }
0x258: {  	[tilespmem:$0x1CF10] =	vst v7;
	v4 =	vadd.f32 v17, v10;
	v2 =	vadd.f32 v2, v5  }
0x259: {  	[tilespmem:$0x1CF20] =	vst v8;
	v5 =	vadd.f32 v18, v12;
	v0 =	vadd.f32 v0, v3  }
0x25a: {  	[tilespmem:$0x1CF30] =	vst v9;
	v3 =	vadd.f32 v13, v4;
	v1 =	vadd.f32 v1, v2  }
0x25b: {  	v2 =	vadd.f32 v15, v5;
	[tilespmem:$0x1CF40] =	vst v0  }
0x25c: {  	v0 =	vadd.f32 v11, v3;
	[tilespmem:$0x1CF50] =	vst v1  }
0x25d: {  	[tilespmem:$0x1CF60] =	vst v2  }
0x25e: {  	[tilespmem:$0x1CF70] =	vst v0  }
0x25f: {  	_ =	swait.ge [sflag:s19], $0x3C00  }
0x260: {  	[sflag:s19] =	ssyncset.done $0x0  }
0x261: {  	[sflag:s19] =	ssyncadd.s32 $0xFFFFC400  }
0x262: {  	_ =	swait.ge [sflag:s19], $0x2800  }
0x263: {  	[sflag:s19] =	ssyncset.done $0x0  }
0x264: {  	s23 =	simm.s32 $0x0;
	[sflag:s19] =	ssyncadd.s32 $0xFFFFD800  }
0x265: {  	v6 =	vld [tilespmem:s23+$0xCB80]  }
0x266: {  	v7 =	vld [tilespmem:s23+$0xCB90]  }
0x267: {  	v8 =	vld [tilespmem:s23+$0xCBA0]  }
0x268: {  	v9 =	vld [tilespmem:s23+$0xCBB0]  }
0x269: {  	v0 =	vld [tilespmem:s23+$0xCBC0]  }
0x26a: {  	v1 =	vld [tilespmem:s23+$0xCBD0]  }
0x26b: {  	v14 =	vld [tilespmem:s23+$0xCB00]  }
0x26c: {  	v16 =	vld [tilespmem:s23+$0xCB10]  }
0x26d: {  	v13 =	vld [tilespmem:s23+$0xCB20]  }
0x26e: {  	v15 =	vld [tilespmem:s23+$0xCB30]  }
0x26f: {  	v3 =	vld [tilespmem:s23+$0xCB40]  }
0x270: {  	v2 =	vld [tilespmem:s23+$0xCB50]  }
0x271: {  	v17 =	vld [tilespmem:s23+$0xCA80]  }
0x272: {  	v18 =	vld [tilespmem:s23+$0xCA90]  }
0x273: {  	v19 =	vld [tilespmem:s23+$0xCAA0]  }
0x274: {  	v24 =	vld [tilespmem:s23+$0xCAB0]  }
0x275: {  	v4 =	vld [tilespmem:s23+$0xCAC0]  }
0x276: {  	v5 =	vld [tilespmem:s23+$0xCAD0]  }
0x277: {  	v21 =	vld [tilespmem:s23+$0xCA00]  }
0x278: {  	v22 =	vld [tilespmem:s23+$0xCA10]  }
0x279: {  	v23 =	vld [tilespmem:s23+$0xCA20]  }
0x27a: {  	v30 =	vld [tilespmem:s23+$0xCA30]  }
0x27b: {  	v10 =	vld [tilespmem:s23+$0xCA40]  }
0x27c: {  	v27 =	vld [tilespmem:s23+$0xC980]  }
0x27d: {  	v28 =	vld [tilespmem:s23+$0xC990]  }
0x27e: {  	v25 =	vld [tilespmem:s23+$0xC900]  }
0x27f: {  	v26 =	vld [tilespmem:s23+$0xC910]  }
0x280: {  	v11 =	vld [tilespmem:s23+$0xC880]  }
0x281: {  	v20 =	vld [tilespmem:s23+$0xC890]  }
0x282: {  	v29 =	vld [tilespmem:s23+$0xC800]  }
0x283: {  	v31 =	vld [tilespmem:s23+$0xC810]  }
0x284: {  	v61 =	vld [tilespmem:s23+$0xC820]  }
0x285: {  	v62 =	vld [tilespmem:s23+$0xC830]  }
0x286: {  	v34 =	vld [tilespmem:s23+$0xC8A0]  }
0x287: {  	v35 =	vld [tilespmem:s23+$0xC8B0]  }
0x288: {  	v12 =	vimm.f32 $0.0e+00;
	v36 =	vld [tilespmem:s23+$0xC920]  }
0x289: {  	v37 =	vld [tilespmem:s23+$0xC930];
	v29 =	vadd.f32 v29, v12;
	v31 =	vadd.f32 v31, v12  }
0x28a: {  	v38 =	vld [tilespmem:s23+$0xC9A0];
	v32 =	vadd.f32 v61, v12;
	v33 =	vadd.f32 v62, v12  }
0x28b: {  	v39 =	vld [tilespmem:s23+$0xC9B0];
	v29 =	vadd.f32 v11, v29;
	v31 =	vadd.f32 v20, v31  }
0x28c: {  	v11 =	vld [tilespmem:s23+$0xCA50];
	v32 =	vadd.f32 v34, v32;
	v33 =	vadd.f32 v35, v33  }
0x28d: {  	v20 =	vld [tilespmem:s23+$0xC9C0];
	v29 =	vadd.f32 v25, v29;
	v31 =	vadd.f32 v26, v31  }
0x28e: {  	v25 =	vld [tilespmem:s23+$0xC9D0];
	v32 =	vadd.f32 v36, v32;
	v33 =	vadd.f32 v37, v33  }
0x28f: {  	v26 =	vld [tilespmem:s23+$0xC940];
	v29 =	vadd.f32 v27, v29;
	v31 =	vadd.f32 v28, v31  }
0x290: {  	v27 =	vld [tilespmem:s23+$0xC950];
	v32 =	vadd.f32 v38, v32;
	v33 =	vadd.f32 v39, v33  }
0x291: {  	v28 =	vld [tilespmem:s23+$0xC8C0];
	v21 =	vadd.f32 v21, v29;
	v22 =	vadd.f32 v22, v31  }
0x292: {  	v29 =	vld [tilespmem:s23+$0xC8D0];
	v23 =	vadd.f32 v23, v32;
	v63 =	vadd.f32 v30, v33  }
0x293: {  	v30 =	vld [tilespmem:s23+$0xC840];
	v21 =	vadd.f32 v17, v21;
	v22 =	vadd.f32 v18, v22  }
0x294: {  	v31 =	vld [tilespmem:s23+$0xC850];
	v23 =	vadd.f32 v19, v23;
	v24 =	vadd.f32 v24, v63  }
0x295: {  	s24 =	simm.s32 $0x1000;
	v32 =	vld [tilespmem:s23+$0xC860];
	v19 =	vimm.f32 $0.0e+00;
	v18 =	vimm.f32 $0.0e+00;
	v17 =	vimm.f32 $0.0e+00  }
.LBB2_12:
0x296: {  	p0 =	sne.s32 s24, $0x18000;
	v33 =	vld [tilespmem:s23+$0xC870];
	v14 =	vadd.f32 v14, v21;
	v16 =	vadd.f32 v16, v22  }
0x297: {  	v34 =	vld [tilespmem:s23+$0xC8E0];
	v13 =	vadd.f32 v13, v23;
	v15 =	vadd.f32 v15, v24  }
0x298: {  	v35 =	vld [tilespmem:s23+$0xC8F0];
	v21 =	vadd.f32 v6, v14;
	v22 =	vadd.f32 v7, v16  }
0x299: {  	v6 =	vld [tilespmem:s23+$0xC960];
	v23 =	vadd.f32 v8, v13;
	v24 =	vadd.f32 v9, v15  }
0x29a: {  	v7 =	vadd.f32 v30, v12;
	v8 =	vadd.f32 v31, v19;
	v9 =	vld [tilespmem:s23+$0xC970]  }
0x29b: {  	v12 =	vadd.f32 v32, v18;
	v13 =	vadd.f32 v33, v17;
	v14 =	vld [tilespmem:s23+$0xC9E0]  }
0x29c: {  	v7 =	vadd.f32 v28, v7;
	v8 =	vadd.f32 v29, v8;
	v15 =	vld [tilespmem:s23+$0xC9F0]  }
0x29d: {  	v12 =	vadd.f32 v34, v12;
	v13 =	vadd.f32 v35, v13;
	v16 =	vld [tilespmem:s23+$0xCA60]  }
0x29e: {  	v7 =	vadd.f32 v26, v7;
	v8 =	vadd.f32 v27, v8;
	v17 =	vld [tilespmem:s23+$0xCA70]  }
0x29f: {  	v6 =	vadd.f32 v6, v12;
	v9 =	vadd.f32 v9, v13;
	v12 =	vld [tilespmem:s23+$0xCAE0]  }
0x2a0: {  	v7 =	vadd.f32 v20, v7;
	v8 =	vadd.f32 v25, v8;
	v13 =	vld [tilespmem:s23+$0xCAF0]  }
0x2a1: {  	v6 =	vadd.f32 v14, v6;
	v9 =	vadd.f32 v15, v9;
	v14 =	vld [tilespmem:s23+$0xCB60]  }
0x2a2: {  	v7 =	vadd.f32 v10, v7;
	v8 =	vadd.f32 v11, v8;
	v10 =	vld [tilespmem:s23+$0xCB70]  }
0x2a3: {  	v11 =	vadd.f32 v16, v6;
	v9 =	vadd.f32 v17, v9;
	v15 =	vld [tilespmem:s23+$0xCBE0]  }
0x2a4: {  	v4 =	vadd.f32 v4, v7;
	v5 =	vadd.f32 v5, v8;
	v16 =	vld [tilespmem:s23+$0xCBF0];
	s23 =	sshra.s32 s24, $0x2  }
0x2a5: {  	v11 =	vadd.f32 v12, v11;
	v6 =	vld [tilespmem:s23+$0xCB80];
	v9 =	vadd.f32 v13, v9  }
0x2a6: {  	v3 =	vadd.f32 v3, v4;
	v2 =	vadd.f32 v2, v5;
	v7 =	vld [tilespmem:s23+$0xCB90]  }
0x2a7: {  	v4 =	vadd.f32 v14, v11;
	v8 =	vld [tilespmem:s23+$0xCBA0];
	v5 =	vadd.f32 v10, v9  }
0x2a8: {  	v12 =	vadd.f32 v0, v3;
	v19 =	vadd.f32 v1, v2;
	v9 =	vld [tilespmem:s23+$0xCBB0]  }
0x2a9: {  	v18 =	vadd.f32 v15, v4;
	v0 =	vld [tilespmem:s23+$0xCBC0];
	v17 =	vadd.f32 v16, v5  }
0x2aa: {  	v1 =	vld [tilespmem:s23+$0xCBD0]  }
0x2ab: {  	v14 =	vld [tilespmem:s23+$0xCB00]  }
0x2ac: {  	v16 =	vld [tilespmem:s23+$0xCB10]  }
0x2ad: {  	v13 =	vld [tilespmem:s23+$0xCB20]  }
0x2ae: {  	v15 =	vld [tilespmem:s23+$0xCB30]  }
0x2af: {  	v3 =	vld [tilespmem:s23+$0xCB40]  }
0x2b0: {  	v2 =	vld [tilespmem:s23+$0xCB50]  }
0x2b1: {  	v32 =	vld [tilespmem:s23+$0xCA80]  }
0x2b2: {  	v33 =	vld [tilespmem:s23+$0xCA90]  }
0x2b3: {  	v34 =	vld [tilespmem:s23+$0xCAA0]  }
0x2b4: {  	v35 =	vld [tilespmem:s23+$0xCAB0]  }
0x2b5: {  	v4 =	vld [tilespmem:s23+$0xCAC0]  }
0x2b6: {  	v5 =	vld [tilespmem:s23+$0xCAD0]  }
0x2b7: {  	v30 =	vld [tilespmem:s23+$0xCA00]  }
0x2b8: {  	v31 =	vld [tilespmem:s23+$0xCA10]  }
0x2b9: {  	v36 =	vld [tilespmem:s23+$0xCA20]  }
0x2ba: {  	v37 =	vld [tilespmem:s23+$0xCA30]  }
0x2bb: {  	v10 =	vld [tilespmem:s23+$0xCA40]  }
0x2bc: {  	v11 =	vld [tilespmem:s23+$0xCA50]  }
0x2bd: {  	v28 =	vld [tilespmem:s23+$0xC980]  }
0x2be: {  	v29 =	vld [tilespmem:s23+$0xC990]  }
0x2bf: {  	v25 =	vld [tilespmem:s23+$0xC900]  }
0x2c0: {  	v26 =	vld [tilespmem:s23+$0xC910]  }
0x2c1: {  	v20 =	vld [tilespmem:s23+$0xC880]  }
0x2c2: {  	v27 =	vld [tilespmem:s23+$0xC890]  }
0x2c3: {  	v38 =	vld [tilespmem:s23+$0xC800]  }
0x2c4: {  	v39 =	vld [tilespmem:s23+$0xC810]  }
0x2c5: {  	v40 =	vld [tilespmem:s23+$0xC820]  }
0x2c6: {  	v41 =	vld [tilespmem:s23+$0xC830]  }
0x2c7: {  	v42 =	vld [tilespmem:s23+$0xC8A0]  }
0x2c8: {  	v43 =	vld [tilespmem:s23+$0xC8B0]  }
0x2c9: {  	v44 =	vld [tilespmem:s23+$0xC920]  }
0x2ca: {  	v21 =	vadd.f32 v38, v21;
	v22 =	vadd.f32 v39, v22;
	v38 =	vld [tilespmem:s23+$0xC930]  }
0x2cb: {  	v23 =	vadd.f32 v40, v23;
	v24 =	vadd.f32 v41, v24;
	v39 =	vld [tilespmem:s23+$0xC9A0]  }
0x2cc: {  	v21 =	vadd.f32 v20, v21;
	v22 =	vadd.f32 v27, v22;
	v40 =	vld [tilespmem:s23+$0xC9B0]  }
0x2cd: {  	v23 =	vadd.f32 v42, v23;
	v24 =	vadd.f32 v43, v24;
	v20 =	vld [tilespmem:s23+$0xC9C0]  }
0x2ce: {  	v21 =	vadd.f32 v25, v21;
	v22 =	vadd.f32 v26, v22;
	v25 =	vld [tilespmem:s23+$0xC9D0]  }
0x2cf: {  	v23 =	vadd.f32 v44, v23;
	v24 =	vadd.f32 v38, v24;
	v26 =	vld [tilespmem:s23+$0xC940]  }
0x2d0: {  	v21 =	vadd.f32 v28, v21;
	v22 =	vadd.f32 v29, v22;
	v27 =	vld [tilespmem:s23+$0xC950]  }
.Ltmp5:
0x2d1: {  	v23 =	vadd.f32 v39, v23;
	v28 =	vld [tilespmem:s23+$0xC8C0];
	v24 =	vadd.f32 v40, v24;
	(pc) =	sbr.rel @p0 .LBB2_12-.Ltmp5, $4  }
0x2d2: {  	v21 =	vadd.f32 v30, v21;
	v22 =	vadd.f32 v31, v22;
	v29 =	vld [tilespmem:s23+$0xC8D0]  }
0x2d3: {  	v23 =	vadd.f32 v36, v23;
	v30 =	vld [tilespmem:s23+$0xC840];
	v24 =	vadd.f32 v37, v24  }
0x2d4: {  	v21 =	vadd.f32 v32, v21;
	v22 =	vadd.f32 v33, v22;
	v31 =	vld [tilespmem:s23+$0xC850]  }
0x2d5: {  	s24 =	sadd.s32 $0x1000, s24;
	v23 =	vadd.f32 v34, v23;
	v32 =	vld [tilespmem:s23+$0xC860];
	v24 =	vadd.f32 v35, v24  }
0x2d6: {  	v14 =	vadd.f32 v14, v21;
	v16 =	vadd.f32 v16, v22  }
0x2d7: {  	v33 =	vld [tilespmem:s23+$0xC870];
	v13 =	vadd.f32 v13, v23;
	v15 =	vadd.f32 v15, v24  }
0x2d8: {  	v40 =	vld [tilespmem:s23+$0xC8E0];
	v6 =	vadd.f32 v6, v14;
	v7 =	vadd.f32 v7, v16  }
0x2d9: {  	v41 =	vld [tilespmem:s23+$0xC8F0];
	v12 =	vadd.f32 v30, v12;
	v8 =	vadd.f32 v8, v13  }
0x2da: {  	v42 =	vld [tilespmem:s23+$0xC960];
	v9 =	vadd.f32 v9, v15;
	v43 =	vadd.f32 v31, v19  }
0x2db: {  	v44 =	vld [tilespmem:s23+$0xC970];
	v45 =	vadd.f32 v32, v18;
	v12 =	vadd.f32 v28, v12  }
0x2dc: {  	v46 =	vld [tilespmem:s23+$0xC9E0];
	v17 =	vadd.f32 v33, v17;
	v13 =	vadd.f32 v29, v43  }
0x2dd: {  	v47 =	vld [tilespmem:s23+$0xC9F0];
	v16 =	vadd.f32 v40, v45;
	v12 =	vadd.f32 v26, v12  }
0x2de: {  	v48 =	vld [tilespmem:s23+$0xCA60];
	v17 =	vadd.f32 v41, v17;
	v13 =	vadd.f32 v27, v13  }
0x2df: {  	v49 =	vld [tilespmem:s23+$0xCA70];
	v14 =	vadd.f32 v42, v16;
	v12 =	vadd.f32 v20, v12  }
0x2e0: {  	v50 =	vld [tilespmem:s23+$0xCAE0];
	v15 =	vadd.f32 v44, v17;
	v13 =	vadd.f32 v25, v13  }
0x2e1: {  	v51 =	vld [tilespmem:s23+$0xCAF0];
	v14 =	vadd.f32 v46, v14;
	v10 =	vadd.f32 v10, v12  }
0x2e2: {  	v52 =	vld [tilespmem:s23+$0xCB60];
	v53 =	vadd.f32 v47, v15;
	v11 =	vadd.f32 v11, v13  }
0x2e3: {  	v54 =	vld [tilespmem:s23+$0xCB70];
	v14 =	vadd.f32 v48, v14;
	v4 =	vadd.f32 v4, v10  }
0x2e4: {  	v55 =	vld [tilespmem:s23+$0xCBE0];
	v56 =	vadd.f32 v49, v53;
	v5 =	vadd.f32 v5, v11  }
0x2e5: {  	v57 =	vld [tilespmem:s23+$0xCBF0];
	[tilespmem:$0x1CF80] =	vst v6;
	v58 =	vadd.f32 v50, v14;
	v3 =	vadd.f32 v3, v4  }
0x2e6: {  	[tilespmem:$0x1CF90] =	vst v7;
	v59 =	vadd.f32 v51, v56;
	v2 =	vadd.f32 v2, v5  }
0x2e7: {  	[tilespmem:$0x1CFA0] =	vst v8;
	v60 =	vadd.f32 v52, v58;
	v0 =	vadd.f32 v0, v3  }
0x2e8: {  	[tilespmem:$0x1CFB0] =	vst v9;
	v61 =	vadd.f32 v54, v59;
	v1 =	vadd.f32 v1, v2  }
0x2e9: {  	v62 =	vadd.f32 v55, v60;
	[tilespmem:$0x1CFC0] =	vst v0  }
0x2ea: {  	s22 =	sadd.s32 $0x1, s22;
	v63 =	vadd.f32 v57, v61;
	[tilespmem:$0x1CFD0] =	vst v1  }
0x2eb: {  	p0 =	sne.s32 s22, s6;
	[tilespmem:$0x1CFE0] =	vst v62  }
.Ltmp6:
0x2ec: {  	[tilespmem:$0x1CFF0] =	vst v63;
	(pc) =	sbr.rel @p0 .LBB2_1-.Ltmp6, $4  }
0x2ed: {  	[hbm4b:s5+s3] =	stream.linear.scatter [tilespmem:s21], [sflag:$0x4], $0x4000, $0x38;
	[tilespmem:$0x1D000] =	vst v63  }
0x2ee: {  	_ =	swait.ge [sflag:s7], $0x4000  }
0x2ef: {  	[sflag:s7] =	ssyncset.done $0x0  }
0x2f0: {  	[sflag:s7] =	ssyncadd.s32 $0xFFFFC000  }
0x2f1: {  	_ =	sfence.sel $0x180000  }
0x2f2: {  	[bflag:$0x0] =	sbarrier.arrive $0xFFFF  }
0x2f3: {  	p0 =	sne.s32 s0, $0x0;
	_ =	strace $0x90000047  }
0x2f4: {  	s0 =	sadd.s32 @!p0 $0x100000, s1;
	[bflag:$0x2] =	sbarrier.arrive $0xFFFF  }
0x2f5: {  	[sflag:s0] =	ssyncadd.tile.s32 @!p0 $0x1;
	_ =	shalt  }
.Lfunc_end2:
_tile_overlayer_lowered:
.L_overlay_start_2:
0x2f6: {  	(tag) =	ssettag $0x2  }
0x2f7: {  	s0 =	rddreg [dreg:$0x0];
	s2 =	stileid.u32  }
0x2f8: {  	s1 =	rddreg [dreg:$0x1];
	p0 =	sne.s32 s2, $0x0  }
0x2f9: {  	s3 =	rddreg [dreg:$0x2];
	[bflag:$0x3] =	sbarrier.arrive $0xFFFF;
	s2 =	simm.s32 @!p0 $0x1C04  }
0x2fa: {  	[timem:s3], [sflag:s2] =	dma.local @!p0 [hbm:s0], s1  }
0x2fb: {  	s0 =	simm.s32 @!p0 $0x4  }
0x2fc: {  	_ =	swait.ge @!p0 [sflag:s0], s1  }
0x2fd: {  	s1 =	ssub.s32 @!p0 $0x0, s1;
	[sflag:s0] =	ssyncset.done @!p0 $0x0  }
0x2fe: {  	[sflag:s0] =	ssyncadd.s32 @!p0 s1  }
0x2ff: {  	[bflag:$0x3] =	sbarrier.arrive $0xFFFF  }
0x300: {  	_ =	shalt  }

</sc_bundles>
